<compile_context>
chip_gen: v7x
topology: tpu7x:2x2x1
jax: 0.10.2.dev20260603
libtpu: 0.0.44.dev20260713+nightly
codegen_flags: <defaults>
</compile_context>

<pallas_src>
import functools

import jax
import jax.numpy as jnp
from jax import lax
from jax.experimental import pallas as pl
from jax.experimental.pallas import tpu as pltpu
from jax.experimental.pallas import tpu_sc as plsc

N = 10000
E = 160000
F = 128

_LOG2 = 0.6931471805599453


_LOG2E = 1.4426950408889634


def _ssp(z):
    e = jnp.exp2(jnp.abs(z) * (-_LOG2E))
    l = jnp.log2(1.0 + e)
    return jnp.maximum(z, 0.0) + (l - 1.0) * _LOG2


_BE = 1600


def _filter_body(dijk_ref, w1_ref, b1_ref, w2_ref, b2_ref, out_ref):
    h = jnp.dot(dijk_ref[...], w1_ref[...], preferred_element_type=jnp.float32)
    h = _ssp(h + b1_ref[...])
    w = jnp.dot(h, w2_ref[...], preferred_element_type=jnp.float32)
    out_ref[...] = _ssp(w + b2_ref[...])


def _filter(dijk, W1, b1, W2, b2, eoff, ne):
    boff = eoff // _BE
    return pl.pallas_call(
        _filter_body,
        grid=(ne // _BE,),
        in_specs=[
            pl.BlockSpec((_BE, F), lambda i, boff=boff: (i + boff, 0)),
            pl.BlockSpec((F, F), lambda i: (0, 0)),
            pl.BlockSpec((1, F), lambda i: (0, 0)),
            pl.BlockSpec((F, F), lambda i: (0, 0)),
            pl.BlockSpec((1, F), lambda i: (0, 0)),
        ],
        out_specs=pl.BlockSpec((_BE, F), lambda i: (i, 0)),
        out_shape=jax.ShapeDtypeStruct((ne, F), jnp.float32),
    )(dijk, W1, b1.reshape(1, F), W2, b2.reshape(1, F))


_BN = 1000


def _in2fac_body(x_ref, win_ref, f_ref):
    f_ref[...] = jnp.dot(x_ref[...], win_ref[...],
                         preferred_element_type=jnp.float32)


def _in2fac(x, Win):
    return pl.pallas_call(
        _in2fac_body,
        grid=(N // _BN,),
        in_specs=[
            pl.BlockSpec((_BN, F), lambda i: (i, 0)),
            pl.BlockSpec((F, F), lambda i: (0, 0)),
        ],
        out_specs=pl.BlockSpec((_BN, F), lambda i: (i, 0)),
        out_shape=jax.ShapeDtypeStruct((N, F), jnp.float32),
    )(x, Win)


_NC = 2
_NS = 16
_NW = _NC * _NS
_CHUNK = 40
_EPT = E // _NW
_STEPS = _EPT // _CHUNK
_NBUF = 3
_NPAD = 10240
_ROWS_PER_TILE = _NPAD // _NS


def _make_sc_conv_body(n_steps, eoff):
  ept = n_steps * _CHUNK

  def _sc_conv_body(f_hbm, w_hbm, idx_hbm, seg_hbm, zeros_hbm, out_hbm,
                    idx_v, seg_v, rows_v, w_v, conv_sh,
                    sem_i, sem_s, sem_g, sem_w, sem_sc):
    cid = lax.axis_index("c")
    sid = lax.axis_index("s")
    wid = cid * _NS + sid
    wbase = wid * ept
    ebase = eoff + wbase

    pltpu.sync_copy(zeros_hbm.at[pl.ds(sid * _ROWS_PER_TILE, _ROWS_PER_TILE)],
                    conv_sh.at[pl.ds(sid * _ROWS_PER_TILE, _ROWS_PER_TILE)])
    plsc.subcore_barrier()

    def issue_idx(k, slot):
        pltpu.async_copy(idx_hbm.at[pl.ds(ebase + k * _CHUNK, _CHUNK)],
                         idx_v.at[slot], sem_i.at[slot])
        pltpu.async_copy(seg_hbm.at[pl.ds(ebase + k * _CHUNK, _CHUNK)],
                         seg_v.at[slot], sem_s.at[slot])

    def wait_idx(slot):
        pltpu.make_async_copy(idx_hbm.at[pl.ds(0, _CHUNK)], idx_v.at[slot],
                              sem_i.at[slot]).wait()
        pltpu.make_async_copy(idx_hbm.at[pl.ds(0, _CHUNK)], seg_v.at[slot],
                              sem_s.at[slot]).wait()

    def issue_loads(k, slot):
        pltpu.async_copy(f_hbm.at[idx_v.at[slot]], rows_v.at[slot],
                         sem_g.at[slot])
        pltpu.async_copy(w_hbm.at[pl.ds(wbase + k * _CHUNK, _CHUNK)],
                         w_v.at[slot], sem_w.at[slot])

    def wait_loads(slot):
        pltpu.make_async_copy(w_hbm.at[pl.ds(0, _CHUNK)], rows_v.at[slot],
                              sem_g.at[slot]).wait()
        pltpu.make_async_copy(w_hbm.at[pl.ds(0, _CHUNK)], w_v.at[slot],
                              sem_w.at[slot]).wait()

    def wait_scatter(slot):
        pltpu.make_async_copy(w_hbm.at[pl.ds(0, _CHUNK)], rows_v.at[slot],
                              sem_sc.at[slot]).wait()

    issue_idx(0, 0)
    issue_idx(1, 1)
    issue_idx(2, 2)
    wait_idx(0)
    issue_loads(0, 0)

    def step(k, _):
        slot = lax.rem(k, _NBUF)
        nslot = lax.rem(k + 1, _NBUF)

        @pl.when(k + 1 < n_steps)
        def _():
            wait_idx(nslot)
            issue_loads(k + 1, nslot)

        wait_loads(slot)

        rs = rows_v.at[slot]
        ws = w_v.at[slot]

        @plsc.parallel_loop(0, _CHUNK, step=1, unroll=4)
        def _mul_row(e):
            for c in range(F // 16):
                sl = pl.ds(c * 16, 16)
                rs[e, sl] = rs[e, sl] * ws[e, sl]

        pltpu.async_copy(rows_v.at[slot], conv_sh.at[seg_v.at[slot]],
                         sem_sc.at[slot], add=True)

        @pl.when(k >= 1)
        def _():
            wait_scatter(lax.rem(k - 1, _NBUF))

            @pl.when(k + 2 < n_steps)
            def _():
                issue_idx(k + 2, lax.rem(k + 2, _NBUF))

        return 0

    lax.fori_loop(0, n_steps, step, 0)
    wait_scatter((n_steps - 1) % _NBUF)
    plsc.subcore_barrier()

    off = sid * _ROWS_PER_TILE
    pltpu.sync_copy(conv_sh.at[pl.ds(off, _ROWS_PER_TILE)],
                    out_hbm.at[cid, pl.ds(off, _ROWS_PER_TILE)])

  return _sc_conv_body


def _sc_conv(f, w, idx_j, seg_i, zeros, eoff):
    ne = w.shape[0]
    n_steps = ne // (_NW * _CHUNK)
    mesh = plsc.VectorSubcoreMesh(core_axis_name="c", subcore_axis_name="s")
    kern = functools.partial(
        pl.kernel,
        out_type=jax.ShapeDtypeStruct((_NC, _NPAD, F), jnp.float32),
        mesh=mesh,
        scratch_types=[
            pltpu.VMEM((_NBUF, _CHUNK), jnp.int32),
            pltpu.VMEM((_NBUF, _CHUNK), jnp.int32),
            pltpu.VMEM((_NBUF, _CHUNK, F), jnp.float32),
            pltpu.VMEM((_NBUF, _CHUNK, F), jnp.float32),
            pltpu.VMEM_SHARED((_NPAD, F), jnp.float32),
            pltpu.SemaphoreType.DMA((_NBUF,)),
            pltpu.SemaphoreType.DMA((_NBUF,)),
            pltpu.SemaphoreType.DMA((_NBUF,)),
            pltpu.SemaphoreType.DMA((_NBUF,)),
            pltpu.SemaphoreType.DMA((_NBUF,)),
        ],
    )(_make_sc_conv_body(n_steps, eoff))
    return kern(f, w, idx_j, seg_i, zeros)


def _make_epilogue_body(n_parts):
    def _epilogue_body(*refs):
        p_refs = refs[:2 * n_parts]
        x_ref, wout_ref, bout_ref, wd_ref, bd_ref, y_ref, v_ref = refs[2 * n_parts:]
        conv = p_refs[0][0]
        for p in p_refs[1:]:
            conv = conv + p[0]
        c = _ssp(jnp.dot(conv, wout_ref[...], preferred_element_type=jnp.float32)
                 + bout_ref[...])
        v = (jnp.dot(c, wd_ref[...], preferred_element_type=jnp.float32)
             + bd_ref[...])
        v_ref[...] = v
        y_ref[...] = x_ref[...] + v
    return _epilogue_body


def _epilogue(parts, x, Wout, bout, Wd, bd):
    nb = N // _BN
    part_specs = []
    part_args = []
    for p in parts:
        part_specs.append(pl.BlockSpec((1, _BN, F), lambda i: (0, i, 0)))
        part_specs.append(pl.BlockSpec((1, _BN, F), lambda i: (1, i, 0)))
        part_args.extend([p, p])
    return pl.pallas_call(
        _make_epilogue_body(len(parts)),
        grid=(nb,),
        in_specs=part_specs + [
            pl.BlockSpec((_BN, F), lambda i: (i, 0)),
            pl.BlockSpec((F, F), lambda i: (0, 0)),
            pl.BlockSpec((1, F), lambda i: (0, 0)),
            pl.BlockSpec((F, F), lambda i: (0, 0)),
            pl.BlockSpec((1, F), lambda i: (0, 0)),
        ],
        out_specs=[
            pl.BlockSpec((_BN, F), lambda i: (i, 0)),
            pl.BlockSpec((_BN, F), lambda i: (i, 0)),
        ],
        out_shape=[
            jax.ShapeDtypeStruct((N, F), jnp.float32),
            jax.ShapeDtypeStruct((N, F), jnp.float32),
        ],
    )(*part_args, x, Wout, bout.reshape(1, F), Wd, bd.reshape(1, F))


_SLICES = (32000, 51200, 76800)


def kernel(x, dijk, idx_j, seg_i, seg_j, seg_i_sum,
           W1, b1, W2, b2, Win, Wout, bout, Wd, bd):
    f = _in2fac(x, Win)
    zeros = jnp.zeros((_NPAD, F), jnp.float32)
    idx_j = idx_j.astype(jnp.int32)
    seg_i = seg_i.astype(jnp.int32)
    parts = []
    off = 0
    dijk_in = dijk
    for ne in _SLICES:
        w_s = _filter(dijk_in, W1, b1, W2, b2, off, ne)
        parts.append(_sc_conv(f, w_s, idx_j, seg_i, zeros, off))
        dijk_in, _ = lax.optimization_barrier((dijk, w_s))
        off += ne
    y, v = _epilogue(parts, x, Wout, bout, Wd, bd)
    return (y, v)

# --- scband reference (transcript-rebuilt; emitter-appended) ---
"""Pipeline reference for scband-cfnet-interaction-block-83373905150297 (READ-ONLY COPY).

The authoritative reference and input builder live on the scoring server;
editing this copy changes nothing except your own understanding.
"""

import jax, jax.numpy as jnp
import numpy as np

N = 10000   # num atoms
E = 160000  # num interactions (= num triples here; seg_j is identity)
NIN = 128   # n_in (RBF expansion size)
NFM = 128   # nFM


def ssp(x):
    # shifted softplus: log(1 + e^x) - log(2)
    return jax.nn.softplus(x) - jnp.log(2.0)


def setup_inputs(seed: int = 0) -> dict:
    key = jax.random.key(seed)
    ks = jax.random.split(key, 16)
    x = jax.random.normal(ks[0], (N, NFM), dtype=jnp.float32)
    dijk = jax.random.uniform(ks[1], (E, NIN), dtype=jnp.float32)
    idx_j = jax.random.randint(ks[2], (E,), 0, N)
    seg_i = jnp.sort(jax.random.randint(ks[3], (E,), 0, N))
    seg_j = jnp.arange(E)
    seg_i_sum = jnp.sort(jax.random.randint(ks[4], (E,), 0, N))
    # learned parameters
    W1 = jax.random.normal(ks[5], (NIN, NFM), dtype=jnp.float32) * 0.05
    b1 = jnp.zeros((NFM,), dtype=jnp.float32)
    W2 = jax.random.normal(ks[6], (NFM, NFM), dtype=jnp.float32) * 0.05
    b2 = jnp.zeros((NFM,), dtype=jnp.float32)
    Win = jax.random.normal(ks[7], (NFM, NFM), dtype=jnp.float32) * 0.05   # in2fac, no bias
    Wout = jax.random.normal(ks[8], (NFM, NFM), dtype=jnp.float32) * 0.05  # fac2out
    bout = jnp.zeros((NFM,), dtype=jnp.float32)
    Wd = jax.random.normal(ks[9], (NFM, NFM), dtype=jnp.float32) * 0.05    # final dense
    bd = jnp.zeros((NFM,), dtype=jnp.float32)
    return {"x": x, "dijk": dijk, "idx_j": idx_j, "seg_i": seg_i, "seg_j": seg_j,
            "seg_i_sum": seg_i_sum, "W1": W1, "b1": b1, "W2": W2, "b2": b2,
            "Win": Win, "Wout": Wout, "bout": bout, "Wd": Wd, "bd": bd}


def reference(x, dijk, idx_j, seg_i, seg_j, seg_i_sum, W1, b1, W2, b2, Win, Wout, bout, Wd, bd):
    # --- CFnetFilter ---
    h = ssp(dijk @ W1 + b1)
    w_ijk = ssp(h @ W2 + b2)
    w_ij = jax.ops.segment_sum(w_ijk, seg_j, num_segments=E)  # pool over j-segments
    # --- CFConv ---
    f = x @ Win                      # in2fac (no bias)
    f = jnp.take(f, idx_j, axis=0)   # gather neighbor features
    wf = w_ij * f
    conv = jax.ops.segment_sum(wf, seg_i, num_segments=N)  # pool over i-segments
    c = ssp(conv @ Wout + bout)      # fac2out with shifted softplus
    # --- output dense + residual ---
    v = c @ Wd + bd
    y = x + v
    return (y, v)

if __name__ == "__main__":
    import jax
    _d = setup_inputs()
    print(jax.jit(kernel)(*tuple(_d.values())))

</pallas_src>

<mosaic_0001>
#map = affine_map<(d0, d1) -> (0, 0)>
#map1 = affine_map<(d0, d1) -> (0)>
#map2 = affine_map<(d0, d1) -> (0, 0, 0)>
module attributes {stable_mosaic.version = 14 : i64} {
  func.func @_sc_conv_body(%arg0: i32, %arg1: i32, %arg2: memref<10000x128xf32, #tpu.memory_space<hbm>>, %arg3: memref<76800x128xf32, #tpu.memory_space<hbm>>, %arg4: memref<160000xi32, #tpu.memory_space<hbm>>, %arg5: memref<160000xi32, #tpu.memory_space<hbm>>, %arg6: memref<10240x128xf32, #tpu.memory_space<hbm>>, %arg7: memref<2x10240x128xf32, #tpu.memory_space<hbm>>, %arg8: memref<3x40xi32, #tpu.memory_space<vmem>>, %arg9: memref<3x40xi32, #tpu.memory_space<vmem>>, %arg10: memref<3x40x128xf32, #tpu.memory_space<vmem>>, %arg11: memref<3x40x128xf32, #tpu.memory_space<vmem>>, %arg12: memref<10240x128xf32, #tpu.memory_space<vmem_shared>>, %arg13: memref<3x!tpu.dma_semaphore, #tpu.memory_space<semaphore_mem>>, %arg14: memref<3x!tpu.dma_semaphore, #tpu.memory_space<semaphore_mem>>, %arg15: memref<3x!tpu.dma_semaphore, #tpu.memory_space<semaphore_mem>>, %arg16: memref<3x!tpu.dma_semaphore, #tpu.memory_space<semaphore_mem>>, %arg17: memref<3x!tpu.dma_semaphore, #tpu.memory_space<semaphore_mem>>) attributes {dimension_semantics = [#tpu.dimension_semantics<core_parallel>, #tpu.dimension_semantics<subcore_parallel>], iteration_bounds = array<i64: 2, 16>, scalar_prefetch = 0 : i64, scratch_operands = 10 : i64, tpu.core_type = #tpu.core_type<sc_vector_subcore>, window_params = [{transform_indices = #map}, {transform_indices = #map}, {transform_indices = #map1}, {transform_indices = #map1}, {transform_indices = #map}, {transform_indices = #map2}]} {
    %mul3A = arith.constant 16 : i32
    %mul3A_0 = arith.muli %arg0, %mul3A : i32
    %add3A = arith.addi %mul3A_0, %arg1 : i32
    %mul3A_1 = arith.constant 2400 : i32
    %mul3A_2 = arith.muli %add3A, %mul3A_1 : i32
    %add3A_3 = arith.constant 83200 : i32
    %add3A_4 = arith.addi %add3A_3, %mul3A_2 : i32
    %mul3A_5 = arith.constant 640 : i32
    %mul3A_6 = arith.muli %arg1, %mul3A_5 : i32
    %mul3A_7 = arith.constant 640 : i32
    %mul3A_8 = arith.muli %arg1, %mul3A_7 : i32
    "tpu.region"() ({
      %run_scoped3A = tpu.sem_alloc : memref<!tpu.dma_semaphore, #tpu.memory_space<semaphore_mem>>
      %dma_start3A_179 = arith.constant 0 : i32
      %dma_start3A_180 = tpu.memref_slice %arg12[%mul3A_8, %dma_start3A_179] : memref<10240x128xf32, #tpu.memory_space<vmem_shared>> -> memref<640x128xf32, #tpu.memory_space<vmem_shared>>
      %dma_start3A_181 = arith.constant 0 : i32
      %dma_start3A_182 = tpu.memref_slice %arg6[%mul3A_6, %dma_start3A_181] : memref<10240x128xf32, #tpu.memory_space<hbm>> -> memref<640x128xf32, #tpu.memory_space<hbm>>
      tpu.enqueue_dma source(%dma_start3A_182 : memref<640x128xf32, #tpu.memory_space<hbm>>) target(%dma_start3A_180 : memref<640x128xf32, #tpu.memory_space<vmem_shared>>) target_semaphore(%run_scoped3A : memref<!tpu.dma_semaphore, #tpu.memory_space<semaphore_mem>>)
      %dma_wait3A_183 = arith.constant 0 : i32
      %dma_wait3A_184 = tpu.memref_slice %arg12[%mul3A_8, %dma_wait3A_183] : memref<10240x128xf32, #tpu.memory_space<vmem_shared>> -> memref<640x128xf32, #tpu.memory_space<vmem_shared>>
      %dma_wait3A_185 = arith.constant 0 : i32
      %dma_wait3A_186 = tpu.memref_slice %arg6[%mul3A_6, %dma_wait3A_185] : memref<10240x128xf32, #tpu.memory_space<hbm>> -> memref<640x128xf32, #tpu.memory_space<hbm>>
      tpu.wait_dma2 semaphore(%run_scoped3A : memref<!tpu.dma_semaphore, #tpu.memory_space<semaphore_mem>>) src(%dma_wait3A_186 : memref<640x128xf32, #tpu.memory_space<hbm>>) dst(%dma_wait3A_184 : memref<640x128xf32, #tpu.memory_space<vmem_shared>>)
      tpu.yield
    }) : () -> ()
    %barrier3A = arith.constant 0 : index
    tpu.barrier barrier_id(%barrier3A)
    %add3A_9 = arith.constant 0 : i32
    %add3A_10 = arith.addi %add3A_4, %add3A_9 : i32
    %dma_start3A = arith.constant 0 : i32
    %dma_start3A_11 = arith.constant 0 : i32
    %dma_start3A_12 = arith.constant 0 : i32
    %dma_start3A_13 = tpu.memref_slice %arg8[%dma_start3A, %dma_start3A_12] : memref<3x40xi32, #tpu.memory_space<vmem>> -> memref<1x40xi32, #tpu.memory_space<vmem>>
    %dma_start3A_14 = tpu.memref_squeeze %dma_start3A_13 : memref<1x40xi32, #tpu.memory_space<vmem>> -> memref<40xi32, #tpu.memory_space<vmem>>
    %dma_start3A_15 = tpu.memref_slice %arg4[%add3A_10] : memref<160000xi32, #tpu.memory_space<hbm>> -> memref<40xi32, #tpu.memory_space<hbm>>
    %dma_start3A_16 = tpu.memref_slice %arg13[%dma_start3A_11] : memref<3x!tpu.dma_semaphore, #tpu.memory_space<semaphore_mem>> -> memref<1x!tpu.dma_semaphore, #tpu.memory_space<semaphore_mem>>
    %dma_start3A_17 = tpu.memref_squeeze %dma_start3A_16 : memref<1x!tpu.dma_semaphore, #tpu.memory_space<semaphore_mem>> -> memref<!tpu.dma_semaphore, #tpu.memory_space<semaphore_mem>>
    %dma_start3A_18 = arith.constant 0 : i32
    %dma_start3A_19 = tpu.memref_slice %arg8[%dma_start3A, %dma_start3A_18] : memref<3x40xi32, #tpu.memory_space<vmem>> -> memref<1x40xi32, #tpu.memory_space<vmem>>
    %dma_start3A_20 = tpu.memref_squeeze %dma_start3A_19 : memref<1x40xi32, #tpu.memory_space<vmem>> -> memref<40xi32, #tpu.memory_space<vmem>>
    %dma_start3A_21 = tpu.memref_slice %arg4[%add3A_10] : memref<160000xi32, #tpu.memory_space<hbm>> -> memref<40xi32, #tpu.memory_space<hbm>>
    tpu.enqueue_dma source(%dma_start3A_21 : memref<40xi32, #tpu.memory_space<hbm>>) target(%dma_start3A_20 : memref<40xi32, #tpu.memory_space<vmem>>) target_semaphore(%dma_start3A_17 : memref<!tpu.dma_semaphore, #tpu.memory_space<semaphore_mem>>)
    %add3A_22 = arith.constant 0 : i32
    %add3A_23 = arith.addi %add3A_4, %add3A_22 : i32
    %dma_start3A_24 = arith.constant 0 : i32
    %dma_start3A_25 = arith.constant 0 : i32
    %dma_start3A_26 = arith.constant 0 : i32
    %dma_start3A_27 = tpu.memref_slice %arg9[%dma_start3A_24, %dma_start3A_26] : memref<3x40xi32, #tpu.memory_space<vmem>> -> memref<1x40xi32, #tpu.memory_space<vmem>>
    %dma_start3A_28 = tpu.memref_squeeze %dma_start3A_27 : memref<1x40xi32, #tpu.memory_space<vmem>> -> memref<40xi32, #tpu.memory_space<vmem>>
    %dma_start3A_29 = tpu.memref_slice %arg5[%add3A_23] : memref<160000xi32, #tpu.memory_space<hbm>> -> memref<40xi32, #tpu.memory_space<hbm>>
    %dma_start3A_30 = tpu.memref_slice %arg14[%dma_start3A_25] : memref<3x!tpu.dma_semaphore, #tpu.memory_space<semaphore_mem>> -> memref<1x!tpu.dma_semaphore, #tpu.memory_space<semaphore_mem>>
    %dma_start3A_31 = tpu.memref_squeeze %dma_start3A_30 : memref<1x!tpu.dma_semaphore, #tpu.memory_space<semaphore_mem>> -> memref<!tpu.dma_semaphore, #tpu.memory_space<semaphore_mem>>
    %dma_start3A_32 = arith.constant 0 : i32
    %dma_start3A_33 = tpu.memref_slice %arg9[%dma_start3A_24, %dma_start3A_32] : memref<3x40xi32, #tpu.memory_space<vmem>> -> memref<1x40xi32, #tpu.memory_space<vmem>>
    %dma_start3A_34 = tpu.memref_squeeze %dma_start3A_33 : memref<1x40xi32, #tpu.memory_space<vmem>> -> memref<40xi32, #tpu.memory_space<vmem>>
    %dma_start3A_35 = tpu.memref_slice %arg5[%add3A_23] : memref<160000xi32, #tpu.memory_space<hbm>> -> memref<40xi32, #tpu.memory_space<hbm>>
    tpu.enqueue_dma source(%dma_start3A_35 : memref<40xi32, #tpu.memory_space<hbm>>) target(%dma_start3A_34 : memref<40xi32, #tpu.memory_space<vmem>>) target_semaphore(%dma_start3A_31 : memref<!tpu.dma_semaphore, #tpu.memory_space<semaphore_mem>>)
    %add3A_36 = arith.constant 40 : i32
    %add3A_37 = arith.addi %add3A_4, %add3A_36 : i32
    %dma_start3A_38 = arith.constant 1 : i32
    %dma_start3A_39 = arith.constant 1 : i32
    %dma_start3A_40 = arith.constant 0 : i32
    %dma_start3A_41 = tpu.memref_slice %arg8[%dma_start3A_38, %dma_start3A_40] : memref<3x40xi32, #tpu.memory_space<vmem>> -> memref<1x40xi32, #tpu.memory_space<vmem>>
    %dma_start3A_42 = tpu.memref_squeeze %dma_start3A_41 : memref<1x40xi32, #tpu.memory_space<vmem>> -> memref<40xi32, #tpu.memory_space<vmem>>
    %dma_start3A_43 = tpu.memref_slice %arg4[%add3A_37] : memref<160000xi32, #tpu.memory_space<hbm>> -> memref<40xi32, #tpu.memory_space<hbm>>
    %dma_start3A_44 = tpu.memref_slice %arg13[%dma_start3A_39] : memref<3x!tpu.dma_semaphore, #tpu.memory_space<semaphore_mem>> -> memref<1x!tpu.dma_semaphore, #tpu.memory_space<semaphore_mem>>
    %dma_start3A_45 = tpu.memref_squeeze %dma_start3A_44 : memref<1x!tpu.dma_semaphore, #tpu.memory_space<semaphore_mem>> -> memref<!tpu.dma_semaphore, #tpu.memory_space<semaphore_mem>>
    %dma_start3A_46 = arith.constant 0 : i32
    %dma_start3A_47 = tpu.memref_slice %arg8[%dma_start3A_38, %dma_start3A_46] : memref<3x40xi32, #tpu.memory_space<vmem>> -> memref<1x40xi32, #tpu.memory_space<vmem>>
    %dma_start3A_48 = tpu.memref_squeeze %dma_start3A_47 : memref<1x40xi32, #tpu.memory_space<vmem>> -> memref<40xi32, #tpu.memory_space<vmem>>
    %dma_start3A_49 = tpu.memref_slice %arg4[%add3A_37] : memref<160000xi32, #tpu.memory_space<hbm>> -> memref<40xi32, #tpu.memory_space<hbm>>
    tpu.enqueue_dma source(%dma_start3A_49 : memref<40xi32, #tpu.memory_space<hbm>>) target(%dma_start3A_48 : memref<40xi32, #tpu.memory_space<vmem>>) target_semaphore(%dma_start3A_45 : memref<!tpu.dma_semaphore, #tpu.memory_space<semaphore_mem>>)
    %add3A_50 = arith.constant 40 : i32
    %add3A_51 = arith.addi %add3A_4, %add3A_50 : i32
    %dma_start3A_52 = arith.constant 1 : i32
    %dma_start3A_53 = arith.constant 1 : i32
    %dma_start3A_54 = arith.constant 0 : i32
    %dma_start3A_55 = tpu.memref_slice %arg9[%dma_start3A_52, %dma_start3A_54] : memref<3x40xi32, #tpu.memory_space<vmem>> -> memref<1x40xi32, #tpu.memory_space<vmem>>
    %dma_start3A_56 = tpu.memref_squeeze %dma_start3A_55 : memref<1x40xi32, #tpu.memory_space<vmem>> -> memref<40xi32, #tpu.memory_space<vmem>>
    %dma_start3A_57 = tpu.memref_slice %arg5[%add3A_51] : memref<160000xi32, #tpu.memory_space<hbm>> -> memref<40xi32, #tpu.memory_space<hbm>>
    %dma_start3A_58 = tpu.memref_slice %arg14[%dma_start3A_53] : memref<3x!tpu.dma_semaphore, #tpu.memory_space<semaphore_mem>> -> memref<1x!tpu.dma_semaphore, #tpu.memory_space<semaphore_mem>>
    %dma_start3A_59 = tpu.memref_squeeze %dma_start3A_58 : memref<1x!tpu.dma_semaphore, #tpu.memory_space<semaphore_mem>> -> memref<!tpu.dma_semaphore, #tpu.memory_space<semaphore_mem>>
    %dma_start3A_60 = arith.constant 0 : i32
    %dma_start3A_61 = tpu.memref_slice %arg9[%dma_start3A_52, %dma_start3A_60] : memref<3x40xi32, #tpu.memory_space<vmem>> -> memref<1x40xi32, #tpu.memory_space<vmem>>
    %dma_start3A_62 = tpu.memref_squeeze %dma_start3A_61 : memref<1x40xi32, #tpu.memory_space<vmem>> -> memref<40xi32, #tpu.memory_space<vmem>>
    %dma_start3A_63 = tpu.memref_slice %arg5[%add3A_51] : memref<160000xi32, #tpu.memory_space<hbm>> -> memref<40xi32, #tpu.memory_space<hbm>>
    tpu.enqueue_dma source(%dma_start3A_63 : memref<40xi32, #tpu.memory_space<hbm>>) target(%dma_start3A_62 : memref<40xi32, #tpu.memory_space<vmem>>) target_semaphore(%dma_start3A_59 : memref<!tpu.dma_semaphore, #tpu.memory_space<semaphore_mem>>)
    %add3A_64 = arith.constant 80 : i32
    %add3A_65 = arith.addi %add3A_4, %add3A_64 : i32
    %dma_start3A_66 = arith.constant 2 : i32
    %dma_start3A_67 = arith.constant 2 : i32
    %dma_start3A_68 = arith.constant 0 : i32
    %dma_start3A_69 = tpu.memref_slice %arg8[%dma_start3A_66, %dma_start3A_68] : memref<3x40xi32, #tpu.memory_space<vmem>> -> memref<1x40xi32, #tpu.memory_space<vmem>>
    %dma_start3A_70 = tpu.memref_squeeze %dma_start3A_69 : memref<1x40xi32, #tpu.memory_space<vmem>> -> memref<40xi32, #tpu.memory_space<vmem>>
    %dma_start3A_71 = tpu.memref_slice %arg4[%add3A_65] : memref<160000xi32, #tpu.memory_space<hbm>> -> memref<40xi32, #tpu.memory_space<hbm>>
    %dma_start3A_72 = tpu.memref_slice %arg13[%dma_start3A_67] : memref<3x!tpu.dma_semaphore, #tpu.memory_space<semaphore_mem>> -> memref<1x!tpu.dma_semaphore, #tpu.memory_space<semaphore_mem>>
    %dma_start3A_73 = tpu.memref_squeeze %dma_start3A_72 : memref<1x!tpu.dma_semaphore, #tpu.memory_space<semaphore_mem>> -> memref<!tpu.dma_semaphore, #tpu.memory_space<semaphore_mem>>
    %dma_start3A_74 = arith.constant 0 : i32
    %dma_start3A_75 = tpu.memref_slice %arg8[%dma_start3A_66, %dma_start3A_74] : memref<3x40xi32, #tpu.memory_space<vmem>> -> memref<1x40xi32, #tpu.memory_space<vmem>>
    %dma_start3A_76 = tpu.memref_squeeze %dma_start3A_75 : memref<1x40xi32, #tpu.memory_space<vmem>> -> memref<40xi32, #tpu.memory_space<vmem>>
    %dma_start3A_77 = tpu.memref_slice %arg4[%add3A_65] : memref<160000xi32, #tpu.memory_space<hbm>> -> memref<40xi32, #tpu.memory_space<hbm>>
    tpu.enqueue_dma source(%dma_start3A_77 : memref<40xi32, #tpu.memory_space<hbm>>) target(%dma_start3A_76 : memref<40xi32, #tpu.memory_space<vmem>>) target_semaphore(%dma_start3A_73 : memref<!tpu.dma_semaphore, #tpu.memory_space<semaphore_mem>>)
    %add3A_78 = arith.constant 80 : i32
    %add3A_79 = arith.addi %add3A_4, %add3A_78 : i32
    %dma_start3A_80 = arith.constant 2 : i32
    %dma_start3A_81 = arith.constant 2 : i32
    %dma_start3A_82 = arith.constant 0 : i32
    %dma_start3A_83 = tpu.memref_slice %arg9[%dma_start3A_80, %dma_start3A_82] : memref<3x40xi32, #tpu.memory_space<vmem>> -> memref<1x40xi32, #tpu.memory_space<vmem>>
    %dma_start3A_84 = tpu.memref_squeeze %dma_start3A_83 : memref<1x40xi32, #tpu.memory_space<vmem>> -> memref<40xi32, #tpu.memory_space<vmem>>
    %dma_start3A_85 = tpu.memref_slice %arg5[%add3A_79] : memref<160000xi32, #tpu.memory_space<hbm>> -> memref<40xi32, #tpu.memory_space<hbm>>
    %dma_start3A_86 = tpu.memref_slice %arg14[%dma_start3A_81] : memref<3x!tpu.dma_semaphore, #tpu.memory_space<semaphore_mem>> -> memref<1x!tpu.dma_semaphore, #tpu.memory_space<semaphore_mem>>
    %dma_start3A_87 = tpu.memref_squeeze %dma_start3A_86 : memref<1x!tpu.dma_semaphore, #tpu.memory_space<semaphore_mem>> -> memref<!tpu.dma_semaphore, #tpu.memory_space<semaphore_mem>>
    %dma_start3A_88 = arith.constant 0 : i32
    %dma_start3A_89 = tpu.memref_slice %arg9[%dma_start3A_80, %dma_start3A_88] : memref<3x40xi32, #tpu.memory_space<vmem>> -> memref<1x40xi32, #tpu.memory_space<vmem>>
    %dma_start3A_90 = tpu.memref_squeeze %dma_start3A_89 : memref<1x40xi32, #tpu.memory_space<vmem>> -> memref<40xi32, #tpu.memory_space<vmem>>
    %dma_start3A_91 = tpu.memref_slice %arg5[%add3A_79] : memref<160000xi32, #tpu.memory_space<hbm>> -> memref<40xi32, #tpu.memory_space<hbm>>
    tpu.enqueue_dma source(%dma_start3A_91 : memref<40xi32, #tpu.memory_space<hbm>>) target(%dma_start3A_90 : memref<40xi32, #tpu.memory_space<vmem>>) target_semaphore(%dma_start3A_87 : memref<!tpu.dma_semaphore, #tpu.memory_space<semaphore_mem>>)
    %dma_wait3A = arith.constant 0 : i32
    %dma_wait3A_92 = arith.constant 0 : i32
    %dma_wait3A_93 = arith.constant 0 : i32
    %dma_wait3A_94 = tpu.memref_slice %arg8[%dma_wait3A, %dma_wait3A_93] : memref<3x40xi32, #tpu.memory_space<vmem>> -> memref<1x40xi32, #tpu.memory_space<vmem>>
    %dma_wait3A_95 = tpu.memref_squeeze %dma_wait3A_94 : memref<1x40xi32, #tpu.memory_space<vmem>> -> memref<40xi32, #tpu.memory_space<vmem>>
    %dma_wait3A_96 = arith.constant 0 : i32
    %dma_wait3A_97 = tpu.memref_slice %arg4[%dma_wait3A_96] : memref<160000xi32, #tpu.memory_space<hbm>> -> memref<40xi32, #tpu.memory_space<hbm>>
    %dma_wait3A_98 = tpu.memref_slice %arg13[%dma_wait3A_92] : memref<3x!tpu.dma_semaphore, #tpu.memory_space<semaphore_mem>> -> memref<1x!tpu.dma_semaphore, #tpu.memory_space<semaphore_mem>>
    %dma_wait3A_99 = tpu.memref_squeeze %dma_wait3A_98 : memref<1x!tpu.dma_semaphore, #tpu.memory_space<semaphore_mem>> -> memref<!tpu.dma_semaphore, #tpu.memory_space<semaphore_mem>>
    %dma_wait3A_100 = arith.constant 0 : i32
    %dma_wait3A_101 = tpu.memref_slice %arg8[%dma_wait3A, %dma_wait3A_100] : memref<3x40xi32, #tpu.memory_space<vmem>> -> memref<1x40xi32, #tpu.memory_space<vmem>>
    %dma_wait3A_102 = tpu.memref_squeeze %dma_wait3A_101 : memref<1x40xi32, #tpu.memory_space<vmem>> -> memref<40xi32, #tpu.memory_space<vmem>>
    %dma_wait3A_103 = arith.constant 0 : i32
    %dma_wait3A_104 = tpu.memref_slice %arg4[%dma_wait3A_103] : memref<160000xi32, #tpu.memory_space<hbm>> -> memref<40xi32, #tpu.memory_space<hbm>>
    tpu.wait_dma2 semaphore(%dma_wait3A_99 : memref<!tpu.dma_semaphore, #tpu.memory_space<semaphore_mem>>) src(%dma_wait3A_104 : memref<40xi32, #tpu.memory_space<hbm>>) dst(%dma_wait3A_102 : memref<40xi32, #tpu.memory_space<vmem>>)
    %dma_wait3A_105 = arith.constant 0 : i32
    %dma_wait3A_106 = arith.constant 0 : i32
    %dma_wait3A_107 = arith.constant 0 : i32
    %dma_wait3A_108 = tpu.memref_slice %arg9[%dma_wait3A_105, %dma_wait3A_107] : memref<3x40xi32, #tpu.memory_space<vmem>> -> memref<1x40xi32, #tpu.memory_space<vmem>>
    %dma_wait3A_109 = tpu.memref_squeeze %dma_wait3A_108 : memref<1x40xi32, #tpu.memory_space<vmem>> -> memref<40xi32, #tpu.memory_space<vmem>>
    %dma_wait3A_110 = arith.constant 0 : i32
    %dma_wait3A_111 = tpu.memref_slice %arg4[%dma_wait3A_110] : memref<160000xi32, #tpu.memory_space<hbm>> -> memref<40xi32, #tpu.memory_space<hbm>>
    %dma_wait3A_112 = tpu.memref_slice %arg14[%dma_wait3A_106] : memref<3x!tpu.dma_semaphore, #tpu.memory_space<semaphore_mem>> -> memref<1x!tpu.dma_semaphore, #tpu.memory_space<semaphore_mem>>
    %dma_wait3A_113 = tpu.memref_squeeze %dma_wait3A_112 : memref<1x!tpu.dma_semaphore, #tpu.memory_space<semaphore_mem>> -> memref<!tpu.dma_semaphore, #tpu.memory_space<semaphore_mem>>
    %dma_wait3A_114 = arith.constant 0 : i32
    %dma_wait3A_115 = tpu.memref_slice %arg9[%dma_wait3A_105, %dma_wait3A_114] : memref<3x40xi32, #tpu.memory_space<vmem>> -> memref<1x40xi32, #tpu.memory_space<vmem>>
    %dma_wait3A_116 = tpu.memref_squeeze %dma_wait3A_115 : memref<1x40xi32, #tpu.memory_space<vmem>> -> memref<40xi32, #tpu.memory_space<vmem>>
    %dma_wait3A_117 = arith.constant 0 : i32
    %dma_wait3A_118 = tpu.memref_slice %arg4[%dma_wait3A_117] : memref<160000xi32, #tpu.memory_space<hbm>> -> memref<40xi32, #tpu.memory_space<hbm>>
    tpu.wait_dma2 semaphore(%dma_wait3A_113 : memref<!tpu.dma_semaphore, #tpu.memory_space<semaphore_mem>>) src(%dma_wait3A_118 : memref<40xi32, #tpu.memory_space<hbm>>) dst(%dma_wait3A_116 : memref<40xi32, #tpu.memory_space<vmem>>)
    %dma_start3A_119 = arith.constant 0 : i32
    %dma_start3A_120 = arith.constant 0 : i32
    %dma_start3A_121 = arith.constant 0 : i32
    %dma_start3A_122 = arith.constant 0 : i32
    %dma_start3A_123 = arith.constant 0 : i32
    %dma_start3A_124 = tpu.memref_slice %arg10[%dma_start3A_120, %dma_start3A_122, %dma_start3A_123] : memref<3x40x128xf32, #tpu.memory_space<vmem>> -> memref<1x40x128xf32, #tpu.memory_space<vmem>>
    %dma_start3A_125 = tpu.memref_squeeze %dma_start3A_124 : memref<1x40x128xf32, #tpu.memory_space<vmem>> -> memref<40x128xf32, #tpu.memory_space<vmem>>
    %dma_start3A_126 = arith.constant 0 : i32
    %dma_start3A_127 = tpu.memref_slice %arg8[%dma_start3A_119, %dma_start3A_126] : memref<3x40xi32, #tpu.memory_space<vmem>> -> memref<1x40xi32, #tpu.memory_space<vmem>>
    %dma_start3A_128 = tpu.memref_squeeze %dma_start3A_127 : memref<1x40xi32, #tpu.memory_space<vmem>> -> memref<40xi32, #tpu.memory_space<vmem>>
    %dma_start3A_129 = arith.constant 0 : i32
    %dma_start3A_130 = arith.constant 0 : i32
    %dma_start3A_131 = tpu.memref_slice %arg2[%dma_start3A_129, %dma_start3A_130] : memref<10000x128xf32, #tpu.memory_space<hbm>> -> memref<10000x128xf32, #tpu.memory_space<hbm>>
    %dma_start3A_132 = tpu.memref_slice %arg15[%dma_start3A_121] : memref<3x!tpu.dma_semaphore, #tpu.memory_space<semaphore_mem>> -> memref<1x!tpu.dma_semaphore, #tpu.memory_space<semaphore_mem>>
    %dma_start3A_133 = tpu.memref_squeeze %dma_start3A_132 : memref<1x!tpu.dma_semaphore, #tpu.memory_space<semaphore_mem>> -> memref<!tpu.dma_semaphore, #tpu.memory_space<semaphore_mem>>
    tpu.enqueue_indirect_dma source(%dma_start3A_131 : memref<10000x128xf32, #tpu.memory_space<hbm>>) target(%dma_start3A_125 : memref<40x128xf32, #tpu.memory_space<vmem>>) offsets(%dma_start3A_128 : memref<40xi32, #tpu.memory_space<vmem>>) semaphore(%dma_start3A_133 : memref<!tpu.dma_semaphore, #tpu.memory_space<semaphore_mem>>)
    %add3A_134 = arith.constant 0 : i32
    %add3A_135 = arith.addi %mul3A_2, %add3A_134 : i32
    %dma_start3A_136 = arith.constant 0 : i32
    %dma_start3A_137 = arith.constant 0 : i32
    %dma_start3A_138 = arith.constant 0 : i32
    %dma_start3A_139 = arith.constant 0 : i32
    %dma_start3A_140 = tpu.memref_slice %arg11[%dma_start3A_136, %dma_start3A_138, %dma_start3A_139] : memref<3x40x128xf32, #tpu.memory_space<vmem>> -> memref<1x40x128xf32, #tpu.memory_space<vmem>>
    %dma_start3A_141 = tpu.memref_squeeze %dma_start3A_140 : memref<1x40x128xf32, #tpu.memory_space<vmem>> -> memref<40x128xf32, #tpu.memory_space<vmem>>
    %dma_start3A_142 = arith.constant 0 : i32
    %dma_start3A_143 = tpu.memref_slice %arg3[%add3A_135, %dma_start3A_142] : memref<76800x128xf32, #tpu.memory_space<hbm>> -> memref<40x128xf32, #tpu.memory_space<hbm>>
    %dma_start3A_144 = tpu.memref_slice %arg16[%dma_start3A_137] : memref<3x!tpu.dma_semaphore, #tpu.memory_space<semaphore_mem>> -> memref<1x!tpu.dma_semaphore, #tpu.memory_space<semaphore_mem>>
    %dma_start3A_145 = tpu.memref_squeeze %dma_start3A_144 : memref<1x!tpu.dma_semaphore, #tpu.memory_space<semaphore_mem>> -> memref<!tpu.dma_semaphore, #tpu.memory_space<semaphore_mem>>
    %dma_start3A_146 = arith.constant 0 : i32
    %dma_start3A_147 = arith.constant 0 : i32
    %dma_start3A_148 = tpu.memref_slice %arg11[%dma_start3A_136, %dma_start3A_146, %dma_start3A_147] : memref<3x40x128xf32, #tpu.memory_space<vmem>> -> memref<1x40x128xf32, #tpu.memory_space<vmem>>
    %dma_start3A_149 = tpu.memref_squeeze %dma_start3A_148 : memref<1x40x128xf32, #tpu.memory_space<vmem>> -> memref<40x128xf32, #tpu.memory_space<vmem>>
    %dma_start3A_150 = arith.constant 0 : i32
    %dma_start3A_151 = tpu.memref_slice %arg3[%add3A_135, %dma_start3A_150] : memref<76800x128xf32, #tpu.memory_space<hbm>> -> memref<40x128xf32, #tpu.memory_space<hbm>>
    tpu.enqueue_dma source(%dma_start3A_151 : memref<40x128xf32, #tpu.memory_space<hbm>>) target(%dma_start3A_149 : memref<40x128xf32, #tpu.memory_space<vmem>>) target_semaphore(%dma_start3A_145 : memref<!tpu.dma_semaphore, #tpu.memory_space<semaphore_mem>>)
    %scan3A = arith.constant 0 : i32
    %scan3A_152 = arith.constant 0 : i32
    %scan3A_153 = arith.constant 60 : i32
    %scan3A_154 = arith.addi %scan3A_152, %scan3A_153 : i32
    %scan3A_155 = arith.constant 1 : i32
    %scan3A_156 = scf.for %scan3A_179 = %scan3A_152 to %scan3A_154 step %scan3A_155 iter_args(%scan3A_180 = %scan3A) -> (i32)  : i32 {
      %rem3A = arith.constant 3 : i32
      %rem3A_181 = arith.remsi %scan3A_179, %rem3A : i32
      %add3A_182 = arith.constant 1 : i32
      %add3A_183 = arith.addi %scan3A_179, %add3A_182 : i32
      %rem3A_184 = arith.constant 3 : i32
      %rem3A_185 = arith.remsi %add3A_183, %rem3A_184 : i32
      %add3A_186 = arith.constant 1 : i32
      %add3A_187 = arith.addi %scan3A_179, %add3A_186 : i32
      %lt3A = arith.constant 60 : i32
      %lt3A_188 = arith.cmpi slt, %add3A_187, %lt3A : i32
      %convert_element_type3A = arith.extui %lt3A_188 : i1 to i32
      %cond3A = arith.constant 0 : i32
      %cond3A_189 = arith.cmpi ne, %convert_element_type3A, %cond3A : i32
      scf.if %cond3A_189 {
        %dma_wait3A_241 = arith.constant 0 : i32
        %dma_wait3A_242 = tpu.memref_slice %arg8[%rem3A_185, %dma_wait3A_241] : memref<3x40xi32, #tpu.memory_space<vmem>> -> memref<1x40xi32, #tpu.memory_space<vmem>>
        %dma_wait3A_243 = tpu.memref_squeeze %dma_wait3A_242 : memref<1x40xi32, #tpu.memory_space<vmem>> -> memref<40xi32, #tpu.memory_space<vmem>>
        %dma_wait3A_244 = arith.constant 0 : i32
        %dma_wait3A_245 = tpu.memref_slice %arg4[%dma_wait3A_244] : memref<160000xi32, #tpu.memory_space<hbm>> -> memref<40xi32, #tpu.memory_space<hbm>>
        %dma_wait3A_246 = tpu.memref_slice %arg13[%rem3A_185] : memref<3x!tpu.dma_semaphore, #tpu.memory_space<semaphore_mem>> -> memref<1x!tpu.dma_semaphore, #tpu.memory_space<semaphore_mem>>
        %dma_wait3A_247 = tpu.memref_squeeze %dma_wait3A_246 : memref<1x!tpu.dma_semaphore, #tpu.memory_space<semaphore_mem>> -> memref<!tpu.dma_semaphore, #tpu.memory_space<semaphore_mem>>
        %dma_wait3A_248 = arith.constant 0 : i32
        %dma_wait3A_249 = tpu.memref_slice %arg8[%rem3A_185, %dma_wait3A_248] : memref<3x40xi32, #tpu.memory_space<vmem>> -> memref<1x40xi32, #tpu.memory_space<vmem>>
        %dma_wait3A_250 = tpu.memref_squeeze %dma_wait3A_249 : memref<1x40xi32, #tpu.memory_space<vmem>> -> memref<40xi32, #tpu.memory_space<vmem>>
        %dma_wait3A_251 = arith.constant 0 : i32
        %dma_wait3A_252 = tpu.memref_slice %arg4[%dma_wait3A_251] : memref<160000xi32, #tpu.memory_space<hbm>> -> memref<40xi32, #tpu.memory_space<hbm>>
        tpu.wait_dma2 semaphore(%dma_wait3A_247 : memref<!tpu.dma_semaphore, #tpu.memory_space<semaphore_mem>>) src(%dma_wait3A_252 : memref<40xi32, #tpu.memory_space<hbm>>) dst(%dma_wait3A_250 : memref<40xi32, #tpu.memory_space<vmem>>)
        %dma_wait3A_253 = arith.constant 0 : i32
        %dma_wait3A_254 = tpu.memref_slice %arg9[%rem3A_185, %dma_wait3A_253] : memref<3x40xi32, #tpu.memory_space<vmem>> -> memref<1x40xi32, #tpu.memory_space<vmem>>
        %dma_wait3A_255 = tpu.memref_squeeze %dma_wait3A_254 : memref<1x40xi32, #tpu.memory_space<vmem>> -> memref<40xi32, #tpu.memory_space<vmem>>
        %dma_wait3A_256 = arith.constant 0 : i32
        %dma_wait3A_257 = tpu.memref_slice %arg4[%dma_wait3A_256] : memref<160000xi32, #tpu.memory_space<hbm>> -> memref<40xi32, #tpu.memory_space<hbm>>
        %dma_wait3A_258 = tpu.memref_slice %arg14[%rem3A_185] : memref<3x!tpu.dma_semaphore, #tpu.memory_space<semaphore_mem>> -> memref<1x!tpu.dma_semaphore, #tpu.memory_space<semaphore_mem>>
        %dma_wait3A_259 = tpu.memref_squeeze %dma_wait3A_258 : memref<1x!tpu.dma_semaphore, #tpu.memory_space<semaphore_mem>> -> memref<!tpu.dma_semaphore, #tpu.memory_space<semaphore_mem>>
        %dma_wait3A_260 = arith.constant 0 : i32
        %dma_wait3A_261 = tpu.memref_slice %arg9[%rem3A_185, %dma_wait3A_260] : memref<3x40xi32, #tpu.memory_space<vmem>> -> memref<1x40xi32, #tpu.memory_space<vmem>>
        %dma_wait3A_262 = tpu.memref_squeeze %dma_wait3A_261 : memref<1x40xi32, #tpu.memory_space<vmem>> -> memref<40xi32, #tpu.memory_space<vmem>>
        %dma_wait3A_263 = arith.constant 0 : i32
        %dma_wait3A_264 = tpu.memref_slice %arg4[%dma_wait3A_263] : memref<160000xi32, #tpu.memory_space<hbm>> -> memref<40xi32, #tpu.memory_space<hbm>>
        tpu.wait_dma2 semaphore(%dma_wait3A_259 : memref<!tpu.dma_semaphore, #tpu.memory_space<semaphore_mem>>) src(%dma_wait3A_264 : memref<40xi32, #tpu.memory_space<hbm>>) dst(%dma_wait3A_262 : memref<40xi32, #tpu.memory_space<vmem>>)
        %add3A_265 = arith.constant 1 : i32
        %add3A_266 = arith.addi %scan3A_179, %add3A_265 : i32
        %dma_start3A_267 = arith.constant 0 : i32
        %dma_start3A_268 = arith.constant 0 : i32
        %dma_start3A_269 = tpu.memref_slice %arg10[%rem3A_185, %dma_start3A_267, %dma_start3A_268] : memref<3x40x128xf32, #tpu.memory_space<vmem>> -> memref<1x40x128xf32, #tpu.memory_space<vmem>>
        %dma_start3A_270 = tpu.memref_squeeze %dma_start3A_269 : memref<1x40x128xf32, #tpu.memory_space<vmem>> -> memref<40x128xf32, #tpu.memory_space<vmem>>
        %dma_start3A_271 = arith.constant 0 : i32
        %dma_start3A_272 = tpu.memref_slice %arg8[%rem3A_185, %dma_start3A_271] : memref<3x40xi32, #tpu.memory_space<vmem>> -> memref<1x40xi32, #tpu.memory_space<vmem>>
        %dma_start3A_273 = tpu.memref_squeeze %dma_start3A_272 : memref<1x40xi32, #tpu.memory_space<vmem>> -> memref<40xi32, #tpu.memory_space<vmem>>
        %dma_start3A_274 = arith.constant 0 : i32
        %dma_start3A_275 = arith.constant 0 : i32
        %dma_start3A_276 = tpu.memref_slice %arg2[%dma_start3A_274, %dma_start3A_275] : memref<10000x128xf32, #tpu.memory_space<hbm>> -> memref<10000x128xf32, #tpu.memory_space<hbm>>
        %dma_start3A_277 = tpu.memref_slice %arg15[%rem3A_185] : memref<3x!tpu.dma_semaphore, #tpu.memory_space<semaphore_mem>> -> memref<1x!tpu.dma_semaphore, #tpu.memory_space<semaphore_mem>>
        %dma_start3A_278 = tpu.memref_squeeze %dma_start3A_277 : memref<1x!tpu.dma_semaphore, #tpu.memory_space<semaphore_mem>> -> memref<!tpu.dma_semaphore, #tpu.memory_space<semaphore_mem>>
        tpu.enqueue_indirect_dma source(%dma_start3A_276 : memref<10000x128xf32, #tpu.memory_space<hbm>>) target(%dma_start3A_270 : memref<40x128xf32, #tpu.memory_space<vmem>>) offsets(%dma_start3A_273 : memref<40xi32, #tpu.memory_space<vmem>>) semaphore(%dma_start3A_278 : memref<!tpu.dma_semaphore, #tpu.memory_space<semaphore_mem>>)
        %mul3A_279 = arith.constant 40 : i32
        %mul3A_280 = arith.muli %add3A_266, %mul3A_279 : i32
        %add3A_281 = arith.addi %mul3A_2, %mul3A_280 : i32
        %dma_start3A_282 = arith.constant 0 : i32
        %dma_start3A_283 = arith.constant 0 : i32
        %dma_start3A_284 = tpu.memref_slice %arg11[%rem3A_185, %dma_start3A_282, %dma_start3A_283] : memref<3x40x128xf32, #tpu.memory_space<vmem>> -> memref<1x40x128xf32, #tpu.memory_space<vmem>>
        %dma_start3A_285 = tpu.memref_squeeze %dma_start3A_284 : memref<1x40x128xf32, #tpu.memory_space<vmem>> -> memref<40x128xf32, #tpu.memory_space<vmem>>
        %dma_start3A_286 = arith.constant 0 : i32
        %dma_start3A_287 = tpu.memref_slice %arg3[%add3A_281, %dma_start3A_286] : memref<76800x128xf32, #tpu.memory_space<hbm>> -> memref<40x128xf32, #tpu.memory_space<hbm>>
        %dma_start3A_288 = tpu.memref_slice %arg16[%rem3A_185] : memref<3x!tpu.dma_semaphore, #tpu.memory_space<semaphore_mem>> -> memref<1x!tpu.dma_semaphore, #tpu.memory_space<semaphore_mem>>
        %dma_start3A_289 = tpu.memref_squeeze %dma_start3A_288 : memref<1x!tpu.dma_semaphore, #tpu.memory_space<semaphore_mem>> -> memref<!tpu.dma_semaphore, #tpu.memory_space<semaphore_mem>>
        %dma_start3A_290 = arith.constant 0 : i32
        %dma_start3A_291 = arith.constant 0 : i32
        %dma_start3A_292 = tpu.memref_slice %arg11[%rem3A_185, %dma_start3A_290, %dma_start3A_291] : memref<3x40x128xf32, #tpu.memory_space<vmem>> -> memref<1x40x128xf32, #tpu.memory_space<vmem>>
        %dma_start3A_293 = tpu.memref_squeeze %dma_start3A_292 : memref<1x40x128xf32, #tpu.memory_space<vmem>> -> memref<40x128xf32, #tpu.memory_space<vmem>>
        %dma_start3A_294 = arith.constant 0 : i32
        %dma_start3A_295 = tpu.memref_slice %arg3[%add3A_281, %dma_start3A_294] : memref<76800x128xf32, #tpu.memory_space<hbm>> -> memref<40x128xf32, #tpu.memory_space<hbm>>
        tpu.enqueue_dma source(%dma_start3A_295 : memref<40x128xf32, #tpu.memory_space<hbm>>) target(%dma_start3A_293 : memref<40x128xf32, #tpu.memory_space<vmem>>) target_semaphore(%dma_start3A_289 : memref<!tpu.dma_semaphore, #tpu.memory_space<semaphore_mem>>)
      } else {
      }
      %dma_wait3A_190 = arith.constant 0 : i32
      %dma_wait3A_191 = arith.constant 0 : i32
      %dma_wait3A_192 = tpu.memref_slice %arg10[%rem3A_181, %dma_wait3A_190, %dma_wait3A_191] : memref<3x40x128xf32, #tpu.memory_space<vmem>> -> memref<1x40x128xf32, #tpu.memory_space<vmem>>
      %dma_wait3A_193 = tpu.memref_squeeze %dma_wait3A_192 : memref<1x40x128xf32, #tpu.memory_space<vmem>> -> memref<40x128xf32, #tpu.memory_space<vmem>>
      %dma_wait3A_194 = arith.constant 0 : i32
      %dma_wait3A_195 = arith.constant 0 : i32
      %dma_wait3A_196 = tpu.memref_slice %arg3[%dma_wait3A_194, %dma_wait3A_195] : memref<76800x128xf32, #tpu.memory_space<hbm>> -> memref<40x128xf32, #tpu.memory_space<hbm>>
      %dma_wait3A_197 = tpu.memref_slice %arg15[%rem3A_181] : memref<3x!tpu.dma_semaphore, #tpu.memory_space<semaphore_mem>> -> memref<1x!tpu.dma_semaphore, #tpu.memory_space<semaphore_mem>>
      %dma_wait3A_198 = tpu.memref_squeeze %dma_wait3A_197 : memref<1x!tpu.dma_semaphore, #tpu.memory_space<semaphore_mem>> -> memref<!tpu.dma_semaphore, #tpu.memory_space<semaphore_mem>>
      %dma_wait3A_199 = arith.constant 0 : i32
      %dma_wait3A_200 = arith.constant 0 : i32
      %dma_wait3A_201 = tpu.memref_slice %arg10[%rem3A_181, %dma_wait3A_199, %dma_wait3A_200] : memref<3x40x128xf32, #tpu.memory_space<vmem>> -> memref<1x40x128xf32, #tpu.memory_space<vmem>>
      %dma_wait3A_202 = tpu.memref_squeeze %dma_wait3A_201 : memref<1x40x128xf32, #tpu.memory_space<vmem>> -> memref<40x128xf32, #tpu.memory_space<vmem>>
      %dma_wait3A_203 = arith.constant 0 : i32
      %dma_wait3A_204 = arith.constant 0 : i32
      %dma_wait3A_205 = tpu.memref_slice %arg3[%dma_wait3A_203, %dma_wait3A_204] : memref<76800x128xf32, #tpu.memory_space<hbm>> -> memref<40x128xf32, #tpu.memory_space<hbm>>
      tpu.wait_dma2 semaphore(%dma_wait3A_198 : memref<!tpu.dma_semaphore, #tpu.memory_space<semaphore_mem>>) src(%dma_wait3A_205 : memref<40x128xf32, #tpu.memory_space<hbm>>) dst(%dma_wait3A_202 : memref<40x128xf32, #tpu.memory_space<vmem>>)
      %dma_wait3A_206 = arith.constant 0 : i32
      %dma_wait3A_207 = arith.constant 0 : i32
      %dma_wait3A_208 = tpu.memref_slice %arg11[%rem3A_181, %dma_wait3A_206, %dma_wait3A_207] : memref<3x40x128xf32, #tpu.memory_space<vmem>> -> memref<1x40x128xf32, #tpu.memory_space<vmem>>
      %dma_wait3A_209 = tpu.memref_squeeze %dma_wait3A_208 : memref<1x40x128xf32, #tpu.memory_space<vmem>> -> memref<40x128xf32, #tpu.memory_space<vmem>>
      %dma_wait3A_210 = arith.constant 0 : i32
      %dma_wait3A_211 = arith.constant 0 : i32
      %dma_wait3A_212 = tpu.memref_slice %arg3[%dma_wait3A_210, %dma_wait3A_211] : memref<76800x128xf32, #tpu.memory_space<hbm>> -> memref<40x128xf32, #tpu.memory_space<hbm>>
      %dma_wait3A_213 = tpu.memref_slice %arg16[%rem3A_181] : memref<3x!tpu.dma_semaphore, #tpu.memory_space<semaphore_mem>> -> memref<1x!tpu.dma_semaphore, #tpu.memory_space<semaphore_mem>>
      %dma_wait3A_214 = tpu.memref_squeeze %dma_wait3A_213 : memref<1x!tpu.dma_semaphore, #tpu.memory_space<semaphore_mem>> -> memref<!tpu.dma_semaphore, #tpu.memory_space<semaphore_mem>>
      %dma_wait3A_215 = arith.constant 0 : i32
      %dma_wait3A_216 = arith.constant 0 : i32
      %dma_wait3A_217 = tpu.memref_slice %arg11[%rem3A_181, %dma_wait3A_215, %dma_wait3A_216] : memref<3x40x128xf32, #tpu.memory_space<vmem>> -> memref<1x40x128xf32, #tpu.memory_space<vmem>>
      %dma_wait3A_218 = tpu.memref_squeeze %dma_wait3A_217 : memref<1x40x128xf32, #tpu.memory_space<vmem>> -> memref<40x128xf32, #tpu.memory_space<vmem>>
      %dma_wait3A_219 = arith.constant 0 : i32
      %dma_wait3A_220 = arith.constant 0 : i32
      %dma_wait3A_221 = tpu.memref_slice %arg3[%dma_wait3A_219, %dma_wait3A_220] : memref<76800x128xf32, #tpu.memory_space<hbm>> -> memref<40x128xf32, #tpu.memory_space<hbm>>
      tpu.wait_dma2 semaphore(%dma_wait3A_214 : memref<!tpu.dma_semaphore, #tpu.memory_space<semaphore_mem>>) src(%dma_wait3A_221 : memref<40x128xf32, #tpu.memory_space<hbm>>) dst(%dma_wait3A_218 : memref<40x128xf32, #tpu.memory_space<vmem>>)
      %parallel_loop3A = arith.constant 0 : i32
      %parallel_loop3A_222 = arith.constant 40 : i32
      %parallel_loop3A_223 = arith.constant 1 : i32
      scf.for %parallel_loop3A_241 = %parallel_loop3A to %parallel_loop3A_222 step %parallel_loop3A_223  : i32 {
        %parallel_loop3A_242 = arith.constant 0 : i32
        %parallel_loop3A_243 = arith.constant 0 : i32
        %parallel_loop3A_244 = tpu.memref_slice %arg10[%rem3A_181, %parallel_loop3A_242, %parallel_loop3A_243] : memref<3x40x128xf32, #tpu.memory_space<vmem>> -> memref<1x40x128xf32, #tpu.memory_space<vmem>>
        %parallel_loop3A_245 = tpu.memref_squeeze %parallel_loop3A_244 : memref<1x40x128xf32, #tpu.memory_space<vmem>> -> memref<40x128xf32, #tpu.memory_space<vmem>>
        %parallel_loop3A_246 = arith.index_cast %parallel_loop3A_241 : i32 to index
        %parallel_loop3A_247 = arith.constant 0 : index
        %parallel_loop3A_248 = tpu.vector_load %parallel_loop3A_245[%parallel_loop3A_246, %parallel_loop3A_247] {strides = array<i32>} : memref<40x128xf32, #tpu.memory_space<vmem>>, vector<1x16xf32>,
        %parallel_loop3A_249 = vector.shape_cast %parallel_loop3A_248 : vector<1x16xf32> to vector<16xf32>
        %parallel_loop3A_250 = arith.constant 0 : i32
        %parallel_loop3A_251 = arith.constant 0 : i32
        %parallel_loop3A_252 = tpu.memref_slice %arg11[%rem3A_181, %parallel_loop3A_250, %parallel_loop3A_251] : memref<3x40x128xf32, #tpu.memory_space<vmem>> -> memref<1x40x128xf32, #tpu.memory_space<vmem>>
        %parallel_loop3A_253 = tpu.memref_squeeze %parallel_loop3A_252 : memref<1x40x128xf32, #tpu.memory_space<vmem>> -> memref<40x128xf32, #tpu.memory_space<vmem>>
        %parallel_loop3A_254 = arith.index_cast %parallel_loop3A_241 : i32 to index
        %parallel_loop3A_255 = arith.constant 0 : index
        %parallel_loop3A_256 = tpu.vector_load %parallel_loop3A_253[%parallel_loop3A_254, %parallel_loop3A_255] {strides = array<i32>} : memref<40x128xf32, #tpu.memory_space<vmem>>, vector<1x16xf32>,
        %parallel_loop3A_257 = vector.shape_cast %parallel_loop3A_256 : vector<1x16xf32> to vector<16xf32>
        %parallel_loop3A_258 = arith.mulf %parallel_loop3A_249, %parallel_loop3A_257 : vector<16xf32>
        %parallel_loop3A_259 = arith.constant 0 : i32
        %parallel_loop3A_260 = arith.constant 0 : i32
        %parallel_loop3A_261 = tpu.memref_slice %arg10[%rem3A_181, %parallel_loop3A_259, %parallel_loop3A_260] : memref<3x40x128xf32, #tpu.memory_space<vmem>> -> memref<1x40x128xf32, #tpu.memory_space<vmem>>
        %parallel_loop3A_262 = tpu.memref_squeeze %parallel_loop3A_261 : memref<1x40x128xf32, #tpu.memory_space<vmem>> -> memref<40x128xf32, #tpu.memory_space<vmem>>
        %parallel_loop3A_263 = arith.index_cast %parallel_loop3A_241 : i32 to index
        %parallel_loop3A_264 = arith.constant 0 : index
        %parallel_loop3A_265 = tpu.vector_load %parallel_loop3A_262[%parallel_loop3A_263, %parallel_loop3A_264] {strides = array<i32>} : memref<40x128xf32, #tpu.memory_space<vmem>>, vector<1x16xf32>,
        %parallel_loop3A_266 = vector.shape_cast %parallel_loop3A_265 : vector<1x16xf32> to vector<16xf32>
        %parallel_loop3A_267 = vector.shape_cast %parallel_loop3A_258 : vector<16xf32> to vector<1x16xf32>
        tpu.vector_store %parallel_loop3A_262[%parallel_loop3A_263, %parallel_loop3A_264], %parallel_loop3A_267 {strides = array<i32>} : memref<40x128xf32, #tpu.memory_space<vmem>>, vector<1x16xf32>,
        %parallel_loop3A_268 = arith.constant 0 : i32
        %parallel_loop3A_269 = arith.constant 0 : i32
        %parallel_loop3A_270 = tpu.memref_slice %arg10[%rem3A_181, %parallel_loop3A_268, %parallel_loop3A_269] : memref<3x40x128xf32, #tpu.memory_space<vmem>> -> memref<1x40x128xf32, #tpu.memory_space<vmem>>
        %parallel_loop3A_271 = tpu.memref_squeeze %parallel_loop3A_270 : memref<1x40x128xf32, #tpu.memory_space<vmem>> -> memref<40x128xf32, #tpu.memory_space<vmem>>
        %parallel_loop3A_272 = arith.index_cast %parallel_loop3A_241 : i32 to index
        %parallel_loop3A_273 = arith.constant 16 : index
        %parallel_loop3A_274 = tpu.vector_load %parallel_loop3A_271[%parallel_loop3A_272, %parallel_loop3A_273] {strides = array<i32>} : memref<40x128xf32, #tpu.memory_space<vmem>>, vector<1x16xf32>,
        %parallel_loop3A_275 = vector.shape_cast %parallel_loop3A_274 : vector<1x16xf32> to vector<16xf32>
        %parallel_loop3A_276 = arith.constant 0 : i32
        %parallel_loop3A_277 = arith.constant 0 : i32
        %parallel_loop3A_278 = tpu.memref_slice %arg11[%rem3A_181, %parallel_loop3A_276, %parallel_loop3A_277] : memref<3x40x128xf32, #tpu.memory_space<vmem>> -> memref<1x40x128xf32, #tpu.memory_space<vmem>>
        %parallel_loop3A_279 = tpu.memref_squeeze %parallel_loop3A_278 : memref<1x40x128xf32, #tpu.memory_space<vmem>> -> memref<40x128xf32, #tpu.memory_space<vmem>>
        %parallel_loop3A_280 = arith.index_cast %parallel_loop3A_241 : i32 to index
        %parallel_loop3A_281 = arith.constant 16 : index
        %parallel_loop3A_282 = tpu.vector_load %parallel_loop3A_279[%parallel_loop3A_280, %parallel_loop3A_281] {strides = array<i32>} : memref<40x128xf32, #tpu.memory_space<vmem>>, vector<1x16xf32>,
        %parallel_loop3A_283 = vector.shape_cast %parallel_loop3A_282 : vector<1x16xf32> to vector<16xf32>
        %parallel_loop3A_284 = arith.mulf %parallel_loop3A_275, %parallel_loop3A_283 : vector<16xf32>
        %parallel_loop3A_285 = arith.constant 0 : i32
        %parallel_loop3A_286 = arith.constant 0 : i32
        %parallel_loop3A_287 = tpu.memref_slice %arg10[%rem3A_181, %parallel_loop3A_285, %parallel_loop3A_286] : memref<3x40x128xf32, #tpu.memory_space<vmem>> -> memref<1x40x128xf32, #tpu.memory_space<vmem>>
        %parallel_loop3A_288 = tpu.memref_squeeze %parallel_loop3A_287 : memref<1x40x128xf32, #tpu.memory_space<vmem>> -> memref<40x128xf32, #tpu.memory_space<vmem>>
        %parallel_loop3A_289 = arith.index_cast %parallel_loop3A_241 : i32 to index
        %parallel_loop3A_290 = arith.constant 16 : index
        %parallel_loop3A_291 = tpu.vector_load %parallel_loop3A_288[%parallel_loop3A_289, %parallel_loop3A_290] {strides = array<i32>} : memref<40x128xf32, #tpu.memory_space<vmem>>, vector<1x16xf32>,
        %parallel_loop3A_292 = vector.shape_cast %parallel_loop3A_291 : vector<1x16xf32> to vector<16xf32>
        %parallel_loop3A_293 = vector.shape_cast %parallel_loop3A_284 : vector<16xf32> to vector<1x16xf32>
        tpu.vector_store %parallel_loop3A_288[%parallel_loop3A_289, %parallel_loop3A_290], %parallel_loop3A_293 {strides = array<i32>} : memref<40x128xf32, #tpu.memory_space<vmem>>, vector<1x16xf32>,
        %parallel_loop3A_294 = arith.constant 0 : i32
        %parallel_loop3A_295 = arith.constant 0 : i32
        %parallel_loop3A_296 = tpu.memref_slice %arg10[%rem3A_181, %parallel_loop3A_294, %parallel_loop3A_295] : memref<3x40x128xf32, #tpu.memory_space<vmem>> -> memref<1x40x128xf32, #tpu.memory_space<vmem>>
        %parallel_loop3A_297 = tpu.memref_squeeze %parallel_loop3A_296 : memref<1x40x128xf32, #tpu.memory_space<vmem>> -> memref<40x128xf32, #tpu.memory_space<vmem>>
        %parallel_loop3A_298 = arith.index_cast %parallel_loop3A_241 : i32 to index
        %parallel_loop3A_299 = arith.constant 32 : index
        %parallel_loop3A_300 = tpu.vector_load %parallel_loop3A_297[%parallel_loop3A_298, %parallel_loop3A_299] {strides = array<i32>} : memref<40x128xf32, #tpu.memory_space<vmem>>, vector<1x16xf32>,
        %parallel_loop3A_301 = vector.shape_cast %parallel_loop3A_300 : vector<1x16xf32> to vector<16xf32>
        %parallel_loop3A_302 = arith.constant 0 : i32
        %parallel_loop3A_303 = arith.constant 0 : i32
        %parallel_loop3A_304 = tpu.memref_slice %arg11[%rem3A_181, %parallel_loop3A_302, %parallel_loop3A_303] : memref<3x40x128xf32, #tpu.memory_space<vmem>> -> memref<1x40x128xf32, #tpu.memory_space<vmem>>
        %parallel_loop3A_305 = tpu.memref_squeeze %parallel_loop3A_304 : memref<1x40x128xf32, #tpu.memory_space<vmem>> -> memref<40x128xf32, #tpu.memory_space<vmem>>
        %parallel_loop3A_306 = arith.index_cast %parallel_loop3A_241 : i32 to index
        %parallel_loop3A_307 = arith.constant 32 : index
        %parallel_loop3A_308 = tpu.vector_load %parallel_loop3A_305[%parallel_loop3A_306, %parallel_loop3A_307] {strides = array<i32>} : memref<40x128xf32, #tpu.memory_space<vmem>>, vector<1x16xf32>,
        %parallel_loop3A_309 = vector.shape_cast %parallel_loop3A_308 : vector<1x16xf32> to vector<16xf32>
        %parallel_loop3A_310 = arith.mulf %parallel_loop3A_301, %parallel_loop3A_309 : vector<16xf32>
        %parallel_loop3A_311 = arith.constant 0 : i32
        %parallel_loop3A_312 = arith.constant 0 : i32
        %parallel_loop3A_313 = tpu.memref_slice %arg10[%rem3A_181, %parallel_loop3A_311, %parallel_loop3A_312] : memref<3x40x128xf32, #tpu.memory_space<vmem>> -> memref<1x40x128xf32, #tpu.memory_space<vmem>>
        %parallel_loop3A_314 = tpu.memref_squeeze %parallel_loop3A_313 : memref<1x40x128xf32, #tpu.memory_space<vmem>> -> memref<40x128xf32, #tpu.memory_space<vmem>>
        %parallel_loop3A_315 = arith.index_cast %parallel_loop3A_241 : i32 to index
        %parallel_loop3A_316 = arith.constant 32 : index
        %parallel_loop3A_317 = tpu.vector_load %parallel_loop3A_314[%parallel_loop3A_315, %parallel_loop3A_316] {strides = array<i32>} : memref<40x128xf32, #tpu.memory_space<vmem>>, vector<1x16xf32>,
        %parallel_loop3A_318 = vector.shape_cast %parallel_loop3A_317 : vector<1x16xf32> to vector<16xf32>
        %parallel_loop3A_319 = vector.shape_cast %parallel_loop3A_310 : vector<16xf32> to vector<1x16xf32>
        tpu.vector_store %parallel_loop3A_314[%parallel_loop3A_315, %parallel_loop3A_316], %parallel_loop3A_319 {strides = array<i32>} : memref<40x128xf32, #tpu.memory_space<vmem>>, vector<1x16xf32>,
        %parallel_loop3A_320 = arith.constant 0 : i32
        %parallel_loop3A_321 = arith.constant 0 : i32
        %parallel_loop3A_322 = tpu.memref_slice %arg10[%rem3A_181, %parallel_loop3A_320, %parallel_loop3A_321] : memref<3x40x128xf32, #tpu.memory_space<vmem>> -> memref<1x40x128xf32, #tpu.memory_space<vmem>>
        %parallel_loop3A_323 = tpu.memref_squeeze %parallel_loop3A_322 : memref<1x40x128xf32, #tpu.memory_space<vmem>> -> memref<40x128xf32, #tpu.memory_space<vmem>>
        %parallel_loop3A_324 = arith.index_cast %parallel_loop3A_241 : i32 to index
        %parallel_loop3A_325 = arith.constant 48 : index
        %parallel_loop3A_326 = tpu.vector_load %parallel_loop3A_323[%parallel_loop3A_324, %parallel_loop3A_325] {strides = array<i32>} : memref<40x128xf32, #tpu.memory_space<vmem>>, vector<1x16xf32>,
        %parallel_loop3A_327 = vector.shape_cast %parallel_loop3A_326 : vector<1x16xf32> to vector<16xf32>
        %parallel_loop3A_328 = arith.constant 0 : i32
        %parallel_loop3A_329 = arith.constant 0 : i32
        %parallel_loop3A_330 = tpu.memref_slice %arg11[%rem3A_181, %parallel_loop3A_328, %parallel_loop3A_329] : memref<3x40x128xf32, #tpu.memory_space<vmem>> -> memref<1x40x128xf32, #tpu.memory_space<vmem>>
        %parallel_loop3A_331 = tpu.memref_squeeze %parallel_loop3A_330 : memref<1x40x128xf32, #tpu.memory_space<vmem>> -> memref<40x128xf32, #tpu.memory_space<vmem>>
        %parallel_loop3A_332 = arith.index_cast %parallel_loop3A_241 : i32 to index
        %parallel_loop3A_333 = arith.constant 48 : index
        %parallel_loop3A_334 = tpu.vector_load %parallel_loop3A_331[%parallel_loop3A_332, %parallel_loop3A_333] {strides = array<i32>} : memref<40x128xf32, #tpu.memory_space<vmem>>, vector<1x16xf32>,
        %parallel_loop3A_335 = vector.shape_cast %parallel_loop3A_334 : vector<1x16xf32> to vector<16xf32>
        %parallel_loop3A_336 = arith.mulf %parallel_loop3A_327, %parallel_loop3A_335 : vector<16xf32>
        %parallel_loop3A_337 = arith.constant 0 : i32
        %parallel_loop3A_338 = arith.constant 0 : i32
        %parallel_loop3A_339 = tpu.memref_slice %arg10[%rem3A_181, %parallel_loop3A_337, %parallel_loop3A_338] : memref<3x40x128xf32, #tpu.memory_space<vmem>> -> memref<1x40x128xf32, #tpu.memory_space<vmem>>
        %parallel_loop3A_340 = tpu.memref_squeeze %parallel_loop3A_339 : memref<1x40x128xf32, #tpu.memory_space<vmem>> -> memref<40x128xf32, #tpu.memory_space<vmem>>
        %parallel_loop3A_341 = arith.index_cast %parallel_loop3A_241 : i32 to index
        %parallel_loop3A_342 = arith.constant 48 : index
        %parallel_loop3A_343 = tpu.vector_load %parallel_loop3A_340[%parallel_loop3A_341, %parallel_loop3A_342] {strides = array<i32>} : memref<40x128xf32, #tpu.memory_space<vmem>>, vector<1x16xf32>,
        %parallel_loop3A_344 = vector.shape_cast %parallel_loop3A_343 : vector<1x16xf32> to vector<16xf32>
        %parallel_loop3A_345 = vector.shape_cast %parallel_loop3A_336 : vector<16xf32> to vector<1x16xf32>
        tpu.vector_store %parallel_loop3A_340[%parallel_loop3A_341, %parallel_loop3A_342], %parallel_loop3A_345 {strides = array<i32>} : memref<40x128xf32, #tpu.memory_space<vmem>>, vector<1x16xf32>,
        %parallel_loop3A_346 = arith.constant 0 : i32
        %parallel_loop3A_347 = arith.constant 0 : i32
        %parallel_loop3A_348 = tpu.memref_slice %arg10[%rem3A_181, %parallel_loop3A_346, %parallel_loop3A_347] : memref<3x40x128xf32, #tpu.memory_space<vmem>> -> memref<1x40x128xf32, #tpu.memory_space<vmem>>
        %parallel_loop3A_349 = tpu.memref_squeeze %parallel_loop3A_348 : memref<1x40x128xf32, #tpu.memory_space<vmem>> -> memref<40x128xf32, #tpu.memory_space<vmem>>
        %parallel_loop3A_350 = arith.index_cast %parallel_loop3A_241 : i32 to index
        %parallel_loop3A_351 = arith.constant 64 : index
        %parallel_loop3A_352 = tpu.vector_load %parallel_loop3A_349[%parallel_loop3A_350, %parallel_loop3A_351] {strides = array<i32>} : memref<40x128xf32, #tpu.memory_space<vmem>>, vector<1x16xf32>,
        %parallel_loop3A_353 = vector.shape_cast %parallel_loop3A_352 : vector<1x16xf32> to vector<16xf32>
        %parallel_loop3A_354 = arith.constant 0 : i32
        %parallel_loop3A_355 = arith.constant 0 : i32
        %parallel_loop3A_356 = tpu.memref_slice %arg11[%rem3A_181, %parallel_loop3A_354, %parallel_loop3A_355] : memref<3x40x128xf32, #tpu.memory_space<vmem>> -> memref<1x40x128xf32, #tpu.memory_space<vmem>>
        %parallel_loop3A_357 = tpu.memref_squeeze %parallel_loop3A_356 : memref<1x40x128xf32, #tpu.memory_space<vmem>> -> memref<40x128xf32, #tpu.memory_space<vmem>>
        %parallel_loop3A_358 = arith.index_cast %parallel_loop3A_241 : i32 to index
        %parallel_loop3A_359 = arith.constant 64 : index
        %parallel_loop3A_360 = tpu.vector_load %parallel_loop3A_357[%parallel_loop3A_358, %parallel_loop3A_359] {strides = array<i32>} : memref<40x128xf32, #tpu.memory_space<vmem>>, vector<1x16xf32>,
        %parallel_loop3A_361 = vector.shape_cast %parallel_loop3A_360 : vector<1x16xf32> to vector<16xf32>
        %parallel_loop3A_362 = arith.mulf %parallel_loop3A_353, %parallel_loop3A_361 : vector<16xf32>
        %parallel_loop3A_363 = arith.constant 0 : i32
        %parallel_loop3A_364 = arith.constant 0 : i32
        %parallel_loop3A_365 = tpu.memref_slice %arg10[%rem3A_181, %parallel_loop3A_363, %parallel_loop3A_364] : memref<3x40x128xf32, #tpu.memory_space<vmem>> -> memref<1x40x128xf32, #tpu.memory_space<vmem>>
        %parallel_loop3A_366 = tpu.memref_squeeze %parallel_loop3A_365 : memref<1x40x128xf32, #tpu.memory_space<vmem>> -> memref<40x128xf32, #tpu.memory_space<vmem>>
        %parallel_loop3A_367 = arith.index_cast %parallel_loop3A_241 : i32 to index
        %parallel_loop3A_368 = arith.constant 64 : index
        %parallel_loop3A_369 = tpu.vector_load %parallel_loop3A_366[%parallel_loop3A_367, %parallel_loop3A_368] {strides = array<i32>} : memref<40x128xf32, #tpu.memory_space<vmem>>, vector<1x16xf32>,
        %parallel_loop3A_370 = vector.shape_cast %parallel_loop3A_369 : vector<1x16xf32> to vector<16xf32>
        %parallel_loop3A_371 = vector.shape_cast %parallel_loop3A_362 : vector<16xf32> to vector<1x16xf32>
        tpu.vector_store %parallel_loop3A_366[%parallel_loop3A_367, %parallel_loop3A_368], %parallel_loop3A_371 {strides = array<i32>} : memref<40x128xf32, #tpu.memory_space<vmem>>, vector<1x16xf32>,
        %parallel_loop3A_372 = arith.constant 0 : i32
        %parallel_loop3A_373 = arith.constant 0 : i32
        %parallel_loop3A_374 = tpu.memref_slice %arg10[%rem3A_181, %parallel_loop3A_372, %parallel_loop3A_373] : memref<3x40x128xf32, #tpu.memory_space<vmem>> -> memref<1x40x128xf32, #tpu.memory_space<vmem>>
        %parallel_loop3A_375 = tpu.memref_squeeze %parallel_loop3A_374 : memref<1x40x128xf32, #tpu.memory_space<vmem>> -> memref<40x128xf32, #tpu.memory_space<vmem>>
        %parallel_loop3A_376 = arith.index_cast %parallel_loop3A_241 : i32 to index
        %parallel_loop3A_377 = arith.constant 80 : index
        %parallel_loop3A_378 = tpu.vector_load %parallel_loop3A_375[%parallel_loop3A_376, %parallel_loop3A_377] {strides = array<i32>} : memref<40x128xf32, #tpu.memory_space<vmem>>, vector<1x16xf32>,
        %parallel_loop3A_379 = vector.shape_cast %parallel_loop3A_378 : vector<1x16xf32> to vector<16xf32>
        %parallel_loop3A_380 = arith.constant 0 : i32
        %parallel_loop3A_381 = arith.constant 0 : i32
        %parallel_loop3A_382 = tpu.memref_slice %arg11[%rem3A_181, %parallel_loop3A_380, %parallel_loop3A_381] : memref<3x40x128xf32, #tpu.memory_space<vmem>> -> memref<1x40x128xf32, #tpu.memory_space<vmem>>
        %parallel_loop3A_383 = tpu.memref_squeeze %parallel_loop3A_382 : memref<1x40x128xf32, #tpu.memory_space<vmem>> -> memref<40x128xf32, #tpu.memory_space<vmem>>
        %parallel_loop3A_384 = arith.index_cast %parallel_loop3A_241 : i32 to index
        %parallel_loop3A_385 = arith.constant 80 : index
        %parallel_loop3A_386 = tpu.vector_load %parallel_loop3A_383[%parallel_loop3A_384, %parallel_loop3A_385] {strides = array<i32>} : memref<40x128xf32, #tpu.memory_space<vmem>>, vector<1x16xf32>,
        %parallel_loop3A_387 = vector.shape_cast %parallel_loop3A_386 : vector<1x16xf32> to vector<16xf32>
        %parallel_loop3A_388 = arith.mulf %parallel_loop3A_379, %parallel_loop3A_387 : vector<16xf32>
        %parallel_loop3A_389 = arith.constant 0 : i32
        %parallel_loop3A_390 = arith.constant 0 : i32
        %parallel_loop3A_391 = tpu.memref_slice %arg10[%rem3A_181, %parallel_loop3A_389, %parallel_loop3A_390] : memref<3x40x128xf32, #tpu.memory_space<vmem>> -> memref<1x40x128xf32, #tpu.memory_space<vmem>>
        %parallel_loop3A_392 = tpu.memref_squeeze %parallel_loop3A_391 : memref<1x40x128xf32, #tpu.memory_space<vmem>> -> memref<40x128xf32, #tpu.memory_space<vmem>>
        %parallel_loop3A_393 = arith.index_cast %parallel_loop3A_241 : i32 to index
        %parallel_loop3A_394 = arith.constant 80 : index
        %parallel_loop3A_395 = tpu.vector_load %parallel_loop3A_392[%parallel_loop3A_393, %parallel_loop3A_394] {strides = array<i32>} : memref<40x128xf32, #tpu.memory_space<vmem>>, vector<1x16xf32>,
        %parallel_loop3A_396 = vector.shape_cast %parallel_loop3A_395 : vector<1x16xf32> to vector<16xf32>
        %parallel_loop3A_397 = vector.shape_cast %parallel_loop3A_388 : vector<16xf32> to vector<1x16xf32>
        tpu.vector_store %parallel_loop3A_392[%parallel_loop3A_393, %parallel_loop3A_394], %parallel_loop3A_397 {strides = array<i32>} : memref<40x128xf32, #tpu.memory_space<vmem>>, vector<1x16xf32>,
        %parallel_loop3A_398 = arith.constant 0 : i32
        %parallel_loop3A_399 = arith.constant 0 : i32
        %parallel_loop3A_400 = tpu.memref_slice %arg10[%rem3A_181, %parallel_loop3A_398, %parallel_loop3A_399] : memref<3x40x128xf32, #tpu.memory_space<vmem>> -> memref<1x40x128xf32, #tpu.memory_space<vmem>>
        %parallel_loop3A_401 = tpu.memref_squeeze %parallel_loop3A_400 : memref<1x40x128xf32, #tpu.memory_space<vmem>> -> memref<40x128xf32, #tpu.memory_space<vmem>>
        %parallel_loop3A_402 = arith.index_cast %parallel_loop3A_241 : i32 to index
        %parallel_loop3A_403 = arith.constant 96 : index
        %parallel_loop3A_404 = tpu.vector_load %parallel_loop3A_401[%parallel_loop3A_402, %parallel_loop3A_403] {strides = array<i32>} : memref<40x128xf32, #tpu.memory_space<vmem>>, vector<1x16xf32>,
        %parallel_loop3A_405 = vector.shape_cast %parallel_loop3A_404 : vector<1x16xf32> to vector<16xf32>
        %parallel_loop3A_406 = arith.constant 0 : i32
        %parallel_loop3A_407 = arith.constant 0 : i32
        %parallel_loop3A_408 = tpu.memref_slice %arg11[%rem3A_181, %parallel_loop3A_406, %parallel_loop3A_407] : memref<3x40x128xf32, #tpu.memory_space<vmem>> -> memref<1x40x128xf32, #tpu.memory_space<vmem>>
        %parallel_loop3A_409 = tpu.memref_squeeze %parallel_loop3A_408 : memref<1x40x128xf32, #tpu.memory_space<vmem>> -> memref<40x128xf32, #tpu.memory_space<vmem>>
        %parallel_loop3A_410 = arith.index_cast %parallel_loop3A_241 : i32 to index
        %parallel_loop3A_411 = arith.constant 96 : index
        %parallel_loop3A_412 = tpu.vector_load %parallel_loop3A_409[%parallel_loop3A_410, %parallel_loop3A_411] {strides = array<i32>} : memref<40x128xf32, #tpu.memory_space<vmem>>, vector<1x16xf32>,
        %parallel_loop3A_413 = vector.shape_cast %parallel_loop3A_412 : vector<1x16xf32> to vector<16xf32>
        %parallel_loop3A_414 = arith.mulf %parallel_loop3A_405, %parallel_loop3A_413 : vector<16xf32>
        %parallel_loop3A_415 = arith.constant 0 : i32
        %parallel_loop3A_416 = arith.constant 0 : i32
        %parallel_loop3A_417 = tpu.memref_slice %arg10[%rem3A_181, %parallel_loop3A_415, %parallel_loop3A_416] : memref<3x40x128xf32, #tpu.memory_space<vmem>> -> memref<1x40x128xf32, #tpu.memory_space<vmem>>
        %parallel_loop3A_418 = tpu.memref_squeeze %parallel_loop3A_417 : memref<1x40x128xf32, #tpu.memory_space<vmem>> -> memref<40x128xf32, #tpu.memory_space<vmem>>
        %parallel_loop3A_419 = arith.index_cast %parallel_loop3A_241 : i32 to index
        %parallel_loop3A_420 = arith.constant 96 : index
        %parallel_loop3A_421 = tpu.vector_load %parallel_loop3A_418[%parallel_loop3A_419, %parallel_loop3A_420] {strides = array<i32>} : memref<40x128xf32, #tpu.memory_space<vmem>>, vector<1x16xf32>,
        %parallel_loop3A_422 = vector.shape_cast %parallel_loop3A_421 : vector<1x16xf32> to vector<16xf32>
        %parallel_loop3A_423 = vector.shape_cast %parallel_loop3A_414 : vector<16xf32> to vector<1x16xf32>
        tpu.vector_store %parallel_loop3A_418[%parallel_loop3A_419, %parallel_loop3A_420], %parallel_loop3A_423 {strides = array<i32>} : memref<40x128xf32, #tpu.memory_space<vmem>>, vector<1x16xf32>,
        %parallel_loop3A_424 = arith.constant 0 : i32
        %parallel_loop3A_425 = arith.constant 0 : i32
        %parallel_loop3A_426 = tpu.memref_slice %arg10[%rem3A_181, %parallel_loop3A_424, %parallel_loop3A_425] : memref<3x40x128xf32, #tpu.memory_space<vmem>> -> memref<1x40x128xf32, #tpu.memory_space<vmem>>
        %parallel_loop3A_427 = tpu.memref_squeeze %parallel_loop3A_426 : memref<1x40x128xf32, #tpu.memory_space<vmem>> -> memref<40x128xf32, #tpu.memory_space<vmem>>
        %parallel_loop3A_428 = arith.index_cast %parallel_loop3A_241 : i32 to index
        %parallel_loop3A_429 = arith.constant 112 : index
        %parallel_loop3A_430 = tpu.vector_load %parallel_loop3A_427[%parallel_loop3A_428, %parallel_loop3A_429] {strides = array<i32>} : memref<40x128xf32, #tpu.memory_space<vmem>>, vector<1x16xf32>,
        %parallel_loop3A_431 = vector.shape_cast %parallel_loop3A_430 : vector<1x16xf32> to vector<16xf32>
        %parallel_loop3A_432 = arith.constant 0 : i32
        %parallel_loop3A_433 = arith.constant 0 : i32
        %parallel_loop3A_434 = tpu.memref_slice %arg11[%rem3A_181, %parallel_loop3A_432, %parallel_loop3A_433] : memref<3x40x128xf32, #tpu.memory_space<vmem>> -> memref<1x40x128xf32, #tpu.memory_space<vmem>>
        %parallel_loop3A_435 = tpu.memref_squeeze %parallel_loop3A_434 : memref<1x40x128xf32, #tpu.memory_space<vmem>> -> memref<40x128xf32, #tpu.memory_space<vmem>>
        %parallel_loop3A_436 = arith.index_cast %parallel_loop3A_241 : i32 to index
        %parallel_loop3A_437 = arith.constant 112 : index
        %parallel_loop3A_438 = tpu.vector_load %parallel_loop3A_435[%parallel_loop3A_436, %parallel_loop3A_437] {strides = array<i32>} : memref<40x128xf32, #tpu.memory_space<vmem>>, vector<1x16xf32>,
        %parallel_loop3A_439 = vector.shape_cast %parallel_loop3A_438 : vector<1x16xf32> to vector<16xf32>
        %parallel_loop3A_440 = arith.mulf %parallel_loop3A_431, %parallel_loop3A_439 : vector<16xf32>
        %parallel_loop3A_441 = arith.constant 0 : i32
        %parallel_loop3A_442 = arith.constant 0 : i32
        %parallel_loop3A_443 = tpu.memref_slice %arg10[%rem3A_181, %parallel_loop3A_441, %parallel_loop3A_442] : memref<3x40x128xf32, #tpu.memory_space<vmem>> -> memref<1x40x128xf32, #tpu.memory_space<vmem>>
        %parallel_loop3A_444 = tpu.memref_squeeze %parallel_loop3A_443 : memref<1x40x128xf32, #tpu.memory_space<vmem>> -> memref<40x128xf32, #tpu.memory_space<vmem>>
        %parallel_loop3A_445 = arith.index_cast %parallel_loop3A_241 : i32 to index
        %parallel_loop3A_446 = arith.constant 112 : index
        %parallel_loop3A_447 = tpu.vector_load %parallel_loop3A_444[%parallel_loop3A_445, %parallel_loop3A_446] {strides = array<i32>} : memref<40x128xf32, #tpu.memory_space<vmem>>, vector<1x16xf32>,
        %parallel_loop3A_448 = vector.shape_cast %parallel_loop3A_447 : vector<1x16xf32> to vector<16xf32>
        %parallel_loop3A_449 = vector.shape_cast %parallel_loop3A_440 : vector<16xf32> to vector<1x16xf32>
        tpu.vector_store %parallel_loop3A_444[%parallel_loop3A_445, %parallel_loop3A_446], %parallel_loop3A_449 {strides = array<i32>} : memref<40x128xf32, #tpu.memory_space<vmem>>, vector<1x16xf32>,
      } {sc.loop_unroll_factor = 4 : i64, sc.parallel_access}
      %dma_start3A_224 = arith.constant 0 : i32
      %dma_start3A_225 = arith.constant 0 : i32
      %dma_start3A_226 = tpu.memref_slice %arg10[%rem3A_181, %dma_start3A_224, %dma_start3A_225] : memref<3x40x128xf32, #tpu.memory_space<vmem>> -> memref<1x40x128xf32, #tpu.memory_space<vmem>>
      %dma_start3A_227 = tpu.memref_squeeze %dma_start3A_226 : memref<1x40x128xf32, #tpu.memory_space<vmem>> -> memref<40x128xf32, #tpu.memory_space<vmem>>
      %dma_start3A_228 = arith.constant 0 : i32
      %dma_start3A_229 = tpu.memref_slice %arg9[%rem3A_181, %dma_start3A_228] : memref<3x40xi32, #tpu.memory_space<vmem>> -> memref<1x40xi32, #tpu.memory_space<vmem>>
      %dma_start3A_230 = tpu.memref_squeeze %dma_start3A_229 : memref<1x40xi32, #tpu.memory_space<vmem>> -> memref<40xi32, #tpu.memory_space<vmem>>
      %dma_start3A_231 = arith.constant 0 : i32
      %dma_start3A_232 = arith.constant 0 : i32
      %dma_start3A_233 = tpu.memref_slice %arg12[%dma_start3A_231, %dma_start3A_232] : memref<10240x128xf32, #tpu.memory_space<vmem_shared>> -> memref<10240x128xf32, #tpu.memory_space<vmem_shared>>
      %dma_start3A_234 = tpu.memref_slice %arg17[%rem3A_181] : memref<3x!tpu.dma_semaphore, #tpu.memory_space<semaphore_mem>> -> memref<1x!tpu.dma_semaphore, #tpu.memory_space<semaphore_mem>>
      %dma_start3A_235 = tpu.memref_squeeze %dma_start3A_234 : memref<1x!tpu.dma_semaphore, #tpu.memory_space<semaphore_mem>> -> memref<!tpu.dma_semaphore, #tpu.memory_space<semaphore_mem>>
      tpu.enqueue_indirect_dma source(%dma_start3A_227 : memref<40x128xf32, #tpu.memory_space<vmem>>) target(%dma_start3A_233 : memref<10240x128xf32, #tpu.memory_space<vmem_shared>>) offsets(%dma_start3A_230 : memref<40xi32, #tpu.memory_space<vmem>>) semaphore(%dma_start3A_235 : memref<!tpu.dma_semaphore, #tpu.memory_space<semaphore_mem>>) {add = true}
      %ge3A = arith.constant 1 : i32
      %ge3A_236 = arith.cmpi sge, %scan3A_179, %ge3A : i32
      %convert_element_type3A_237 = arith.extui %ge3A_236 : i1 to i32
      %cond3A_238 = arith.constant 0 : i32
      %cond3A_239 = arith.cmpi ne, %convert_element_type3A_237, %cond3A_238 : i32
      scf.if %cond3A_239 {
        %sub3A = arith.constant 1 : i32
        %sub3A_241 = arith.subi %scan3A_179, %sub3A : i32
        %rem3A_242 = arith.constant 3 : i32
        %rem3A_243 = arith.remsi %sub3A_241, %rem3A_242 : i32
        %dma_wait3A_244 = arith.constant 0 : i32
        %dma_wait3A_245 = arith.constant 0 : i32
        %dma_wait3A_246 = tpu.memref_slice %arg10[%rem3A_243, %dma_wait3A_244, %dma_wait3A_245] : memref<3x40x128xf32, #tpu.memory_space<vmem>> -> memref<1x40x128xf32, #tpu.memory_space<vmem>>
        %dma_wait3A_247 = tpu.memref_squeeze %dma_wait3A_246 : memref<1x40x128xf32, #tpu.memory_space<vmem>> -> memref<40x128xf32, #tpu.memory_space<vmem>>
        %dma_wait3A_248 = arith.constant 0 : i32
        %dma_wait3A_249 = arith.constant 0 : i32
        %dma_wait3A_250 = tpu.memref_slice %arg3[%dma_wait3A_248, %dma_wait3A_249] : memref<76800x128xf32, #tpu.memory_space<hbm>> -> memref<40x128xf32, #tpu.memory_space<hbm>>
        %dma_wait3A_251 = tpu.memref_slice %arg17[%rem3A_243] : memref<3x!tpu.dma_semaphore, #tpu.memory_space<semaphore_mem>> -> memref<1x!tpu.dma_semaphore, #tpu.memory_space<semaphore_mem>>
        %dma_wait3A_252 = tpu.memref_squeeze %dma_wait3A_251 : memref<1x!tpu.dma_semaphore, #tpu.memory_space<semaphore_mem>> -> memref<!tpu.dma_semaphore, #tpu.memory_space<semaphore_mem>>
        %dma_wait3A_253 = arith.constant 0 : i32
        %dma_wait3A_254 = arith.constant 0 : i32
        %dma_wait3A_255 = tpu.memref_slice %arg10[%rem3A_243, %dma_wait3A_253, %dma_wait3A_254] : memref<3x40x128xf32, #tpu.memory_space<vmem>> -> memref<1x40x128xf32, #tpu.memory_space<vmem>>
        %dma_wait3A_256 = tpu.memref_squeeze %dma_wait3A_255 : memref<1x40x128xf32, #tpu.memory_space<vmem>> -> memref<40x128xf32, #tpu.memory_space<vmem>>
        %dma_wait3A_257 = arith.constant 0 : i32
        %dma_wait3A_258 = arith.constant 0 : i32
        %dma_wait3A_259 = tpu.memref_slice %arg3[%dma_wait3A_257, %dma_wait3A_258] : memref<76800x128xf32, #tpu.memory_space<hbm>> -> memref<40x128xf32, #tpu.memory_space<hbm>>
        tpu.wait_dma2 semaphore(%dma_wait3A_252 : memref<!tpu.dma_semaphore, #tpu.memory_space<semaphore_mem>>) src(%dma_wait3A_259 : memref<40x128xf32, #tpu.memory_space<hbm>>) dst(%dma_wait3A_256 : memref<40x128xf32, #tpu.memory_space<vmem>>)
        %add3A_260 = arith.constant 2 : i32
        %add3A_261 = arith.addi %scan3A_179, %add3A_260 : i32
        %lt3A_262 = arith.constant 60 : i32
        %lt3A_263 = arith.cmpi slt, %add3A_261, %lt3A_262 : i32
        %convert_element_type3A_264 = arith.extui %lt3A_263 : i1 to i32
        %cond3A_265 = arith.constant 0 : i32
        %cond3A_266 = arith.cmpi ne, %convert_element_type3A_264, %cond3A_265 : i32
        scf.if %cond3A_266 {
          %add3A_267 = arith.constant 2 : i32
          %add3A_268 = arith.addi %scan3A_179, %add3A_267 : i32
          %add3A_269 = arith.constant 2 : i32
          %add3A_270 = arith.addi %scan3A_179, %add3A_269 : i32
          %rem3A_271 = arith.constant 3 : i32
          %rem3A_272 = arith.remsi %add3A_270, %rem3A_271 : i32
          %mul3A_273 = arith.constant 40 : i32
          %mul3A_274 = arith.muli %add3A_268, %mul3A_273 : i32
          %add3A_275 = arith.addi %add3A_4, %mul3A_274 : i32
          %dma_start3A_276 = arith.constant 0 : i32
          %dma_start3A_277 = tpu.memref_slice %arg8[%rem3A_272, %dma_start3A_276] : memref<3x40xi32, #tpu.memory_space<vmem>> -> memref<1x40xi32, #tpu.memory_space<vmem>>
          %dma_start3A_278 = tpu.memref_squeeze %dma_start3A_277 : memref<1x40xi32, #tpu.memory_space<vmem>> -> memref<40xi32, #tpu.memory_space<vmem>>
          %dma_start3A_279 = tpu.memref_slice %arg4[%add3A_275] : memref<160000xi32, #tpu.memory_space<hbm>> -> memref<40xi32, #tpu.memory_space<hbm>>
          %dma_start3A_280 = tpu.memref_slice %arg13[%rem3A_272] : memref<3x!tpu.dma_semaphore, #tpu.memory_space<semaphore_mem>> -> memref<1x!tpu.dma_semaphore, #tpu.memory_space<semaphore_mem>>
          %dma_start3A_281 = tpu.memref_squeeze %dma_start3A_280 : memref<1x!tpu.dma_semaphore, #tpu.memory_space<semaphore_mem>> -> memref<!tpu.dma_semaphore, #tpu.memory_space<semaphore_mem>>
          %dma_start3A_282 = arith.constant 0 : i32
          %dma_start3A_283 = tpu.memref_slice %arg8[%rem3A_272, %dma_start3A_282] : memref<3x40xi32, #tpu.memory_space<vmem>> -> memref<1x40xi32, #tpu.memory_space<vmem>>
          %dma_start3A_284 = tpu.memref_squeeze %dma_start3A_283 : memref<1x40xi32, #tpu.memory_space<vmem>> -> memref<40xi32, #tpu.memory_space<vmem>>
          %dma_start3A_285 = tpu.memref_slice %arg4[%add3A_275] : memref<160000xi32, #tpu.memory_space<hbm>> -> memref<40xi32, #tpu.memory_space<hbm>>
          tpu.enqueue_dma source(%dma_start3A_285 : memref<40xi32, #tpu.memory_space<hbm>>) target(%dma_start3A_284 : memref<40xi32, #tpu.memory_space<vmem>>) target_semaphore(%dma_start3A_281 : memref<!tpu.dma_semaphore, #tpu.memory_space<semaphore_mem>>)
          %mul3A_286 = arith.constant 40 : i32
          %mul3A_287 = arith.muli %add3A_268, %mul3A_286 : i32
          %add3A_288 = arith.addi %add3A_4, %mul3A_287 : i32
          %dma_start3A_289 = arith.constant 0 : i32
          %dma_start3A_290 = tpu.memref_slice %arg9[%rem3A_272, %dma_start3A_289] : memref<3x40xi32, #tpu.memory_space<vmem>> -> memref<1x40xi32, #tpu.memory_space<vmem>>
          %dma_start3A_291 = tpu.memref_squeeze %dma_start3A_290 : memref<1x40xi32, #tpu.memory_space<vmem>> -> memref<40xi32, #tpu.memory_space<vmem>>
          %dma_start3A_292 = tpu.memref_slice %arg5[%add3A_288] : memref<160000xi32, #tpu.memory_space<hbm>> -> memref<40xi32, #tpu.memory_space<hbm>>
          %dma_start3A_293 = tpu.memref_slice %arg14[%rem3A_272] : memref<3x!tpu.dma_semaphore, #tpu.memory_space<semaphore_mem>> -> memref<1x!tpu.dma_semaphore, #tpu.memory_space<semaphore_mem>>
          %dma_start3A_294 = tpu.memref_squeeze %dma_start3A_293 : memref<1x!tpu.dma_semaphore, #tpu.memory_space<semaphore_mem>> -> memref<!tpu.dma_semaphore, #tpu.memory_space<semaphore_mem>>
          %dma_start3A_295 = arith.constant 0 : i32
          %dma_start3A_296 = tpu.memref_slice %arg9[%rem3A_272, %dma_start3A_295] : memref<3x40xi32, #tpu.memory_space<vmem>> -> memref<1x40xi32, #tpu.memory_space<vmem>>
          %dma_start3A_297 = tpu.memref_squeeze %dma_start3A_296 : memref<1x40xi32, #tpu.memory_space<vmem>> -> memref<40xi32, #tpu.memory_space<vmem>>
          %dma_start3A_298 = tpu.memref_slice %arg5[%add3A_288] : memref<160000xi32, #tpu.memory_space<hbm>> -> memref<40xi32, #tpu.memory_space<hbm>>
          tpu.enqueue_dma source(%dma_start3A_298 : memref<40xi32, #tpu.memory_space<hbm>>) target(%dma_start3A_297 : memref<40xi32, #tpu.memory_space<vmem>>) target_semaphore(%dma_start3A_294 : memref<!tpu.dma_semaphore, #tpu.memory_space<semaphore_mem>>)
        } else {
        }
      } else {
      }
      %scan3A_240 = arith.constant 0 : i32
      scf.yield %scan3A_240 : i32
    }
    %scan3A_157 = arith.constant 60 : i32
    %dma_wait3A_158 = arith.constant 2 : i32
    %dma_wait3A_159 = arith.constant 2 : i32
    %dma_wait3A_160 = arith.constant 0 : i32
    %dma_wait3A_161 = arith.constant 0 : i32
    %dma_wait3A_162 = tpu.memref_slice %arg10[%dma_wait3A_158, %dma_wait3A_160, %dma_wait3A_161] : memref<3x40x128xf32, #tpu.memory_space<vmem>> -> memref<1x40x128xf32, #tpu.memory_space<vmem>>
    %dma_wait3A_163 = tpu.memref_squeeze %dma_wait3A_162 : memref<1x40x128xf32, #tpu.memory_space<vmem>> -> memref<40x128xf32, #tpu.memory_space<vmem>>
    %dma_wait3A_164 = arith.constant 0 : i32
    %dma_wait3A_165 = arith.constant 0 : i32
    %dma_wait3A_166 = tpu.memref_slice %arg3[%dma_wait3A_164, %dma_wait3A_165] : memref<76800x128xf32, #tpu.memory_space<hbm>> -> memref<40x128xf32, #tpu.memory_space<hbm>>
    %dma_wait3A_167 = tpu.memref_slice %arg17[%dma_wait3A_159] : memref<3x!tpu.dma_semaphore, #tpu.memory_space<semaphore_mem>> -> memref<1x!tpu.dma_semaphore, #tpu.memory_space<semaphore_mem>>
    %dma_wait3A_168 = tpu.memref_squeeze %dma_wait3A_167 : memref<1x!tpu.dma_semaphore, #tpu.memory_space<semaphore_mem>> -> memref<!tpu.dma_semaphore, #tpu.memory_space<semaphore_mem>>
    %dma_wait3A_169 = arith.constant 0 : i32
    %dma_wait3A_170 = arith.constant 0 : i32
    %dma_wait3A_171 = tpu.memref_slice %arg10[%dma_wait3A_158, %dma_wait3A_169, %dma_wait3A_170] : memref<3x40x128xf32, #tpu.memory_space<vmem>> -> memref<1x40x128xf32, #tpu.memory_space<vmem>>
    %dma_wait3A_172 = tpu.memref_squeeze %dma_wait3A_171 : memref<1x40x128xf32, #tpu.memory_space<vmem>> -> memref<40x128xf32, #tpu.memory_space<vmem>>
    %dma_wait3A_173 = arith.constant 0 : i32
    %dma_wait3A_174 = arith.constant 0 : i32
    %dma_wait3A_175 = tpu.memref_slice %arg3[%dma_wait3A_173, %dma_wait3A_174] : memref<76800x128xf32, #tpu.memory_space<hbm>> -> memref<40x128xf32, #tpu.memory_space<hbm>>
    tpu.wait_dma2 semaphore(%dma_wait3A_168 : memref<!tpu.dma_semaphore, #tpu.memory_space<semaphore_mem>>) src(%dma_wait3A_175 : memref<40x128xf32, #tpu.memory_space<hbm>>) dst(%dma_wait3A_172 : memref<40x128xf32, #tpu.memory_space<vmem>>)
    %barrier3A_176 = arith.constant 0 : index
    tpu.barrier barrier_id(%barrier3A_176)
    %mul3A_177 = arith.constant 640 : i32
    %mul3A_178 = arith.muli %arg1, %mul3A_177 : i32
    "tpu.region"() ({
      %run_scoped3A = tpu.sem_alloc : memref<!tpu.dma_semaphore, #tpu.memory_space<semaphore_mem>>
      %dma_start3A_179 = arith.constant 0 : i32
      %dma_start3A_180 = tpu.memref_slice %arg7[%arg0, %mul3A_178, %dma_start3A_179] : memref<2x10240x128xf32, #tpu.memory_space<hbm>> -> memref<1x640x128xf32, #tpu.memory_space<hbm>>
      %dma_start3A_181 = tpu.memref_squeeze %dma_start3A_180 : memref<1x640x128xf32, #tpu.memory_space<hbm>> -> memref<640x128xf32, #tpu.memory_space<hbm>>
      %dma_start3A_182 = arith.constant 0 : i32
      %dma_start3A_183 = tpu.memref_slice %arg12[%mul3A_178, %dma_start3A_182] : memref<10240x128xf32, #tpu.memory_space<vmem_shared>> -> memref<640x128xf32, #tpu.memory_space<vmem_shared>>
      tpu.enqueue_dma source(%dma_start3A_183 : memref<640x128xf32, #tpu.memory_space<vmem_shared>>) target(%dma_start3A_181 : memref<640x128xf32, #tpu.memory_space<hbm>>) target_semaphore(%run_scoped3A : memref<!tpu.dma_semaphore, #tpu.memory_space<semaphore_mem>>)
      %dma_wait3A_184 = arith.constant 0 : i32
      %dma_wait3A_185 = tpu.memref_slice %arg7[%arg0, %mul3A_178, %dma_wait3A_184] : memref<2x10240x128xf32, #tpu.memory_space<hbm>> -> memref<1x640x128xf32, #tpu.memory_space<hbm>>
      %dma_wait3A_186 = tpu.memref_squeeze %dma_wait3A_185 : memref<1x640x128xf32, #tpu.memory_space<hbm>> -> memref<640x128xf32, #tpu.memory_space<hbm>>
      %dma_wait3A_187 = arith.constant 0 : i32
      %dma_wait3A_188 = tpu.memref_slice %arg12[%mul3A_178, %dma_wait3A_187] : memref<10240x128xf32, #tpu.memory_space<vmem_shared>> -> memref<640x128xf32, #tpu.memory_space<vmem_shared>>
      tpu.wait_dma2 semaphore(%run_scoped3A : memref<!tpu.dma_semaphore, #tpu.memory_space<semaphore_mem>>) src(%dma_wait3A_188 : memref<640x128xf32, #tpu.memory_space<vmem_shared>>) dst(%dma_wait3A_186 : memref<640x128xf32, #tpu.memory_space<hbm>>)
      tpu.yield
    }) : () -> ()
    return
  }
}

#map = affine_map<(d0, d1) -> (0, 0)>
#map1 = affine_map<(d0, d1) -> (0)>
#map2 = affine_map<(d0, d1) -> (0, 0, 0)>
module attributes {stable_mosaic.version = 14 : i64} {
  func.func @_sc_conv_body(%arg0: i32, %arg1: i32, %arg2: memref<10000x128xf32, #tpu.memory_space<hbm>>, %arg3: memref<51200x128xf32, #tpu.memory_space<hbm>>, %arg4: memref<160000xi32, #tpu.memory_space<hbm>>, %arg5: memref<160000xi32, #tpu.memory_space<hbm>>, %arg6: memref<10240x128xf32, #tpu.memory_space<hbm>>, %arg7: memref<2x10240x128xf32, #tpu.memory_space<hbm>>, %arg8: memref<3x40xi32, #tpu.memory_space<vmem>>, %arg9: memref<3x40xi32, #tpu.memory_space<vmem>>, %arg10: memref<3x40x128xf32, #tpu.memory_space<vmem>>, %arg11: memref<3x40x128xf32, #tpu.memory_space<vmem>>, %arg12: memref<10240x128xf32, #tpu.memory_space<vmem_shared>>, %arg13: memref<3x!tpu.dma_semaphore, #tpu.memory_space<semaphore_mem>>, %arg14: memref<3x!tpu.dma_semaphore, #tpu.memory_space<semaphore_mem>>, %arg15: memref<3x!tpu.dma_semaphore, #tpu.memory_space<semaphore_mem>>, %arg16: memref<3x!tpu.dma_semaphore, #tpu.memory_space<semaphore_mem>>, %arg17: memref<3x!tpu.dma_semaphore, #tpu.memory_space<semaphore_mem>>) attributes {dimension_semantics = [#tpu.dimension_semantics<core_parallel>, #tpu.dimension_semantics<subcore_parallel>], iteration_bounds = array<i64: 2, 16>, scalar_prefetch = 0 : i64, scratch_operands = 10 : i64, tpu.core_type = #tpu.core_type<sc_vector_subcore>, window_params = [{transform_indices = #map}, {transform_indices = #map}, {transform_indices = #map1}, {transform_indices = #map1}, {transform_indices = #map}, {transform_indices = #map2}]} {
    %mul3A = arith.constant 16 : i32
    %mul3A_0 = arith.muli %arg0, %mul3A : i32
    %add3A = arith.addi %mul3A_0, %arg1 : i32
    %mul3A_1 = arith.constant 1600 : i32
    %mul3A_2 = arith.muli %add3A, %mul3A_1 : i32
    %add3A_3 = arith.constant 32000 : i32
    %add3A_4 = arith.addi %add3A_3, %mul3A_2 : i32
    %mul3A_5 = arith.constant 640 : i32
    %mul3A_6 = arith.muli %arg1, %mul3A_5 : i32
    %mul3A_7 = arith.constant 640 : i32
    %mul3A_8 = arith.muli %arg1, %mul3A_7 : i32
    "tpu.region"() ({
      %run_scoped3A = tpu.sem_alloc : memref<!tpu.dma_semaphore, #tpu.memory_space<semaphore_mem>>
      %dma_start3A_179 = arith.constant 0 : i32
      %dma_start3A_180 = tpu.memref_slice %arg12[%mul3A_8, %dma_start3A_179] : memref<10240x128xf32, #tpu.memory_space<vmem_shared>> -> memref<640x128xf32, #tpu.memory_space<vmem_shared>>
      %dma_start3A_181 = arith.constant 0 : i32
      %dma_start3A_182 = tpu.memref_slice %arg6[%mul3A_6, %dma_start3A_181] : memref<10240x128xf32, #tpu.memory_space<hbm>> -> memref<640x128xf32, #tpu.memory_space<hbm>>
      tpu.enqueue_dma source(%dma_start3A_182 : memref<640x128xf32, #tpu.memory_space<hbm>>) target(%dma_start3A_180 : memref<640x128xf32, #tpu.memory_space<vmem_shared>>) target_semaphore(%run_scoped3A : memref<!tpu.dma_semaphore, #tpu.memory_space<semaphore_mem>>)
      %dma_wait3A_183 = arith.constant 0 : i32
      %dma_wait3A_184 = tpu.memref_slice %arg12[%mul3A_8, %dma_wait3A_183] : memref<10240x128xf32, #tpu.memory_space<vmem_shared>> -> memref<640x128xf32, #tpu.memory_space<vmem_shared>>
      %dma_wait3A_185 = arith.constant 0 : i32
      %dma_wait3A_186 = tpu.memref_slice %arg6[%mul3A_6, %dma_wait3A_185] : memref<10240x128xf32, #tpu.memory_space<hbm>> -> memref<640x128xf32, #tpu.memory_space<hbm>>
      tpu.wait_dma2 semaphore(%run_scoped3A : memref<!tpu.dma_semaphore, #tpu.memory_space<semaphore_mem>>) src(%dma_wait3A_186 : memref<640x128xf32, #tpu.memory_space<hbm>>) dst(%dma_wait3A_184 : memref<640x128xf32, #tpu.memory_space<vmem_shared>>)
      tpu.yield
    }) : () -> ()
    %barrier3A = arith.constant 0 : index
    tpu.barrier barrier_id(%barrier3A)
    %add3A_9 = arith.constant 0 : i32
    %add3A_10 = arith.addi %add3A_4, %add3A_9 : i32
    %dma_start3A = arith.constant 0 : i32
    %dma_start3A_11 = arith.constant 0 : i32
    %dma_start3A_12 = arith.constant 0 : i32
    %dma_start3A_13 = tpu.memref_slice %arg8[%dma_start3A, %dma_start3A_12] : memref<3x40xi32, #tpu.memory_space<vmem>> -> memref<1x40xi32, #tpu.memory_space<vmem>>
    %dma_start3A_14 = tpu.memref_squeeze %dma_start3A_13 : memref<1x40xi32, #tpu.memory_space<vmem>> -> memref<40xi32, #tpu.memory_space<vmem>>
    %dma_start3A_15 = tpu.memref_slice %arg4[%add3A_10] : memref<160000xi32, #tpu.memory_space<hbm>> -> memref<40xi32, #tpu.memory_space<hbm>>
    %dma_start3A_16 = tpu.memref_slice %arg13[%dma_start3A_11] : memref<3x!tpu.dma_semaphore, #tpu.memory_space<semaphore_mem>> -> memref<1x!tpu.dma_semaphore, #tpu.memory_space<semaphore_mem>>
    %dma_start3A_17 = tpu.memref_squeeze %dma_start3A_16 : memref<1x!tpu.dma_semaphore, #tpu.memory_space<semaphore_mem>> -> memref<!tpu.dma_semaphore, #tpu.memory_space<semaphore_mem>>
    %dma_start3A_18 = arith.constant 0 : i32
    %dma_start3A_19 = tpu.memref_slice %arg8[%dma_start3A, %dma_start3A_18] : memref<3x40xi32, #tpu.memory_space<vmem>> -> memref<1x40xi32, #tpu.memory_space<vmem>>
    %dma_start3A_20 = tpu.memref_squeeze %dma_start3A_19 : memref<1x40xi32, #tpu.memory_space<vmem>> -> memref<40xi32, #tpu.memory_space<vmem>>
    %dma_start3A_21 = tpu.memref_slice %arg4[%add3A_10] : memref<160000xi32, #tpu.memory_space<hbm>> -> memref<40xi32, #tpu.memory_space<hbm>>
    tpu.enqueue_dma source(%dma_start3A_21 : memref<40xi32, #tpu.memory_space<hbm>>) target(%dma_start3A_20 : memref<40xi32, #tpu.memory_space<vmem>>) target_semaphore(%dma_start3A_17 : memref<!tpu.dma_semaphore, #tpu.memory_space<semaphore_mem>>)
    %add3A_22 = arith.constant 0 : i32
    %add3A_23 = arith.addi %add3A_4, %add3A_22 : i32
    %dma_start3A_24 = arith.constant 0 : i32
    %dma_start3A_25 = arith.constant 0 : i32
    %dma_start3A_26 = arith.constant 0 : i32
    %dma_start3A_27 = tpu.memref_slice %arg9[%dma_start3A_24, %dma_start3A_26] : memref<3x40xi32, #tpu.memory_space<vmem>> -> memref<1x40xi32, #tpu.memory_space<vmem>>
    %dma_start3A_28 = tpu.memref_squeeze %dma_start3A_27 : memref<1x40xi32, #tpu.memory_space<vmem>> -> memref<40xi32, #tpu.memory_space<vmem>>
    %dma_start3A_29 = tpu.memref_slice %arg5[%add3A_23] : memref<160000xi32, #tpu.memory_space<hbm>> -> memref<40xi32, #tpu.memory_space<hbm>>
    %dma_start3A_30 = tpu.memref_slice %arg14[%dma_start3A_25] : memref<3x!tpu.dma_semaphore, #tpu.memory_space<semaphore_mem>> -> memref<1x!tpu.dma_semaphore, #tpu.memory_space<semaphore_mem>>
    %dma_start3A_31 = tpu.memref_squeeze %dma_start3A_30 : memref<1x!tpu.dma_semaphore, #tpu.memory_space<semaphore_mem>> -> memref<!tpu.dma_semaphore, #tpu.memory_space<semaphore_mem>>
    %dma_start3A_32 = arith.constant 0 : i32
    %dma_start3A_33 = tpu.memref_slice %arg9[%dma_start3A_24, %dma_start3A_32] : memref<3x40xi32, #tpu.memory_space<vmem>> -> memref<1x40xi32, #tpu.memory_space<vmem>>
    %dma_start3A_34 = tpu.memref_squeeze %dma_start3A_33 : memref<1x40xi32, #tpu.memory_space<vmem>> -> memref<40xi32, #tpu.memory_space<vmem>>
    %dma_start3A_35 = tpu.memref_slice %arg5[%add3A_23] : memref<160000xi32, #tpu.memory_space<hbm>> -> memref<40xi32, #tpu.memory_space<hbm>>
    tpu.enqueue_dma source(%dma_start3A_35 : memref<40xi32, #tpu.memory_space<hbm>>) target(%dma_start3A_34 : memref<40xi32, #tpu.memory_space<vmem>>) target_semaphore(%dma_start3A_31 : memref<!tpu.dma_semaphore, #tpu.memory_space<semaphore_mem>>)
    %add3A_36 = arith.constant 40 : i32
    %add3A_37 = arith.addi %add3A_4, %add3A_36 : i32
    %dma_start3A_38 = arith.constant 1 : i32
    %dma_start3A_39 = arith.constant 1 : i32
    %dma_start3A_40 = arith.constant 0 : i32
    %dma_start3A_41 = tpu.memref_slice %arg8[%dma_start3A_38, %dma_start3A_40] : memref<3x40xi32, #tpu.memory_space<vmem>> -> memref<1x40xi32, #tpu.memory_space<vmem>>
    %dma_start3A_42 = tpu.memref_squeeze %dma_start3A_41 : memref<1x40xi32, #tpu.memory_space<vmem>> -> memref<40xi32, #tpu.memory_space<vmem>>
    %dma_start3A_43 = tpu.memref_slice %arg4[%add3A_37] : memref<160000xi32, #tpu.memory_space<hbm>> -> memref<40xi32, #tpu.memory_space<hbm>>
    %dma_start3A_44 = tpu.memref_slice %arg13[%dma_start3A_39] : memref<3x!tpu.dma_semaphore, #tpu.memory_space<semaphore_mem>> -> memref<1x!tpu.dma_semaphore, #tpu.memory_space<semaphore_mem>>
    %dma_start3A_45 = tpu.memref_squeeze %dma_start3A_44 : memref<1x!tpu.dma_semaphore, #tpu.memory_space<semaphore_mem>> -> memref<!tpu.dma_semaphore, #tpu.memory_space<semaphore_mem>>
    %dma_start3A_46 = arith.constant 0 : i32
    %dma_start3A_47 = tpu.memref_slice %arg8[%dma_start3A_38, %dma_start3A_46] : memref<3x40xi32, #tpu.memory_space<vmem>> -> memref<1x40xi32, #tpu.memory_space<vmem>>
    %dma_start3A_48 = tpu.memref_squeeze %dma_start3A_47 : memref<1x40xi32, #tpu.memory_space<vmem>> -> memref<40xi32, #tpu.memory_space<vmem>>
    %dma_start3A_49 = tpu.memref_slice %arg4[%add3A_37] : memref<160000xi32, #tpu.memory_space<hbm>> -> memref<40xi32, #tpu.memory_space<hbm>>
    tpu.enqueue_dma source(%dma_start3A_49 : memref<40xi32, #tpu.memory_space<hbm>>) target(%dma_start3A_48 : memref<40xi32, #tpu.memory_space<vmem>>) target_semaphore(%dma_start3A_45 : memref<!tpu.dma_semaphore, #tpu.memory_space<semaphore_mem>>)
    %add3A_50 = arith.constant 40 : i32
    %add3A_51 = arith.addi %add3A_4, %add3A_50 : i32
    %dma_start3A_52 = arith.constant 1 : i32
    %dma_start3A_53 = arith.constant 1 : i32
    %dma_start3A_54 = arith.constant 0 : i32
    %dma_start3A_55 = tpu.memref_slice %arg9[%dma_start3A_52, %dma_start3A_54] : memref<3x40xi32, #tpu.memory_space<vmem>> -> memref<1x40xi32, #tpu.memory_space<vmem>>
    %dma_start3A_56 = tpu.memref_squeeze %dma_start3A_55 : memref<1x40xi32, #tpu.memory_space<vmem>> -> memref<40xi32, #tpu.memory_space<vmem>>
    %dma_start3A_57 = tpu.memref_slice %arg5[%add3A_51] : memref<160000xi32, #tpu.memory_space<hbm>> -> memref<40xi32, #tpu.memory_space<hbm>>
    %dma_start3A_58 = tpu.memref_slice %arg14[%dma_start3A_53] : memref<3x!tpu.dma_semaphore, #tpu.memory_space<semaphore_mem>> -> memref<1x!tpu.dma_semaphore, #tpu.memory_space<semaphore_mem>>
    %dma_start3A_59 = tpu.memref_squeeze %dma_start3A_58 : memref<1x!tpu.dma_semaphore, #tpu.memory_space<semaphore_mem>> -> memref<!tpu.dma_semaphore, #tpu.memory_space<semaphore_mem>>
    %dma_start3A_60 = arith.constant 0 : i32
    %dma_start3A_61 = tpu.memref_slice %arg9[%dma_start3A_52, %dma_start3A_60] : memref<3x40xi32, #tpu.memory_space<vmem>> -> memref<1x40xi32, #tpu.memory_space<vmem>>
    %dma_start3A_62 = tpu.memref_squeeze %dma_start3A_61 : memref<1x40xi32, #tpu.memory_space<vmem>> -> memref<40xi32, #tpu.memory_space<vmem>>
    %dma_start3A_63 = tpu.memref_slice %arg5[%add3A_51] : memref<160000xi32, #tpu.memory_space<hbm>> -> memref<40xi32, #tpu.memory_space<hbm>>
    tpu.enqueue_dma source(%dma_start3A_63 : memref<40xi32, #tpu.memory_space<hbm>>) target(%dma_start3A_62 : memref<40xi32, #tpu.memory_space<vmem>>) target_semaphore(%dma_start3A_59 : memref<!tpu.dma_semaphore, #tpu.memory_space<semaphore_mem>>)
    %add3A_64 = arith.constant 80 : i32
    %add3A_65 = arith.addi %add3A_4, %add3A_64 : i32
    %dma_start3A_66 = arith.constant 2 : i32
    %dma_start3A_67 = arith.constant 2 : i32
    %dma_start3A_68 = arith.constant 0 : i32
    %dma_start3A_69 = tpu.memref_slice %arg8[%dma_start3A_66, %dma_start3A_68] : memref<3x40xi32, #tpu.memory_space<vmem>> -> memref<1x40xi32, #tpu.memory_space<vmem>>
    %dma_start3A_70 = tpu.memref_squeeze %dma_start3A_69 : memref<1x40xi32, #tpu.memory_space<vmem>> -> memref<40xi32, #tpu.memory_space<vmem>>
    %dma_start3A_71 = tpu.memref_slice %arg4[%add3A_65] : memref<160000xi32, #tpu.memory_space<hbm>> -> memref<40xi32, #tpu.memory_space<hbm>>
    %dma_start3A_72 = tpu.memref_slice %arg13[%dma_start3A_67] : memref<3x!tpu.dma_semaphore, #tpu.memory_space<semaphore_mem>> -> memref<1x!tpu.dma_semaphore, #tpu.memory_space<semaphore_mem>>
    %dma_start3A_73 = tpu.memref_squeeze %dma_start3A_72 : memref<1x!tpu.dma_semaphore, #tpu.memory_space<semaphore_mem>> -> memref<!tpu.dma_semaphore, #tpu.memory_space<semaphore_mem>>
    %dma_start3A_74 = arith.constant 0 : i32
    %dma_start3A_75 = tpu.memref_slice %arg8[%dma_start3A_66, %dma_start3A_74] : memref<3x40xi32, #tpu.memory_space<vmem>> -> memref<1x40xi32, #tpu.memory_space<vmem>>
    %dma_start3A_76 = tpu.memref_squeeze %dma_start3A_75 : memref<1x40xi32, #tpu.memory_space<vmem>> -> memref<40xi32, #tpu.memory_space<vmem>>
    %dma_start3A_77 = tpu.memref_slice %arg4[%add3A_65] : memref<160000xi32, #tpu.memory_space<hbm>> -> memref<40xi32, #tpu.memory_space<hbm>>
    tpu.enqueue_dma source(%dma_start3A_77 : memref<40xi32, #tpu.memory_space<hbm>>) target(%dma_start3A_76 : memref<40xi32, #tpu.memory_space<vmem>>) target_semaphore(%dma_start3A_73 : memref<!tpu.dma_semaphore, #tpu.memory_space<semaphore_mem>>)
    %add3A_78 = arith.constant 80 : i32
    %add3A_79 = arith.addi %add3A_4, %add3A_78 : i32
    %dma_start3A_80 = arith.constant 2 : i32
    %dma_start3A_81 = arith.constant 2 : i32
    %dma_start3A_82 = arith.constant 0 : i32
    %dma_start3A_83 = tpu.memref_slice %arg9[%dma_start3A_80, %dma_start3A_82] : memref<3x40xi32, #tpu.memory_space<vmem>> -> memref<1x40xi32, #tpu.memory_space<vmem>>
    %dma_start3A_84 = tpu.memref_squeeze %dma_start3A_83 : memref<1x40xi32, #tpu.memory_space<vmem>> -> memref<40xi32, #tpu.memory_space<vmem>>
    %dma_start3A_85 = tpu.memref_slice %arg5[%add3A_79] : memref<160000xi32, #tpu.memory_space<hbm>> -> memref<40xi32, #tpu.memory_space<hbm>>
    %dma_start3A_86 = tpu.memref_slice %arg14[%dma_start3A_81] : memref<3x!tpu.dma_semaphore, #tpu.memory_space<semaphore_mem>> -> memref<1x!tpu.dma_semaphore, #tpu.memory_space<semaphore_mem>>
    %dma_start3A_87 = tpu.memref_squeeze %dma_start3A_86 : memref<1x!tpu.dma_semaphore, #tpu.memory_space<semaphore_mem>> -> memref<!tpu.dma_semaphore, #tpu.memory_space<semaphore_mem>>
    %dma_start3A_88 = arith.constant 0 : i32
    %dma_start3A_89 = tpu.memref_slice %arg9[%dma_start3A_80, %dma_start3A_88] : memref<3x40xi32, #tpu.memory_space<vmem>> -> memref<1x40xi32, #tpu.memory_space<vmem>>
    %dma_start3A_90 = tpu.memref_squeeze %dma_start3A_89 : memref<1x40xi32, #tpu.memory_space<vmem>> -> memref<40xi32, #tpu.memory_space<vmem>>
    %dma_start3A_91 = tpu.memref_slice %arg5[%add3A_79] : memref<160000xi32, #tpu.memory_space<hbm>> -> memref<40xi32, #tpu.memory_space<hbm>>
    tpu.enqueue_dma source(%dma_start3A_91 : memref<40xi32, #tpu.memory_space<hbm>>) target(%dma_start3A_90 : memref<40xi32, #tpu.memory_space<vmem>>) target_semaphore(%dma_start3A_87 : memref<!tpu.dma_semaphore, #tpu.memory_space<semaphore_mem>>)
    %dma_wait3A = arith.constant 0 : i32
    %dma_wait3A_92 = arith.constant 0 : i32
    %dma_wait3A_93 = arith.constant 0 : i32
    %dma_wait3A_94 = tpu.memref_slice %arg8[%dma_wait3A, %dma_wait3A_93] : memref<3x40xi32, #tpu.memory_space<vmem>> -> memref<1x40xi32, #tpu.memory_space<vmem>>
    %dma_wait3A_95 = tpu.memref_squeeze %dma_wait3A_94 : memref<1x40xi32, #tpu.memory_space<vmem>> -> memref<40xi32, #tpu.memory_space<vmem>>
    %dma_wait3A_96 = arith.constant 0 : i32
    %dma_wait3A_97 = tpu.memref_slice %arg4[%dma_wait3A_96] : memref<160000xi32, #tpu.memory_space<hbm>> -> memref<40xi32, #tpu.memory_space<hbm>>
    %dma_wait3A_98 = tpu.memref_slice %arg13[%dma_wait3A_92] : memref<3x!tpu.dma_semaphore, #tpu.memory_space<semaphore_mem>> -> memref<1x!tpu.dma_semaphore, #tpu.memory_space<semaphore_mem>>
    %dma_wait3A_99 = tpu.memref_squeeze %dma_wait3A_98 : memref<1x!tpu.dma_semaphore, #tpu.memory_space<semaphore_mem>> -> memref<!tpu.dma_semaphore, #tpu.memory_space<semaphore_mem>>
    %dma_wait3A_100 = arith.constant 0 : i32
    %dma_wait3A_101 = tpu.memref_slice %arg8[%dma_wait3A, %dma_wait3A_100] : memref<3x40xi32, #tpu.memory_space<vmem>> -> memref<1x40xi32, #tpu.memory_space<vmem>>
    %dma_wait3A_102 = tpu.memref_squeeze %dma_wait3A_101 : memref<1x40xi32, #tpu.memory_space<vmem>> -> memref<40xi32, #tpu.memory_space<vmem>>
    %dma_wait3A_103 = arith.constant 0 : i32
    %dma_wait3A_104 = tpu.memref_slice %arg4[%dma_wait3A_103] : memref<160000xi32, #tpu.memory_space<hbm>> -> memref<40xi32, #tpu.memory_space<hbm>>
    tpu.wait_dma2 semaphore(%dma_wait3A_99 : memref<!tpu.dma_semaphore, #tpu.memory_space<semaphore_mem>>) src(%dma_wait3A_104 : memref<40xi32, #tpu.memory_space<hbm>>) dst(%dma_wait3A_102 : memref<40xi32, #tpu.memory_space<vmem>>)
    %dma_wait3A_105 = arith.constant 0 : i32
    %dma_wait3A_106 = arith.constant 0 : i32
    %dma_wait3A_107 = arith.constant 0 : i32
    %dma_wait3A_108 = tpu.memref_slice %arg9[%dma_wait3A_105, %dma_wait3A_107] : memref<3x40xi32, #tpu.memory_space<vmem>> -> memref<1x40xi32, #tpu.memory_space<vmem>>
    %dma_wait3A_109 = tpu.memref_squeeze %dma_wait3A_108 : memref<1x40xi32, #tpu.memory_space<vmem>> -> memref<40xi32, #tpu.memory_space<vmem>>
    %dma_wait3A_110 = arith.constant 0 : i32
    %dma_wait3A_111 = tpu.memref_slice %arg4[%dma_wait3A_110] : memref<160000xi32, #tpu.memory_space<hbm>> -> memref<40xi32, #tpu.memory_space<hbm>>
    %dma_wait3A_112 = tpu.memref_slice %arg14[%dma_wait3A_106] : memref<3x!tpu.dma_semaphore, #tpu.memory_space<semaphore_mem>> -> memref<1x!tpu.dma_semaphore, #tpu.memory_space<semaphore_mem>>
    %dma_wait3A_113 = tpu.memref_squeeze %dma_wait3A_112 : memref<1x!tpu.dma_semaphore, #tpu.memory_space<semaphore_mem>> -> memref<!tpu.dma_semaphore, #tpu.memory_space<semaphore_mem>>
    %dma_wait3A_114 = arith.constant 0 : i32
    %dma_wait3A_115 = tpu.memref_slice %arg9[%dma_wait3A_105, %dma_wait3A_114] : memref<3x40xi32, #tpu.memory_space<vmem>> -> memref<1x40xi32, #tpu.memory_space<vmem>>
    %dma_wait3A_116 = tpu.memref_squeeze %dma_wait3A_115 : memref<1x40xi32, #tpu.memory_space<vmem>> -> memref<40xi32, #tpu.memory_space<vmem>>
    %dma_wait3A_117 = arith.constant 0 : i32
    %dma_wait3A_118 = tpu.memref_slice %arg4[%dma_wait3A_117] : memref<160000xi32, #tpu.memory_space<hbm>> -> memref<40xi32, #tpu.memory_space<hbm>>
    tpu.wait_dma2 semaphore(%dma_wait3A_113 : memref<!tpu.dma_semaphore, #tpu.memory_space<semaphore_mem>>) src(%dma_wait3A_118 : memref<40xi32, #tpu.memory_space<hbm>>) dst(%dma_wait3A_116 : memref<40xi32, #tpu.memory_space<vmem>>)
    %dma_start3A_119 = arith.constant 0 : i32
    %dma_start3A_120 = arith.constant 0 : i32
    %dma_start3A_121 = arith.constant 0 : i32
    %dma_start3A_122 = arith.constant 0 : i32
    %dma_start3A_123 = arith.constant 0 : i32
    %dma_start3A_124 = tpu.memref_slice %arg10[%dma_start3A_120, %dma_start3A_122, %dma_start3A_123] : memref<3x40x128xf32, #tpu.memory_space<vmem>> -> memref<1x40x128xf32, #tpu.memory_space<vmem>>
    %dma_start3A_125 = tpu.memref_squeeze %dma_start3A_124 : memref<1x40x128xf32, #tpu.memory_space<vmem>> -> memref<40x128xf32, #tpu.memory_space<vmem>>
    %dma_start3A_126 = arith.constant 0 : i32
    %dma_start3A_127 = tpu.memref_slice %arg8[%dma_start3A_119, %dma_start3A_126] : memref<3x40xi32, #tpu.memory_space<vmem>> -> memref<1x40xi32, #tpu.memory_space<vmem>>
    %dma_start3A_128 = tpu.memref_squeeze %dma_start3A_127 : memref<1x40xi32, #tpu.memory_space<vmem>> -> memref<40xi32, #tpu.memory_space<vmem>>
    %dma_start3A_129 = arith.constant 0 : i32
    %dma_start3A_130 = arith.constant 0 : i32
    %dma_start3A_131 = tpu.memref_slice %arg2[%dma_start3A_129, %dma_start3A_130] : memref<10000x128xf32, #tpu.memory_space<hbm>> -> memref<10000x128xf32, #tpu.memory_space<hbm>>
    %dma_start3A_132 = tpu.memref_slice %arg15[%dma_start3A_121] : memref<3x!tpu.dma_semaphore, #tpu.memory_space<semaphore_mem>> -> memref<1x!tpu.dma_semaphore, #tpu.memory_space<semaphore_mem>>
    %dma_start3A_133 = tpu.memref_squeeze %dma_start3A_132 : memref<1x!tpu.dma_semaphore, #tpu.memory_space<semaphore_mem>> -> memref<!tpu.dma_semaphore, #tpu.memory_space<semaphore_mem>>
    tpu.enqueue_indirect_dma source(%dma_start3A_131 : memref<10000x128xf32, #tpu.memory_space<hbm>>) target(%dma_start3A_125 : memref<40x128xf32, #tpu.memory_space<vmem>>) offsets(%dma_start3A_128 : memref<40xi32, #tpu.memory_space<vmem>>) semaphore(%dma_start3A_133 : memref<!tpu.dma_semaphore, #tpu.memory_space<semaphore_mem>>)
    %add3A_134 = arith.constant 0 : i32
    %add3A_135 = arith.addi %mul3A_2, %add3A_134 : i32
    %dma_start3A_136 = arith.constant 0 : i32
    %dma_start3A_137 = arith.constant 0 : i32
    %dma_start3A_138 = arith.constant 0 : i32
    %dma_start3A_139 = arith.constant 0 : i32
    %dma_start3A_140 = tpu.memref_slice %arg11[%dma_start3A_136, %dma_start3A_138, %dma_start3A_139] : memref<3x40x128xf32, #tpu.memory_space<vmem>> -> memref<1x40x128xf32, #tpu.memory_space<vmem>>
    %dma_start3A_141 = tpu.memref_squeeze %dma_start3A_140 : memref<1x40x128xf32, #tpu.memory_space<vmem>> -> memref<40x128xf32, #tpu.memory_space<vmem>>
    %dma_start3A_142 = arith.constant 0 : i32
    %dma_start3A_143 = tpu.memref_slice %arg3[%add3A_135, %dma_start3A_142] : memref<51200x128xf32, #tpu.memory_space<hbm>> -> memref<40x128xf32, #tpu.memory_space<hbm>>
    %dma_start3A_144 = tpu.memref_slice %arg16[%dma_start3A_137] : memref<3x!tpu.dma_semaphore, #tpu.memory_space<semaphore_mem>> -> memref<1x!tpu.dma_semaphore, #tpu.memory_space<semaphore_mem>>
    %dma_start3A_145 = tpu.memref_squeeze %dma_start3A_144 : memref<1x!tpu.dma_semaphore, #tpu.memory_space<semaphore_mem>> -> memref<!tpu.dma_semaphore, #tpu.memory_space<semaphore_mem>>
    %dma_start3A_146 = arith.constant 0 : i32
    %dma_start3A_147 = arith.constant 0 : i32
    %dma_start3A_148 = tpu.memref_slice %arg11[%dma_start3A_136, %dma_start3A_146, %dma_start3A_147] : memref<3x40x128xf32, #tpu.memory_space<vmem>> -> memref<1x40x128xf32, #tpu.memory_space<vmem>>
    %dma_start3A_149 = tpu.memref_squeeze %dma_start3A_148 : memref<1x40x128xf32, #tpu.memory_space<vmem>> -> memref<40x128xf32, #tpu.memory_space<vmem>>
    %dma_start3A_150 = arith.constant 0 : i32
    %dma_start3A_151 = tpu.memref_slice %arg3[%add3A_135, %dma_start3A_150] : memref<51200x128xf32, #tpu.memory_space<hbm>> -> memref<40x128xf32, #tpu.memory_space<hbm>>
    tpu.enqueue_dma source(%dma_start3A_151 : memref<40x128xf32, #tpu.memory_space<hbm>>) target(%dma_start3A_149 : memref<40x128xf32, #tpu.memory_space<vmem>>) target_semaphore(%dma_start3A_145 : memref<!tpu.dma_semaphore, #tpu.memory_space<semaphore_mem>>)
    %scan3A = arith.constant 0 : i32
    %scan3A_152 = arith.constant 0 : i32
    %scan3A_153 = arith.constant 40 : i32
    %scan3A_154 = arith.addi %scan3A_152, %scan3A_153 : i32
    %scan3A_155 = arith.constant 1 : i32
    %scan3A_156 = scf.for %scan3A_179 = %scan3A_152 to %scan3A_154 step %scan3A_155 iter_args(%scan3A_180 = %scan3A) -> (i32)  : i32 {
      %rem3A = arith.constant 3 : i32
      %rem3A_181 = arith.remsi %scan3A_179, %rem3A : i32
      %add3A_182 = arith.constant 1 : i32
      %add3A_183 = arith.addi %scan3A_179, %add3A_182 : i32
      %rem3A_184 = arith.constant 3 : i32
      %rem3A_185 = arith.remsi %add3A_183, %rem3A_184 : i32
      %add3A_186 = arith.constant 1 : i32
      %add3A_187 = arith.addi %scan3A_179, %add3A_186 : i32
      %lt3A = arith.constant 40 : i32
      %lt3A_188 = arith.cmpi slt, %add3A_187, %lt3A : i32
      %convert_element_type3A = arith.extui %lt3A_188 : i1 to i32
      %cond3A = arith.constant 0 : i32
      %cond3A_189 = arith.cmpi ne, %convert_element_type3A, %cond3A : i32
      scf.if %cond3A_189 {
        %dma_wait3A_241 = arith.constant 0 : i32
        %dma_wait3A_242 = tpu.memref_slice %arg8[%rem3A_185, %dma_wait3A_241] : memref<3x40xi32, #tpu.memory_space<vmem>> -> memref<1x40xi32, #tpu.memory_space<vmem>>
        %dma_wait3A_243 = tpu.memref_squeeze %dma_wait3A_242 : memref<1x40xi32, #tpu.memory_space<vmem>> -> memref<40xi32, #tpu.memory_space<vmem>>
        %dma_wait3A_244 = arith.constant 0 : i32
        %dma_wait3A_245 = tpu.memref_slice %arg4[%dma_wait3A_244] : memref<160000xi32, #tpu.memory_space<hbm>> -> memref<40xi32, #tpu.memory_space<hbm>>
        %dma_wait3A_246 = tpu.memref_slice %arg13[%rem3A_185] : memref<3x!tpu.dma_semaphore, #tpu.memory_space<semaphore_mem>> -> memref<1x!tpu.dma_semaphore, #tpu.memory_space<semaphore_mem>>
        %dma_wait3A_247 = tpu.memref_squeeze %dma_wait3A_246 : memref<1x!tpu.dma_semaphore, #tpu.memory_space<semaphore_mem>> -> memref<!tpu.dma_semaphore, #tpu.memory_space<semaphore_mem>>
        %dma_wait3A_248 = arith.constant 0 : i32
        %dma_wait3A_249 = tpu.memref_slice %arg8[%rem3A_185, %dma_wait3A_248] : memref<3x40xi32, #tpu.memory_space<vmem>> -> memref<1x40xi32, #tpu.memory_space<vmem>>
        %dma_wait3A_250 = tpu.memref_squeeze %dma_wait3A_249 : memref<1x40xi32, #tpu.memory_space<vmem>> -> memref<40xi32, #tpu.memory_space<vmem>>
        %dma_wait3A_251 = arith.constant 0 : i32
        %dma_wait3A_252 = tpu.memref_slice %arg4[%dma_wait3A_251] : memref<160000xi32, #tpu.memory_space<hbm>> -> memref<40xi32, #tpu.memory_space<hbm>>
        tpu.wait_dma2 semaphore(%dma_wait3A_247 : memref<!tpu.dma_semaphore, #tpu.memory_space<semaphore_mem>>) src(%dma_wait3A_252 : memref<40xi32, #tpu.memory_space<hbm>>) dst(%dma_wait3A_250 : memref<40xi32, #tpu.memory_space<vmem>>)
        %dma_wait3A_253 = arith.constant 0 : i32
        %dma_wait3A_254 = tpu.memref_slice %arg9[%rem3A_185, %dma_wait3A_253] : memref<3x40xi32, #tpu.memory_space<vmem>> -> memref<1x40xi32, #tpu.memory_space<vmem>>
        %dma_wait3A_255 = tpu.memref_squeeze %dma_wait3A_254 : memref<1x40xi32, #tpu.memory_space<vmem>> -> memref<40xi32, #tpu.memory_space<vmem>>
        %dma_wait3A_256 = arith.constant 0 : i32
        %dma_wait3A_257 = tpu.memref_slice %arg4[%dma_wait3A_256] : memref<160000xi32, #tpu.memory_space<hbm>> -> memref<40xi32, #tpu.memory_space<hbm>>
        %dma_wait3A_258 = tpu.memref_slice %arg14[%rem3A_185] : memref<3x!tpu.dma_semaphore, #tpu.memory_space<semaphore_mem>> -> memref<1x!tpu.dma_semaphore, #tpu.memory_space<semaphore_mem>>
        %dma_wait3A_259 = tpu.memref_squeeze %dma_wait3A_258 : memref<1x!tpu.dma_semaphore, #tpu.memory_space<semaphore_mem>> -> memref<!tpu.dma_semaphore, #tpu.memory_space<semaphore_mem>>
        %dma_wait3A_260 = arith.constant 0 : i32
        %dma_wait3A_261 = tpu.memref_slice %arg9[%rem3A_185, %dma_wait3A_260] : memref<3x40xi32, #tpu.memory_space<vmem>> -> memref<1x40xi32, #tpu.memory_space<vmem>>
        %dma_wait3A_262 = tpu.memref_squeeze %dma_wait3A_261 : memref<1x40xi32, #tpu.memory_space<vmem>> -> memref<40xi32, #tpu.memory_space<vmem>>
        %dma_wait3A_263 = arith.constant 0 : i32
        %dma_wait3A_264 = tpu.memref_slice %arg4[%dma_wait3A_263] : memref<160000xi32, #tpu.memory_space<hbm>> -> memref<40xi32, #tpu.memory_space<hbm>>
        tpu.wait_dma2 semaphore(%dma_wait3A_259 : memref<!tpu.dma_semaphore, #tpu.memory_space<semaphore_mem>>) src(%dma_wait3A_264 : memref<40xi32, #tpu.memory_space<hbm>>) dst(%dma_wait3A_262 : memref<40xi32, #tpu.memory_space<vmem>>)
        %add3A_265 = arith.constant 1 : i32
        %add3A_266 = arith.addi %scan3A_179, %add3A_265 : i32
        %dma_start3A_267 = arith.constant 0 : i32
        %dma_start3A_268 = arith.constant 0 : i32
        %dma_start3A_269 = tpu.memref_slice %arg10[%rem3A_185, %dma_start3A_267, %dma_start3A_268] : memref<3x40x128xf32, #tpu.memory_space<vmem>> -> memref<1x40x128xf32, #tpu.memory_space<vmem>>
        %dma_start3A_270 = tpu.memref_squeeze %dma_start3A_269 : memref<1x40x128xf32, #tpu.memory_space<vmem>> -> memref<40x128xf32, #tpu.memory_space<vmem>>
        %dma_start3A_271 = arith.constant 0 : i32
        %dma_start3A_272 = tpu.memref_slice %arg8[%rem3A_185, %dma_start3A_271] : memref<3x40xi32, #tpu.memory_space<vmem>> -> memref<1x40xi32, #tpu.memory_space<vmem>>
        %dma_start3A_273 = tpu.memref_squeeze %dma_start3A_272 : memref<1x40xi32, #tpu.memory_space<vmem>> -> memref<40xi32, #tpu.memory_space<vmem>>
        %dma_start3A_274 = arith.constant 0 : i32
        %dma_start3A_275 = arith.constant 0 : i32
        %dma_start3A_276 = tpu.memref_slice %arg2[%dma_start3A_274, %dma_start3A_275] : memref<10000x128xf32, #tpu.memory_space<hbm>> -> memref<10000x128xf32, #tpu.memory_space<hbm>>
        %dma_start3A_277 = tpu.memref_slice %arg15[%rem3A_185] : memref<3x!tpu.dma_semaphore, #tpu.memory_space<semaphore_mem>> -> memref<1x!tpu.dma_semaphore, #tpu.memory_space<semaphore_mem>>
        %dma_start3A_278 = tpu.memref_squeeze %dma_start3A_277 : memref<1x!tpu.dma_semaphore, #tpu.memory_space<semaphore_mem>> -> memref<!tpu.dma_semaphore, #tpu.memory_space<semaphore_mem>>
        tpu.enqueue_indirect_dma source(%dma_start3A_276 : memref<10000x128xf32, #tpu.memory_space<hbm>>) target(%dma_start3A_270 : memref<40x128xf32, #tpu.memory_space<vmem>>) offsets(%dma_start3A_273 : memref<40xi32, #tpu.memory_space<vmem>>) semaphore(%dma_start3A_278 : memref<!tpu.dma_semaphore, #tpu.memory_space<semaphore_mem>>)
        %mul3A_279 = arith.constant 40 : i32
        %mul3A_280 = arith.muli %add3A_266, %mul3A_279 : i32
        %add3A_281 = arith.addi %mul3A_2, %mul3A_280 : i32
        %dma_start3A_282 = arith.constant 0 : i32
        %dma_start3A_283 = arith.constant 0 : i32
        %dma_start3A_284 = tpu.memref_slice %arg11[%rem3A_185, %dma_start3A_282, %dma_start3A_283] : memref<3x40x128xf32, #tpu.memory_space<vmem>> -> memref<1x40x128xf32, #tpu.memory_space<vmem>>
        %dma_start3A_285 = tpu.memref_squeeze %dma_start3A_284 : memref<1x40x128xf32, #tpu.memory_space<vmem>> -> memref<40x128xf32, #tpu.memory_space<vmem>>
        %dma_start3A_286 = arith.constant 0 : i32
        %dma_start3A_287 = tpu.memref_slice %arg3[%add3A_281, %dma_start3A_286] : memref<51200x128xf32, #tpu.memory_space<hbm>> -> memref<40x128xf32, #tpu.memory_space<hbm>>
        %dma_start3A_288 = tpu.memref_slice %arg16[%rem3A_185] : memref<3x!tpu.dma_semaphore, #tpu.memory_space<semaphore_mem>> -> memref<1x!tpu.dma_semaphore, #tpu.memory_space<semaphore_mem>>
        %dma_start3A_289 = tpu.memref_squeeze %dma_start3A_288 : memref<1x!tpu.dma_semaphore, #tpu.memory_space<semaphore_mem>> -> memref<!tpu.dma_semaphore, #tpu.memory_space<semaphore_mem>>
        %dma_start3A_290 = arith.constant 0 : i32
        %dma_start3A_291 = arith.constant 0 : i32
        %dma_start3A_292 = tpu.memref_slice %arg11[%rem3A_185, %dma_start3A_290, %dma_start3A_291] : memref<3x40x128xf32, #tpu.memory_space<vmem>> -> memref<1x40x128xf32, #tpu.memory_space<vmem>>
        %dma_start3A_293 = tpu.memref_squeeze %dma_start3A_292 : memref<1x40x128xf32, #tpu.memory_space<vmem>> -> memref<40x128xf32, #tpu.memory_space<vmem>>
        %dma_start3A_294 = arith.constant 0 : i32
        %dma_start3A_295 = tpu.memref_slice %arg3[%add3A_281, %dma_start3A_294] : memref<51200x128xf32, #tpu.memory_space<hbm>> -> memref<40x128xf32, #tpu.memory_space<hbm>>
        tpu.enqueue_dma source(%dma_start3A_295 : memref<40x128xf32, #tpu.memory_space<hbm>>) target(%dma_start3A_293 : memref<40x128xf32, #tpu.memory_space<vmem>>) target_semaphore(%dma_start3A_289 : memref<!tpu.dma_semaphore, #tpu.memory_space<semaphore_mem>>)
      } else {
      }
      %dma_wait3A_190 = arith.constant 0 : i32
      %dma_wait3A_191 = arith.constant 0 : i32
      %dma_wait3A_192 = tpu.memref_slice %arg10[%rem3A_181, %dma_wait3A_190, %dma_wait3A_191] : memref<3x40x128xf32, #tpu.memory_space<vmem>> -> memref<1x40x128xf32, #tpu.memory_space<vmem>>
      %dma_wait3A_193 = tpu.memref_squeeze %dma_wait3A_192 : memref<1x40x128xf32, #tpu.memory_space<vmem>> -> memref<40x128xf32, #tpu.memory_space<vmem>>
      %dma_wait3A_194 = arith.constant 0 : i32
      %dma_wait3A_195 = arith.constant 0 : i32
      %dma_wait3A_196 = tpu.memref_slice %arg3[%dma_wait3A_194, %dma_wait3A_195] : memref<51200x128xf32, #tpu.memory_space<hbm>> -> memref<40x128xf32, #tpu.memory_space<hbm>>
      %dma_wait3A_197 = tpu.memref_slice %arg15[%rem3A_181] : memref<3x!tpu.dma_semaphore, #tpu.memory_space<semaphore_mem>> -> memref<1x!tpu.dma_semaphore, #tpu.memory_space<semaphore_mem>>
      %dma_wait3A_198 = tpu.memref_squeeze %dma_wait3A_197 : memref<1x!tpu.dma_semaphore, #tpu.memory_space<semaphore_mem>> -> memref<!tpu.dma_semaphore, #tpu.memory_space<semaphore_mem>>
      %dma_wait3A_199 = arith.constant 0 : i32
      %dma_wait3A_200 = arith.constant 0 : i32
      %dma_wait3A_201 = tpu.memref_slice %arg10[%rem3A_181, %dma_wait3A_199, %dma_wait3A_200] : memref<3x40x128xf32, #tpu.memory_space<vmem>> -> memref<1x40x128xf32, #tpu.memory_space<vmem>>
      %dma_wait3A_202 = tpu.memref_squeeze %dma_wait3A_201 : memref<1x40x128xf32, #tpu.memory_space<vmem>> -> memref<40x128xf32, #tpu.memory_space<vmem>>
      %dma_wait3A_203 = arith.constant 0 : i32
      %dma_wait3A_204 = arith.constant 0 : i32
      %dma_wait3A_205 = tpu.memref_slice %arg3[%dma_wait3A_203, %dma_wait3A_204] : memref<51200x128xf32, #tpu.memory_space<hbm>> -> memref<40x128xf32, #tpu.memory_space<hbm>>
      tpu.wait_dma2 semaphore(%dma_wait3A_198 : memref<!tpu.dma_semaphore, #tpu.memory_space<semaphore_mem>>) src(%dma_wait3A_205 : memref<40x128xf32, #tpu.memory_space<hbm>>) dst(%dma_wait3A_202 : memref<40x128xf32, #tpu.memory_space<vmem>>)
      %dma_wait3A_206 = arith.constant 0 : i32
      %dma_wait3A_207 = arith.constant 0 : i32
      %dma_wait3A_208 = tpu.memref_slice %arg11[%rem3A_181, %dma_wait3A_206, %dma_wait3A_207] : memref<3x40x128xf32, #tpu.memory_space<vmem>> -> memref<1x40x128xf32, #tpu.memory_space<vmem>>
      %dma_wait3A_209 = tpu.memref_squeeze %dma_wait3A_208 : memref<1x40x128xf32, #tpu.memory_space<vmem>> -> memref<40x128xf32, #tpu.memory_space<vmem>>
      %dma_wait3A_210 = arith.constant 0 : i32
      %dma_wait3A_211 = arith.constant 0 : i32
      %dma_wait3A_212 = tpu.memref_slice %arg3[%dma_wait3A_210, %dma_wait3A_211] : memref<51200x128xf32, #tpu.memory_space<hbm>> -> memref<40x128xf32, #tpu.memory_space<hbm>>
      %dma_wait3A_213 = tpu.memref_slice %arg16[%rem3A_181] : memref<3x!tpu.dma_semaphore, #tpu.memory_space<semaphore_mem>> -> memref<1x!tpu.dma_semaphore, #tpu.memory_space<semaphore_mem>>
      %dma_wait3A_214 = tpu.memref_squeeze %dma_wait3A_213 : memref<1x!tpu.dma_semaphore, #tpu.memory_space<semaphore_mem>> -> memref<!tpu.dma_semaphore, #tpu.memory_space<semaphore_mem>>
      %dma_wait3A_215 = arith.constant 0 : i32
      %dma_wait3A_216 = arith.constant 0 : i32
      %dma_wait3A_217 = tpu.memref_slice %arg11[%rem3A_181, %dma_wait3A_215, %dma_wait3A_216] : memref<3x40x128xf32, #tpu.memory_space<vmem>> -> memref<1x40x128xf32, #tpu.memory_space<vmem>>
      %dma_wait3A_218 = tpu.memref_squeeze %dma_wait3A_217 : memref<1x40x128xf32, #tpu.memory_space<vmem>> -> memref<40x128xf32, #tpu.memory_space<vmem>>
      %dma_wait3A_219 = arith.constant 0 : i32
      %dma_wait3A_220 = arith.constant 0 : i32
      %dma_wait3A_221 = tpu.memref_slice %arg3[%dma_wait3A_219, %dma_wait3A_220] : memref<51200x128xf32, #tpu.memory_space<hbm>> -> memref<40x128xf32, #tpu.memory_space<hbm>>
      tpu.wait_dma2 semaphore(%dma_wait3A_214 : memref<!tpu.dma_semaphore, #tpu.memory_space<semaphore_mem>>) src(%dma_wait3A_221 : memref<40x128xf32, #tpu.memory_space<hbm>>) dst(%dma_wait3A_218 : memref<40x128xf32, #tpu.memory_space<vmem>>)
      %parallel_loop3A = arith.constant 0 : i32
      %parallel_loop3A_222 = arith.constant 40 : i32
      %parallel_loop3A_223 = arith.constant 1 : i32
      scf.for %parallel_loop3A_241 = %parallel_loop3A to %parallel_loop3A_222 step %parallel_loop3A_223  : i32 {
        %parallel_loop3A_242 = arith.constant 0 : i32
        %parallel_loop3A_243 = arith.constant 0 : i32
        %parallel_loop3A_244 = tpu.memref_slice %arg10[%rem3A_181, %parallel_loop3A_242, %parallel_loop3A_243] : memref<3x40x128xf32, #tpu.memory_space<vmem>> -> memref<1x40x128xf32, #tpu.memory_space<vmem>>
        %parallel_loop3A_245 = tpu.memref_squeeze %parallel_loop3A_244 : memref<1x40x128xf32, #tpu.memory_space<vmem>> -> memref<40x128xf32, #tpu.memory_space<vmem>>
        %parallel_loop3A_246 = arith.index_cast %parallel_loop3A_241 : i32 to index
        %parallel_loop3A_247 = arith.constant 0 : index
        %parallel_loop3A_248 = tpu.vector_load %parallel_loop3A_245[%parallel_loop3A_246, %parallel_loop3A_247] {strides = array<i32>} : memref<40x128xf32, #tpu.memory_space<vmem>>, vector<1x16xf32>,
        %parallel_loop3A_249 = vector.shape_cast %parallel_loop3A_248 : vector<1x16xf32> to vector<16xf32>
        %parallel_loop3A_250 = arith.constant 0 : i32
        %parallel_loop3A_251 = arith.constant 0 : i32
        %parallel_loop3A_252 = tpu.memref_slice %arg11[%rem3A_181, %parallel_loop3A_250, %parallel_loop3A_251] : memref<3x40x128xf32, #tpu.memory_space<vmem>> -> memref<1x40x128xf32, #tpu.memory_space<vmem>>
        %parallel_loop3A_253 = tpu.memref_squeeze %parallel_loop3A_252 : memref<1x40x128xf32, #tpu.memory_space<vmem>> -> memref<40x128xf32, #tpu.memory_space<vmem>>
        %parallel_loop3A_254 = arith.index_cast %parallel_loop3A_241 : i32 to index
        %parallel_loop3A_255 = arith.constant 0 : index
        %parallel_loop3A_256 = tpu.vector_load %parallel_loop3A_253[%parallel_loop3A_254, %parallel_loop3A_255] {strides = array<i32>} : memref<40x128xf32, #tpu.memory_space<vmem>>, vector<1x16xf32>,
        %parallel_loop3A_257 = vector.shape_cast %parallel_loop3A_256 : vector<1x16xf32> to vector<16xf32>
        %parallel_loop3A_258 = arith.mulf %parallel_loop3A_249, %parallel_loop3A_257 : vector<16xf32>
        %parallel_loop3A_259 = arith.constant 0 : i32
        %parallel_loop3A_260 = arith.constant 0 : i32
        %parallel_loop3A_261 = tpu.memref_slice %arg10[%rem3A_181, %parallel_loop3A_259, %parallel_loop3A_260] : memref<3x40x128xf32, #tpu.memory_space<vmem>> -> memref<1x40x128xf32, #tpu.memory_space<vmem>>
        %parallel_loop3A_262 = tpu.memref_squeeze %parallel_loop3A_261 : memref<1x40x128xf32, #tpu.memory_space<vmem>> -> memref<40x128xf32, #tpu.memory_space<vmem>>
        %parallel_loop3A_263 = arith.index_cast %parallel_loop3A_241 : i32 to index
        %parallel_loop3A_264 = arith.constant 0 : index
        %parallel_loop3A_265 = tpu.vector_load %parallel_loop3A_262[%parallel_loop3A_263, %parallel_loop3A_264] {strides = array<i32>} : memref<40x128xf32, #tpu.memory_space<vmem>>, vector<1x16xf32>,
        %parallel_loop3A_266 = vector.shape_cast %parallel_loop3A_265 : vector<1x16xf32> to vector<16xf32>
        %parallel_loop3A_267 = vector.shape_cast %parallel_loop3A_258 : vector<16xf32> to vector<1x16xf32>
        tpu.vector_store %parallel_loop3A_262[%parallel_loop3A_263, %parallel_loop3A_264], %parallel_loop3A_267 {strides = array<i32>} : memref<40x128xf32, #tpu.memory_space<vmem>>, vector<1x16xf32>,
        %parallel_loop3A_268 = arith.constant 0 : i32
        %parallel_loop3A_269 = arith.constant 0 : i32
        %parallel_loop3A_270 = tpu.memref_slice %arg10[%rem3A_181, %parallel_loop3A_268, %parallel_loop3A_269] : memref<3x40x128xf32, #tpu.memory_space<vmem>> -> memref<1x40x128xf32, #tpu.memory_space<vmem>>
        %parallel_loop3A_271 = tpu.memref_squeeze %parallel_loop3A_270 : memref<1x40x128xf32, #tpu.memory_space<vmem>> -> memref<40x128xf32, #tpu.memory_space<vmem>>
        %parallel_loop3A_272 = arith.index_cast %parallel_loop3A_241 : i32 to index
        %parallel_loop3A_273 = arith.constant 16 : index
        %parallel_loop3A_274 = tpu.vector_load %parallel_loop3A_271[%parallel_loop3A_272, %parallel_loop3A_273] {strides = array<i32>} : memref<40x128xf32, #tpu.memory_space<vmem>>, vector<1x16xf32>,
        %parallel_loop3A_275 = vector.shape_cast %parallel_loop3A_274 : vector<1x16xf32> to vector<16xf32>
        %parallel_loop3A_276 = arith.constant 0 : i32
        %parallel_loop3A_277 = arith.constant 0 : i32
        %parallel_loop3A_278 = tpu.memref_slice %arg11[%rem3A_181, %parallel_loop3A_276, %parallel_loop3A_277] : memref<3x40x128xf32, #tpu.memory_space<vmem>> -> memref<1x40x128xf32, #tpu.memory_space<vmem>>
        %parallel_loop3A_279 = tpu.memref_squeeze %parallel_loop3A_278 : memref<1x40x128xf32, #tpu.memory_space<vmem>> -> memref<40x128xf32, #tpu.memory_space<vmem>>
        %parallel_loop3A_280 = arith.index_cast %parallel_loop3A_241 : i32 to index
        %parallel_loop3A_281 = arith.constant 16 : index
        %parallel_loop3A_282 = tpu.vector_load %parallel_loop3A_279[%parallel_loop3A_280, %parallel_loop3A_281] {strides = array<i32>} : memref<40x128xf32, #tpu.memory_space<vmem>>, vector<1x16xf32>,
        %parallel_loop3A_283 = vector.shape_cast %parallel_loop3A_282 : vector<1x16xf32> to vector<16xf32>
        %parallel_loop3A_284 = arith.mulf %parallel_loop3A_275, %parallel_loop3A_283 : vector<16xf32>
        %parallel_loop3A_285 = arith.constant 0 : i32
        %parallel_loop3A_286 = arith.constant 0 : i32
        %parallel_loop3A_287 = tpu.memref_slice %arg10[%rem3A_181, %parallel_loop3A_285, %parallel_loop3A_286] : memref<3x40x128xf32, #tpu.memory_space<vmem>> -> memref<1x40x128xf32, #tpu.memory_space<vmem>>
        %parallel_loop3A_288 = tpu.memref_squeeze %parallel_loop3A_287 : memref<1x40x128xf32, #tpu.memory_space<vmem>> -> memref<40x128xf32, #tpu.memory_space<vmem>>
        %parallel_loop3A_289 = arith.index_cast %parallel_loop3A_241 : i32 to index
        %parallel_loop3A_290 = arith.constant 16 : index
        %parallel_loop3A_291 = tpu.vector_load %parallel_loop3A_288[%parallel_loop3A_289, %parallel_loop3A_290] {strides = array<i32>} : memref<40x128xf32, #tpu.memory_space<vmem>>, vector<1x16xf32>,
        %parallel_loop3A_292 = vector.shape_cast %parallel_loop3A_291 : vector<1x16xf32> to vector<16xf32>
        %parallel_loop3A_293 = vector.shape_cast %parallel_loop3A_284 : vector<16xf32> to vector<1x16xf32>
        tpu.vector_store %parallel_loop3A_288[%parallel_loop3A_289, %parallel_loop3A_290], %parallel_loop3A_293 {strides = array<i32>} : memref<40x128xf32, #tpu.memory_space<vmem>>, vector<1x16xf32>,
        %parallel_loop3A_294 = arith.constant 0 : i32
        %parallel_loop3A_295 = arith.constant 0 : i32
        %parallel_loop3A_296 = tpu.memref_slice %arg10[%rem3A_181, %parallel_loop3A_294, %parallel_loop3A_295] : memref<3x40x128xf32, #tpu.memory_space<vmem>> -> memref<1x40x128xf32, #tpu.memory_space<vmem>>
        %parallel_loop3A_297 = tpu.memref_squeeze %parallel_loop3A_296 : memref<1x40x128xf32, #tpu.memory_space<vmem>> -> memref<40x128xf32, #tpu.memory_space<vmem>>
        %parallel_loop3A_298 = arith.index_cast %parallel_loop3A_241 : i32 to index
        %parallel_loop3A_299 = arith.constant 32 : index
        %parallel_loop3A_300 = tpu.vector_load %parallel_loop3A_297[%parallel_loop3A_298, %parallel_loop3A_299] {strides = array<i32>} : memref<40x128xf32, #tpu.memory_space<vmem>>, vector<1x16xf32>,
        %parallel_loop3A_301 = vector.shape_cast %parallel_loop3A_300 : vector<1x16xf32> to vector<16xf32>
        %parallel_loop3A_302 = arith.constant 0 : i32
        %parallel_loop3A_303 = arith.constant 0 : i32
        %parallel_loop3A_304 = tpu.memref_slice %arg11[%rem3A_181, %parallel_loop3A_302, %parallel_loop3A_303] : memref<3x40x128xf32, #tpu.memory_space<vmem>> -> memref<1x40x128xf32, #tpu.memory_space<vmem>>
        %parallel_loop3A_305 = tpu.memref_squeeze %parallel_loop3A_304 : memref<1x40x128xf32, #tpu.memory_space<vmem>> -> memref<40x128xf32, #tpu.memory_space<vmem>>
        %parallel_loop3A_306 = arith.index_cast %parallel_loop3A_241 : i32 to index
        %parallel_loop3A_307 = arith.constant 32 : index
        %parallel_loop3A_308 = tpu.vector_load %parallel_loop3A_305[%parallel_loop3A_306, %parallel_loop3A_307] {strides = array<i32>} : memref<40x128xf32, #tpu.memory_space<vmem>>, vector<1x16xf32>,
        %parallel_loop3A_309 = vector.shape_cast %parallel_loop3A_308 : vector<1x16xf32> to vector<16xf32>
        %parallel_loop3A_310 = arith.mulf %parallel_loop3A_301, %parallel_loop3A_309 : vector<16xf32>
        %parallel_loop3A_311 = arith.constant 0 : i32
        %parallel_loop3A_312 = arith.constant 0 : i32
        %parallel_loop3A_313 = tpu.memref_slice %arg10[%rem3A_181, %parallel_loop3A_311, %parallel_loop3A_312] : memref<3x40x128xf32, #tpu.memory_space<vmem>> -> memref<1x40x128xf32, #tpu.memory_space<vmem>>
        %parallel_loop3A_314 = tpu.memref_squeeze %parallel_loop3A_313 : memref<1x40x128xf32, #tpu.memory_space<vmem>> -> memref<40x128xf32, #tpu.memory_space<vmem>>
        %parallel_loop3A_315 = arith.index_cast %parallel_loop3A_241 : i32 to index
        %parallel_loop3A_316 = arith.constant 32 : index
        %parallel_loop3A_317 = tpu.vector_load %parallel_loop3A_314[%parallel_loop3A_315, %parallel_loop3A_316] {strides = array<i32>} : memref<40x128xf32, #tpu.memory_space<vmem>>, vector<1x16xf32>,
        %parallel_loop3A_318 = vector.shape_cast %parallel_loop3A_317 : vector<1x16xf32> to vector<16xf32>
        %parallel_loop3A_319 = vector.shape_cast %parallel_loop3A_310 : vector<16xf32> to vector<1x16xf32>
        tpu.vector_store %parallel_loop3A_314[%parallel_loop3A_315, %parallel_loop3A_316], %parallel_loop3A_319 {strides = array<i32>} : memref<40x128xf32, #tpu.memory_space<vmem>>, vector<1x16xf32>,
        %parallel_loop3A_320 = arith.constant 0 : i32
        %parallel_loop3A_321 = arith.constant 0 : i32
        %parallel_loop3A_322 = tpu.memref_slice %arg10[%rem3A_181, %parallel_loop3A_320, %parallel_loop3A_321] : memref<3x40x128xf32, #tpu.memory_space<vmem>> -> memref<1x40x128xf32, #tpu.memory_space<vmem>>
        %parallel_loop3A_323 = tpu.memref_squeeze %parallel_loop3A_322 : memref<1x40x128xf32, #tpu.memory_space<vmem>> -> memref<40x128xf32, #tpu.memory_space<vmem>>
        %parallel_loop3A_324 = arith.index_cast %parallel_loop3A_241 : i32 to index
        %parallel_loop3A_325 = arith.constant 48 : index
        %parallel_loop3A_326 = tpu.vector_load %parallel_loop3A_323[%parallel_loop3A_324, %parallel_loop3A_325] {strides = array<i32>} : memref<40x128xf32, #tpu.memory_space<vmem>>, vector<1x16xf32>,
        %parallel_loop3A_327 = vector.shape_cast %parallel_loop3A_326 : vector<1x16xf32> to vector<16xf32>
        %parallel_loop3A_328 = arith.constant 0 : i32
        %parallel_loop3A_329 = arith.constant 0 : i32
        %parallel_loop3A_330 = tpu.memref_slice %arg11[%rem3A_181, %parallel_loop3A_328, %parallel_loop3A_329] : memref<3x40x128xf32, #tpu.memory_space<vmem>> -> memref<1x40x128xf32, #tpu.memory_space<vmem>>
        %parallel_loop3A_331 = tpu.memref_squeeze %parallel_loop3A_330 : memref<1x40x128xf32, #tpu.memory_space<vmem>> -> memref<40x128xf32, #tpu.memory_space<vmem>>
        %parallel_loop3A_332 = arith.index_cast %parallel_loop3A_241 : i32 to index
        %parallel_loop3A_333 = arith.constant 48 : index
        %parallel_loop3A_334 = tpu.vector_load %parallel_loop3A_331[%parallel_loop3A_332, %parallel_loop3A_333] {strides = array<i32>} : memref<40x128xf32, #tpu.memory_space<vmem>>, vector<1x16xf32>,
        %parallel_loop3A_335 = vector.shape_cast %parallel_loop3A_334 : vector<1x16xf32> to vector<16xf32>
        %parallel_loop3A_336 = arith.mulf %parallel_loop3A_327, %parallel_loop3A_335 : vector<16xf32>
        %parallel_loop3A_337 = arith.constant 0 : i32
        %parallel_loop3A_338 = arith.constant 0 : i32
        %parallel_loop3A_339 = tpu.memref_slice %arg10[%rem3A_181, %parallel_loop3A_337, %parallel_loop3A_338] : memref<3x40x128xf32, #tpu.memory_space<vmem>> -> memref<1x40x128xf32, #tpu.memory_space<vmem>>
        %parallel_loop3A_340 = tpu.memref_squeeze %parallel_loop3A_339 : memref<1x40x128xf32, #tpu.memory_space<vmem>> -> memref<40x128xf32, #tpu.memory_space<vmem>>
        %parallel_loop3A_341 = arith.index_cast %parallel_loop3A_241 : i32 to index
        %parallel_loop3A_342 = arith.constant 48 : index
        %parallel_loop3A_343 = tpu.vector_load %parallel_loop3A_340[%parallel_loop3A_341, %parallel_loop3A_342] {strides = array<i32>} : memref<40x128xf32, #tpu.memory_space<vmem>>, vector<1x16xf32>,
        %parallel_loop3A_344 = vector.shape_cast %parallel_loop3A_343 : vector<1x16xf32> to vector<16xf32>
        %parallel_loop3A_345 = vector.shape_cast %parallel_loop3A_336 : vector<16xf32> to vector<1x16xf32>
        tpu.vector_store %parallel_loop3A_340[%parallel_loop3A_341, %parallel_loop3A_342], %parallel_loop3A_345 {strides = array<i32>} : memref<40x128xf32, #tpu.memory_space<vmem>>, vector<1x16xf32>,
        %parallel_loop3A_346 = arith.constant 0 : i32
        %parallel_loop3A_347 = arith.constant 0 : i32
        %parallel_loop3A_348 = tpu.memref_slice %arg10[%rem3A_181, %parallel_loop3A_346, %parallel_loop3A_347] : memref<3x40x128xf32, #tpu.memory_space<vmem>> -> memref<1x40x128xf32, #tpu.memory_space<vmem>>
        %parallel_loop3A_349 = tpu.memref_squeeze %parallel_loop3A_348 : memref<1x40x128xf32, #tpu.memory_space<vmem>> -> memref<40x128xf32, #tpu.memory_space<vmem>>
        %parallel_loop3A_350 = arith.index_cast %parallel_loop3A_241 : i32 to index
        %parallel_loop3A_351 = arith.constant 64 : index
        %parallel_loop3A_352 = tpu.vector_load %parallel_loop3A_349[%parallel_loop3A_350, %parallel_loop3A_351] {strides = array<i32>} : memref<40x128xf32, #tpu.memory_space<vmem>>, vector<1x16xf32>,
        %parallel_loop3A_353 = vector.shape_cast %parallel_loop3A_352 : vector<1x16xf32> to vector<16xf32>
        %parallel_loop3A_354 = arith.constant 0 : i32
        %parallel_loop3A_355 = arith.constant 0 : i32
        %parallel_loop3A_356 = tpu.memref_slice %arg11[%rem3A_181, %parallel_loop3A_354, %parallel_loop3A_355] : memref<3x40x128xf32, #tpu.memory_space<vmem>> -> memref<1x40x128xf32, #tpu.memory_space<vmem>>
        %parallel_loop3A_357 = tpu.memref_squeeze %parallel_loop3A_356 : memref<1x40x128xf32, #tpu.memory_space<vmem>> -> memref<40x128xf32, #tpu.memory_space<vmem>>
        %parallel_loop3A_358 = arith.index_cast %parallel_loop3A_241 : i32 to index
        %parallel_loop3A_359 = arith.constant 64 : index
        %parallel_loop3A_360 = tpu.vector_load %parallel_loop3A_357[%parallel_loop3A_358, %parallel_loop3A_359] {strides = array<i32>} : memref<40x128xf32, #tpu.memory_space<vmem>>, vector<1x16xf32>,
        %parallel_loop3A_361 = vector.shape_cast %parallel_loop3A_360 : vector<1x16xf32> to vector<16xf32>
        %parallel_loop3A_362 = arith.mulf %parallel_loop3A_353, %parallel_loop3A_361 : vector<16xf32>
        %parallel_loop3A_363 = arith.constant 0 : i32
        %parallel_loop3A_364 = arith.constant 0 : i32
        %parallel_loop3A_365 = tpu.memref_slice %arg10[%rem3A_181, %parallel_loop3A_363, %parallel_loop3A_364] : memref<3x40x128xf32, #tpu.memory_space<vmem>> -> memref<1x40x128xf32, #tpu.memory_space<vmem>>
        %parallel_loop3A_366 = tpu.memref_squeeze %parallel_loop3A_365 : memref<1x40x128xf32, #tpu.memory_space<vmem>> -> memref<40x128xf32, #tpu.memory_space<vmem>>
        %parallel_loop3A_367 = arith.index_cast %parallel_loop3A_241 : i32 to index
        %parallel_loop3A_368 = arith.constant 64 : index
        %parallel_loop3A_369 = tpu.vector_load %parallel_loop3A_366[%parallel_loop3A_367, %parallel_loop3A_368] {strides = array<i32>} : memref<40x128xf32, #tpu.memory_space<vmem>>, vector<1x16xf32>,
        %parallel_loop3A_370 = vector.shape_cast %parallel_loop3A_369 : vector<1x16xf32> to vector<16xf32>
        %parallel_loop3A_371 = vector.shape_cast %parallel_loop3A_362 : vector<16xf32> to vector<1x16xf32>
        tpu.vector_store %parallel_loop3A_366[%parallel_loop3A_367, %parallel_loop3A_368], %parallel_loop3A_371 {strides = array<i32>} : memref<40x128xf32, #tpu.memory_space<vmem>>, vector<1x16xf32>,
        %parallel_loop3A_372 = arith.constant 0 : i32
        %parallel_loop3A_373 = arith.constant 0 : i32
        %parallel_loop3A_374 = tpu.memref_slice %arg10[%rem3A_181, %parallel_loop3A_372, %parallel_loop3A_373] : memref<3x40x128xf32, #tpu.memory_space<vmem>> -> memref<1x40x128xf32, #tpu.memory_space<vmem>>
        %parallel_loop3A_375 = tpu.memref_squeeze %parallel_loop3A_374 : memref<1x40x128xf32, #tpu.memory_space<vmem>> -> memref<40x128xf32, #tpu.memory_space<vmem>>
        %parallel_loop3A_376 = arith.index_cast %parallel_loop3A_241 : i32 to index
        %parallel_loop3A_377 = arith.constant 80 : index
        %parallel_loop3A_378 = tpu.vector_load %parallel_loop3A_375[%parallel_loop3A_376, %parallel_loop3A_377] {strides = array<i32>} : memref<40x128xf32, #tpu.memory_space<vmem>>, vector<1x16xf32>,
        %parallel_loop3A_379 = vector.shape_cast %parallel_loop3A_378 : vector<1x16xf32> to vector<16xf32>
        %parallel_loop3A_380 = arith.constant 0 : i32
        %parallel_loop3A_381 = arith.constant 0 : i32
        %parallel_loop3A_382 = tpu.memref_slice %arg11[%rem3A_181, %parallel_loop3A_380, %parallel_loop3A_381] : memref<3x40x128xf32, #tpu.memory_space<vmem>> -> memref<1x40x128xf32, #tpu.memory_space<vmem>>
        %parallel_loop3A_383 = tpu.memref_squeeze %parallel_loop3A_382 : memref<1x40x128xf32, #tpu.memory_space<vmem>> -> memref<40x128xf32, #tpu.memory_space<vmem>>
        %parallel_loop3A_384 = arith.index_cast %parallel_loop3A_241 : i32 to index
        %parallel_loop3A_385 = arith.constant 80 : index
        %parallel_loop3A_386 = tpu.vector_load %parallel_loop3A_383[%parallel_loop3A_384, %parallel_loop3A_385] {strides = array<i32>} : memref<40x128xf32, #tpu.memory_space<vmem>>, vector<1x16xf32>,
        %parallel_loop3A_387 = vector.shape_cast %parallel_loop3A_386 : vector<1x16xf32> to vector<16xf32>
        %parallel_loop3A_388 = arith.mulf %parallel_loop3A_379, %parallel_loop3A_387 : vector<16xf32>
        %parallel_loop3A_389 = arith.constant 0 : i32
        %parallel_loop3A_390 = arith.constant 0 : i32
        %parallel_loop3A_391 = tpu.memref_slice %arg10[%rem3A_181, %parallel_loop3A_389, %parallel_loop3A_390] : memref<3x40x128xf32, #tpu.memory_space<vmem>> -> memref<1x40x128xf32, #tpu.memory_space<vmem>>
        %parallel_loop3A_392 = tpu.memref_squeeze %parallel_loop3A_391 : memref<1x40x128xf32, #tpu.memory_space<vmem>> -> memref<40x128xf32, #tpu.memory_space<vmem>>
        %parallel_loop3A_393 = arith.index_cast %parallel_loop3A_241 : i32 to index
        %parallel_loop3A_394 = arith.constant 80 : index
        %parallel_loop3A_395 = tpu.vector_load %parallel_loop3A_392[%parallel_loop3A_393, %parallel_loop3A_394] {strides = array<i32>} : memref<40x128xf32, #tpu.memory_space<vmem>>, vector<1x16xf32>,
        %parallel_loop3A_396 = vector.shape_cast %parallel_loop3A_395 : vector<1x16xf32> to vector<16xf32>
        %parallel_loop3A_397 = vector.shape_cast %parallel_loop3A_388 : vector<16xf32> to vector<1x16xf32>
        tpu.vector_store %parallel_loop3A_392[%parallel_loop3A_393, %parallel_loop3A_394], %parallel_loop3A_397 {strides = array<i32>} : memref<40x128xf32, #tpu.memory_space<vmem>>, vector<1x16xf32>,
        %parallel_loop3A_398 = arith.constant 0 : i32
        %parallel_loop3A_399 = arith.constant 0 : i32
        %parallel_loop3A_400 = tpu.memref_slice %arg10[%rem3A_181, %parallel_loop3A_398, %parallel_loop3A_399] : memref<3x40x128xf32, #tpu.memory_space<vmem>> -> memref<1x40x128xf32, #tpu.memory_space<vmem>>
        %parallel_loop3A_401 = tpu.memref_squeeze %parallel_loop3A_400 : memref<1x40x128xf32, #tpu.memory_space<vmem>> -> memref<40x128xf32, #tpu.memory_space<vmem>>
        %parallel_loop3A_402 = arith.index_cast %parallel_loop3A_241 : i32 to index
        %parallel_loop3A_403 = arith.constant 96 : index
        %parallel_loop3A_404 = tpu.vector_load %parallel_loop3A_401[%parallel_loop3A_402, %parallel_loop3A_403] {strides = array<i32>} : memref<40x128xf32, #tpu.memory_space<vmem>>, vector<1x16xf32>,
        %parallel_loop3A_405 = vector.shape_cast %parallel_loop3A_404 : vector<1x16xf32> to vector<16xf32>
        %parallel_loop3A_406 = arith.constant 0 : i32
        %parallel_loop3A_407 = arith.constant 0 : i32
        %parallel_loop3A_408 = tpu.memref_slice %arg11[%rem3A_181, %parallel_loop3A_406, %parallel_loop3A_407] : memref<3x40x128xf32, #tpu.memory_space<vmem>> -> memref<1x40x128xf32, #tpu.memory_space<vmem>>
        %parallel_loop3A_409 = tpu.memref_squeeze %parallel_loop3A_408 : memref<1x40x128xf32, #tpu.memory_space<vmem>> -> memref<40x128xf32, #tpu.memory_space<vmem>>
        %parallel_loop3A_410 = arith.index_cast %parallel_loop3A_241 : i32 to index
        %parallel_loop3A_411 = arith.constant 96 : index
        %parallel_loop3A_412 = tpu.vector_load %parallel_loop3A_409[%parallel_loop3A_410, %parallel_loop3A_411] {strides = array<i32>} : memref<40x128xf32, #tpu.memory_space<vmem>>, vector<1x16xf32>,
        %parallel_loop3A_413 = vector.shape_cast %parallel_loop3A_412 : vector<1x16xf32> to vector<16xf32>
        %parallel_loop3A_414 = arith.mulf %parallel_loop3A_405, %parallel_loop3A_413 : vector<16xf32>
        %parallel_loop3A_415 = arith.constant 0 : i32
        %parallel_loop3A_416 = arith.constant 0 : i32
        %parallel_loop3A_417 = tpu.memref_slice %arg10[%rem3A_181, %parallel_loop3A_415, %parallel_loop3A_416] : memref<3x40x128xf32, #tpu.memory_space<vmem>> -> memref<1x40x128xf32, #tpu.memory_space<vmem>>
        %parallel_loop3A_418 = tpu.memref_squeeze %parallel_loop3A_417 : memref<1x40x128xf32, #tpu.memory_space<vmem>> -> memref<40x128xf32, #tpu.memory_space<vmem>>
        %parallel_loop3A_419 = arith.index_cast %parallel_loop3A_241 : i32 to index
        %parallel_loop3A_420 = arith.constant 96 : index
        %parallel_loop3A_421 = tpu.vector_load %parallel_loop3A_418[%parallel_loop3A_419, %parallel_loop3A_420] {strides = array<i32>} : memref<40x128xf32, #tpu.memory_space<vmem>>, vector<1x16xf32>,
        %parallel_loop3A_422 = vector.shape_cast %parallel_loop3A_421 : vector<1x16xf32> to vector<16xf32>
        %parallel_loop3A_423 = vector.shape_cast %parallel_loop3A_414 : vector<16xf32> to vector<1x16xf32>
        tpu.vector_store %parallel_loop3A_418[%parallel_loop3A_419, %parallel_loop3A_420], %parallel_loop3A_423 {strides = array<i32>} : memref<40x128xf32, #tpu.memory_space<vmem>>, vector<1x16xf32>,
        %parallel_loop3A_424 = arith.constant 0 : i32
        %parallel_loop3A_425 = arith.constant 0 : i32
        %parallel_loop3A_426 = tpu.memref_slice %arg10[%rem3A_181, %parallel_loop3A_424, %parallel_loop3A_425] : memref<3x40x128xf32, #tpu.memory_space<vmem>> -> memref<1x40x128xf32, #tpu.memory_space<vmem>>
        %parallel_loop3A_427 = tpu.memref_squeeze %parallel_loop3A_426 : memref<1x40x128xf32, #tpu.memory_space<vmem>> -> memref<40x128xf32, #tpu.memory_space<vmem>>
        %parallel_loop3A_428 = arith.index_cast %parallel_loop3A_241 : i32 to index
        %parallel_loop3A_429 = arith.constant 112 : index
        %parallel_loop3A_430 = tpu.vector_load %parallel_loop3A_427[%parallel_loop3A_428, %parallel_loop3A_429] {strides = array<i32>} : memref<40x128xf32, #tpu.memory_space<vmem>>, vector<1x16xf32>,
        %parallel_loop3A_431 = vector.shape_cast %parallel_loop3A_430 : vector<1x16xf32> to vector<16xf32>
        %parallel_loop3A_432 = arith.constant 0 : i32
        %parallel_loop3A_433 = arith.constant 0 : i32
        %parallel_loop3A_434 = tpu.memref_slice %arg11[%rem3A_181, %parallel_loop3A_432, %parallel_loop3A_433] : memref<3x40x128xf32, #tpu.memory_space<vmem>> -> memref<1x40x128xf32, #tpu.memory_space<vmem>>
        %parallel_loop3A_435 = tpu.memref_squeeze %parallel_loop3A_434 : memref<1x40x128xf32, #tpu.memory_space<vmem>> -> memref<40x128xf32, #tpu.memory_space<vmem>>
        %parallel_loop3A_436 = arith.index_cast %parallel_loop3A_241 : i32 to index
        %parallel_loop3A_437 = arith.constant 112 : index
        %parallel_loop3A_438 = tpu.vector_load %parallel_loop3A_435[%parallel_loop3A_436, %parallel_loop3A_437] {strides = array<i32>} : memref<40x128xf32, #tpu.memory_space<vmem>>, vector<1x16xf32>,
        %parallel_loop3A_439 = vector.shape_cast %parallel_loop3A_438 : vector<1x16xf32> to vector<16xf32>
        %parallel_loop3A_440 = arith.mulf %parallel_loop3A_431, %parallel_loop3A_439 : vector<16xf32>
        %parallel_loop3A_441 = arith.constant 0 : i32
        %parallel_loop3A_442 = arith.constant 0 : i32
        %parallel_loop3A_443 = tpu.memref_slice %arg10[%rem3A_181, %parallel_loop3A_441, %parallel_loop3A_442] : memref<3x40x128xf32, #tpu.memory_space<vmem>> -> memref<1x40x128xf32, #tpu.memory_space<vmem>>
        %parallel_loop3A_444 = tpu.memref_squeeze %parallel_loop3A_443 : memref<1x40x128xf32, #tpu.memory_space<vmem>> -> memref<40x128xf32, #tpu.memory_space<vmem>>
        %parallel_loop3A_445 = arith.index_cast %parallel_loop3A_241 : i32 to index
        %parallel_loop3A_446 = arith.constant 112 : index
        %parallel_loop3A_447 = tpu.vector_load %parallel_loop3A_444[%parallel_loop3A_445, %parallel_loop3A_446] {strides = array<i32>} : memref<40x128xf32, #tpu.memory_space<vmem>>, vector<1x16xf32>,
        %parallel_loop3A_448 = vector.shape_cast %parallel_loop3A_447 : vector<1x16xf32> to vector<16xf32>
        %parallel_loop3A_449 = vector.shape_cast %parallel_loop3A_440 : vector<16xf32> to vector<1x16xf32>
        tpu.vector_store %parallel_loop3A_444[%parallel_loop3A_445, %parallel_loop3A_446], %parallel_loop3A_449 {strides = array<i32>} : memref<40x128xf32, #tpu.memory_space<vmem>>, vector<1x16xf32>,
      } {sc.loop_unroll_factor = 4 : i64, sc.parallel_access}
      %dma_start3A_224 = arith.constant 0 : i32
      %dma_start3A_225 = arith.constant 0 : i32
      %dma_start3A_226 = tpu.memref_slice %arg10[%rem3A_181, %dma_start3A_224, %dma_start3A_225] : memref<3x40x128xf32, #tpu.memory_space<vmem>> -> memref<1x40x128xf32, #tpu.memory_space<vmem>>
      %dma_start3A_227 = tpu.memref_squeeze %dma_start3A_226 : memref<1x40x128xf32, #tpu.memory_space<vmem>> -> memref<40x128xf32, #tpu.memory_space<vmem>>
      %dma_start3A_228 = arith.constant 0 : i32
      %dma_start3A_229 = tpu.memref_slice %arg9[%rem3A_181, %dma_start3A_228] : memref<3x40xi32, #tpu.memory_space<vmem>> -> memref<1x40xi32, #tpu.memory_space<vmem>>
      %dma_start3A_230 = tpu.memref_squeeze %dma_start3A_229 : memref<1x40xi32, #tpu.memory_space<vmem>> -> memref<40xi32, #tpu.memory_space<vmem>>
      %dma_start3A_231 = arith.constant 0 : i32
      %dma_start3A_232 = arith.constant 0 : i32
      %dma_start3A_233 = tpu.memref_slice %arg12[%dma_start3A_231, %dma_start3A_232] : memref<10240x128xf32, #tpu.memory_space<vmem_shared>> -> memref<10240x128xf32, #tpu.memory_space<vmem_shared>>
      %dma_start3A_234 = tpu.memref_slice %arg17[%rem3A_181] : memref<3x!tpu.dma_semaphore, #tpu.memory_space<semaphore_mem>> -> memref<1x!tpu.dma_semaphore, #tpu.memory_space<semaphore_mem>>
      %dma_start3A_235 = tpu.memref_squeeze %dma_start3A_234 : memref<1x!tpu.dma_semaphore, #tpu.memory_space<semaphore_mem>> -> memref<!tpu.dma_semaphore, #tpu.memory_space<semaphore_mem>>
      tpu.enqueue_indirect_dma source(%dma_start3A_227 : memref<40x128xf32, #tpu.memory_space<vmem>>) target(%dma_start3A_233 : memref<10240x128xf32, #tpu.memory_space<vmem_shared>>) offsets(%dma_start3A_230 : memref<40xi32, #tpu.memory_space<vmem>>) semaphore(%dma_start3A_235 : memref<!tpu.dma_semaphore, #tpu.memory_space<semaphore_mem>>) {add = true}
      %ge3A = arith.constant 1 : i32
      %ge3A_236 = arith.cmpi sge, %scan3A_179, %ge3A : i32
      %convert_element_type3A_237 = arith.extui %ge3A_236 : i1 to i32
      %cond3A_238 = arith.constant 0 : i32
      %cond3A_239 = arith.cmpi ne, %convert_element_type3A_237, %cond3A_238 : i32
      scf.if %cond3A_239 {
        %sub3A = arith.constant 1 : i32
        %sub3A_241 = arith.subi %scan3A_179, %sub3A : i32
        %rem3A_242 = arith.constant 3 : i32
        %rem3A_243 = arith.remsi %sub3A_241, %rem3A_242 : i32
        %dma_wait3A_244 = arith.constant 0 : i32
        %dma_wait3A_245 = arith.constant 0 : i32
        %dma_wait3A_246 = tpu.memref_slice %arg10[%rem3A_243, %dma_wait3A_244, %dma_wait3A_245] : memref<3x40x128xf32, #tpu.memory_space<vmem>> -> memref<1x40x128xf32, #tpu.memory_space<vmem>>
        %dma_wait3A_247 = tpu.memref_squeeze %dma_wait3A_246 : memref<1x40x128xf32, #tpu.memory_space<vmem>> -> memref<40x128xf32, #tpu.memory_space<vmem>>
        %dma_wait3A_248 = arith.constant 0 : i32
        %dma_wait3A_249 = arith.constant 0 : i32
        %dma_wait3A_250 = tpu.memref_slice %arg3[%dma_wait3A_248, %dma_wait3A_249] : memref<51200x128xf32, #tpu.memory_space<hbm>> -> memref<40x128xf32, #tpu.memory_space<hbm>>
        %dma_wait3A_251 = tpu.memref_slice %arg17[%rem3A_243] : memref<3x!tpu.dma_semaphore, #tpu.memory_space<semaphore_mem>> -> memref<1x!tpu.dma_semaphore, #tpu.memory_space<semaphore_mem>>
        %dma_wait3A_252 = tpu.memref_squeeze %dma_wait3A_251 : memref<1x!tpu.dma_semaphore, #tpu.memory_space<semaphore_mem>> -> memref<!tpu.dma_semaphore, #tpu.memory_space<semaphore_mem>>
        %dma_wait3A_253 = arith.constant 0 : i32
        %dma_wait3A_254 = arith.constant 0 : i32
        %dma_wait3A_255 = tpu.memref_slice %arg10[%rem3A_243, %dma_wait3A_253, %dma_wait3A_254] : memref<3x40x128xf32, #tpu.memory_space<vmem>> -> memref<1x40x128xf32, #tpu.memory_space<vmem>>
        %dma_wait3A_256 = tpu.memref_squeeze %dma_wait3A_255 : memref<1x40x128xf32, #tpu.memory_space<vmem>> -> memref<40x128xf32, #tpu.memory_space<vmem>>
        %dma_wait3A_257 = arith.constant 0 : i32
        %dma_wait3A_258 = arith.constant 0 : i32
        %dma_wait3A_259 = tpu.memref_slice %arg3[%dma_wait3A_257, %dma_wait3A_258] : memref<51200x128xf32, #tpu.memory_space<hbm>> -> memref<40x128xf32, #tpu.memory_space<hbm>>
        tpu.wait_dma2 semaphore(%dma_wait3A_252 : memref<!tpu.dma_semaphore, #tpu.memory_space<semaphore_mem>>) src(%dma_wait3A_259 : memref<40x128xf32, #tpu.memory_space<hbm>>) dst(%dma_wait3A_256 : memref<40x128xf32, #tpu.memory_space<vmem>>)
        %add3A_260 = arith.constant 2 : i32
        %add3A_261 = arith.addi %scan3A_179, %add3A_260 : i32
        %lt3A_262 = arith.constant 40 : i32
        %lt3A_263 = arith.cmpi slt, %add3A_261, %lt3A_262 : i32
        %convert_element_type3A_264 = arith.extui %lt3A_263 : i1 to i32
        %cond3A_265 = arith.constant 0 : i32
        %cond3A_266 = arith.cmpi ne, %convert_element_type3A_264, %cond3A_265 : i32
        scf.if %cond3A_266 {
          %add3A_267 = arith.constant 2 : i32
          %add3A_268 = arith.addi %scan3A_179, %add3A_267 : i32
          %add3A_269 = arith.constant 2 : i32
          %add3A_270 = arith.addi %scan3A_179, %add3A_269 : i32
          %rem3A_271 = arith.constant 3 : i32
          %rem3A_272 = arith.remsi %add3A_270, %rem3A_271 : i32
          %mul3A_273 = arith.constant 40 : i32
          %mul3A_274 = arith.muli %add3A_268, %mul3A_273 : i32
          %add3A_275 = arith.addi %add3A_4, %mul3A_274 : i32
          %dma_start3A_276 = arith.constant 0 : i32
          %dma_start3A_277 = tpu.memref_slice %arg8[%rem3A_272, %dma_start3A_276] : memref<3x40xi32, #tpu.memory_space<vmem>> -> memref<1x40xi32, #tpu.memory_space<vmem>>
          %dma_start3A_278 = tpu.memref_squeeze %dma_start3A_277 : memref<1x40xi32, #tpu.memory_space<vmem>> -> memref<40xi32, #tpu.memory_space<vmem>>
          %dma_start3A_279 = tpu.memref_slice %arg4[%add3A_275] : memref<160000xi32, #tpu.memory_space<hbm>> -> memref<40xi32, #tpu.memory_space<hbm>>
          %dma_start3A_280 = tpu.memref_slice %arg13[%rem3A_272] : memref<3x!tpu.dma_semaphore, #tpu.memory_space<semaphore_mem>> -> memref<1x!tpu.dma_semaphore, #tpu.memory_space<semaphore_mem>>
          %dma_start3A_281 = tpu.memref_squeeze %dma_start3A_280 : memref<1x!tpu.dma_semaphore, #tpu.memory_space<semaphore_mem>> -> memref<!tpu.dma_semaphore, #tpu.memory_space<semaphore_mem>>
          %dma_start3A_282 = arith.constant 0 : i32
          %dma_start3A_283 = tpu.memref_slice %arg8[%rem3A_272, %dma_start3A_282] : memref<3x40xi32, #tpu.memory_space<vmem>> -> memref<1x40xi32, #tpu.memory_space<vmem>>
          %dma_start3A_284 = tpu.memref_squeeze %dma_start3A_283 : memref<1x40xi32, #tpu.memory_space<vmem>> -> memref<40xi32, #tpu.memory_space<vmem>>
          %dma_start3A_285 = tpu.memref_slice %arg4[%add3A_275] : memref<160000xi32, #tpu.memory_space<hbm>> -> memref<40xi32, #tpu.memory_space<hbm>>
          tpu.enqueue_dma source(%dma_start3A_285 : memref<40xi32, #tpu.memory_space<hbm>>) target(%dma_start3A_284 : memref<40xi32, #tpu.memory_space<vmem>>) target_semaphore(%dma_start3A_281 : memref<!tpu.dma_semaphore, #tpu.memory_space<semaphore_mem>>)
          %mul3A_286 = arith.constant 40 : i32
          %mul3A_287 = arith.muli %add3A_268, %mul3A_286 : i32
          %add3A_288 = arith.addi %add3A_4, %mul3A_287 : i32
          %dma_start3A_289 = arith.constant 0 : i32
          %dma_start3A_290 = tpu.memref_slice %arg9[%rem3A_272, %dma_start3A_289] : memref<3x40xi32, #tpu.memory_space<vmem>> -> memref<1x40xi32, #tpu.memory_space<vmem>>
          %dma_start3A_291 = tpu.memref_squeeze %dma_start3A_290 : memref<1x40xi32, #tpu.memory_space<vmem>> -> memref<40xi32, #tpu.memory_space<vmem>>
          %dma_start3A_292 = tpu.memref_slice %arg5[%add3A_288] : memref<160000xi32, #tpu.memory_space<hbm>> -> memref<40xi32, #tpu.memory_space<hbm>>
          %dma_start3A_293 = tpu.memref_slice %arg14[%rem3A_272] : memref<3x!tpu.dma_semaphore, #tpu.memory_space<semaphore_mem>> -> memref<1x!tpu.dma_semaphore, #tpu.memory_space<semaphore_mem>>
          %dma_start3A_294 = tpu.memref_squeeze %dma_start3A_293 : memref<1x!tpu.dma_semaphore, #tpu.memory_space<semaphore_mem>> -> memref<!tpu.dma_semaphore, #tpu.memory_space<semaphore_mem>>
          %dma_start3A_295 = arith.constant 0 : i32
          %dma_start3A_296 = tpu.memref_slice %arg9[%rem3A_272, %dma_start3A_295] : memref<3x40xi32, #tpu.memory_space<vmem>> -> memref<1x40xi32, #tpu.memory_space<vmem>>
          %dma_start3A_297 = tpu.memref_squeeze %dma_start3A_296 : memref<1x40xi32, #tpu.memory_space<vmem>> -> memref<40xi32, #tpu.memory_space<vmem>>
          %dma_start3A_298 = tpu.memref_slice %arg5[%add3A_288] : memref<160000xi32, #tpu.memory_space<hbm>> -> memref<40xi32, #tpu.memory_space<hbm>>
          tpu.enqueue_dma source(%dma_start3A_298 : memref<40xi32, #tpu.memory_space<hbm>>) target(%dma_start3A_297 : memref<40xi32, #tpu.memory_space<vmem>>) target_semaphore(%dma_start3A_294 : memref<!tpu.dma_semaphore, #tpu.memory_space<semaphore_mem>>)
        } else {
        }
      } else {
      }
      %scan3A_240 = arith.constant 0 : i32
      scf.yield %scan3A_240 : i32
    }
    %scan3A_157 = arith.constant 40 : i32
    %dma_wait3A_158 = arith.constant 0 : i32
    %dma_wait3A_159 = arith.constant 0 : i32
    %dma_wait3A_160 = arith.constant 0 : i32
    %dma_wait3A_161 = arith.constant 0 : i32
    %dma_wait3A_162 = tpu.memref_slice %arg10[%dma_wait3A_158, %dma_wait3A_160, %dma_wait3A_161] : memref<3x40x128xf32, #tpu.memory_space<vmem>> -> memref<1x40x128xf32, #tpu.memory_space<vmem>>
    %dma_wait3A_163 = tpu.memref_squeeze %dma_wait3A_162 : memref<1x40x128xf32, #tpu.memory_space<vmem>> -> memref<40x128xf32, #tpu.memory_space<vmem>>
    %dma_wait3A_164 = arith.constant 0 : i32
    %dma_wait3A_165 = arith.constant 0 : i32
    %dma_wait3A_166 = tpu.memref_slice %arg3[%dma_wait3A_164, %dma_wait3A_165] : memref<51200x128xf32, #tpu.memory_space<hbm>> -> memref<40x128xf32, #tpu.memory_space<hbm>>
    %dma_wait3A_167 = tpu.memref_slice %arg17[%dma_wait3A_159] : memref<3x!tpu.dma_semaphore, #tpu.memory_space<semaphore_mem>> -> memref<1x!tpu.dma_semaphore, #tpu.memory_space<semaphore_mem>>
    %dma_wait3A_168 = tpu.memref_squeeze %dma_wait3A_167 : memref<1x!tpu.dma_semaphore, #tpu.memory_space<semaphore_mem>> -> memref<!tpu.dma_semaphore, #tpu.memory_space<semaphore_mem>>
    %dma_wait3A_169 = arith.constant 0 : i32
    %dma_wait3A_170 = arith.constant 0 : i32
    %dma_wait3A_171 = tpu.memref_slice %arg10[%dma_wait3A_158, %dma_wait3A_169, %dma_wait3A_170] : memref<3x40x128xf32, #tpu.memory_space<vmem>> -> memref<1x40x128xf32, #tpu.memory_space<vmem>>
    %dma_wait3A_172 = tpu.memref_squeeze %dma_wait3A_171 : memref<1x40x128xf32, #tpu.memory_space<vmem>> -> memref<40x128xf32, #tpu.memory_space<vmem>>
    %dma_wait3A_173 = arith.constant 0 : i32
    %dma_wait3A_174 = arith.constant 0 : i32
    %dma_wait3A_175 = tpu.memref_slice %arg3[%dma_wait3A_173, %dma_wait3A_174] : memref<51200x128xf32, #tpu.memory_space<hbm>> -> memref<40x128xf32, #tpu.memory_space<hbm>>
    tpu.wait_dma2 semaphore(%dma_wait3A_168 : memref<!tpu.dma_semaphore, #tpu.memory_space<semaphore_mem>>) src(%dma_wait3A_175 : memref<40x128xf32, #tpu.memory_space<hbm>>) dst(%dma_wait3A_172 : memref<40x128xf32, #tpu.memory_space<vmem>>)
    %barrier3A_176 = arith.constant 0 : index
    tpu.barrier barrier_id(%barrier3A_176)
    %mul3A_177 = arith.constant 640 : i32
    %mul3A_178 = arith.muli %arg1, %mul3A_177 : i32
    "tpu.region"() ({
      %run_scoped3A = tpu.sem_alloc : memref<!tpu.dma_semaphore, #tpu.memory_space<semaphore_mem>>
      %dma_start3A_179 = arith.constant 0 : i32
      %dma_start3A_180 = tpu.memref_slice %arg7[%arg0, %mul3A_178, %dma_start3A_179] : memref<2x10240x128xf32, #tpu.memory_space<hbm>> -> memref<1x640x128xf32, #tpu.memory_space<hbm>>
      %dma_start3A_181 = tpu.memref_squeeze %dma_start3A_180 : memref<1x640x128xf32, #tpu.memory_space<hbm>> -> memref<640x128xf32, #tpu.memory_space<hbm>>
      %dma_start3A_182 = arith.constant 0 : i32
      %dma_start3A_183 = tpu.memref_slice %arg12[%mul3A_178, %dma_start3A_182] : memref<10240x128xf32, #tpu.memory_space<vmem_shared>> -> memref<640x128xf32, #tpu.memory_space<vmem_shared>>
      tpu.enqueue_dma source(%dma_start3A_183 : memref<640x128xf32, #tpu.memory_space<vmem_shared>>) target(%dma_start3A_181 : memref<640x128xf32, #tpu.memory_space<hbm>>) target_semaphore(%run_scoped3A : memref<!tpu.dma_semaphore, #tpu.memory_space<semaphore_mem>>)
      %dma_wait3A_184 = arith.constant 0 : i32
      %dma_wait3A_185 = tpu.memref_slice %arg7[%arg0, %mul3A_178, %dma_wait3A_184] : memref<2x10240x128xf32, #tpu.memory_space<hbm>> -> memref<1x640x128xf32, #tpu.memory_space<hbm>>
      %dma_wait3A_186 = tpu.memref_squeeze %dma_wait3A_185 : memref<1x640x128xf32, #tpu.memory_space<hbm>> -> memref<640x128xf32, #tpu.memory_space<hbm>>
      %dma_wait3A_187 = arith.constant 0 : i32
      %dma_wait3A_188 = tpu.memref_slice %arg12[%mul3A_178, %dma_wait3A_187] : memref<10240x128xf32, #tpu.memory_space<vmem_shared>> -> memref<640x128xf32, #tpu.memory_space<vmem_shared>>
      tpu.wait_dma2 semaphore(%run_scoped3A : memref<!tpu.dma_semaphore, #tpu.memory_space<semaphore_mem>>) src(%dma_wait3A_188 : memref<640x128xf32, #tpu.memory_space<vmem_shared>>) dst(%dma_wait3A_186 : memref<640x128xf32, #tpu.memory_space<hbm>>)
      tpu.yield
    }) : () -> ()
    return
  }
}

#map = affine_map<(d0, d1) -> (0, 0)>
#map1 = affine_map<(d0, d1) -> (0)>
#map2 = affine_map<(d0, d1) -> (0, 0, 0)>
module attributes {stable_mosaic.version = 14 : i64} {
  func.func @_sc_conv_body(%arg0: i32, %arg1: i32, %arg2: memref<10000x128xf32, #tpu.memory_space<hbm>>, %arg3: memref<32000x128xf32, #tpu.memory_space<hbm>>, %arg4: memref<160000xi32, #tpu.memory_space<hbm>>, %arg5: memref<160000xi32, #tpu.memory_space<hbm>>, %arg6: memref<10240x128xf32, #tpu.memory_space<hbm>>, %arg7: memref<2x10240x128xf32, #tpu.memory_space<hbm>>, %arg8: memref<3x40xi32, #tpu.memory_space<vmem>>, %arg9: memref<3x40xi32, #tpu.memory_space<vmem>>, %arg10: memref<3x40x128xf32, #tpu.memory_space<vmem>>, %arg11: memref<3x40x128xf32, #tpu.memory_space<vmem>>, %arg12: memref<10240x128xf32, #tpu.memory_space<vmem_shared>>, %arg13: memref<3x!tpu.dma_semaphore, #tpu.memory_space<semaphore_mem>>, %arg14: memref<3x!tpu.dma_semaphore, #tpu.memory_space<semaphore_mem>>, %arg15: memref<3x!tpu.dma_semaphore, #tpu.memory_space<semaphore_mem>>, %arg16: memref<3x!tpu.dma_semaphore, #tpu.memory_space<semaphore_mem>>, %arg17: memref<3x!tpu.dma_semaphore, #tpu.memory_space<semaphore_mem>>) attributes {dimension_semantics = [#tpu.dimension_semantics<core_parallel>, #tpu.dimension_semantics<subcore_parallel>], iteration_bounds = array<i64: 2, 16>, scalar_prefetch = 0 : i64, scratch_operands = 10 : i64, tpu.core_type = #tpu.core_type<sc_vector_subcore>, window_params = [{transform_indices = #map}, {transform_indices = #map}, {transform_indices = #map1}, {transform_indices = #map1}, {transform_indices = #map}, {transform_indices = #map2}]} {
    %mul3A = arith.constant 16 : i32
    %mul3A_0 = arith.muli %arg0, %mul3A : i32
    %add3A = arith.addi %mul3A_0, %arg1 : i32
    %mul3A_1 = arith.constant 1000 : i32
    %mul3A_2 = arith.muli %add3A, %mul3A_1 : i32
    %add3A_3 = arith.constant 0 : i32
    %add3A_4 = arith.addi %add3A_3, %mul3A_2 : i32
    %mul3A_5 = arith.constant 640 : i32
    %mul3A_6 = arith.muli %arg1, %mul3A_5 : i32
    %mul3A_7 = arith.constant 640 : i32
    %mul3A_8 = arith.muli %arg1, %mul3A_7 : i32
    "tpu.region"() ({
      %run_scoped3A = tpu.sem_alloc : memref<!tpu.dma_semaphore, #tpu.memory_space<semaphore_mem>>
      %dma_start3A_179 = arith.constant 0 : i32
      %dma_start3A_180 = tpu.memref_slice %arg12[%mul3A_8, %dma_start3A_179] : memref<10240x128xf32, #tpu.memory_space<vmem_shared>> -> memref<640x128xf32, #tpu.memory_space<vmem_shared>>
      %dma_start3A_181 = arith.constant 0 : i32
      %dma_start3A_182 = tpu.memref_slice %arg6[%mul3A_6, %dma_start3A_181] : memref<10240x128xf32, #tpu.memory_space<hbm>> -> memref<640x128xf32, #tpu.memory_space<hbm>>
      tpu.enqueue_dma source(%dma_start3A_182 : memref<640x128xf32, #tpu.memory_space<hbm>>) target(%dma_start3A_180 : memref<640x128xf32, #tpu.memory_space<vmem_shared>>) target_semaphore(%run_scoped3A : memref<!tpu.dma_semaphore, #tpu.memory_space<semaphore_mem>>)
      %dma_wait3A_183 = arith.constant 0 : i32
      %dma_wait3A_184 = tpu.memref_slice %arg12[%mul3A_8, %dma_wait3A_183] : memref<10240x128xf32, #tpu.memory_space<vmem_shared>> -> memref<640x128xf32, #tpu.memory_space<vmem_shared>>
      %dma_wait3A_185 = arith.constant 0 : i32
      %dma_wait3A_186 = tpu.memref_slice %arg6[%mul3A_6, %dma_wait3A_185] : memref<10240x128xf32, #tpu.memory_space<hbm>> -> memref<640x128xf32, #tpu.memory_space<hbm>>
      tpu.wait_dma2 semaphore(%run_scoped3A : memref<!tpu.dma_semaphore, #tpu.memory_space<semaphore_mem>>) src(%dma_wait3A_186 : memref<640x128xf32, #tpu.memory_space<hbm>>) dst(%dma_wait3A_184 : memref<640x128xf32, #tpu.memory_space<vmem_shared>>)
      tpu.yield
    }) : () -> ()
    %barrier3A = arith.constant 0 : index
    tpu.barrier barrier_id(%barrier3A)
    %add3A_9 = arith.constant 0 : i32
    %add3A_10 = arith.addi %add3A_4, %add3A_9 : i32
    %dma_start3A = arith.constant 0 : i32
    %dma_start3A_11 = arith.constant 0 : i32
    %dma_start3A_12 = arith.constant 0 : i32
    %dma_start3A_13 = tpu.memref_slice %arg8[%dma_start3A, %dma_start3A_12] : memref<3x40xi32, #tpu.memory_space<vmem>> -> memref<1x40xi32, #tpu.memory_space<vmem>>
    %dma_start3A_14 = tpu.memref_squeeze %dma_start3A_13 : memref<1x40xi32, #tpu.memory_space<vmem>> -> memref<40xi32, #tpu.memory_space<vmem>>
    %dma_start3A_15 = tpu.memref_slice %arg4[%add3A_10] : memref<160000xi32, #tpu.memory_space<hbm>> -> memref<40xi32, #tpu.memory_space<hbm>>
    %dma_start3A_16 = tpu.memref_slice %arg13[%dma_start3A_11] : memref<3x!tpu.dma_semaphore, #tpu.memory_space<semaphore_mem>> -> memref<1x!tpu.dma_semaphore, #tpu.memory_space<semaphore_mem>>
    %dma_start3A_17 = tpu.memref_squeeze %dma_start3A_16 : memref<1x!tpu.dma_semaphore, #tpu.memory_space<semaphore_mem>> -> memref<!tpu.dma_semaphore, #tpu.memory_space<semaphore_mem>>
    %dma_start3A_18 = arith.constant 0 : i32
    %dma_start3A_19 = tpu.memref_slice %arg8[%dma_start3A, %dma_start3A_18] : memref<3x40xi32, #tpu.memory_space<vmem>> -> memref<1x40xi32, #tpu.memory_space<vmem>>
    %dma_start3A_20 = tpu.memref_squeeze %dma_start3A_19 : memref<1x40xi32, #tpu.memory_space<vmem>> -> memref<40xi32, #tpu.memory_space<vmem>>
    %dma_start3A_21 = tpu.memref_slice %arg4[%add3A_10] : memref<160000xi32, #tpu.memory_space<hbm>> -> memref<40xi32, #tpu.memory_space<hbm>>
    tpu.enqueue_dma source(%dma_start3A_21 : memref<40xi32, #tpu.memory_space<hbm>>) target(%dma_start3A_20 : memref<40xi32, #tpu.memory_space<vmem>>) target_semaphore(%dma_start3A_17 : memref<!tpu.dma_semaphore, #tpu.memory_space<semaphore_mem>>)
    %add3A_22 = arith.constant 0 : i32
    %add3A_23 = arith.addi %add3A_4, %add3A_22 : i32
    %dma_start3A_24 = arith.constant 0 : i32
    %dma_start3A_25 = arith.constant 0 : i32
    %dma_start3A_26 = arith.constant 0 : i32
    %dma_start3A_27 = tpu.memref_slice %arg9[%dma_start3A_24, %dma_start3A_26] : memref<3x40xi32, #tpu.memory_space<vmem>> -> memref<1x40xi32, #tpu.memory_space<vmem>>
    %dma_start3A_28 = tpu.memref_squeeze %dma_start3A_27 : memref<1x40xi32, #tpu.memory_space<vmem>> -> memref<40xi32, #tpu.memory_space<vmem>>
    %dma_start3A_29 = tpu.memref_slice %arg5[%add3A_23] : memref<160000xi32, #tpu.memory_space<hbm>> -> memref<40xi32, #tpu.memory_space<hbm>>
    %dma_start3A_30 = tpu.memref_slice %arg14[%dma_start3A_25] : memref<3x!tpu.dma_semaphore, #tpu.memory_space<semaphore_mem>> -> memref<1x!tpu.dma_semaphore, #tpu.memory_space<semaphore_mem>>
    %dma_start3A_31 = tpu.memref_squeeze %dma_start3A_30 : memref<1x!tpu.dma_semaphore, #tpu.memory_space<semaphore_mem>> -> memref<!tpu.dma_semaphore, #tpu.memory_space<semaphore_mem>>
    %dma_start3A_32 = arith.constant 0 : i32
    %dma_start3A_33 = tpu.memref_slice %arg9[%dma_start3A_24, %dma_start3A_32] : memref<3x40xi32, #tpu.memory_space<vmem>> -> memref<1x40xi32, #tpu.memory_space<vmem>>
    %dma_start3A_34 = tpu.memref_squeeze %dma_start3A_33 : memref<1x40xi32, #tpu.memory_space<vmem>> -> memref<40xi32, #tpu.memory_space<vmem>>
    %dma_start3A_35 = tpu.memref_slice %arg5[%add3A_23] : memref<160000xi32, #tpu.memory_space<hbm>> -> memref<40xi32, #tpu.memory_space<hbm>>
    tpu.enqueue_dma source(%dma_start3A_35 : memref<40xi32, #tpu.memory_space<hbm>>) target(%dma_start3A_34 : memref<40xi32, #tpu.memory_space<vmem>>) target_semaphore(%dma_start3A_31 : memref<!tpu.dma_semaphore, #tpu.memory_space<semaphore_mem>>)
    %add3A_36 = arith.constant 40 : i32
    %add3A_37 = arith.addi %add3A_4, %add3A_36 : i32
    %dma_start3A_38 = arith.constant 1 : i32
    %dma_start3A_39 = arith.constant 1 : i32
    %dma_start3A_40 = arith.constant 0 : i32
    %dma_start3A_41 = tpu.memref_slice %arg8[%dma_start3A_38, %dma_start3A_40] : memref<3x40xi32, #tpu.memory_space<vmem>> -> memref<1x40xi32, #tpu.memory_space<vmem>>
    %dma_start3A_42 = tpu.memref_squeeze %dma_start3A_41 : memref<1x40xi32, #tpu.memory_space<vmem>> -> memref<40xi32, #tpu.memory_space<vmem>>
    %dma_start3A_43 = tpu.memref_slice %arg4[%add3A_37] : memref<160000xi32, #tpu.memory_space<hbm>> -> memref<40xi32, #tpu.memory_space<hbm>>
    %dma_start3A_44 = tpu.memref_slice %arg13[%dma_start3A_39] : memref<3x!tpu.dma_semaphore, #tpu.memory_space<semaphore_mem>> -> memref<1x!tpu.dma_semaphore, #tpu.memory_space<semaphore_mem>>
    %dma_start3A_45 = tpu.memref_squeeze %dma_start3A_44 : memref<1x!tpu.dma_semaphore, #tpu.memory_space<semaphore_mem>> -> memref<!tpu.dma_semaphore, #tpu.memory_space<semaphore_mem>>
    %dma_start3A_46 = arith.constant 0 : i32
    %dma_start3A_47 = tpu.memref_slice %arg8[%dma_start3A_38, %dma_start3A_46] : memref<3x40xi32, #tpu.memory_space<vmem>> -> memref<1x40xi32, #tpu.memory_space<vmem>>
    %dma_start3A_48 = tpu.memref_squeeze %dma_start3A_47 : memref<1x40xi32, #tpu.memory_space<vmem>> -> memref<40xi32, #tpu.memory_space<vmem>>
    %dma_start3A_49 = tpu.memref_slice %arg4[%add3A_37] : memref<160000xi32, #tpu.memory_space<hbm>> -> memref<40xi32, #tpu.memory_space<hbm>>
    tpu.enqueue_dma source(%dma_start3A_49 : memref<40xi32, #tpu.memory_space<hbm>>) target(%dma_start3A_48 : memref<40xi32, #tpu.memory_space<vmem>>) target_semaphore(%dma_start3A_45 : memref<!tpu.dma_semaphore, #tpu.memory_space<semaphore_mem>>)
    %add3A_50 = arith.constant 40 : i32
    %add3A_51 = arith.addi %add3A_4, %add3A_50 : i32
    %dma_start3A_52 = arith.constant 1 : i32
    %dma_start3A_53 = arith.constant 1 : i32
    %dma_start3A_54 = arith.constant 0 : i32
    %dma_start3A_55 = tpu.memref_slice %arg9[%dma_start3A_52, %dma_start3A_54] : memref<3x40xi32, #tpu.memory_space<vmem>> -> memref<1x40xi32, #tpu.memory_space<vmem>>
    %dma_start3A_56 = tpu.memref_squeeze %dma_start3A_55 : memref<1x40xi32, #tpu.memory_space<vmem>> -> memref<40xi32, #tpu.memory_space<vmem>>
    %dma_start3A_57 = tpu.memref_slice %arg5[%add3A_51] : memref<160000xi32, #tpu.memory_space<hbm>> -> memref<40xi32, #tpu.memory_space<hbm>>
    %dma_start3A_58 = tpu.memref_slice %arg14[%dma_start3A_53] : memref<3x!tpu.dma_semaphore, #tpu.memory_space<semaphore_mem>> -> memref<1x!tpu.dma_semaphore, #tpu.memory_space<semaphore_mem>>
    %dma_start3A_59 = tpu.memref_squeeze %dma_start3A_58 : memref<1x!tpu.dma_semaphore, #tpu.memory_space<semaphore_mem>> -> memref<!tpu.dma_semaphore, #tpu.memory_space<semaphore_mem>>
    %dma_start3A_60 = arith.constant 0 : i32
    %dma_start3A_61 = tpu.memref_slice %arg9[%dma_start3A_52, %dma_start3A_60] : memref<3x40xi32, #tpu.memory_space<vmem>> -> memref<1x40xi32, #tpu.memory_space<vmem>>
    %dma_start3A_62 = tpu.memref_squeeze %dma_start3A_61 : memref<1x40xi32, #tpu.memory_space<vmem>> -> memref<40xi32, #tpu.memory_space<vmem>>
    %dma_start3A_63 = tpu.memref_slice %arg5[%add3A_51] : memref<160000xi32, #tpu.memory_space<hbm>> -> memref<40xi32, #tpu.memory_space<hbm>>
    tpu.enqueue_dma source(%dma_start3A_63 : memref<40xi32, #tpu.memory_space<hbm>>) target(%dma_start3A_62 : memref<40xi32, #tpu.memory_space<vmem>>) target_semaphore(%dma_start3A_59 : memref<!tpu.dma_semaphore, #tpu.memory_space<semaphore_mem>>)
    %add3A_64 = arith.constant 80 : i32
    %add3A_65 = arith.addi %add3A_4, %add3A_64 : i32
    %dma_start3A_66 = arith.constant 2 : i32
    %dma_start3A_67 = arith.constant 2 : i32
    %dma_start3A_68 = arith.constant 0 : i32
    %dma_start3A_69 = tpu.memref_slice %arg8[%dma_start3A_66, %dma_start3A_68] : memref<3x40xi32, #tpu.memory_space<vmem>> -> memref<1x40xi32, #tpu.memory_space<vmem>>
    %dma_start3A_70 = tpu.memref_squeeze %dma_start3A_69 : memref<1x40xi32, #tpu.memory_space<vmem>> -> memref<40xi32, #tpu.memory_space<vmem>>
    %dma_start3A_71 = tpu.memref_slice %arg4[%add3A_65] : memref<160000xi32, #tpu.memory_space<hbm>> -> memref<40xi32, #tpu.memory_space<hbm>>
    %dma_start3A_72 = tpu.memref_slice %arg13[%dma_start3A_67] : memref<3x!tpu.dma_semaphore, #tpu.memory_space<semaphore_mem>> -> memref<1x!tpu.dma_semaphore, #tpu.memory_space<semaphore_mem>>
    %dma_start3A_73 = tpu.memref_squeeze %dma_start3A_72 : memref<1x!tpu.dma_semaphore, #tpu.memory_space<semaphore_mem>> -> memref<!tpu.dma_semaphore, #tpu.memory_space<semaphore_mem>>
    %dma_start3A_74 = arith.constant 0 : i32
    %dma_start3A_75 = tpu.memref_slice %arg8[%dma_start3A_66, %dma_start3A_74] : memref<3x40xi32, #tpu.memory_space<vmem>> -> memref<1x40xi32, #tpu.memory_space<vmem>>
    %dma_start3A_76 = tpu.memref_squeeze %dma_start3A_75 : memref<1x40xi32, #tpu.memory_space<vmem>> -> memref<40xi32, #tpu.memory_space<vmem>>
    %dma_start3A_77 = tpu.memref_slice %arg4[%add3A_65] : memref<160000xi32, #tpu.memory_space<hbm>> -> memref<40xi32, #tpu.memory_space<hbm>>
    tpu.enqueue_dma source(%dma_start3A_77 : memref<40xi32, #tpu.memory_space<hbm>>) target(%dma_start3A_76 : memref<40xi32, #tpu.memory_space<vmem>>) target_semaphore(%dma_start3A_73 : memref<!tpu.dma_semaphore, #tpu.memory_space<semaphore_mem>>)
    %add3A_78 = arith.constant 80 : i32
    %add3A_79 = arith.addi %add3A_4, %add3A_78 : i32
    %dma_start3A_80 = arith.constant 2 : i32
    %dma_start3A_81 = arith.constant 2 : i32
    %dma_start3A_82 = arith.constant 0 : i32
    %dma_start3A_83 = tpu.memref_slice %arg9[%dma_start3A_80, %dma_start3A_82] : memref<3x40xi32, #tpu.memory_space<vmem>> -> memref<1x40xi32, #tpu.memory_space<vmem>>
    %dma_start3A_84 = tpu.memref_squeeze %dma_start3A_83 : memref<1x40xi32, #tpu.memory_space<vmem>> -> memref<40xi32, #tpu.memory_space<vmem>>
    %dma_start3A_85 = tpu.memref_slice %arg5[%add3A_79] : memref<160000xi32, #tpu.memory_space<hbm>> -> memref<40xi32, #tpu.memory_space<hbm>>
    %dma_start3A_86 = tpu.memref_slice %arg14[%dma_start3A_81] : memref<3x!tpu.dma_semaphore, #tpu.memory_space<semaphore_mem>> -> memref<1x!tpu.dma_semaphore, #tpu.memory_space<semaphore_mem>>
    %dma_start3A_87 = tpu.memref_squeeze %dma_start3A_86 : memref<1x!tpu.dma_semaphore, #tpu.memory_space<semaphore_mem>> -> memref<!tpu.dma_semaphore, #tpu.memory_space<semaphore_mem>>
    %dma_start3A_88 = arith.constant 0 : i32
    %dma_start3A_89 = tpu.memref_slice %arg9[%dma_start3A_80, %dma_start3A_88] : memref<3x40xi32, #tpu.memory_space<vmem>> -> memref<1x40xi32, #tpu.memory_space<vmem>>
    %dma_start3A_90 = tpu.memref_squeeze %dma_start3A_89 : memref<1x40xi32, #tpu.memory_space<vmem>> -> memref<40xi32, #tpu.memory_space<vmem>>
    %dma_start3A_91 = tpu.memref_slice %arg5[%add3A_79] : memref<160000xi32, #tpu.memory_space<hbm>> -> memref<40xi32, #tpu.memory_space<hbm>>
    tpu.enqueue_dma source(%dma_start3A_91 : memref<40xi32, #tpu.memory_space<hbm>>) target(%dma_start3A_90 : memref<40xi32, #tpu.memory_space<vmem>>) target_semaphore(%dma_start3A_87 : memref<!tpu.dma_semaphore, #tpu.memory_space<semaphore_mem>>)
    %dma_wait3A = arith.constant 0 : i32
    %dma_wait3A_92 = arith.constant 0 : i32
    %dma_wait3A_93 = arith.constant 0 : i32
    %dma_wait3A_94 = tpu.memref_slice %arg8[%dma_wait3A, %dma_wait3A_93] : memref<3x40xi32, #tpu.memory_space<vmem>> -> memref<1x40xi32, #tpu.memory_space<vmem>>
    %dma_wait3A_95 = tpu.memref_squeeze %dma_wait3A_94 : memref<1x40xi32, #tpu.memory_space<vmem>> -> memref<40xi32, #tpu.memory_space<vmem>>
    %dma_wait3A_96 = arith.constant 0 : i32
    %dma_wait3A_97 = tpu.memref_slice %arg4[%dma_wait3A_96] : memref<160000xi32, #tpu.memory_space<hbm>> -> memref<40xi32, #tpu.memory_space<hbm>>
    %dma_wait3A_98 = tpu.memref_slice %arg13[%dma_wait3A_92] : memref<3x!tpu.dma_semaphore, #tpu.memory_space<semaphore_mem>> -> memref<1x!tpu.dma_semaphore, #tpu.memory_space<semaphore_mem>>
    %dma_wait3A_99 = tpu.memref_squeeze %dma_wait3A_98 : memref<1x!tpu.dma_semaphore, #tpu.memory_space<semaphore_mem>> -> memref<!tpu.dma_semaphore, #tpu.memory_space<semaphore_mem>>
    %dma_wait3A_100 = arith.constant 0 : i32
    %dma_wait3A_101 = tpu.memref_slice %arg8[%dma_wait3A, %dma_wait3A_100] : memref<3x40xi32, #tpu.memory_space<vmem>> -> memref<1x40xi32, #tpu.memory_space<vmem>>
    %dma_wait3A_102 = tpu.memref_squeeze %dma_wait3A_101 : memref<1x40xi32, #tpu.memory_space<vmem>> -> memref<40xi32, #tpu.memory_space<vmem>>
    %dma_wait3A_103 = arith.constant 0 : i32
    %dma_wait3A_104 = tpu.memref_slice %arg4[%dma_wait3A_103] : memref<160000xi32, #tpu.memory_space<hbm>> -> memref<40xi32, #tpu.memory_space<hbm>>
    tpu.wait_dma2 semaphore(%dma_wait3A_99 : memref<!tpu.dma_semaphore, #tpu.memory_space<semaphore_mem>>) src(%dma_wait3A_104 : memref<40xi32, #tpu.memory_space<hbm>>) dst(%dma_wait3A_102 : memref<40xi32, #tpu.memory_space<vmem>>)
    %dma_wait3A_105 = arith.constant 0 : i32
    %dma_wait3A_106 = arith.constant 0 : i32
    %dma_wait3A_107 = arith.constant 0 : i32
    %dma_wait3A_108 = tpu.memref_slice %arg9[%dma_wait3A_105, %dma_wait3A_107] : memref<3x40xi32, #tpu.memory_space<vmem>> -> memref<1x40xi32, #tpu.memory_space<vmem>>
    %dma_wait3A_109 = tpu.memref_squeeze %dma_wait3A_108 : memref<1x40xi32, #tpu.memory_space<vmem>> -> memref<40xi32, #tpu.memory_space<vmem>>
    %dma_wait3A_110 = arith.constant 0 : i32
    %dma_wait3A_111 = tpu.memref_slice %arg4[%dma_wait3A_110] : memref<160000xi32, #tpu.memory_space<hbm>> -> memref<40xi32, #tpu.memory_space<hbm>>
    %dma_wait3A_112 = tpu.memref_slice %arg14[%dma_wait3A_106] : memref<3x!tpu.dma_semaphore, #tpu.memory_space<semaphore_mem>> -> memref<1x!tpu.dma_semaphore, #tpu.memory_space<semaphore_mem>>
    %dma_wait3A_113 = tpu.memref_squeeze %dma_wait3A_112 : memref<1x!tpu.dma_semaphore, #tpu.memory_space<semaphore_mem>> -> memref<!tpu.dma_semaphore, #tpu.memory_space<semaphore_mem>>
    %dma_wait3A_114 = arith.constant 0 : i32
    %dma_wait3A_115 = tpu.memref_slice %arg9[%dma_wait3A_105, %dma_wait3A_114] : memref<3x40xi32, #tpu.memory_space<vmem>> -> memref<1x40xi32, #tpu.memory_space<vmem>>
    %dma_wait3A_116 = tpu.memref_squeeze %dma_wait3A_115 : memref<1x40xi32, #tpu.memory_space<vmem>> -> memref<40xi32, #tpu.memory_space<vmem>>
    %dma_wait3A_117 = arith.constant 0 : i32
    %dma_wait3A_118 = tpu.memref_slice %arg4[%dma_wait3A_117] : memref<160000xi32, #tpu.memory_space<hbm>> -> memref<40xi32, #tpu.memory_space<hbm>>
    tpu.wait_dma2 semaphore(%dma_wait3A_113 : memref<!tpu.dma_semaphore, #tpu.memory_space<semaphore_mem>>) src(%dma_wait3A_118 : memref<40xi32, #tpu.memory_space<hbm>>) dst(%dma_wait3A_116 : memref<40xi32, #tpu.memory_space<vmem>>)
    %dma_start3A_119 = arith.constant 0 : i32
    %dma_start3A_120 = arith.constant 0 : i32
    %dma_start3A_121 = arith.constant 0 : i32
    %dma_start3A_122 = arith.constant 0 : i32
    %dma_start3A_123 = arith.constant 0 : i32
    %dma_start3A_124 = tpu.memref_slice %arg10[%dma_start3A_120, %dma_start3A_122, %dma_start3A_123] : memref<3x40x128xf32, #tpu.memory_space<vmem>> -> memref<1x40x128xf32, #tpu.memory_space<vmem>>
    %dma_start3A_125 = tpu.memref_squeeze %dma_start3A_124 : memref<1x40x128xf32, #tpu.memory_space<vmem>> -> memref<40x128xf32, #tpu.memory_space<vmem>>
    %dma_start3A_126 = arith.constant 0 : i32
    %dma_start3A_127 = tpu.memref_slice %arg8[%dma_start3A_119, %dma_start3A_126] : memref<3x40xi32, #tpu.memory_space<vmem>> -> memref<1x40xi32, #tpu.memory_space<vmem>>
    %dma_start3A_128 = tpu.memref_squeeze %dma_start3A_127 : memref<1x40xi32, #tpu.memory_space<vmem>> -> memref<40xi32, #tpu.memory_space<vmem>>
    %dma_start3A_129 = arith.constant 0 : i32
    %dma_start3A_130 = arith.constant 0 : i32
    %dma_start3A_131 = tpu.memref_slice %arg2[%dma_start3A_129, %dma_start3A_130] : memref<10000x128xf32, #tpu.memory_space<hbm>> -> memref<10000x128xf32, #tpu.memory_space<hbm>>
    %dma_start3A_132 = tpu.memref_slice %arg15[%dma_start3A_121] : memref<3x!tpu.dma_semaphore, #tpu.memory_space<semaphore_mem>> -> memref<1x!tpu.dma_semaphore, #tpu.memory_space<semaphore_mem>>
    %dma_start3A_133 = tpu.memref_squeeze %dma_start3A_132 : memref<1x!tpu.dma_semaphore, #tpu.memory_space<semaphore_mem>> -> memref<!tpu.dma_semaphore, #tpu.memory_space<semaphore_mem>>
    tpu.enqueue_indirect_dma source(%dma_start3A_131 : memref<10000x128xf32, #tpu.memory_space<hbm>>) target(%dma_start3A_125 : memref<40x128xf32, #tpu.memory_space<vmem>>) offsets(%dma_start3A_128 : memref<40xi32, #tpu.memory_space<vmem>>) semaphore(%dma_start3A_133 : memref<!tpu.dma_semaphore, #tpu.memory_space<semaphore_mem>>)
    %add3A_134 = arith.constant 0 : i32
    %add3A_135 = arith.addi %mul3A_2, %add3A_134 : i32
    %dma_start3A_136 = arith.constant 0 : i32
    %dma_start3A_137 = arith.constant 0 : i32
    %dma_start3A_138 = arith.constant 0 : i32
    %dma_start3A_139 = arith.constant 0 : i32
    %dma_start3A_140 = tpu.memref_slice %arg11[%dma_start3A_136, %dma_start3A_138, %dma_start3A_139] : memref<3x40x128xf32, #tpu.memory_space<vmem>> -> memref<1x40x128xf32, #tpu.memory_space<vmem>>
    %dma_start3A_141 = tpu.memref_squeeze %dma_start3A_140 : memref<1x40x128xf32, #tpu.memory_space<vmem>> -> memref<40x128xf32, #tpu.memory_space<vmem>>
    %dma_start3A_142 = arith.constant 0 : i32
    %dma_start3A_143 = tpu.memref_slice %arg3[%add3A_135, %dma_start3A_142] : memref<32000x128xf32, #tpu.memory_space<hbm>> -> memref<40x128xf32, #tpu.memory_space<hbm>>
    %dma_start3A_144 = tpu.memref_slice %arg16[%dma_start3A_137] : memref<3x!tpu.dma_semaphore, #tpu.memory_space<semaphore_mem>> -> memref<1x!tpu.dma_semaphore, #tpu.memory_space<semaphore_mem>>
    %dma_start3A_145 = tpu.memref_squeeze %dma_start3A_144 : memref<1x!tpu.dma_semaphore, #tpu.memory_space<semaphore_mem>> -> memref<!tpu.dma_semaphore, #tpu.memory_space<semaphore_mem>>
    %dma_start3A_146 = arith.constant 0 : i32
    %dma_start3A_147 = arith.constant 0 : i32
    %dma_start3A_148 = tpu.memref_slice %arg11[%dma_start3A_136, %dma_start3A_146, %dma_start3A_147] : memref<3x40x128xf32, #tpu.memory_space<vmem>> -> memref<1x40x128xf32, #tpu.memory_space<vmem>>
    %dma_start3A_149 = tpu.memref_squeeze %dma_start3A_148 : memref<1x40x128xf32, #tpu.memory_space<vmem>> -> memref<40x128xf32, #tpu.memory_space<vmem>>
    %dma_start3A_150 = arith.constant 0 : i32
    %dma_start3A_151 = tpu.memref_slice %arg3[%add3A_135, %dma_start3A_150] : memref<32000x128xf32, #tpu.memory_space<hbm>> -> memref<40x128xf32, #tpu.memory_space<hbm>>
    tpu.enqueue_dma source(%dma_start3A_151 : memref<40x128xf32, #tpu.memory_space<hbm>>) target(%dma_start3A_149 : memref<40x128xf32, #tpu.memory_space<vmem>>) target_semaphore(%dma_start3A_145 : memref<!tpu.dma_semaphore, #tpu.memory_space<semaphore_mem>>)
    %scan3A = arith.constant 0 : i32
    %scan3A_152 = arith.constant 0 : i32
    %scan3A_153 = arith.constant 25 : i32
    %scan3A_154 = arith.addi %scan3A_152, %scan3A_153 : i32
    %scan3A_155 = arith.constant 1 : i32
    %scan3A_156 = scf.for %scan3A_179 = %scan3A_152 to %scan3A_154 step %scan3A_155 iter_args(%scan3A_180 = %scan3A) -> (i32)  : i32 {
      %rem3A = arith.constant 3 : i32
      %rem3A_181 = arith.remsi %scan3A_179, %rem3A : i32
      %add3A_182 = arith.constant 1 : i32
      %add3A_183 = arith.addi %scan3A_179, %add3A_182 : i32
      %rem3A_184 = arith.constant 3 : i32
      %rem3A_185 = arith.remsi %add3A_183, %rem3A_184 : i32
      %add3A_186 = arith.constant 1 : i32
      %add3A_187 = arith.addi %scan3A_179, %add3A_186 : i32
      %lt3A = arith.constant 25 : i32
      %lt3A_188 = arith.cmpi slt, %add3A_187, %lt3A : i32
      %convert_element_type3A = arith.extui %lt3A_188 : i1 to i32
      %cond3A = arith.constant 0 : i32
      %cond3A_189 = arith.cmpi ne, %convert_element_type3A, %cond3A : i32
      scf.if %cond3A_189 {
        %dma_wait3A_241 = arith.constant 0 : i32
        %dma_wait3A_242 = tpu.memref_slice %arg8[%rem3A_185, %dma_wait3A_241] : memref<3x40xi32, #tpu.memory_space<vmem>> -> memref<1x40xi32, #tpu.memory_space<vmem>>
        %dma_wait3A_243 = tpu.memref_squeeze %dma_wait3A_242 : memref<1x40xi32, #tpu.memory_space<vmem>> -> memref<40xi32, #tpu.memory_space<vmem>>
        %dma_wait3A_244 = arith.constant 0 : i32
        %dma_wait3A_245 = tpu.memref_slice %arg4[%dma_wait3A_244] : memref<160000xi32, #tpu.memory_space<hbm>> -> memref<40xi32, #tpu.memory_space<hbm>>
        %dma_wait3A_246 = tpu.memref_slice %arg13[%rem3A_185] : memref<3x!tpu.dma_semaphore, #tpu.memory_space<semaphore_mem>> -> memref<1x!tpu.dma_semaphore, #tpu.memory_space<semaphore_mem>>
        %dma_wait3A_247 = tpu.memref_squeeze %dma_wait3A_246 : memref<1x!tpu.dma_semaphore, #tpu.memory_space<semaphore_mem>> -> memref<!tpu.dma_semaphore, #tpu.memory_space<semaphore_mem>>
        %dma_wait3A_248 = arith.constant 0 : i32
        %dma_wait3A_249 = tpu.memref_slice %arg8[%rem3A_185, %dma_wait3A_248] : memref<3x40xi32, #tpu.memory_space<vmem>> -> memref<1x40xi32, #tpu.memory_space<vmem>>
        %dma_wait3A_250 = tpu.memref_squeeze %dma_wait3A_249 : memref<1x40xi32, #tpu.memory_space<vmem>> -> memref<40xi32, #tpu.memory_space<vmem>>
        %dma_wait3A_251 = arith.constant 0 : i32
        %dma_wait3A_252 = tpu.memref_slice %arg4[%dma_wait3A_251] : memref<160000xi32, #tpu.memory_space<hbm>> -> memref<40xi32, #tpu.memory_space<hbm>>
        tpu.wait_dma2 semaphore(%dma_wait3A_247 : memref<!tpu.dma_semaphore, #tpu.memory_space<semaphore_mem>>) src(%dma_wait3A_252 : memref<40xi32, #tpu.memory_space<hbm>>) dst(%dma_wait3A_250 : memref<40xi32, #tpu.memory_space<vmem>>)
        %dma_wait3A_253 = arith.constant 0 : i32
        %dma_wait3A_254 = tpu.memref_slice %arg9[%rem3A_185, %dma_wait3A_253] : memref<3x40xi32, #tpu.memory_space<vmem>> -> memref<1x40xi32, #tpu.memory_space<vmem>>
        %dma_wait3A_255 = tpu.memref_squeeze %dma_wait3A_254 : memref<1x40xi32, #tpu.memory_space<vmem>> -> memref<40xi32, #tpu.memory_space<vmem>>
        %dma_wait3A_256 = arith.constant 0 : i32
        %dma_wait3A_257 = tpu.memref_slice %arg4[%dma_wait3A_256] : memref<160000xi32, #tpu.memory_space<hbm>> -> memref<40xi32, #tpu.memory_space<hbm>>
        %dma_wait3A_258 = tpu.memref_slice %arg14[%rem3A_185] : memref<3x!tpu.dma_semaphore, #tpu.memory_space<semaphore_mem>> -> memref<1x!tpu.dma_semaphore, #tpu.memory_space<semaphore_mem>>
        %dma_wait3A_259 = tpu.memref_squeeze %dma_wait3A_258 : memref<1x!tpu.dma_semaphore, #tpu.memory_space<semaphore_mem>> -> memref<!tpu.dma_semaphore, #tpu.memory_space<semaphore_mem>>
        %dma_wait3A_260 = arith.constant 0 : i32
        %dma_wait3A_261 = tpu.memref_slice %arg9[%rem3A_185, %dma_wait3A_260] : memref<3x40xi32, #tpu.memory_space<vmem>> -> memref<1x40xi32, #tpu.memory_space<vmem>>
        %dma_wait3A_262 = tpu.memref_squeeze %dma_wait3A_261 : memref<1x40xi32, #tpu.memory_space<vmem>> -> memref<40xi32, #tpu.memory_space<vmem>>
        %dma_wait3A_263 = arith.constant 0 : i32
        %dma_wait3A_264 = tpu.memref_slice %arg4[%dma_wait3A_263] : memref<160000xi32, #tpu.memory_space<hbm>> -> memref<40xi32, #tpu.memory_space<hbm>>
        tpu.wait_dma2 semaphore(%dma_wait3A_259 : memref<!tpu.dma_semaphore, #tpu.memory_space<semaphore_mem>>) src(%dma_wait3A_264 : memref<40xi32, #tpu.memory_space<hbm>>) dst(%dma_wait3A_262 : memref<40xi32, #tpu.memory_space<vmem>>)
        %add3A_265 = arith.constant 1 : i32
        %add3A_266 = arith.addi %scan3A_179, %add3A_265 : i32
        %dma_start3A_267 = arith.constant 0 : i32
        %dma_start3A_268 = arith.constant 0 : i32
        %dma_start3A_269 = tpu.memref_slice %arg10[%rem3A_185, %dma_start3A_267, %dma_start3A_268] : memref<3x40x128xf32, #tpu.memory_space<vmem>> -> memref<1x40x128xf32, #tpu.memory_space<vmem>>
        %dma_start3A_270 = tpu.memref_squeeze %dma_start3A_269 : memref<1x40x128xf32, #tpu.memory_space<vmem>> -> memref<40x128xf32, #tpu.memory_space<vmem>>
        %dma_start3A_271 = arith.constant 0 : i32
        %dma_start3A_272 = tpu.memref_slice %arg8[%rem3A_185, %dma_start3A_271] : memref<3x40xi32, #tpu.memory_space<vmem>> -> memref<1x40xi32, #tpu.memory_space<vmem>>
        %dma_start3A_273 = tpu.memref_squeeze %dma_start3A_272 : memref<1x40xi32, #tpu.memory_space<vmem>> -> memref<40xi32, #tpu.memory_space<vmem>>
        %dma_start3A_274 = arith.constant 0 : i32
        %dma_start3A_275 = arith.constant 0 : i32
        %dma_start3A_276 = tpu.memref_slice %arg2[%dma_start3A_274, %dma_start3A_275] : memref<10000x128xf32, #tpu.memory_space<hbm>> -> memref<10000x128xf32, #tpu.memory_space<hbm>>
        %dma_start3A_277 = tpu.memref_slice %arg15[%rem3A_185] : memref<3x!tpu.dma_semaphore, #tpu.memory_space<semaphore_mem>> -> memref<1x!tpu.dma_semaphore, #tpu.memory_space<semaphore_mem>>
        %dma_start3A_278 = tpu.memref_squeeze %dma_start3A_277 : memref<1x!tpu.dma_semaphore, #tpu.memory_space<semaphore_mem>> -> memref<!tpu.dma_semaphore, #tpu.memory_space<semaphore_mem>>
        tpu.enqueue_indirect_dma source(%dma_start3A_276 : memref<10000x128xf32, #tpu.memory_space<hbm>>) target(%dma_start3A_270 : memref<40x128xf32, #tpu.memory_space<vmem>>) offsets(%dma_start3A_273 : memref<40xi32, #tpu.memory_space<vmem>>) semaphore(%dma_start3A_278 : memref<!tpu.dma_semaphore, #tpu.memory_space<semaphore_mem>>)
        %mul3A_279 = arith.constant 40 : i32
        %mul3A_280 = arith.muli %add3A_266, %mul3A_279 : i32
        %add3A_281 = arith.addi %mul3A_2, %mul3A_280 : i32
        %dma_start3A_282 = arith.constant 0 : i32
        %dma_start3A_283 = arith.constant 0 : i32
        %dma_start3A_284 = tpu.memref_slice %arg11[%rem3A_185, %dma_start3A_282, %dma_start3A_283] : memref<3x40x128xf32, #tpu.memory_space<vmem>> -> memref<1x40x128xf32, #tpu.memory_space<vmem>>
        %dma_start3A_285 = tpu.memref_squeeze %dma_start3A_284 : memref<1x40x128xf32, #tpu.memory_space<vmem>> -> memref<40x128xf32, #tpu.memory_space<vmem>>
        %dma_start3A_286 = arith.constant 0 : i32
        %dma_start3A_287 = tpu.memref_slice %arg3[%add3A_281, %dma_start3A_286] : memref<32000x128xf32, #tpu.memory_space<hbm>> -> memref<40x128xf32, #tpu.memory_space<hbm>>
        %dma_start3A_288 = tpu.memref_slice %arg16[%rem3A_185] : memref<3x!tpu.dma_semaphore, #tpu.memory_space<semaphore_mem>> -> memref<1x!tpu.dma_semaphore, #tpu.memory_space<semaphore_mem>>
        %dma_start3A_289 = tpu.memref_squeeze %dma_start3A_288 : memref<1x!tpu.dma_semaphore, #tpu.memory_space<semaphore_mem>> -> memref<!tpu.dma_semaphore, #tpu.memory_space<semaphore_mem>>
        %dma_start3A_290 = arith.constant 0 : i32
        %dma_start3A_291 = arith.constant 0 : i32
        %dma_start3A_292 = tpu.memref_slice %arg11[%rem3A_185, %dma_start3A_290, %dma_start3A_291] : memref<3x40x128xf32, #tpu.memory_space<vmem>> -> memref<1x40x128xf32, #tpu.memory_space<vmem>>
        %dma_start3A_293 = tpu.memref_squeeze %dma_start3A_292 : memref<1x40x128xf32, #tpu.memory_space<vmem>> -> memref<40x128xf32, #tpu.memory_space<vmem>>
        %dma_start3A_294 = arith.constant 0 : i32
        %dma_start3A_295 = tpu.memref_slice %arg3[%add3A_281, %dma_start3A_294] : memref<32000x128xf32, #tpu.memory_space<hbm>> -> memref<40x128xf32, #tpu.memory_space<hbm>>
        tpu.enqueue_dma source(%dma_start3A_295 : memref<40x128xf32, #tpu.memory_space<hbm>>) target(%dma_start3A_293 : memref<40x128xf32, #tpu.memory_space<vmem>>) target_semaphore(%dma_start3A_289 : memref<!tpu.dma_semaphore, #tpu.memory_space<semaphore_mem>>)
      } else {
      }
      %dma_wait3A_190 = arith.constant 0 : i32
      %dma_wait3A_191 = arith.constant 0 : i32
      %dma_wait3A_192 = tpu.memref_slice %arg10[%rem3A_181, %dma_wait3A_190, %dma_wait3A_191] : memref<3x40x128xf32, #tpu.memory_space<vmem>> -> memref<1x40x128xf32, #tpu.memory_space<vmem>>
      %dma_wait3A_193 = tpu.memref_squeeze %dma_wait3A_192 : memref<1x40x128xf32, #tpu.memory_space<vmem>> -> memref<40x128xf32, #tpu.memory_space<vmem>>
      %dma_wait3A_194 = arith.constant 0 : i32
      %dma_wait3A_195 = arith.constant 0 : i32
      %dma_wait3A_196 = tpu.memref_slice %arg3[%dma_wait3A_194, %dma_wait3A_195] : memref<32000x128xf32, #tpu.memory_space<hbm>> -> memref<40x128xf32, #tpu.memory_space<hbm>>
      %dma_wait3A_197 = tpu.memref_slice %arg15[%rem3A_181] : memref<3x!tpu.dma_semaphore, #tpu.memory_space<semaphore_mem>> -> memref<1x!tpu.dma_semaphore, #tpu.memory_space<semaphore_mem>>
      %dma_wait3A_198 = tpu.memref_squeeze %dma_wait3A_197 : memref<1x!tpu.dma_semaphore, #tpu.memory_space<semaphore_mem>> -> memref<!tpu.dma_semaphore, #tpu.memory_space<semaphore_mem>>
      %dma_wait3A_199 = arith.constant 0 : i32
      %dma_wait3A_200 = arith.constant 0 : i32
      %dma_wait3A_201 = tpu.memref_slice %arg10[%rem3A_181, %dma_wait3A_199, %dma_wait3A_200] : memref<3x40x128xf32, #tpu.memory_space<vmem>> -> memref<1x40x128xf32, #tpu.memory_space<vmem>>
      %dma_wait3A_202 = tpu.memref_squeeze %dma_wait3A_201 : memref<1x40x128xf32, #tpu.memory_space<vmem>> -> memref<40x128xf32, #tpu.memory_space<vmem>>
      %dma_wait3A_203 = arith.constant 0 : i32
      %dma_wait3A_204 = arith.constant 0 : i32
      %dma_wait3A_205 = tpu.memref_slice %arg3[%dma_wait3A_203, %dma_wait3A_204] : memref<32000x128xf32, #tpu.memory_space<hbm>> -> memref<40x128xf32, #tpu.memory_space<hbm>>
      tpu.wait_dma2 semaphore(%dma_wait3A_198 : memref<!tpu.dma_semaphore, #tpu.memory_space<semaphore_mem>>) src(%dma_wait3A_205 : memref<40x128xf32, #tpu.memory_space<hbm>>) dst(%dma_wait3A_202 : memref<40x128xf32, #tpu.memory_space<vmem>>)
      %dma_wait3A_206 = arith.constant 0 : i32
      %dma_wait3A_207 = arith.constant 0 : i32
      %dma_wait3A_208 = tpu.memref_slice %arg11[%rem3A_181, %dma_wait3A_206, %dma_wait3A_207] : memref<3x40x128xf32, #tpu.memory_space<vmem>> -> memref<1x40x128xf32, #tpu.memory_space<vmem>>
      %dma_wait3A_209 = tpu.memref_squeeze %dma_wait3A_208 : memref<1x40x128xf32, #tpu.memory_space<vmem>> -> memref<40x128xf32, #tpu.memory_space<vmem>>
      %dma_wait3A_210 = arith.constant 0 : i32
      %dma_wait3A_211 = arith.constant 0 : i32
      %dma_wait3A_212 = tpu.memref_slice %arg3[%dma_wait3A_210, %dma_wait3A_211] : memref<32000x128xf32, #tpu.memory_space<hbm>> -> memref<40x128xf32, #tpu.memory_space<hbm>>
      %dma_wait3A_213 = tpu.memref_slice %arg16[%rem3A_181] : memref<3x!tpu.dma_semaphore, #tpu.memory_space<semaphore_mem>> -> memref<1x!tpu.dma_semaphore, #tpu.memory_space<semaphore_mem>>
      %dma_wait3A_214 = tpu.memref_squeeze %dma_wait3A_213 : memref<1x!tpu.dma_semaphore, #tpu.memory_space<semaphore_mem>> -> memref<!tpu.dma_semaphore, #tpu.memory_space<semaphore_mem>>
      %dma_wait3A_215 = arith.constant 0 : i32
      %dma_wait3A_216 = arith.constant 0 : i32
      %dma_wait3A_217 = tpu.memref_slice %arg11[%rem3A_181, %dma_wait3A_215, %dma_wait3A_216] : memref<3x40x128xf32, #tpu.memory_space<vmem>> -> memref<1x40x128xf32, #tpu.memory_space<vmem>>
      %dma_wait3A_218 = tpu.memref_squeeze %dma_wait3A_217 : memref<1x40x128xf32, #tpu.memory_space<vmem>> -> memref<40x128xf32, #tpu.memory_space<vmem>>
      %dma_wait3A_219 = arith.constant 0 : i32
      %dma_wait3A_220 = arith.constant 0 : i32
      %dma_wait3A_221 = tpu.memref_slice %arg3[%dma_wait3A_219, %dma_wait3A_220] : memref<32000x128xf32, #tpu.memory_space<hbm>> -> memref<40x128xf32, #tpu.memory_space<hbm>>
      tpu.wait_dma2 semaphore(%dma_wait3A_214 : memref<!tpu.dma_semaphore, #tpu.memory_space<semaphore_mem>>) src(%dma_wait3A_221 : memref<40x128xf32, #tpu.memory_space<hbm>>) dst(%dma_wait3A_218 : memref<40x128xf32, #tpu.memory_space<vmem>>)
      %parallel_loop3A = arith.constant 0 : i32
      %parallel_loop3A_222 = arith.constant 40 : i32
      %parallel_loop3A_223 = arith.constant 1 : i32
      scf.for %parallel_loop3A_241 = %parallel_loop3A to %parallel_loop3A_222 step %parallel_loop3A_223  : i32 {
        %parallel_loop3A_242 = arith.constant 0 : i32
        %parallel_loop3A_243 = arith.constant 0 : i32
        %parallel_loop3A_244 = tpu.memref_slice %arg10[%rem3A_181, %parallel_loop3A_242, %parallel_loop3A_243] : memref<3x40x128xf32, #tpu.memory_space<vmem>> -> memref<1x40x128xf32, #tpu.memory_space<vmem>>
        %parallel_loop3A_245 = tpu.memref_squeeze %parallel_loop3A_244 : memref<1x40x128xf32, #tpu.memory_space<vmem>> -> memref<40x128xf32, #tpu.memory_space<vmem>>
        %parallel_loop3A_246 = arith.index_cast %parallel_loop3A_241 : i32 to index
        %parallel_loop3A_247 = arith.constant 0 : index
        %parallel_loop3A_248 = tpu.vector_load %parallel_loop3A_245[%parallel_loop3A_246, %parallel_loop3A_247] {strides = array<i32>} : memref<40x128xf32, #tpu.memory_space<vmem>>, vector<1x16xf32>,
        %parallel_loop3A_249 = vector.shape_cast %parallel_loop3A_248 : vector<1x16xf32> to vector<16xf32>
        %parallel_loop3A_250 = arith.constant 0 : i32
        %parallel_loop3A_251 = arith.constant 0 : i32
        %parallel_loop3A_252 = tpu.memref_slice %arg11[%rem3A_181, %parallel_loop3A_250, %parallel_loop3A_251] : memref<3x40x128xf32, #tpu.memory_space<vmem>> -> memref<1x40x128xf32, #tpu.memory_space<vmem>>
        %parallel_loop3A_253 = tpu.memref_squeeze %parallel_loop3A_252 : memref<1x40x128xf32, #tpu.memory_space<vmem>> -> memref<40x128xf32, #tpu.memory_space<vmem>>
        %parallel_loop3A_254 = arith.index_cast %parallel_loop3A_241 : i32 to index
        %parallel_loop3A_255 = arith.constant 0 : index
        %parallel_loop3A_256 = tpu.vector_load %parallel_loop3A_253[%parallel_loop3A_254, %parallel_loop3A_255] {strides = array<i32>} : memref<40x128xf32, #tpu.memory_space<vmem>>, vector<1x16xf32>,
        %parallel_loop3A_257 = vector.shape_cast %parallel_loop3A_256 : vector<1x16xf32> to vector<16xf32>
        %parallel_loop3A_258 = arith.mulf %parallel_loop3A_249, %parallel_loop3A_257 : vector<16xf32>
        %parallel_loop3A_259 = arith.constant 0 : i32
        %parallel_loop3A_260 = arith.constant 0 : i32
        %parallel_loop3A_261 = tpu.memref_slice %arg10[%rem3A_181, %parallel_loop3A_259, %parallel_loop3A_260] : memref<3x40x128xf32, #tpu.memory_space<vmem>> -> memref<1x40x128xf32, #tpu.memory_space<vmem>>
        %parallel_loop3A_262 = tpu.memref_squeeze %parallel_loop3A_261 : memref<1x40x128xf32, #tpu.memory_space<vmem>> -> memref<40x128xf32, #tpu.memory_space<vmem>>
        %parallel_loop3A_263 = arith.index_cast %parallel_loop3A_241 : i32 to index
        %parallel_loop3A_264 = arith.constant 0 : index
        %parallel_loop3A_265 = tpu.vector_load %parallel_loop3A_262[%parallel_loop3A_263, %parallel_loop3A_264] {strides = array<i32>} : memref<40x128xf32, #tpu.memory_space<vmem>>, vector<1x16xf32>,
        %parallel_loop3A_266 = vector.shape_cast %parallel_loop3A_265 : vector<1x16xf32> to vector<16xf32>
        %parallel_loop3A_267 = vector.shape_cast %parallel_loop3A_258 : vector<16xf32> to vector<1x16xf32>
        tpu.vector_store %parallel_loop3A_262[%parallel_loop3A_263, %parallel_loop3A_264], %parallel_loop3A_267 {strides = array<i32>} : memref<40x128xf32, #tpu.memory_space<vmem>>, vector<1x16xf32>,
        %parallel_loop3A_268 = arith.constant 0 : i32
        %parallel_loop3A_269 = arith.constant 0 : i32
        %parallel_loop3A_270 = tpu.memref_slice %arg10[%rem3A_181, %parallel_loop3A_268, %parallel_loop3A_269] : memref<3x40x128xf32, #tpu.memory_space<vmem>> -> memref<1x40x128xf32, #tpu.memory_space<vmem>>
        %parallel_loop3A_271 = tpu.memref_squeeze %parallel_loop3A_270 : memref<1x40x128xf32, #tpu.memory_space<vmem>> -> memref<40x128xf32, #tpu.memory_space<vmem>>
        %parallel_loop3A_272 = arith.index_cast %parallel_loop3A_241 : i32 to index
        %parallel_loop3A_273 = arith.constant 16 : index
        %parallel_loop3A_274 = tpu.vector_load %parallel_loop3A_271[%parallel_loop3A_272, %parallel_loop3A_273] {strides = array<i32>} : memref<40x128xf32, #tpu.memory_space<vmem>>, vector<1x16xf32>,
        %parallel_loop3A_275 = vector.shape_cast %parallel_loop3A_274 : vector<1x16xf32> to vector<16xf32>
        %parallel_loop3A_276 = arith.constant 0 : i32
        %parallel_loop3A_277 = arith.constant 0 : i32
        %parallel_loop3A_278 = tpu.memref_slice %arg11[%rem3A_181, %parallel_loop3A_276, %parallel_loop3A_277] : memref<3x40x128xf32, #tpu.memory_space<vmem>> -> memref<1x40x128xf32, #tpu.memory_space<vmem>>
        %parallel_loop3A_279 = tpu.memref_squeeze %parallel_loop3A_278 : memref<1x40x128xf32, #tpu.memory_space<vmem>> -> memref<40x128xf32, #tpu.memory_space<vmem>>
        %parallel_loop3A_280 = arith.index_cast %parallel_loop3A_241 : i32 to index
        %parallel_loop3A_281 = arith.constant 16 : index
        %parallel_loop3A_282 = tpu.vector_load %parallel_loop3A_279[%parallel_loop3A_280, %parallel_loop3A_281] {strides = array<i32>} : memref<40x128xf32, #tpu.memory_space<vmem>>, vector<1x16xf32>,
        %parallel_loop3A_283 = vector.shape_cast %parallel_loop3A_282 : vector<1x16xf32> to vector<16xf32>
        %parallel_loop3A_284 = arith.mulf %parallel_loop3A_275, %parallel_loop3A_283 : vector<16xf32>
        %parallel_loop3A_285 = arith.constant 0 : i32
        %parallel_loop3A_286 = arith.constant 0 : i32
        %parallel_loop3A_287 = tpu.memref_slice %arg10[%rem3A_181, %parallel_loop3A_285, %parallel_loop3A_286] : memref<3x40x128xf32, #tpu.memory_space<vmem>> -> memref<1x40x128xf32, #tpu.memory_space<vmem>>
        %parallel_loop3A_288 = tpu.memref_squeeze %parallel_loop3A_287 : memref<1x40x128xf32, #tpu.memory_space<vmem>> -> memref<40x128xf32, #tpu.memory_space<vmem>>
        %parallel_loop3A_289 = arith.index_cast %parallel_loop3A_241 : i32 to index
        %parallel_loop3A_290 = arith.constant 16 : index
        %parallel_loop3A_291 = tpu.vector_load %parallel_loop3A_288[%parallel_loop3A_289, %parallel_loop3A_290] {strides = array<i32>} : memref<40x128xf32, #tpu.memory_space<vmem>>, vector<1x16xf32>,
        %parallel_loop3A_292 = vector.shape_cast %parallel_loop3A_291 : vector<1x16xf32> to vector<16xf32>
        %parallel_loop3A_293 = vector.shape_cast %parallel_loop3A_284 : vector<16xf32> to vector<1x16xf32>
        tpu.vector_store %parallel_loop3A_288[%parallel_loop3A_289, %parallel_loop3A_290], %parallel_loop3A_293 {strides = array<i32>} : memref<40x128xf32, #tpu.memory_space<vmem>>, vector<1x16xf32>,
        %parallel_loop3A_294 = arith.constant 0 : i32
        %parallel_loop3A_295 = arith.constant 0 : i32
        %parallel_loop3A_296 = tpu.memref_slice %arg10[%rem3A_181, %parallel_loop3A_294, %parallel_loop3A_295] : memref<3x40x128xf32, #tpu.memory_space<vmem>> -> memref<1x40x128xf32, #tpu.memory_space<vmem>>
        %parallel_loop3A_297 = tpu.memref_squeeze %parallel_loop3A_296 : memref<1x40x128xf32, #tpu.memory_space<vmem>> -> memref<40x128xf32, #tpu.memory_space<vmem>>
        %parallel_loop3A_298 = arith.index_cast %parallel_loop3A_241 : i32 to index
        %parallel_loop3A_299 = arith.constant 32 : index
        %parallel_loop3A_300 = tpu.vector_load %parallel_loop3A_297[%parallel_loop3A_298, %parallel_loop3A_299] {strides = array<i32>} : memref<40x128xf32, #tpu.memory_space<vmem>>, vector<1x16xf32>,
        %parallel_loop3A_301 = vector.shape_cast %parallel_loop3A_300 : vector<1x16xf32> to vector<16xf32>
        %parallel_loop3A_302 = arith.constant 0 : i32
        %parallel_loop3A_303 = arith.constant 0 : i32
        %parallel_loop3A_304 = tpu.memref_slice %arg11[%rem3A_181, %parallel_loop3A_302, %parallel_loop3A_303] : memref<3x40x128xf32, #tpu.memory_space<vmem>> -> memref<1x40x128xf32, #tpu.memory_space<vmem>>
        %parallel_loop3A_305 = tpu.memref_squeeze %parallel_loop3A_304 : memref<1x40x128xf32, #tpu.memory_space<vmem>> -> memref<40x128xf32, #tpu.memory_space<vmem>>
        %parallel_loop3A_306 = arith.index_cast %parallel_loop3A_241 : i32 to index
        %parallel_loop3A_307 = arith.constant 32 : index
        %parallel_loop3A_308 = tpu.vector_load %parallel_loop3A_305[%parallel_loop3A_306, %parallel_loop3A_307] {strides = array<i32>} : memref<40x128xf32, #tpu.memory_space<vmem>>, vector<1x16xf32>,
        %parallel_loop3A_309 = vector.shape_cast %parallel_loop3A_308 : vector<1x16xf32> to vector<16xf32>
        %parallel_loop3A_310 = arith.mulf %parallel_loop3A_301, %parallel_loop3A_309 : vector<16xf32>
        %parallel_loop3A_311 = arith.constant 0 : i32
        %parallel_loop3A_312 = arith.constant 0 : i32
        %parallel_loop3A_313 = tpu.memref_slice %arg10[%rem3A_181, %parallel_loop3A_311, %parallel_loop3A_312] : memref<3x40x128xf32, #tpu.memory_space<vmem>> -> memref<1x40x128xf32, #tpu.memory_space<vmem>>
        %parallel_loop3A_314 = tpu.memref_squeeze %parallel_loop3A_313 : memref<1x40x128xf32, #tpu.memory_space<vmem>> -> memref<40x128xf32, #tpu.memory_space<vmem>>
        %parallel_loop3A_315 = arith.index_cast %parallel_loop3A_241 : i32 to index
        %parallel_loop3A_316 = arith.constant 32 : index
        %parallel_loop3A_317 = tpu.vector_load %parallel_loop3A_314[%parallel_loop3A_315, %parallel_loop3A_316] {strides = array<i32>} : memref<40x128xf32, #tpu.memory_space<vmem>>, vector<1x16xf32>,
        %parallel_loop3A_318 = vector.shape_cast %parallel_loop3A_317 : vector<1x16xf32> to vector<16xf32>
        %parallel_loop3A_319 = vector.shape_cast %parallel_loop3A_310 : vector<16xf32> to vector<1x16xf32>
        tpu.vector_store %parallel_loop3A_314[%parallel_loop3A_315, %parallel_loop3A_316], %parallel_loop3A_319 {strides = array<i32>} : memref<40x128xf32, #tpu.memory_space<vmem>>, vector<1x16xf32>,
        %parallel_loop3A_320 = arith.constant 0 : i32
        %parallel_loop3A_321 = arith.constant 0 : i32
        %parallel_loop3A_322 = tpu.memref_slice %arg10[%rem3A_181, %parallel_loop3A_320, %parallel_loop3A_321] : memref<3x40x128xf32, #tpu.memory_space<vmem>> -> memref<1x40x128xf32, #tpu.memory_space<vmem>>
        %parallel_loop3A_323 = tpu.memref_squeeze %parallel_loop3A_322 : memref<1x40x128xf32, #tpu.memory_space<vmem>> -> memref<40x128xf32, #tpu.memory_space<vmem>>
        %parallel_loop3A_324 = arith.index_cast %parallel_loop3A_241 : i32 to index
        %parallel_loop3A_325 = arith.constant 48 : index
        %parallel_loop3A_326 = tpu.vector_load %parallel_loop3A_323[%parallel_loop3A_324, %parallel_loop3A_325] {strides = array<i32>} : memref<40x128xf32, #tpu.memory_space<vmem>>, vector<1x16xf32>,
        %parallel_loop3A_327 = vector.shape_cast %parallel_loop3A_326 : vector<1x16xf32> to vector<16xf32>
        %parallel_loop3A_328 = arith.constant 0 : i32
        %parallel_loop3A_329 = arith.constant 0 : i32
        %parallel_loop3A_330 = tpu.memref_slice %arg11[%rem3A_181, %parallel_loop3A_328, %parallel_loop3A_329] : memref<3x40x128xf32, #tpu.memory_space<vmem>> -> memref<1x40x128xf32, #tpu.memory_space<vmem>>
        %parallel_loop3A_331 = tpu.memref_squeeze %parallel_loop3A_330 : memref<1x40x128xf32, #tpu.memory_space<vmem>> -> memref<40x128xf32, #tpu.memory_space<vmem>>
        %parallel_loop3A_332 = arith.index_cast %parallel_loop3A_241 : i32 to index
        %parallel_loop3A_333 = arith.constant 48 : index
        %parallel_loop3A_334 = tpu.vector_load %parallel_loop3A_331[%parallel_loop3A_332, %parallel_loop3A_333] {strides = array<i32>} : memref<40x128xf32, #tpu.memory_space<vmem>>, vector<1x16xf32>,
        %parallel_loop3A_335 = vector.shape_cast %parallel_loop3A_334 : vector<1x16xf32> to vector<16xf32>
        %parallel_loop3A_336 = arith.mulf %parallel_loop3A_327, %parallel_loop3A_335 : vector<16xf32>
        %parallel_loop3A_337 = arith.constant 0 : i32
        %parallel_loop3A_338 = arith.constant 0 : i32
        %parallel_loop3A_339 = tpu.memref_slice %arg10[%rem3A_181, %parallel_loop3A_337, %parallel_loop3A_338] : memref<3x40x128xf32, #tpu.memory_space<vmem>> -> memref<1x40x128xf32, #tpu.memory_space<vmem>>
        %parallel_loop3A_340 = tpu.memref_squeeze %parallel_loop3A_339 : memref<1x40x128xf32, #tpu.memory_space<vmem>> -> memref<40x128xf32, #tpu.memory_space<vmem>>
        %parallel_loop3A_341 = arith.index_cast %parallel_loop3A_241 : i32 to index
        %parallel_loop3A_342 = arith.constant 48 : index
        %parallel_loop3A_343 = tpu.vector_load %parallel_loop3A_340[%parallel_loop3A_341, %parallel_loop3A_342] {strides = array<i32>} : memref<40x128xf32, #tpu.memory_space<vmem>>, vector<1x16xf32>,
        %parallel_loop3A_344 = vector.shape_cast %parallel_loop3A_343 : vector<1x16xf32> to vector<16xf32>
        %parallel_loop3A_345 = vector.shape_cast %parallel_loop3A_336 : vector<16xf32> to vector<1x16xf32>
        tpu.vector_store %parallel_loop3A_340[%parallel_loop3A_341, %parallel_loop3A_342], %parallel_loop3A_345 {strides = array<i32>} : memref<40x128xf32, #tpu.memory_space<vmem>>, vector<1x16xf32>,
        %parallel_loop3A_346 = arith.constant 0 : i32
        %parallel_loop3A_347 = arith.constant 0 : i32
        %parallel_loop3A_348 = tpu.memref_slice %arg10[%rem3A_181, %parallel_loop3A_346, %parallel_loop3A_347] : memref<3x40x128xf32, #tpu.memory_space<vmem>> -> memref<1x40x128xf32, #tpu.memory_space<vmem>>
        %parallel_loop3A_349 = tpu.memref_squeeze %parallel_loop3A_348 : memref<1x40x128xf32, #tpu.memory_space<vmem>> -> memref<40x128xf32, #tpu.memory_space<vmem>>
        %parallel_loop3A_350 = arith.index_cast %parallel_loop3A_241 : i32 to index
        %parallel_loop3A_351 = arith.constant 64 : index
        %parallel_loop3A_352 = tpu.vector_load %parallel_loop3A_349[%parallel_loop3A_350, %parallel_loop3A_351] {strides = array<i32>} : memref<40x128xf32, #tpu.memory_space<vmem>>, vector<1x16xf32>,
        %parallel_loop3A_353 = vector.shape_cast %parallel_loop3A_352 : vector<1x16xf32> to vector<16xf32>
        %parallel_loop3A_354 = arith.constant 0 : i32
        %parallel_loop3A_355 = arith.constant 0 : i32
        %parallel_loop3A_356 = tpu.memref_slice %arg11[%rem3A_181, %parallel_loop3A_354, %parallel_loop3A_355] : memref<3x40x128xf32, #tpu.memory_space<vmem>> -> memref<1x40x128xf32, #tpu.memory_space<vmem>>
        %parallel_loop3A_357 = tpu.memref_squeeze %parallel_loop3A_356 : memref<1x40x128xf32, #tpu.memory_space<vmem>> -> memref<40x128xf32, #tpu.memory_space<vmem>>
        %parallel_loop3A_358 = arith.index_cast %parallel_loop3A_241 : i32 to index
        %parallel_loop3A_359 = arith.constant 64 : index
        %parallel_loop3A_360 = tpu.vector_load %parallel_loop3A_357[%parallel_loop3A_358, %parallel_loop3A_359] {strides = array<i32>} : memref<40x128xf32, #tpu.memory_space<vmem>>, vector<1x16xf32>,
        %parallel_loop3A_361 = vector.shape_cast %parallel_loop3A_360 : vector<1x16xf32> to vector<16xf32>
        %parallel_loop3A_362 = arith.mulf %parallel_loop3A_353, %parallel_loop3A_361 : vector<16xf32>
        %parallel_loop3A_363 = arith.constant 0 : i32
        %parallel_loop3A_364 = arith.constant 0 : i32
        %parallel_loop3A_365 = tpu.memref_slice %arg10[%rem3A_181, %parallel_loop3A_363, %parallel_loop3A_364] : memref<3x40x128xf32, #tpu.memory_space<vmem>> -> memref<1x40x128xf32, #tpu.memory_space<vmem>>
        %parallel_loop3A_366 = tpu.memref_squeeze %parallel_loop3A_365 : memref<1x40x128xf32, #tpu.memory_space<vmem>> -> memref<40x128xf32, #tpu.memory_space<vmem>>
        %parallel_loop3A_367 = arith.index_cast %parallel_loop3A_241 : i32 to index
        %parallel_loop3A_368 = arith.constant 64 : index
        %parallel_loop3A_369 = tpu.vector_load %parallel_loop3A_366[%parallel_loop3A_367, %parallel_loop3A_368] {strides = array<i32>} : memref<40x128xf32, #tpu.memory_space<vmem>>, vector<1x16xf32>,
        %parallel_loop3A_370 = vector.shape_cast %parallel_loop3A_369 : vector<1x16xf32> to vector<16xf32>
        %parallel_loop3A_371 = vector.shape_cast %parallel_loop3A_362 : vector<16xf32> to vector<1x16xf32>
        tpu.vector_store %parallel_loop3A_366[%parallel_loop3A_367, %parallel_loop3A_368], %parallel_loop3A_371 {strides = array<i32>} : memref<40x128xf32, #tpu.memory_space<vmem>>, vector<1x16xf32>,
        %parallel_loop3A_372 = arith.constant 0 : i32
        %parallel_loop3A_373 = arith.constant 0 : i32
        %parallel_loop3A_374 = tpu.memref_slice %arg10[%rem3A_181, %parallel_loop3A_372, %parallel_loop3A_373] : memref<3x40x128xf32, #tpu.memory_space<vmem>> -> memref<1x40x128xf32, #tpu.memory_space<vmem>>
        %parallel_loop3A_375 = tpu.memref_squeeze %parallel_loop3A_374 : memref<1x40x128xf32, #tpu.memory_space<vmem>> -> memref<40x128xf32, #tpu.memory_space<vmem>>
        %parallel_loop3A_376 = arith.index_cast %parallel_loop3A_241 : i32 to index
        %parallel_loop3A_377 = arith.constant 80 : index
        %parallel_loop3A_378 = tpu.vector_load %parallel_loop3A_375[%parallel_loop3A_376, %parallel_loop3A_377] {strides = array<i32>} : memref<40x128xf32, #tpu.memory_space<vmem>>, vector<1x16xf32>,
        %parallel_loop3A_379 = vector.shape_cast %parallel_loop3A_378 : vector<1x16xf32> to vector<16xf32>
        %parallel_loop3A_380 = arith.constant 0 : i32
        %parallel_loop3A_381 = arith.constant 0 : i32
        %parallel_loop3A_382 = tpu.memref_slice %arg11[%rem3A_181, %parallel_loop3A_380, %parallel_loop3A_381] : memref<3x40x128xf32, #tpu.memory_space<vmem>> -> memref<1x40x128xf32, #tpu.memory_space<vmem>>
        %parallel_loop3A_383 = tpu.memref_squeeze %parallel_loop3A_382 : memref<1x40x128xf32, #tpu.memory_space<vmem>> -> memref<40x128xf32, #tpu.memory_space<vmem>>
        %parallel_loop3A_384 = arith.index_cast %parallel_loop3A_241 : i32 to index
        %parallel_loop3A_385 = arith.constant 80 : index
        %parallel_loop3A_386 = tpu.vector_load %parallel_loop3A_383[%parallel_loop3A_384, %parallel_loop3A_385] {strides = array<i32>} : memref<40x128xf32, #tpu.memory_space<vmem>>, vector<1x16xf32>,
        %parallel_loop3A_387 = vector.shape_cast %parallel_loop3A_386 : vector<1x16xf32> to vector<16xf32>
        %parallel_loop3A_388 = arith.mulf %parallel_loop3A_379, %parallel_loop3A_387 : vector<16xf32>
        %parallel_loop3A_389 = arith.constant 0 : i32
        %parallel_loop3A_390 = arith.constant 0 : i32
        %parallel_loop3A_391 = tpu.memref_slice %arg10[%rem3A_181, %parallel_loop3A_389, %parallel_loop3A_390] : memref<3x40x128xf32, #tpu.memory_space<vmem>> -> memref<1x40x128xf32, #tpu.memory_space<vmem>>
        %parallel_loop3A_392 = tpu.memref_squeeze %parallel_loop3A_391 : memref<1x40x128xf32, #tpu.memory_space<vmem>> -> memref<40x128xf32, #tpu.memory_space<vmem>>
        %parallel_loop3A_393 = arith.index_cast %parallel_loop3A_241 : i32 to index
        %parallel_loop3A_394 = arith.constant 80 : index
        %parallel_loop3A_395 = tpu.vector_load %parallel_loop3A_392[%parallel_loop3A_393, %parallel_loop3A_394] {strides = array<i32>} : memref<40x128xf32, #tpu.memory_space<vmem>>, vector<1x16xf32>,
        %parallel_loop3A_396 = vector.shape_cast %parallel_loop3A_395 : vector<1x16xf32> to vector<16xf32>
        %parallel_loop3A_397 = vector.shape_cast %parallel_loop3A_388 : vector<16xf32> to vector<1x16xf32>
        tpu.vector_store %parallel_loop3A_392[%parallel_loop3A_393, %parallel_loop3A_394], %parallel_loop3A_397 {strides = array<i32>} : memref<40x128xf32, #tpu.memory_space<vmem>>, vector<1x16xf32>,
        %parallel_loop3A_398 = arith.constant 0 : i32
        %parallel_loop3A_399 = arith.constant 0 : i32
        %parallel_loop3A_400 = tpu.memref_slice %arg10[%rem3A_181, %parallel_loop3A_398, %parallel_loop3A_399] : memref<3x40x128xf32, #tpu.memory_space<vmem>> -> memref<1x40x128xf32, #tpu.memory_space<vmem>>
        %parallel_loop3A_401 = tpu.memref_squeeze %parallel_loop3A_400 : memref<1x40x128xf32, #tpu.memory_space<vmem>> -> memref<40x128xf32, #tpu.memory_space<vmem>>
        %parallel_loop3A_402 = arith.index_cast %parallel_loop3A_241 : i32 to index
        %parallel_loop3A_403 = arith.constant 96 : index
        %parallel_loop3A_404 = tpu.vector_load %parallel_loop3A_401[%parallel_loop3A_402, %parallel_loop3A_403] {strides = array<i32>} : memref<40x128xf32, #tpu.memory_space<vmem>>, vector<1x16xf32>,
        %parallel_loop3A_405 = vector.shape_cast %parallel_loop3A_404 : vector<1x16xf32> to vector<16xf32>
        %parallel_loop3A_406 = arith.constant 0 : i32
        %parallel_loop3A_407 = arith.constant 0 : i32
        %parallel_loop3A_408 = tpu.memref_slice %arg11[%rem3A_181, %parallel_loop3A_406, %parallel_loop3A_407] : memref<3x40x128xf32, #tpu.memory_space<vmem>> -> memref<1x40x128xf32, #tpu.memory_space<vmem>>
        %parallel_loop3A_409 = tpu.memref_squeeze %parallel_loop3A_408 : memref<1x40x128xf32, #tpu.memory_space<vmem>> -> memref<40x128xf32, #tpu.memory_space<vmem>>
        %parallel_loop3A_410 = arith.index_cast %parallel_loop3A_241 : i32 to index
        %parallel_loop3A_411 = arith.constant 96 : index
        %parallel_loop3A_412 = tpu.vector_load %parallel_loop3A_409[%parallel_loop3A_410, %parallel_loop3A_411] {strides = array<i32>} : memref<40x128xf32, #tpu.memory_space<vmem>>, vector<1x16xf32>,
        %parallel_loop3A_413 = vector.shape_cast %parallel_loop3A_412 : vector<1x16xf32> to vector<16xf32>
        %parallel_loop3A_414 = arith.mulf %parallel_loop3A_405, %parallel_loop3A_413 : vector<16xf32>
        %parallel_loop3A_415 = arith.constant 0 : i32
        %parallel_loop3A_416 = arith.constant 0 : i32
        %parallel_loop3A_417 = tpu.memref_slice %arg10[%rem3A_181, %parallel_loop3A_415, %parallel_loop3A_416] : memref<3x40x128xf32, #tpu.memory_space<vmem>> -> memref<1x40x128xf32, #tpu.memory_space<vmem>>
        %parallel_loop3A_418 = tpu.memref_squeeze %parallel_loop3A_417 : memref<1x40x128xf32, #tpu.memory_space<vmem>> -> memref<40x128xf32, #tpu.memory_space<vmem>>
        %parallel_loop3A_419 = arith.index_cast %parallel_loop3A_241 : i32 to index
        %parallel_loop3A_420 = arith.constant 96 : index
        %parallel_loop3A_421 = tpu.vector_load %parallel_loop3A_418[%parallel_loop3A_419, %parallel_loop3A_420] {strides = array<i32>} : memref<40x128xf32, #tpu.memory_space<vmem>>, vector<1x16xf32>,
        %parallel_loop3A_422 = vector.shape_cast %parallel_loop3A_421 : vector<1x16xf32> to vector<16xf32>
        %parallel_loop3A_423 = vector.shape_cast %parallel_loop3A_414 : vector<16xf32> to vector<1x16xf32>
        tpu.vector_store %parallel_loop3A_418[%parallel_loop3A_419, %parallel_loop3A_420], %parallel_loop3A_423 {strides = array<i32>} : memref<40x128xf32, #tpu.memory_space<vmem>>, vector<1x16xf32>,
        %parallel_loop3A_424 = arith.constant 0 : i32
        %parallel_loop3A_425 = arith.constant 0 : i32
        %parallel_loop3A_426 = tpu.memref_slice %arg10[%rem3A_181, %parallel_loop3A_424, %parallel_loop3A_425] : memref<3x40x128xf32, #tpu.memory_space<vmem>> -> memref<1x40x128xf32, #tpu.memory_space<vmem>>
        %parallel_loop3A_427 = tpu.memref_squeeze %parallel_loop3A_426 : memref<1x40x128xf32, #tpu.memory_space<vmem>> -> memref<40x128xf32, #tpu.memory_space<vmem>>
        %parallel_loop3A_428 = arith.index_cast %parallel_loop3A_241 : i32 to index
        %parallel_loop3A_429 = arith.constant 112 : index
        %parallel_loop3A_430 = tpu.vector_load %parallel_loop3A_427[%parallel_loop3A_428, %parallel_loop3A_429] {strides = array<i32>} : memref<40x128xf32, #tpu.memory_space<vmem>>, vector<1x16xf32>,
        %parallel_loop3A_431 = vector.shape_cast %parallel_loop3A_430 : vector<1x16xf32> to vector<16xf32>
        %parallel_loop3A_432 = arith.constant 0 : i32
        %parallel_loop3A_433 = arith.constant 0 : i32
        %parallel_loop3A_434 = tpu.memref_slice %arg11[%rem3A_181, %parallel_loop3A_432, %parallel_loop3A_433] : memref<3x40x128xf32, #tpu.memory_space<vmem>> -> memref<1x40x128xf32, #tpu.memory_space<vmem>>
        %parallel_loop3A_435 = tpu.memref_squeeze %parallel_loop3A_434 : memref<1x40x128xf32, #tpu.memory_space<vmem>> -> memref<40x128xf32, #tpu.memory_space<vmem>>
        %parallel_loop3A_436 = arith.index_cast %parallel_loop3A_241 : i32 to index
        %parallel_loop3A_437 = arith.constant 112 : index
        %parallel_loop3A_438 = tpu.vector_load %parallel_loop3A_435[%parallel_loop3A_436, %parallel_loop3A_437] {strides = array<i32>} : memref<40x128xf32, #tpu.memory_space<vmem>>, vector<1x16xf32>,
        %parallel_loop3A_439 = vector.shape_cast %parallel_loop3A_438 : vector<1x16xf32> to vector<16xf32>
        %parallel_loop3A_440 = arith.mulf %parallel_loop3A_431, %parallel_loop3A_439 : vector<16xf32>
        %parallel_loop3A_441 = arith.constant 0 : i32
        %parallel_loop3A_442 = arith.constant 0 : i32
        %parallel_loop3A_443 = tpu.memref_slice %arg10[%rem3A_181, %parallel_loop3A_441, %parallel_loop3A_442] : memref<3x40x128xf32, #tpu.memory_space<vmem>> -> memref<1x40x128xf32, #tpu.memory_space<vmem>>
        %parallel_loop3A_444 = tpu.memref_squeeze %parallel_loop3A_443 : memref<1x40x128xf32, #tpu.memory_space<vmem>> -> memref<40x128xf32, #tpu.memory_space<vmem>>
        %parallel_loop3A_445 = arith.index_cast %parallel_loop3A_241 : i32 to index
        %parallel_loop3A_446 = arith.constant 112 : index
        %parallel_loop3A_447 = tpu.vector_load %parallel_loop3A_444[%parallel_loop3A_445, %parallel_loop3A_446] {strides = array<i32>} : memref<40x128xf32, #tpu.memory_space<vmem>>, vector<1x16xf32>,
        %parallel_loop3A_448 = vector.shape_cast %parallel_loop3A_447 : vector<1x16xf32> to vector<16xf32>
        %parallel_loop3A_449 = vector.shape_cast %parallel_loop3A_440 : vector<16xf32> to vector<1x16xf32>
        tpu.vector_store %parallel_loop3A_444[%parallel_loop3A_445, %parallel_loop3A_446], %parallel_loop3A_449 {strides = array<i32>} : memref<40x128xf32, #tpu.memory_space<vmem>>, vector<1x16xf32>,
      } {sc.loop_unroll_factor = 4 : i64, sc.parallel_access}
      %dma_start3A_224 = arith.constant 0 : i32
      %dma_start3A_225 = arith.constant 0 : i32
      %dma_start3A_226 = tpu.memref_slice %arg10[%rem3A_181, %dma_start3A_224, %dma_start3A_225] : memref<3x40x128xf32, #tpu.memory_space<vmem>> -> memref<1x40x128xf32, #tpu.memory_space<vmem>>
      %dma_start3A_227 = tpu.memref_squeeze %dma_start3A_226 : memref<1x40x128xf32, #tpu.memory_space<vmem>> -> memref<40x128xf32, #tpu.memory_space<vmem>>
      %dma_start3A_228 = arith.constant 0 : i32
      %dma_start3A_229 = tpu.memref_slice %arg9[%rem3A_181, %dma_start3A_228] : memref<3x40xi32, #tpu.memory_space<vmem>> -> memref<1x40xi32, #tpu.memory_space<vmem>>
      %dma_start3A_230 = tpu.memref_squeeze %dma_start3A_229 : memref<1x40xi32, #tpu.memory_space<vmem>> -> memref<40xi32, #tpu.memory_space<vmem>>
      %dma_start3A_231 = arith.constant 0 : i32
      %dma_start3A_232 = arith.constant 0 : i32
      %dma_start3A_233 = tpu.memref_slice %arg12[%dma_start3A_231, %dma_start3A_232] : memref<10240x128xf32, #tpu.memory_space<vmem_shared>> -> memref<10240x128xf32, #tpu.memory_space<vmem_shared>>
      %dma_start3A_234 = tpu.memref_slice %arg17[%rem3A_181] : memref<3x!tpu.dma_semaphore, #tpu.memory_space<semaphore_mem>> -> memref<1x!tpu.dma_semaphore, #tpu.memory_space<semaphore_mem>>
      %dma_start3A_235 = tpu.memref_squeeze %dma_start3A_234 : memref<1x!tpu.dma_semaphore, #tpu.memory_space<semaphore_mem>> -> memref<!tpu.dma_semaphore, #tpu.memory_space<semaphore_mem>>
      tpu.enqueue_indirect_dma source(%dma_start3A_227 : memref<40x128xf32, #tpu.memory_space<vmem>>) target(%dma_start3A_233 : memref<10240x128xf32, #tpu.memory_space<vmem_shared>>) offsets(%dma_start3A_230 : memref<40xi32, #tpu.memory_space<vmem>>) semaphore(%dma_start3A_235 : memref<!tpu.dma_semaphore, #tpu.memory_space<semaphore_mem>>) {add = true}
      %ge3A = arith.constant 1 : i32
      %ge3A_236 = arith.cmpi sge, %scan3A_179, %ge3A : i32
      %convert_element_type3A_237 = arith.extui %ge3A_236 : i1 to i32
      %cond3A_238 = arith.constant 0 : i32
      %cond3A_239 = arith.cmpi ne, %convert_element_type3A_237, %cond3A_238 : i32
      scf.if %cond3A_239 {
        %sub3A = arith.constant 1 : i32
        %sub3A_241 = arith.subi %scan3A_179, %sub3A : i32
        %rem3A_242 = arith.constant 3 : i32
        %rem3A_243 = arith.remsi %sub3A_241, %rem3A_242 : i32
        %dma_wait3A_244 = arith.constant 0 : i32
        %dma_wait3A_245 = arith.constant 0 : i32
        %dma_wait3A_246 = tpu.memref_slice %arg10[%rem3A_243, %dma_wait3A_244, %dma_wait3A_245] : memref<3x40x128xf32, #tpu.memory_space<vmem>> -> memref<1x40x128xf32, #tpu.memory_space<vmem>>
        %dma_wait3A_247 = tpu.memref_squeeze %dma_wait3A_246 : memref<1x40x128xf32, #tpu.memory_space<vmem>> -> memref<40x128xf32, #tpu.memory_space<vmem>>
        %dma_wait3A_248 = arith.constant 0 : i32
        %dma_wait3A_249 = arith.constant 0 : i32
        %dma_wait3A_250 = tpu.memref_slice %arg3[%dma_wait3A_248, %dma_wait3A_249] : memref<32000x128xf32, #tpu.memory_space<hbm>> -> memref<40x128xf32, #tpu.memory_space<hbm>>
        %dma_wait3A_251 = tpu.memref_slice %arg17[%rem3A_243] : memref<3x!tpu.dma_semaphore, #tpu.memory_space<semaphore_mem>> -> memref<1x!tpu.dma_semaphore, #tpu.memory_space<semaphore_mem>>
        %dma_wait3A_252 = tpu.memref_squeeze %dma_wait3A_251 : memref<1x!tpu.dma_semaphore, #tpu.memory_space<semaphore_mem>> -> memref<!tpu.dma_semaphore, #tpu.memory_space<semaphore_mem>>
        %dma_wait3A_253 = arith.constant 0 : i32
        %dma_wait3A_254 = arith.constant 0 : i32
        %dma_wait3A_255 = tpu.memref_slice %arg10[%rem3A_243, %dma_wait3A_253, %dma_wait3A_254] : memref<3x40x128xf32, #tpu.memory_space<vmem>> -> memref<1x40x128xf32, #tpu.memory_space<vmem>>
        %dma_wait3A_256 = tpu.memref_squeeze %dma_wait3A_255 : memref<1x40x128xf32, #tpu.memory_space<vmem>> -> memref<40x128xf32, #tpu.memory_space<vmem>>
        %dma_wait3A_257 = arith.constant 0 : i32
        %dma_wait3A_258 = arith.constant 0 : i32
        %dma_wait3A_259 = tpu.memref_slice %arg3[%dma_wait3A_257, %dma_wait3A_258] : memref<32000x128xf32, #tpu.memory_space<hbm>> -> memref<40x128xf32, #tpu.memory_space<hbm>>
        tpu.wait_dma2 semaphore(%dma_wait3A_252 : memref<!tpu.dma_semaphore, #tpu.memory_space<semaphore_mem>>) src(%dma_wait3A_259 : memref<40x128xf32, #tpu.memory_space<hbm>>) dst(%dma_wait3A_256 : memref<40x128xf32, #tpu.memory_space<vmem>>)
        %add3A_260 = arith.constant 2 : i32
        %add3A_261 = arith.addi %scan3A_179, %add3A_260 : i32
        %lt3A_262 = arith.constant 25 : i32
        %lt3A_263 = arith.cmpi slt, %add3A_261, %lt3A_262 : i32
        %convert_element_type3A_264 = arith.extui %lt3A_263 : i1 to i32
        %cond3A_265 = arith.constant 0 : i32
        %cond3A_266 = arith.cmpi ne, %convert_element_type3A_264, %cond3A_265 : i32
        scf.if %cond3A_266 {
          %add3A_267 = arith.constant 2 : i32
          %add3A_268 = arith.addi %scan3A_179, %add3A_267 : i32
          %add3A_269 = arith.constant 2 : i32
          %add3A_270 = arith.addi %scan3A_179, %add3A_269 : i32
          %rem3A_271 = arith.constant 3 : i32
          %rem3A_272 = arith.remsi %add3A_270, %rem3A_271 : i32
          %mul3A_273 = arith.constant 40 : i32
          %mul3A_274 = arith.muli %add3A_268, %mul3A_273 : i32
          %add3A_275 = arith.addi %add3A_4, %mul3A_274 : i32
          %dma_start3A_276 = arith.constant 0 : i32
          %dma_start3A_277 = tpu.memref_slice %arg8[%rem3A_272, %dma_start3A_276] : memref<3x40xi32, #tpu.memory_space<vmem>> -> memref<1x40xi32, #tpu.memory_space<vmem>>
          %dma_start3A_278 = tpu.memref_squeeze %dma_start3A_277 : memref<1x40xi32, #tpu.memory_space<vmem>> -> memref<40xi32, #tpu.memory_space<vmem>>
          %dma_start3A_279 = tpu.memref_slice %arg4[%add3A_275] : memref<160000xi32, #tpu.memory_space<hbm>> -> memref<40xi32, #tpu.memory_space<hbm>>
          %dma_start3A_280 = tpu.memref_slice %arg13[%rem3A_272] : memref<3x!tpu.dma_semaphore, #tpu.memory_space<semaphore_mem>> -> memref<1x!tpu.dma_semaphore, #tpu.memory_space<semaphore_mem>>
          %dma_start3A_281 = tpu.memref_squeeze %dma_start3A_280 : memref<1x!tpu.dma_semaphore, #tpu.memory_space<semaphore_mem>> -> memref<!tpu.dma_semaphore, #tpu.memory_space<semaphore_mem>>
          %dma_start3A_282 = arith.constant 0 : i32
          %dma_start3A_283 = tpu.memref_slice %arg8[%rem3A_272, %dma_start3A_282] : memref<3x40xi32, #tpu.memory_space<vmem>> -> memref<1x40xi32, #tpu.memory_space<vmem>>
          %dma_start3A_284 = tpu.memref_squeeze %dma_start3A_283 : memref<1x40xi32, #tpu.memory_space<vmem>> -> memref<40xi32, #tpu.memory_space<vmem>>
          %dma_start3A_285 = tpu.memref_slice %arg4[%add3A_275] : memref<160000xi32, #tpu.memory_space<hbm>> -> memref<40xi32, #tpu.memory_space<hbm>>
          tpu.enqueue_dma source(%dma_start3A_285 : memref<40xi32, #tpu.memory_space<hbm>>) target(%dma_start3A_284 : memref<40xi32, #tpu.memory_space<vmem>>) target_semaphore(%dma_start3A_281 : memref<!tpu.dma_semaphore, #tpu.memory_space<semaphore_mem>>)
          %mul3A_286 = arith.constant 40 : i32
          %mul3A_287 = arith.muli %add3A_268, %mul3A_286 : i32
          %add3A_288 = arith.addi %add3A_4, %mul3A_287 : i32
          %dma_start3A_289 = arith.constant 0 : i32
          %dma_start3A_290 = tpu.memref_slice %arg9[%rem3A_272, %dma_start3A_289] : memref<3x40xi32, #tpu.memory_space<vmem>> -> memref<1x40xi32, #tpu.memory_space<vmem>>
          %dma_start3A_291 = tpu.memref_squeeze %dma_start3A_290 : memref<1x40xi32, #tpu.memory_space<vmem>> -> memref<40xi32, #tpu.memory_space<vmem>>
          %dma_start3A_292 = tpu.memref_slice %arg5[%add3A_288] : memref<160000xi32, #tpu.memory_space<hbm>> -> memref<40xi32, #tpu.memory_space<hbm>>
          %dma_start3A_293 = tpu.memref_slice %arg14[%rem3A_272] : memref<3x!tpu.dma_semaphore, #tpu.memory_space<semaphore_mem>> -> memref<1x!tpu.dma_semaphore, #tpu.memory_space<semaphore_mem>>
          %dma_start3A_294 = tpu.memref_squeeze %dma_start3A_293 : memref<1x!tpu.dma_semaphore, #tpu.memory_space<semaphore_mem>> -> memref<!tpu.dma_semaphore, #tpu.memory_space<semaphore_mem>>
          %dma_start3A_295 = arith.constant 0 : i32
          %dma_start3A_296 = tpu.memref_slice %arg9[%rem3A_272, %dma_start3A_295] : memref<3x40xi32, #tpu.memory_space<vmem>> -> memref<1x40xi32, #tpu.memory_space<vmem>>
          %dma_start3A_297 = tpu.memref_squeeze %dma_start3A_296 : memref<1x40xi32, #tpu.memory_space<vmem>> -> memref<40xi32, #tpu.memory_space<vmem>>
          %dma_start3A_298 = tpu.memref_slice %arg5[%add3A_288] : memref<160000xi32, #tpu.memory_space<hbm>> -> memref<40xi32, #tpu.memory_space<hbm>>
          tpu.enqueue_dma source(%dma_start3A_298 : memref<40xi32, #tpu.memory_space<hbm>>) target(%dma_start3A_297 : memref<40xi32, #tpu.memory_space<vmem>>) target_semaphore(%dma_start3A_294 : memref<!tpu.dma_semaphore, #tpu.memory_space<semaphore_mem>>)
        } else {
        }
      } else {
      }
      %scan3A_240 = arith.constant 0 : i32
      scf.yield %scan3A_240 : i32
    }
    %scan3A_157 = arith.constant 25 : i32
    %dma_wait3A_158 = arith.constant 0 : i32
    %dma_wait3A_159 = arith.constant 0 : i32
    %dma_wait3A_160 = arith.constant 0 : i32
    %dma_wait3A_161 = arith.constant 0 : i32
    %dma_wait3A_162 = tpu.memref_slice %arg10[%dma_wait3A_158, %dma_wait3A_160, %dma_wait3A_161] : memref<3x40x128xf32, #tpu.memory_space<vmem>> -> memref<1x40x128xf32, #tpu.memory_space<vmem>>
    %dma_wait3A_163 = tpu.memref_squeeze %dma_wait3A_162 : memref<1x40x128xf32, #tpu.memory_space<vmem>> -> memref<40x128xf32, #tpu.memory_space<vmem>>
    %dma_wait3A_164 = arith.constant 0 : i32
    %dma_wait3A_165 = arith.constant 0 : i32
    %dma_wait3A_166 = tpu.memref_slice %arg3[%dma_wait3A_164, %dma_wait3A_165] : memref<32000x128xf32, #tpu.memory_space<hbm>> -> memref<40x128xf32, #tpu.memory_space<hbm>>
    %dma_wait3A_167 = tpu.memref_slice %arg17[%dma_wait3A_159] : memref<3x!tpu.dma_semaphore, #tpu.memory_space<semaphore_mem>> -> memref<1x!tpu.dma_semaphore, #tpu.memory_space<semaphore_mem>>
    %dma_wait3A_168 = tpu.memref_squeeze %dma_wait3A_167 : memref<1x!tpu.dma_semaphore, #tpu.memory_space<semaphore_mem>> -> memref<!tpu.dma_semaphore, #tpu.memory_space<semaphore_mem>>
    %dma_wait3A_169 = arith.constant 0 : i32
    %dma_wait3A_170 = arith.constant 0 : i32
    %dma_wait3A_171 = tpu.memref_slice %arg10[%dma_wait3A_158, %dma_wait3A_169, %dma_wait3A_170] : memref<3x40x128xf32, #tpu.memory_space<vmem>> -> memref<1x40x128xf32, #tpu.memory_space<vmem>>
    %dma_wait3A_172 = tpu.memref_squeeze %dma_wait3A_171 : memref<1x40x128xf32, #tpu.memory_space<vmem>> -> memref<40x128xf32, #tpu.memory_space<vmem>>
    %dma_wait3A_173 = arith.constant 0 : i32
    %dma_wait3A_174 = arith.constant 0 : i32
    %dma_wait3A_175 = tpu.memref_slice %arg3[%dma_wait3A_173, %dma_wait3A_174] : memref<32000x128xf32, #tpu.memory_space<hbm>> -> memref<40x128xf32, #tpu.memory_space<hbm>>
    tpu.wait_dma2 semaphore(%dma_wait3A_168 : memref<!tpu.dma_semaphore, #tpu.memory_space<semaphore_mem>>) src(%dma_wait3A_175 : memref<40x128xf32, #tpu.memory_space<hbm>>) dst(%dma_wait3A_172 : memref<40x128xf32, #tpu.memory_space<vmem>>)
    %barrier3A_176 = arith.constant 0 : index
    tpu.barrier barrier_id(%barrier3A_176)
    %mul3A_177 = arith.constant 640 : i32
    %mul3A_178 = arith.muli %arg1, %mul3A_177 : i32
    "tpu.region"() ({
      %run_scoped3A = tpu.sem_alloc : memref<!tpu.dma_semaphore, #tpu.memory_space<semaphore_mem>>
      %dma_start3A_179 = arith.constant 0 : i32
      %dma_start3A_180 = tpu.memref_slice %arg7[%arg0, %mul3A_178, %dma_start3A_179] : memref<2x10240x128xf32, #tpu.memory_space<hbm>> -> memref<1x640x128xf32, #tpu.memory_space<hbm>>
      %dma_start3A_181 = tpu.memref_squeeze %dma_start3A_180 : memref<1x640x128xf32, #tpu.memory_space<hbm>> -> memref<640x128xf32, #tpu.memory_space<hbm>>
      %dma_start3A_182 = arith.constant 0 : i32
      %dma_start3A_183 = tpu.memref_slice %arg12[%mul3A_178, %dma_start3A_182] : memref<10240x128xf32, #tpu.memory_space<vmem_shared>> -> memref<640x128xf32, #tpu.memory_space<vmem_shared>>
      tpu.enqueue_dma source(%dma_start3A_183 : memref<640x128xf32, #tpu.memory_space<vmem_shared>>) target(%dma_start3A_181 : memref<640x128xf32, #tpu.memory_space<hbm>>) target_semaphore(%run_scoped3A : memref<!tpu.dma_semaphore, #tpu.memory_space<semaphore_mem>>)
      %dma_wait3A_184 = arith.constant 0 : i32
      %dma_wait3A_185 = tpu.memref_slice %arg7[%arg0, %mul3A_178, %dma_wait3A_184] : memref<2x10240x128xf32, #tpu.memory_space<hbm>> -> memref<1x640x128xf32, #tpu.memory_space<hbm>>
      %dma_wait3A_186 = tpu.memref_squeeze %dma_wait3A_185 : memref<1x640x128xf32, #tpu.memory_space<hbm>> -> memref<640x128xf32, #tpu.memory_space<hbm>>
      %dma_wait3A_187 = arith.constant 0 : i32
      %dma_wait3A_188 = tpu.memref_slice %arg12[%mul3A_178, %dma_wait3A_187] : memref<10240x128xf32, #tpu.memory_space<vmem_shared>> -> memref<640x128xf32, #tpu.memory_space<vmem_shared>>
      tpu.wait_dma2 semaphore(%run_scoped3A : memref<!tpu.dma_semaphore, #tpu.memory_space<semaphore_mem>>) src(%dma_wait3A_188 : memref<640x128xf32, #tpu.memory_space<vmem_shared>>) dst(%dma_wait3A_186 : memref<640x128xf32, #tpu.memory_space<hbm>>)
      tpu.yield
    }) : () -> ()
    return
  }
}

module attributes {stable_mosaic.version = 14 : i64} {
  func.func @_filter_body(%arg0: i32, %arg1: memref<1600x128xf32, #tpu.memory_space<vmem>>, %arg2: memref<128x128xf32, #tpu.memory_space<vmem>>, %arg3: memref<1x128xf32, #tpu.memory_space<vmem>>, %arg4: memref<128x128xf32, #tpu.memory_space<vmem>>, %arg5: memref<1x128xf32, #tpu.memory_space<vmem>>, %arg6: memref<1600x128xf32, #tpu.memory_space<vmem>>) attributes {dimension_semantics = [#tpu.dimension_semantics<arbitrary>], iteration_bounds = array<i64: 20>, scalar_prefetch = 0 : i64, scratch_operands = 0 : i64, tpu.core_type = #tpu.core_type<tc>, window_params = [{transform_indices = @transform_0, window_bounds = array<i64: 1600, 128>}, {pipeline_mode = #tpu.pipeline_mode<synchronous>, transform_indices = @transform_1, window_bounds = array<i64: 128, 128>}, {pipeline_mode = #tpu.pipeline_mode<synchronous>, transform_indices = @transform_2, window_bounds = array<i64: 1, 128>}, {pipeline_mode = #tpu.pipeline_mode<synchronous>, transform_indices = @transform_3, window_bounds = array<i64: 128, 128>}, {pipeline_mode = #tpu.pipeline_mode<synchronous>, transform_indices = @transform_4, window_bounds = array<i64: 1, 128>}, {transform_indices = @transform_5, window_bounds = array<i64: 1600, 128>}]} {
    %get3A = arith.constant 0 : index
    %get3A_0 = arith.constant 0 : index
    %get3A_1 = vector.load %arg1[%get3A, %get3A_0] : memref<1600x128xf32, #tpu.memory_space<vmem>>, vector<1600x128xf32>
    %get3A_2 = arith.constant 0 : index
    %get3A_3 = arith.constant 0 : index
    %get3A_4 = vector.load %arg2[%get3A_2, %get3A_3] : memref<128x128xf32, #tpu.memory_space<vmem>>, vector<128x128xf32>
    %dot_general3A = arith.constant dense<0.000000e+00> : vector<1600x128xf32>
    %dot_general3A_5 = tpu.matmul %get3A_1, %get3A_4, %dot_general3A {dimension_numbers = #tpu.dot_dimension_numbers<[1], [0], [0], [1], [0, 0, 1, 1], [], []>, transpose_lhs_hint = false} : vector<1600x128xf32>, vector<128x128xf32>, vector<1600x128xf32> -> vector<1600x128xf32>
    %get3A_6 = arith.constant 0 : index
    %get3A_7 = arith.constant 0 : index
    %get3A_8 = vector.load %arg3[%get3A_6, %get3A_7] : memref<1x128xf32, #tpu.memory_space<vmem>>, vector<1x128xf32>
    %add3A = vector.broadcast %get3A_8 : vector<1x128xf32> to vector<1600x128xf32>
    %add3A_9 = arith.addf %dot_general3A_5, %add3A : vector<1600x128xf32>
    %abs3A = math.absf %add3A_9 : vector<1600x128xf32>
    %mul3A = arith.constant -1.44269502 : f32
    %mul3A_10 = vector.broadcast %mul3A : f32 to vector<1600x128xf32>
    %mul3A_11 = arith.mulf %abs3A, %mul3A_10 : vector<1600x128xf32>
    %exp23A = math.exp2 %mul3A_11 : vector<1600x128xf32>
    %add3A_12 = arith.constant 1.000000e+00 : f32
    %add3A_13 = vector.broadcast %add3A_12 : f32 to vector<1600x128xf32>
    %add3A_14 = arith.addf %add3A_13, %exp23A : vector<1600x128xf32>
    %log3A = math.log %add3A_14 : vector<1600x128xf32>
    %log3A_15 = arith.constant 2.000000e+00 : f32
    %log3A_16 = math.log %log3A_15 : f32
    %div3A = vector.broadcast %log3A_16 : f32 to vector<1600x128xf32>
    %div3A_17 = arith.divf %log3A, %div3A : vector<1600x128xf32>
    %max3A = arith.constant 0.000000e+00 : f32
    %max3A_18 = vector.broadcast %max3A : f32 to vector<1600x128xf32>
    %max3A_19 = arith.maximumf %add3A_9, %max3A_18 : vector<1600x128xf32>
    %sub3A = arith.constant 1.000000e+00 : f32
    %sub3A_20 = vector.broadcast %sub3A : f32 to vector<1600x128xf32>
    %sub3A_21 = arith.subf %div3A_17, %sub3A_20 : vector<1600x128xf32>
    %mul3A_22 = arith.constant 0.693147182 : f32
    %mul3A_23 = vector.broadcast %mul3A_22 : f32 to vector<1600x128xf32>
    %mul3A_24 = arith.mulf %sub3A_21, %mul3A_23 : vector<1600x128xf32>
    %add3A_25 = arith.addf %max3A_19, %mul3A_24 : vector<1600x128xf32>
    %get3A_26 = arith.constant 0 : index
    %get3A_27 = arith.constant 0 : index
    %get3A_28 = vector.load %arg4[%get3A_26, %get3A_27] : memref<128x128xf32, #tpu.memory_space<vmem>>, vector<128x128xf32>
    %dot_general3A_29 = arith.constant dense<0.000000e+00> : vector<1600x128xf32>
    %dot_general3A_30 = tpu.matmul %add3A_25, %get3A_28, %dot_general3A_29 {dimension_numbers = #tpu.dot_dimension_numbers<[1], [0], [0], [1], [0, 0, 1, 1], [], []>, transpose_lhs_hint = false} : vector<1600x128xf32>, vector<128x128xf32>, vector<1600x128xf32> -> vector<1600x128xf32>
    %get3A_31 = arith.constant 0 : index
    %get3A_32 = arith.constant 0 : index
    %get3A_33 = vector.load %arg5[%get3A_31, %get3A_32] : memref<1x128xf32, #tpu.memory_space<vmem>>, vector<1x128xf32>
    %add3A_34 = vector.broadcast %get3A_33 : vector<1x128xf32> to vector<1600x128xf32>
    %add3A_35 = arith.addf %dot_general3A_30, %add3A_34 : vector<1600x128xf32>
    %abs3A_36 = math.absf %add3A_35 : vector<1600x128xf32>
    %mul3A_37 = arith.constant -1.44269502 : f32
    %mul3A_38 = vector.broadcast %mul3A_37 : f32 to vector<1600x128xf32>
    %mul3A_39 = arith.mulf %abs3A_36, %mul3A_38 : vector<1600x128xf32>
    %exp23A_40 = math.exp2 %mul3A_39 : vector<1600x128xf32>
    %add3A_41 = arith.constant 1.000000e+00 : f32
    %add3A_42 = vector.broadcast %add3A_41 : f32 to vector<1600x128xf32>
    %add3A_43 = arith.addf %add3A_42, %exp23A_40 : vector<1600x128xf32>
    %log3A_44 = math.log %add3A_43 : vector<1600x128xf32>
    %log3A_45 = arith.constant 2.000000e+00 : f32
    %log3A_46 = math.log %log3A_45 : f32
    %div3A_47 = vector.broadcast %log3A_46 : f32 to vector<1600x128xf32>
    %div3A_48 = arith.divf %log3A_44, %div3A_47 : vector<1600x128xf32>
    %max3A_49 = arith.constant 0.000000e+00 : f32
    %max3A_50 = vector.broadcast %max3A_49 : f32 to vector<1600x128xf32>
    %max3A_51 = arith.maximumf %add3A_35, %max3A_50 : vector<1600x128xf32>
    %sub3A_52 = arith.constant 1.000000e+00 : f32
    %sub3A_53 = vector.broadcast %sub3A_52 : f32 to vector<1600x128xf32>
    %sub3A_54 = arith.subf %div3A_48, %sub3A_53 : vector<1600x128xf32>
    %mul3A_55 = arith.constant 0.693147182 : f32
    %mul3A_56 = vector.broadcast %mul3A_55 : f32 to vector<1600x128xf32>
    %mul3A_57 = arith.mulf %sub3A_54, %mul3A_56 : vector<1600x128xf32>
    %add3A_58 = arith.addf %max3A_51, %mul3A_57 : vector<1600x128xf32>
    %swap3A = arith.constant 0 : index
    %swap3A_59 = arith.constant 0 : index
    %swap3A_60 = vector.load %arg6[%swap3A, %swap3A_59] : memref<1600x128xf32, #tpu.memory_space<vmem>>, vector<1600x128xf32>
    tpu.vector_store %arg6[%swap3A, %swap3A_59], %add3A_58 {strides = array<i32>} : memref<1600x128xf32, #tpu.memory_space<vmem>>, vector<1600x128xf32>,
    return
  }
  func.func @transform_0(%arg0: i32) -> (i32, i32) {
    %add3A = arith.constant 0 : i32
    %add3A_0 = arith.addi %arg0, %add3A : i32
    %c0_i32 = arith.constant 0 : i32
    %c0_i32_1 = arith.constant 0 : i32
    return %add3A_0, %c0_i32 : i32, i32
  }
  func.func @transform_1(%arg0: i32) -> (i32, i32) {
    %c0_i32 = arith.constant 0 : i32
    %c0_i32_0 = arith.constant 0 : i32
    %c0_i32_1 = arith.constant 0 : i32
    return %c0_i32, %c0_i32_0 : i32, i32
  }
  func.func @transform_2(%arg0: i32) -> (i32, i32) {
    %c0_i32 = arith.constant 0 : i32
    %c0_i32_0 = arith.constant 0 : i32
    %c0_i32_1 = arith.constant 0 : i32
    return %c0_i32, %c0_i32_0 : i32, i32
  }
  func.func @transform_3(%arg0: i32) -> (i32, i32) {
    %c0_i32 = arith.constant 0 : i32
    %c0_i32_0 = arith.constant 0 : i32
    %c0_i32_1 = arith.constant 0 : i32
    return %c0_i32, %c0_i32_0 : i32, i32
  }
  func.func @transform_4(%arg0: i32) -> (i32, i32) {
    %c0_i32 = arith.constant 0 : i32
    %c0_i32_0 = arith.constant 0 : i32
    %c0_i32_1 = arith.constant 0 : i32
    return %c0_i32, %c0_i32_0 : i32, i32
  }
  func.func @transform_5(%arg0: i32) -> (i32, i32) {
    %c0_i32 = arith.constant 0 : i32
    %c0_i32_0 = arith.constant 0 : i32
    return %arg0, %c0_i32 : i32, i32
  }
}

module attributes {stable_mosaic.version = 14 : i64} {
  func.func @_in2fac_body(%arg0: i32, %arg1: memref<1000x128xf32, #tpu.memory_space<vmem>>, %arg2: memref<128x128xf32, #tpu.memory_space<vmem>>, %arg3: memref<1000x128xf32, #tpu.memory_space<vmem>>) attributes {dimension_semantics = [#tpu.dimension_semantics<arbitrary>], iteration_bounds = array<i64: 10>, scalar_prefetch = 0 : i64, scratch_operands = 0 : i64, tpu.core_type = #tpu.core_type<tc>, window_params = [{transform_indices = @transform_0, window_bounds = array<i64: 1000, 128>}, {pipeline_mode = #tpu.pipeline_mode<synchronous>, transform_indices = @transform_1, window_bounds = array<i64: 128, 128>}, {transform_indices = @transform_2, window_bounds = array<i64: 1000, 128>}]} {
    %get3A = arith.constant 0 : index
    %get3A_0 = arith.constant 0 : index
    %get3A_1 = vector.load %arg1[%get3A, %get3A_0] : memref<1000x128xf32, #tpu.memory_space<vmem>>, vector<1000x128xf32>
    %get3A_2 = arith.constant 0 : index
    %get3A_3 = arith.constant 0 : index
    %get3A_4 = vector.load %arg2[%get3A_2, %get3A_3] : memref<128x128xf32, #tpu.memory_space<vmem>>, vector<128x128xf32>
    %dot_general3A = arith.constant dense<0.000000e+00> : vector<1000x128xf32>
    %dot_general3A_5 = tpu.matmul %get3A_1, %get3A_4, %dot_general3A {dimension_numbers = #tpu.dot_dimension_numbers<[1], [0], [0], [1], [0, 0, 1, 1], [], []>, transpose_lhs_hint = false} : vector<1000x128xf32>, vector<128x128xf32>, vector<1000x128xf32> -> vector<1000x128xf32>
    %swap3A = arith.constant 0 : index
    %swap3A_6 = arith.constant 0 : index
    %swap3A_7 = vector.load %arg3[%swap3A, %swap3A_6] : memref<1000x128xf32, #tpu.memory_space<vmem>>, vector<1000x128xf32>
    tpu.vector_store %arg3[%swap3A, %swap3A_6], %dot_general3A_5 {strides = array<i32>} : memref<1000x128xf32, #tpu.memory_space<vmem>>, vector<1000x128xf32>,
    return
  }
  func.func @transform_0(%arg0: i32) -> (i32, i32) {
    %c0_i32 = arith.constant 0 : i32
    %c0_i32_0 = arith.constant 0 : i32
    return %arg0, %c0_i32 : i32, i32
  }
  func.func @transform_1(%arg0: i32) -> (i32, i32) {
    %c0_i32 = arith.constant 0 : i32
    %c0_i32_0 = arith.constant 0 : i32
    %c0_i32_1 = arith.constant 0 : i32
    return %c0_i32, %c0_i32_0 : i32, i32
  }
  func.func @transform_2(%arg0: i32) -> (i32, i32) {
    %c0_i32 = arith.constant 0 : i32
    %c0_i32_0 = arith.constant 0 : i32
    return %arg0, %c0_i32 : i32, i32
  }
}

module attributes {stable_mosaic.version = 14 : i64} {
  func.func @_filter_body(%arg0: i32, %arg1: memref<1600x128xf32, #tpu.memory_space<vmem>>, %arg2: memref<128x128xf32, #tpu.memory_space<vmem>>, %arg3: memref<1x128xf32, #tpu.memory_space<vmem>>, %arg4: memref<128x128xf32, #tpu.memory_space<vmem>>, %arg5: memref<1x128xf32, #tpu.memory_space<vmem>>, %arg6: memref<1600x128xf32, #tpu.memory_space<vmem>>) attributes {dimension_semantics = [#tpu.dimension_semantics<arbitrary>], iteration_bounds = array<i64: 32>, scalar_prefetch = 0 : i64, scratch_operands = 0 : i64, tpu.core_type = #tpu.core_type<tc>, window_params = [{transform_indices = @transform_0, window_bounds = array<i64: 1600, 128>}, {pipeline_mode = #tpu.pipeline_mode<synchronous>, transform_indices = @transform_1, window_bounds = array<i64: 128, 128>}, {pipeline_mode = #tpu.pipeline_mode<synchronous>, transform_indices = @transform_2, window_bounds = array<i64: 1, 128>}, {pipeline_mode = #tpu.pipeline_mode<synchronous>, transform_indices = @transform_3, window_bounds = array<i64: 128, 128>}, {pipeline_mode = #tpu.pipeline_mode<synchronous>, transform_indices = @transform_4, window_bounds = array<i64: 1, 128>}, {transform_indices = @transform_5, window_bounds = array<i64: 1600, 128>}]} {
    %get3A = arith.constant 0 : index
    %get3A_0 = arith.constant 0 : index
    %get3A_1 = vector.load %arg1[%get3A, %get3A_0] : memref<1600x128xf32, #tpu.memory_space<vmem>>, vector<1600x128xf32>
    %get3A_2 = arith.constant 0 : index
    %get3A_3 = arith.constant 0 : index
    %get3A_4 = vector.load %arg2[%get3A_2, %get3A_3] : memref<128x128xf32, #tpu.memory_space<vmem>>, vector<128x128xf32>
    %dot_general3A = arith.constant dense<0.000000e+00> : vector<1600x128xf32>
    %dot_general3A_5 = tpu.matmul %get3A_1, %get3A_4, %dot_general3A {dimension_numbers = #tpu.dot_dimension_numbers<[1], [0], [0], [1], [0, 0, 1, 1], [], []>, transpose_lhs_hint = false} : vector<1600x128xf32>, vector<128x128xf32>, vector<1600x128xf32> -> vector<1600x128xf32>
    %get3A_6 = arith.constant 0 : index
    %get3A_7 = arith.constant 0 : index
    %get3A_8 = vector.load %arg3[%get3A_6, %get3A_7] : memref<1x128xf32, #tpu.memory_space<vmem>>, vector<1x128xf32>
    %add3A = vector.broadcast %get3A_8 : vector<1x128xf32> to vector<1600x128xf32>
    %add3A_9 = arith.addf %dot_general3A_5, %add3A : vector<1600x128xf32>
    %abs3A = math.absf %add3A_9 : vector<1600x128xf32>
    %mul3A = arith.constant -1.44269502 : f32
    %mul3A_10 = vector.broadcast %mul3A : f32 to vector<1600x128xf32>
    %mul3A_11 = arith.mulf %abs3A, %mul3A_10 : vector<1600x128xf32>
    %exp23A = math.exp2 %mul3A_11 : vector<1600x128xf32>
    %add3A_12 = arith.constant 1.000000e+00 : f32
    %add3A_13 = vector.broadcast %add3A_12 : f32 to vector<1600x128xf32>
    %add3A_14 = arith.addf %add3A_13, %exp23A : vector<1600x128xf32>
    %log3A = math.log %add3A_14 : vector<1600x128xf32>
    %log3A_15 = arith.constant 2.000000e+00 : f32
    %log3A_16 = math.log %log3A_15 : f32
    %div3A = vector.broadcast %log3A_16 : f32 to vector<1600x128xf32>
    %div3A_17 = arith.divf %log3A, %div3A : vector<1600x128xf32>
    %max3A = arith.constant 0.000000e+00 : f32
    %max3A_18 = vector.broadcast %max3A : f32 to vector<1600x128xf32>
    %max3A_19 = arith.maximumf %add3A_9, %max3A_18 : vector<1600x128xf32>
    %sub3A = arith.constant 1.000000e+00 : f32
    %sub3A_20 = vector.broadcast %sub3A : f32 to vector<1600x128xf32>
    %sub3A_21 = arith.subf %div3A_17, %sub3A_20 : vector<1600x128xf32>
    %mul3A_22 = arith.constant 0.693147182 : f32
    %mul3A_23 = vector.broadcast %mul3A_22 : f32 to vector<1600x128xf32>
    %mul3A_24 = arith.mulf %sub3A_21, %mul3A_23 : vector<1600x128xf32>
    %add3A_25 = arith.addf %max3A_19, %mul3A_24 : vector<1600x128xf32>
    %get3A_26 = arith.constant 0 : index
    %get3A_27 = arith.constant 0 : index
    %get3A_28 = vector.load %arg4[%get3A_26, %get3A_27] : memref<128x128xf32, #tpu.memory_space<vmem>>, vector<128x128xf32>
    %dot_general3A_29 = arith.constant dense<0.000000e+00> : vector<1600x128xf32>
    %dot_general3A_30 = tpu.matmul %add3A_25, %get3A_28, %dot_general3A_29 {dimension_numbers = #tpu.dot_dimension_numbers<[1], [0], [0], [1], [0, 0, 1, 1], [], []>, transpose_lhs_hint = false} : vector<1600x128xf32>, vector<128x128xf32>, vector<1600x128xf32> -> vector<1600x128xf32>
    %get3A_31 = arith.constant 0 : index
    %get3A_32 = arith.constant 0 : index
    %get3A_33 = vector.load %arg5[%get3A_31, %get3A_32] : memref<1x128xf32, #tpu.memory_space<vmem>>, vector<1x128xf32>
    %add3A_34 = vector.broadcast %get3A_33 : vector<1x128xf32> to vector<1600x128xf32>
    %add3A_35 = arith.addf %dot_general3A_30, %add3A_34 : vector<1600x128xf32>
    %abs3A_36 = math.absf %add3A_35 : vector<1600x128xf32>
    %mul3A_37 = arith.constant -1.44269502 : f32
    %mul3A_38 = vector.broadcast %mul3A_37 : f32 to vector<1600x128xf32>
    %mul3A_39 = arith.mulf %abs3A_36, %mul3A_38 : vector<1600x128xf32>
    %exp23A_40 = math.exp2 %mul3A_39 : vector<1600x128xf32>
    %add3A_41 = arith.constant 1.000000e+00 : f32
    %add3A_42 = vector.broadcast %add3A_41 : f32 to vector<1600x128xf32>
    %add3A_43 = arith.addf %add3A_42, %exp23A_40 : vector<1600x128xf32>
    %log3A_44 = math.log %add3A_43 : vector<1600x128xf32>
    %log3A_45 = arith.constant 2.000000e+00 : f32
    %log3A_46 = math.log %log3A_45 : f32
    %div3A_47 = vector.broadcast %log3A_46 : f32 to vector<1600x128xf32>
    %div3A_48 = arith.divf %log3A_44, %div3A_47 : vector<1600x128xf32>
    %max3A_49 = arith.constant 0.000000e+00 : f32
    %max3A_50 = vector.broadcast %max3A_49 : f32 to vector<1600x128xf32>
    %max3A_51 = arith.maximumf %add3A_35, %max3A_50 : vector<1600x128xf32>
    %sub3A_52 = arith.constant 1.000000e+00 : f32
    %sub3A_53 = vector.broadcast %sub3A_52 : f32 to vector<1600x128xf32>
    %sub3A_54 = arith.subf %div3A_48, %sub3A_53 : vector<1600x128xf32>
    %mul3A_55 = arith.constant 0.693147182 : f32
    %mul3A_56 = vector.broadcast %mul3A_55 : f32 to vector<1600x128xf32>
    %mul3A_57 = arith.mulf %sub3A_54, %mul3A_56 : vector<1600x128xf32>
    %add3A_58 = arith.addf %max3A_51, %mul3A_57 : vector<1600x128xf32>
    %swap3A = arith.constant 0 : index
    %swap3A_59 = arith.constant 0 : index
    %swap3A_60 = vector.load %arg6[%swap3A, %swap3A_59] : memref<1600x128xf32, #tpu.memory_space<vmem>>, vector<1600x128xf32>
    tpu.vector_store %arg6[%swap3A, %swap3A_59], %add3A_58 {strides = array<i32>} : memref<1600x128xf32, #tpu.memory_space<vmem>>, vector<1600x128xf32>,
    return
  }
  func.func @transform_0(%arg0: i32) -> (i32, i32) {
    %add3A = arith.constant 20 : i32
    %add3A_0 = arith.addi %arg0, %add3A : i32
    %c0_i32 = arith.constant 0 : i32
    %c0_i32_1 = arith.constant 0 : i32
    return %add3A_0, %c0_i32 : i32, i32
  }
  func.func @transform_1(%arg0: i32) -> (i32, i32) {
    %c0_i32 = arith.constant 0 : i32
    %c0_i32_0 = arith.constant 0 : i32
    %c0_i32_1 = arith.constant 0 : i32
    return %c0_i32, %c0_i32_0 : i32, i32
  }
  func.func @transform_2(%arg0: i32) -> (i32, i32) {
    %c0_i32 = arith.constant 0 : i32
    %c0_i32_0 = arith.constant 0 : i32
    %c0_i32_1 = arith.constant 0 : i32
    return %c0_i32, %c0_i32_0 : i32, i32
  }
  func.func @transform_3(%arg0: i32) -> (i32, i32) {
    %c0_i32 = arith.constant 0 : i32
    %c0_i32_0 = arith.constant 0 : i32
    %c0_i32_1 = arith.constant 0 : i32
    return %c0_i32, %c0_i32_0 : i32, i32
  }
  func.func @transform_4(%arg0: i32) -> (i32, i32) {
    %c0_i32 = arith.constant 0 : i32
    %c0_i32_0 = arith.constant 0 : i32
    %c0_i32_1 = arith.constant 0 : i32
    return %c0_i32, %c0_i32_0 : i32, i32
  }
  func.func @transform_5(%arg0: i32) -> (i32, i32) {
    %c0_i32 = arith.constant 0 : i32
    %c0_i32_0 = arith.constant 0 : i32
    return %arg0, %c0_i32 : i32, i32
  }
}

module attributes {stable_mosaic.version = 14 : i64} {
  func.func @_filter_body(%arg0: i32, %arg1: memref<1600x128xf32, #tpu.memory_space<vmem>>, %arg2: memref<128x128xf32, #tpu.memory_space<vmem>>, %arg3: memref<1x128xf32, #tpu.memory_space<vmem>>, %arg4: memref<128x128xf32, #tpu.memory_space<vmem>>, %arg5: memref<1x128xf32, #tpu.memory_space<vmem>>, %arg6: memref<1600x128xf32, #tpu.memory_space<vmem>>) attributes {dimension_semantics = [#tpu.dimension_semantics<arbitrary>], iteration_bounds = array<i64: 48>, scalar_prefetch = 0 : i64, scratch_operands = 0 : i64, tpu.core_type = #tpu.core_type<tc>, window_params = [{transform_indices = @transform_0, window_bounds = array<i64: 1600, 128>}, {pipeline_mode = #tpu.pipeline_mode<synchronous>, transform_indices = @transform_1, window_bounds = array<i64: 128, 128>}, {pipeline_mode = #tpu.pipeline_mode<synchronous>, transform_indices = @transform_2, window_bounds = array<i64: 1, 128>}, {pipeline_mode = #tpu.pipeline_mode<synchronous>, transform_indices = @transform_3, window_bounds = array<i64: 128, 128>}, {pipeline_mode = #tpu.pipeline_mode<synchronous>, transform_indices = @transform_4, window_bounds = array<i64: 1, 128>}, {transform_indices = @transform_5, window_bounds = array<i64: 1600, 128>}]} {
    %get3A = arith.constant 0 : index
    %get3A_0 = arith.constant 0 : index
    %get3A_1 = vector.load %arg1[%get3A, %get3A_0] : memref<1600x128xf32, #tpu.memory_space<vmem>>, vector<1600x128xf32>
    %get3A_2 = arith.constant 0 : index
    %get3A_3 = arith.constant 0 : index
    %get3A_4 = vector.load %arg2[%get3A_2, %get3A_3] : memref<128x128xf32, #tpu.memory_space<vmem>>, vector<128x128xf32>
    %dot_general3A = arith.constant dense<0.000000e+00> : vector<1600x128xf32>
    %dot_general3A_5 = tpu.matmul %get3A_1, %get3A_4, %dot_general3A {dimension_numbers = #tpu.dot_dimension_numbers<[1], [0], [0], [1], [0, 0, 1, 1], [], []>, transpose_lhs_hint = false} : vector<1600x128xf32>, vector<128x128xf32>, vector<1600x128xf32> -> vector<1600x128xf32>
    %get3A_6 = arith.constant 0 : index
    %get3A_7 = arith.constant 0 : index
    %get3A_8 = vector.load %arg3[%get3A_6, %get3A_7] : memref<1x128xf32, #tpu.memory_space<vmem>>, vector<1x128xf32>
    %add3A = vector.broadcast %get3A_8 : vector<1x128xf32> to vector<1600x128xf32>
    %add3A_9 = arith.addf %dot_general3A_5, %add3A : vector<1600x128xf32>
    %abs3A = math.absf %add3A_9 : vector<1600x128xf32>
    %mul3A = arith.constant -1.44269502 : f32
    %mul3A_10 = vector.broadcast %mul3A : f32 to vector<1600x128xf32>
    %mul3A_11 = arith.mulf %abs3A, %mul3A_10 : vector<1600x128xf32>
    %exp23A = math.exp2 %mul3A_11 : vector<1600x128xf32>
    %add3A_12 = arith.constant 1.000000e+00 : f32
    %add3A_13 = vector.broadcast %add3A_12 : f32 to vector<1600x128xf32>
    %add3A_14 = arith.addf %add3A_13, %exp23A : vector<1600x128xf32>
    %log3A = math.log %add3A_14 : vector<1600x128xf32>
    %log3A_15 = arith.constant 2.000000e+00 : f32
    %log3A_16 = math.log %log3A_15 : f32
    %div3A = vector.broadcast %log3A_16 : f32 to vector<1600x128xf32>
    %div3A_17 = arith.divf %log3A, %div3A : vector<1600x128xf32>
    %max3A = arith.constant 0.000000e+00 : f32
    %max3A_18 = vector.broadcast %max3A : f32 to vector<1600x128xf32>
    %max3A_19 = arith.maximumf %add3A_9, %max3A_18 : vector<1600x128xf32>
    %sub3A = arith.constant 1.000000e+00 : f32
    %sub3A_20 = vector.broadcast %sub3A : f32 to vector<1600x128xf32>
    %sub3A_21 = arith.subf %div3A_17, %sub3A_20 : vector<1600x128xf32>
    %mul3A_22 = arith.constant 0.693147182 : f32
    %mul3A_23 = vector.broadcast %mul3A_22 : f32 to vector<1600x128xf32>
    %mul3A_24 = arith.mulf %sub3A_21, %mul3A_23 : vector<1600x128xf32>
    %add3A_25 = arith.addf %max3A_19, %mul3A_24 : vector<1600x128xf32>
    %get3A_26 = arith.constant 0 : index
    %get3A_27 = arith.constant 0 : index
    %get3A_28 = vector.load %arg4[%get3A_26, %get3A_27] : memref<128x128xf32, #tpu.memory_space<vmem>>, vector<128x128xf32>
    %dot_general3A_29 = arith.constant dense<0.000000e+00> : vector<1600x128xf32>
    %dot_general3A_30 = tpu.matmul %add3A_25, %get3A_28, %dot_general3A_29 {dimension_numbers = #tpu.dot_dimension_numbers<[1], [0], [0], [1], [0, 0, 1, 1], [], []>, transpose_lhs_hint = false} : vector<1600x128xf32>, vector<128x128xf32>, vector<1600x128xf32> -> vector<1600x128xf32>
    %get3A_31 = arith.constant 0 : index
    %get3A_32 = arith.constant 0 : index
    %get3A_33 = vector.load %arg5[%get3A_31, %get3A_32] : memref<1x128xf32, #tpu.memory_space<vmem>>, vector<1x128xf32>
    %add3A_34 = vector.broadcast %get3A_33 : vector<1x128xf32> to vector<1600x128xf32>
    %add3A_35 = arith.addf %dot_general3A_30, %add3A_34 : vector<1600x128xf32>
    %abs3A_36 = math.absf %add3A_35 : vector<1600x128xf32>
    %mul3A_37 = arith.constant -1.44269502 : f32
    %mul3A_38 = vector.broadcast %mul3A_37 : f32 to vector<1600x128xf32>
    %mul3A_39 = arith.mulf %abs3A_36, %mul3A_38 : vector<1600x128xf32>
    %exp23A_40 = math.exp2 %mul3A_39 : vector<1600x128xf32>
    %add3A_41 = arith.constant 1.000000e+00 : f32
    %add3A_42 = vector.broadcast %add3A_41 : f32 to vector<1600x128xf32>
    %add3A_43 = arith.addf %add3A_42, %exp23A_40 : vector<1600x128xf32>
    %log3A_44 = math.log %add3A_43 : vector<1600x128xf32>
    %log3A_45 = arith.constant 2.000000e+00 : f32
    %log3A_46 = math.log %log3A_45 : f32
    %div3A_47 = vector.broadcast %log3A_46 : f32 to vector<1600x128xf32>
    %div3A_48 = arith.divf %log3A_44, %div3A_47 : vector<1600x128xf32>
    %max3A_49 = arith.constant 0.000000e+00 : f32
    %max3A_50 = vector.broadcast %max3A_49 : f32 to vector<1600x128xf32>
    %max3A_51 = arith.maximumf %add3A_35, %max3A_50 : vector<1600x128xf32>
    %sub3A_52 = arith.constant 1.000000e+00 : f32
    %sub3A_53 = vector.broadcast %sub3A_52 : f32 to vector<1600x128xf32>
    %sub3A_54 = arith.subf %div3A_48, %sub3A_53 : vector<1600x128xf32>
    %mul3A_55 = arith.constant 0.693147182 : f32
    %mul3A_56 = vector.broadcast %mul3A_55 : f32 to vector<1600x128xf32>
    %mul3A_57 = arith.mulf %sub3A_54, %mul3A_56 : vector<1600x128xf32>
    %add3A_58 = arith.addf %max3A_51, %mul3A_57 : vector<1600x128xf32>
    %swap3A = arith.constant 0 : index
    %swap3A_59 = arith.constant 0 : index
    %swap3A_60 = vector.load %arg6[%swap3A, %swap3A_59] : memref<1600x128xf32, #tpu.memory_space<vmem>>, vector<1600x128xf32>
    tpu.vector_store %arg6[%swap3A, %swap3A_59], %add3A_58 {strides = array<i32>} : memref<1600x128xf32, #tpu.memory_space<vmem>>, vector<1600x128xf32>,
    return
  }
  func.func @transform_0(%arg0: i32) -> (i32, i32) {
    %add3A = arith.constant 52 : i32
    %add3A_0 = arith.addi %arg0, %add3A : i32
    %c0_i32 = arith.constant 0 : i32
    %c0_i32_1 = arith.constant 0 : i32
    return %add3A_0, %c0_i32 : i32, i32
  }
  func.func @transform_1(%arg0: i32) -> (i32, i32) {
    %c0_i32 = arith.constant 0 : i32
    %c0_i32_0 = arith.constant 0 : i32
    %c0_i32_1 = arith.constant 0 : i32
    return %c0_i32, %c0_i32_0 : i32, i32
  }
  func.func @transform_2(%arg0: i32) -> (i32, i32) {
    %c0_i32 = arith.constant 0 : i32
    %c0_i32_0 = arith.constant 0 : i32
    %c0_i32_1 = arith.constant 0 : i32
    return %c0_i32, %c0_i32_0 : i32, i32
  }
  func.func @transform_3(%arg0: i32) -> (i32, i32) {
    %c0_i32 = arith.constant 0 : i32
    %c0_i32_0 = arith.constant 0 : i32
    %c0_i32_1 = arith.constant 0 : i32
    return %c0_i32, %c0_i32_0 : i32, i32
  }
  func.func @transform_4(%arg0: i32) -> (i32, i32) {
    %c0_i32 = arith.constant 0 : i32
    %c0_i32_0 = arith.constant 0 : i32
    %c0_i32_1 = arith.constant 0 : i32
    return %c0_i32, %c0_i32_0 : i32, i32
  }
  func.func @transform_5(%arg0: i32) -> (i32, i32) {
    %c0_i32 = arith.constant 0 : i32
    %c0_i32_0 = arith.constant 0 : i32
    return %arg0, %c0_i32 : i32, i32
  }
}

module attributes {stable_mosaic.version = 14 : i64} {
  func.func @_epilogue_body(%arg0: i32, %arg1: memref<1x1000x128xf32, #tpu.memory_space<vmem>>, %arg2: memref<1x1000x128xf32, #tpu.memory_space<vmem>>, %arg3: memref<1x1000x128xf32, #tpu.memory_space<vmem>>, %arg4: memref<1x1000x128xf32, #tpu.memory_space<vmem>>, %arg5: memref<1x1000x128xf32, #tpu.memory_space<vmem>>, %arg6: memref<1x1000x128xf32, #tpu.memory_space<vmem>>, %arg7: memref<1000x128xf32, #tpu.memory_space<vmem>>, %arg8: memref<128x128xf32, #tpu.memory_space<vmem>>, %arg9: memref<1x128xf32, #tpu.memory_space<vmem>>, %arg10: memref<128x128xf32, #tpu.memory_space<vmem>>, %arg11: memref<1x128xf32, #tpu.memory_space<vmem>>, %arg12: memref<1000x128xf32, #tpu.memory_space<vmem>>, %arg13: memref<1000x128xf32, #tpu.memory_space<vmem>>) attributes {dimension_semantics = [#tpu.dimension_semantics<arbitrary>], iteration_bounds = array<i64: 10>, scalar_prefetch = 0 : i64, scratch_operands = 0 : i64, tpu.core_type = #tpu.core_type<tc>, window_params = [{transform_indices = @transform_0, window_bounds = array<i64: 1, 1000, 128>}, {transform_indices = @transform_1, window_bounds = array<i64: 1, 1000, 128>}, {transform_indices = @transform_2, window_bounds = array<i64: 1, 1000, 128>}, {transform_indices = @transform_3, window_bounds = array<i64: 1, 1000, 128>}, {transform_indices = @transform_4, window_bounds = array<i64: 1, 1000, 128>}, {transform_indices = @transform_5, window_bounds = array<i64: 1, 1000, 128>}, {transform_indices = @transform_6, window_bounds = array<i64: 1000, 128>}, {pipeline_mode = #tpu.pipeline_mode<synchronous>, transform_indices = @transform_7, window_bounds = array<i64: 128, 128>}, {pipeline_mode = #tpu.pipeline_mode<synchronous>, transform_indices = @transform_8, window_bounds = array<i64: 1, 128>}, {pipeline_mode = #tpu.pipeline_mode<synchronous>, transform_indices = @transform_9, window_bounds = array<i64: 128, 128>}, {pipeline_mode = #tpu.pipeline_mode<synchronous>, transform_indices = @transform_10, window_bounds = array<i64: 1, 128>}, {transform_indices = @transform_11, window_bounds = array<i64: 1000, 128>}, {transform_indices = @transform_12, window_bounds = array<i64: 1000, 128>}]} {
    %get3A = arith.constant 0 : index
    %get3A_0 = arith.constant 0 : index
    %get3A_1 = arith.constant 0 : index
    %get3A_2 = vector.load %arg1[%get3A, %get3A_0, %get3A_1] : memref<1x1000x128xf32, #tpu.memory_space<vmem>>, vector<1x1000x128xf32>
    %get3A_3 = vector.shape_cast %get3A_2 : vector<1x1000x128xf32> to vector<1000x128xf32>
    %get3A_4 = arith.constant 0 : index
    %get3A_5 = arith.constant 0 : index
    %get3A_6 = arith.constant 0 : index
    %get3A_7 = vector.load %arg2[%get3A_4, %get3A_5, %get3A_6] : memref<1x1000x128xf32, #tpu.memory_space<vmem>>, vector<1x1000x128xf32>
    %get3A_8 = vector.shape_cast %get3A_7 : vector<1x1000x128xf32> to vector<1000x128xf32>
    %add3A = arith.addf %get3A_3, %get3A_8 : vector<1000x128xf32>
    %get3A_9 = arith.constant 0 : index
    %get3A_10 = arith.constant 0 : index
    %get3A_11 = arith.constant 0 : index
    %get3A_12 = vector.load %arg3[%get3A_9, %get3A_10, %get3A_11] : memref<1x1000x128xf32, #tpu.memory_space<vmem>>, vector<1x1000x128xf32>
    %get3A_13 = vector.shape_cast %get3A_12 : vector<1x1000x128xf32> to vector<1000x128xf32>
    %add3A_14 = arith.addf %add3A, %get3A_13 : vector<1000x128xf32>
    %get3A_15 = arith.constant 0 : index
    %get3A_16 = arith.constant 0 : index
    %get3A_17 = arith.constant 0 : index
    %get3A_18 = vector.load %arg4[%get3A_15, %get3A_16, %get3A_17] : memref<1x1000x128xf32, #tpu.memory_space<vmem>>, vector<1x1000x128xf32>
    %get3A_19 = vector.shape_cast %get3A_18 : vector<1x1000x128xf32> to vector<1000x128xf32>
    %add3A_20 = arith.addf %add3A_14, %get3A_19 : vector<1000x128xf32>
    %get3A_21 = arith.constant 0 : index
    %get3A_22 = arith.constant 0 : index
    %get3A_23 = arith.constant 0 : index
    %get3A_24 = vector.load %arg5[%get3A_21, %get3A_22, %get3A_23] : memref<1x1000x128xf32, #tpu.memory_space<vmem>>, vector<1x1000x128xf32>
    %get3A_25 = vector.shape_cast %get3A_24 : vector<1x1000x128xf32> to vector<1000x128xf32>
    %add3A_26 = arith.addf %add3A_20, %get3A_25 : vector<1000x128xf32>
    %get3A_27 = arith.constant 0 : index
    %get3A_28 = arith.constant 0 : index
    %get3A_29 = arith.constant 0 : index
    %get3A_30 = vector.load %arg6[%get3A_27, %get3A_28, %get3A_29] : memref<1x1000x128xf32, #tpu.memory_space<vmem>>, vector<1x1000x128xf32>
    %get3A_31 = vector.shape_cast %get3A_30 : vector<1x1000x128xf32> to vector<1000x128xf32>
    %add3A_32 = arith.addf %add3A_26, %get3A_31 : vector<1000x128xf32>
    %get3A_33 = arith.constant 0 : index
    %get3A_34 = arith.constant 0 : index
    %get3A_35 = vector.load %arg8[%get3A_33, %get3A_34] : memref<128x128xf32, #tpu.memory_space<vmem>>, vector<128x128xf32>
    %dot_general3A = arith.constant dense<0.000000e+00> : vector<1000x128xf32>
    %dot_general3A_36 = tpu.matmul %add3A_32, %get3A_35, %dot_general3A {dimension_numbers = #tpu.dot_dimension_numbers<[1], [0], [0], [1], [0, 0, 1, 1], [], []>, transpose_lhs_hint = false} : vector<1000x128xf32>, vector<128x128xf32>, vector<1000x128xf32> -> vector<1000x128xf32>
    %get3A_37 = arith.constant 0 : index
    %get3A_38 = arith.constant 0 : index
    %get3A_39 = vector.load %arg9[%get3A_37, %get3A_38] : memref<1x128xf32, #tpu.memory_space<vmem>>, vector<1x128xf32>
    %add3A_40 = vector.broadcast %get3A_39 : vector<1x128xf32> to vector<1000x128xf32>
    %add3A_41 = arith.addf %dot_general3A_36, %add3A_40 : vector<1000x128xf32>
    %abs3A = math.absf %add3A_41 : vector<1000x128xf32>
    %mul3A = arith.constant -1.44269502 : f32
    %mul3A_42 = vector.broadcast %mul3A : f32 to vector<1000x128xf32>
    %mul3A_43 = arith.mulf %abs3A, %mul3A_42 : vector<1000x128xf32>
    %exp23A = math.exp2 %mul3A_43 : vector<1000x128xf32>
    %add3A_44 = arith.constant 1.000000e+00 : f32
    %add3A_45 = vector.broadcast %add3A_44 : f32 to vector<1000x128xf32>
    %add3A_46 = arith.addf %add3A_45, %exp23A : vector<1000x128xf32>
    %log3A = math.log %add3A_46 : vector<1000x128xf32>
    %log3A_47 = arith.constant 2.000000e+00 : f32
    %log3A_48 = math.log %log3A_47 : f32
    %div3A = vector.broadcast %log3A_48 : f32 to vector<1000x128xf32>
    %div3A_49 = arith.divf %log3A, %div3A : vector<1000x128xf32>
    %max3A = arith.constant 0.000000e+00 : f32
    %max3A_50 = vector.broadcast %max3A : f32 to vector<1000x128xf32>
    %max3A_51 = arith.maximumf %add3A_41, %max3A_50 : vector<1000x128xf32>
    %sub3A = arith.constant 1.000000e+00 : f32
    %sub3A_52 = vector.broadcast %sub3A : f32 to vector<1000x128xf32>
    %sub3A_53 = arith.subf %div3A_49, %sub3A_52 : vector<1000x128xf32>
    %mul3A_54 = arith.constant 0.693147182 : f32
    %mul3A_55 = vector.broadcast %mul3A_54 : f32 to vector<1000x128xf32>
    %mul3A_56 = arith.mulf %sub3A_53, %mul3A_55 : vector<1000x128xf32>
    %add3A_57 = arith.addf %max3A_51, %mul3A_56 : vector<1000x128xf32>
    %get3A_58 = arith.constant 0 : index
    %get3A_59 = arith.constant 0 : index
    %get3A_60 = vector.load %arg10[%get3A_58, %get3A_59] : memref<128x128xf32, #tpu.memory_space<vmem>>, vector<128x128xf32>
    %dot_general3A_61 = arith.constant dense<0.000000e+00> : vector<1000x128xf32>
    %dot_general3A_62 = tpu.matmul %add3A_57, %get3A_60, %dot_general3A_61 {dimension_numbers = #tpu.dot_dimension_numbers<[1], [0], [0], [1], [0, 0, 1, 1], [], []>, transpose_lhs_hint = false} : vector<1000x128xf32>, vector<128x128xf32>, vector<1000x128xf32> -> vector<1000x128xf32>
    %get3A_63 = arith.constant 0 : index
    %get3A_64 = arith.constant 0 : index
    %get3A_65 = vector.load %arg11[%get3A_63, %get3A_64] : memref<1x128xf32, #tpu.memory_space<vmem>>, vector<1x128xf32>
    %add3A_66 = vector.broadcast %get3A_65 : vector<1x128xf32> to vector<1000x128xf32>
    %add3A_67 = arith.addf %dot_general3A_62, %add3A_66 : vector<1000x128xf32>
    %swap3A = arith.constant 0 : index
    %swap3A_68 = arith.constant 0 : index
    %swap3A_69 = vector.load %arg13[%swap3A, %swap3A_68] : memref<1000x128xf32, #tpu.memory_space<vmem>>, vector<1000x128xf32>
    tpu.vector_store %arg13[%swap3A, %swap3A_68], %add3A_67 {strides = array<i32>} : memref<1000x128xf32, #tpu.memory_space<vmem>>, vector<1000x128xf32>,
    %get3A_70 = arith.constant 0 : index
    %get3A_71 = arith.constant 0 : index
    %get3A_72 = vector.load %arg7[%get3A_70, %get3A_71] : memref<1000x128xf32, #tpu.memory_space<vmem>>, vector<1000x128xf32>
    %add3A_73 = arith.addf %get3A_72, %add3A_67 : vector<1000x128xf32>
    %swap3A_74 = arith.constant 0 : index
    %swap3A_75 = arith.constant 0 : index
    %swap3A_76 = vector.load %arg12[%swap3A_74, %swap3A_75] : memref<1000x128xf32, #tpu.memory_space<vmem>>, vector<1000x128xf32>
    tpu.vector_store %arg12[%swap3A_74, %swap3A_75], %add3A_73 {strides = array<i32>} : memref<1000x128xf32, #tpu.memory_space<vmem>>, vector<1000x128xf32>,
    return
  }
  func.func @transform_0(%arg0: i32) -> (i32, i32, i32) {
    %c0_i32 = arith.constant 0 : i32
    %c0_i32_0 = arith.constant 0 : i32
    %c0_i32_1 = arith.constant 0 : i32
    return %c0_i32, %arg0, %c0_i32_0 : i32, i32, i32
  }
  func.func @transform_1(%arg0: i32) -> (i32, i32, i32) {
    %c1_i32 = arith.constant 1 : i32
    %c0_i32 = arith.constant 0 : i32
    %c0_i32_0 = arith.constant 0 : i32
    return %c1_i32, %arg0, %c0_i32 : i32, i32, i32
  }
  func.func @transform_2(%arg0: i32) -> (i32, i32, i32) {
    %c0_i32 = arith.constant 0 : i32
    %c0_i32_0 = arith.constant 0 : i32
    %c0_i32_1 = arith.constant 0 : i32
    return %c0_i32, %arg0, %c0_i32_0 : i32, i32, i32
  }
  func.func @transform_3(%arg0: i32) -> (i32, i32, i32) {
    %c1_i32 = arith.constant 1 : i32
    %c0_i32 = arith.constant 0 : i32
    %c0_i32_0 = arith.constant 0 : i32
    return %c1_i32, %arg0, %c0_i32 : i32, i32, i32
  }
  func.func @transform_4(%arg0: i32) -> (i32, i32, i32) {
    %c0_i32 = arith.constant 0 : i32
    %c0_i32_0 = arith.constant 0 : i32
    %c0_i32_1 = arith.constant 0 : i32
    return %c0_i32, %arg0, %c0_i32_0 : i32, i32, i32
  }
  func.func @transform_5(%arg0: i32) -> (i32, i32, i32) {
    %c1_i32 = arith.constant 1 : i32
    %c0_i32 = arith.constant 0 : i32
    %c0_i32_0 = arith.constant 0 : i32
    return %c1_i32, %arg0, %c0_i32 : i32, i32, i32
  }
  func.func @transform_6(%arg0: i32) -> (i32, i32) {
    %c0_i32 = arith.constant 0 : i32
    %c0_i32_0 = arith.constant 0 : i32
    return %arg0, %c0_i32 : i32, i32
  }
  func.func @transform_7(%arg0: i32) -> (i32, i32) {
    %c0_i32 = arith.constant 0 : i32
    %c0_i32_0 = arith.constant 0 : i32
    %c0_i32_1 = arith.constant 0 : i32
    return %c0_i32, %c0_i32_0 : i32, i32
  }
  func.func @transform_8(%arg0: i32) -> (i32, i32) {
    %c0_i32 = arith.constant 0 : i32
    %c0_i32_0 = arith.constant 0 : i32
    %c0_i32_1 = arith.constant 0 : i32
    return %c0_i32, %c0_i32_0 : i32, i32
  }
  func.func @transform_9(%arg0: i32) -> (i32, i32) {
    %c0_i32 = arith.constant 0 : i32
    %c0_i32_0 = arith.constant 0 : i32
    %c0_i32_1 = arith.constant 0 : i32
    return %c0_i32, %c0_i32_0 : i32, i32
  }
  func.func @transform_10(%arg0: i32) -> (i32, i32) {
    %c0_i32 = arith.constant 0 : i32
    %c0_i32_0 = arith.constant 0 : i32
    %c0_i32_1 = arith.constant 0 : i32
    return %c0_i32, %c0_i32_0 : i32, i32
  }
  func.func @transform_11(%arg0: i32) -> (i32, i32) {
    %c0_i32 = arith.constant 0 : i32
    %c0_i32_0 = arith.constant 0 : i32
    return %arg0, %c0_i32 : i32, i32
  }
  func.func @transform_12(%arg0: i32) -> (i32, i32) {
    %c0_i32 = arith.constant 0 : i32
    %c0_i32_0 = arith.constant 0 : i32
    return %arg0, %c0_i32 : i32, i32
  }
}

</mosaic_0001>

<sc_bundles>
// kernel: kernel.10.cloned.1.call-start
scs
__scs_entry_jumppad:
0x0: {  	(pc) =	sbr.rel $0x88, $3  }
0x1: {  	(tag) =	ssettag $0x0;
	lr =	simm.s32 $0x1  }
0x2: {  	[smem:$0x3F94] =	sst lr;
	_ =	strace $0xD0000000  }
0x3: {  	_ = 	snop  }
0x4: {  	_ = 	snop  }
0x5: {  	_ = 	snop  }
0x6: {  	_ = 	snop  }
0x7: {  	_ = 	snop  }
__scs_overlays_trampoline_lowered:
0x8: {  	[smem:$0x3FA3] =	sst s0  }
0x9: {  	[smem:$0x3FA4] =	sst s1  }
0xa: {  	[smem:$0x3FA5] =	sst s2  }
0xb: {  	[smem:$0x3FA6] =	sst s3  }
0xc: {  	[smem:$0x3FA7] =	sst s4  }
0xd: {  	[smem:$0x3FA8] =	sst s5  }
0xe: {  	[smem:$0x3FA9] =	sst s6  }
0xf: {  	[smem:$0x3FAA] =	sst s7  }
0x10: {  	[smem:$0x3FAB] =	sst s8  }
0x11: {  	[smem:$0x3FAC] =	sst s9;
	s0 =	simm.s32 @!p0 $0x0  }
0x12: {  	s1 =	sld [smem:$0x3F92];
	s0 =	simm.s32 @p0 $0x1  }
0x13: {  	[smem:$0x3FAD] =	sst s0;
	s0 =	simm.s32 @!p1 $0x0  }
0x14: {  	s2 =	sld [smem:$0x3F91];
	s0 =	simm.s32 @p1 $0x1  }
0x15: {  	[smem:$0x3FAE] =	sst s0;
	s0 =	simm.s32 @!p2 $0x0  }
0x16: {  	s3 =	sld [smem:$0x3FDB];
	s0 =	simm.s32 @p2 $0x1  }
0x17: {  	s4 =	simm.s32 $0x1BF5;
	[smem:$0x3FB0] =	sst s0  }
0x18: {  	s0 =	sld [smem:$0x3F93];
	_ =	swait.ge [sflag:s4], $0x0  }
0x19: {  	s7 =	sld [smem:$0x3F94]  }
0x1a: {  	s8 =	sadd.s32 $0xFFFFE003, lr  }
0x1b: {  	s9 =	sadd.s32 $0xFFFFFEF7, lr;
	s5 =	simm.s32 $0xFFFFFFFF;
	p2 =	slt.u32 s8, $0xFFFFF086  }
0x1c: {  	p1 =	slt.u32 s9, $0xF7A;
	s5 =	simm.s32 @!p2 $0x0  }
0x1d: {  	s5 =	simm.s32 @p1 $0x1;
	p0 =	seq.s32 s7, s2  }
0x1e: {  	s7 =	smul.u32 @!p0 $0xF7A, s2;
	p2 =	seq.s32 @!p0 s5, $0x0  }
0x1f: {  	s9 =	smul.u32 $0xF7A, s1;
	s8 =	simm.s32 @!p0 $0x1BF5;
	p2 =	por !p2, p0  }
0x20: {  	[sflag:s8] =	ssyncset.s32 @!p0 $0xFFFFF086;
	s6 =	sadd.s32 @!p0 s3, s7;
	s7 =	simm.s32 @!p0 $0x108  }
0x21: {  	s3 =	sadd.s32 s3, s9;
	s6 =	sadd.s32 @!p0 $0x88, s6;
	s7 =	simm.s32 @p2 $0x1082  }
0x22: {  	[simem:s7], [sflag:s8] =	dma.local @!p0 [hbm:s6], $0xF7A  }
0x23: {  	s9 =	sor.u32 $0xD0000000, s2;
	s6 =	simm.s32 $0x108;
	_ =	swait.ge @!p0 [sflag:s8], $0x0  }
0x24: {  	s3 =	sadd.s32 $0x88, s3;
	s6 =	simm.s32 @!p1 $0x1082;
	[sflag:s4] =	ssyncset.s32 $0xFFFFF086  }
0x25: {  	[simem:s6], [sflag:s4] =	dma.local [hbm:s3], $0xF7A  }
0x26: {  	[smem:$0x3F94] =	sst s1;
	(tag) =	ssettag s2;
	_ =	strace s9  }
0x27: {  	s1 =	sld [smem:$0x3FA4]  }
0x28: {  	s2 =	sld [smem:$0x3FA5]  }
0x29: {  	s4 =	sld [smem:$0x3FA7]  }
0x2a: {  	p0 =	seq.s32 s5, $0x0;
	s5 =	sld [smem:$0x3FA8]  }
0x2b: {  	s6 =	sld [smem:$0x3FA9]  }
0x2c: {  	s7 =	sld [smem:$0x3FAA]  }
0x2d: {  	s3 =	simm.s32 $0x108;
	s8 =	sld [smem:$0x3FAB]  }
0x2e: {  	s3 =	simm.s32 @!p0 $0x1082;
	s9 =	sld [smem:$0x3FAC]  }
0x2f: {  	lr =	sadd.s32 s0, s3;
	s0 =	sld [smem:$0x3FA3]  }
0x30: {  	s3 =	sld [smem:$0x3FA6]  }
0x31: {  	[smem:$0x3FAF] =	sst s10  }
0x32: {  	s10 =	sld [smem:$0x3FAD];
	_ =	sdelay $0x3  }
0x33: {  	p0 =	seq.s32 s10, $0x1;
	s10 =	sld [smem:$0x3FAF];
	_ =	sdelay $0x3  }
0x34: {  	[smem:$0x3FAF] =	sst s10  }
0x35: {  	s10 =	sld [smem:$0x3FAE];
	_ =	sdelay $0x3  }
0x36: {  	p1 =	seq.s32 s10, $0x1;
	s10 =	sld [smem:$0x3FAF];
	_ =	sdelay $0x3  }
0x37: {  	[smem:$0x3FAF] =	sst s10  }
0x38: {  	s10 =	sld [smem:$0x3FB0]  }
0x39: {  	_ = 	snop;
	(pc) =	sbr.ind lr, $3  }
0x3a: {  	_ = 	snop  }
0x3b: {  	_ = 	snop  }
0x3c: {  	p2 =	seq.s32 s10, $0x1;
	s10 =	sld [smem:$0x3FAF]  }
0x3d: {  	_ =	shalt  }
0x3e: {  	_ =	shalt  }
0x3f: {  	_ =	shalt  }
0x40: {  	_ =	shalt  }
0x41: {  	_ =	shalt  }
0x42: {  	_ =	shalt  }
0x43: {  	_ =	shalt  }
0x44: {  	_ =	shalt  }
0x45: {  	_ =	shalt  }
0x46: {  	_ =	shalt  }
0x47: {  	_ =	shalt  }
0x48: {  	_ =	shalt  }
0x49: {  	_ =	shalt  }
0x4a: {  	_ =	shalt  }
0x4b: {  	_ =	shalt  }
0x4c: {  	_ =	shalt  }
0x4d: {  	_ =	shalt  }
0x4e: {  	_ =	shalt  }
0x4f: {  	_ =	shalt  }
0x50: {  	_ =	shalt  }
0x51: {  	_ =	shalt  }
0x52: {  	_ =	shalt  }
0x53: {  	_ =	shalt  }
0x54: {  	_ =	shalt  }
0x55: {  	_ =	shalt  }
0x56: {  	_ =	shalt  }
0x57: {  	_ =	shalt  }
0x58: {  	_ =	shalt  }
0x59: {  	_ =	shalt  }
0x5a: {  	_ =	shalt  }
0x5b: {  	_ =	shalt  }
0x5c: {  	_ =	shalt  }
0x5d: {  	_ =	shalt  }
0x5e: {  	_ =	shalt  }
0x5f: {  	_ =	shalt  }
0x60: {  	_ =	shalt  }
0x61: {  	_ =	shalt  }
0x62: {  	_ =	shalt  }
0x63: {  	_ =	shalt  }
0x64: {  	_ =	shalt  }
0x65: {  	_ =	shalt  }
0x66: {  	_ =	shalt  }
0x67: {  	_ =	shalt  }
0x68: {  	_ =	shalt  }
0x69: {  	_ =	shalt  }
0x6a: {  	_ =	shalt  }
0x6b: {  	_ =	shalt  }
0x6c: {  	_ =	shalt  }
0x6d: {  	_ =	shalt  }
0x6e: {  	_ =	shalt  }
0x6f: {  	_ =	shalt  }
0x70: {  	_ =	shalt  }
0x71: {  	_ =	shalt  }
0x72: {  	_ =	shalt  }
0x73: {  	_ =	shalt  }
0x74: {  	_ =	shalt  }
0x75: {  	_ =	shalt  }
0x76: {  	_ =	shalt  }
0x77: {  	_ =	shalt  }
0x78: {  	_ =	shalt  }
0x79: {  	_ =	shalt  }
0x7a: {  	_ =	shalt  }
0x7b: {  	_ =	shalt  }
0x7c: {  	_ =	shalt  }
0x7d: {  	_ =	shalt  }
0x7e: {  	_ =	shalt  }
0x7f: {  	_ =	shalt  }
0x80: {  	_ =	shalt  }
0x81: {  	_ =	shalt  }
0x82: {  	_ =	shalt  }
0x83: {  	_ =	shalt  }
0x84: {  	_ =	shalt  }
0x85: {  	_ =	shalt  }
0x86: {  	_ =	shalt  }
0x87: {  	_ =	shalt  }
.Lfunc_end0:
.L_simem_size_0:
called_computation_lowered:
.L_overlay_start_0:
0x88: {  	s2 =	sld [smem:$0x3FD9]  }
0x89: {  	s3 =	sld [smem:$0x3FFE];
	_ =	sdelay $0x1  }
0x8a: {  	s1 =	srdreg.scid  }
0x8b: {  	s0 =	sand.u32 $0x1, s1  }
0x8c: {  	s14 =	sshll.u32 s0, $0xA;
	s2 =	sadd.s32 s3, s2  }
0x8d: {  	s2 =	sadd.s32 s2, s14  }
0x8e: {  	[smem:$0x3FBB] =	sst s2  }
0x8f: {  	_ = 	snop  }
0x90: {  	s2 =	sld [smem:$0x3FD0];
	_ =	sdelay $0x1  }
0x91: {  	s15 =	sld [smem:$0x3FC7]  }
0x92: {  	s5 =	simm.s32 $0xC;
	s6 =	simm.s32 $0x10;
	s4 =	sld [smem:$0x3FC6]  }
0x93: {  	[smem:s6], [sflag:s5] =	dma.local [hbm:s2], $0x1  }
0x94: {  	_ =	swait.eq [sflag:s5], $0x1  }
0x95: {  	[sflag:s5] =	ssyncset.done $0x0  }
0x96: {  	[sflag:s5] =	ssyncadd.s32 $0xFFFFFFFF  }
0x97: {  	s16 =	sld [smem:$0x11];
	(tm) =	ssettm $0x1  }
0x98: {  	s17 =	sld [smem:$0x3FFB];
	_ =	sdelay $0x3  }
0x99: {  	_ =	strace s17  }
0x9a: {  	s5 =	sld [smem:$0x3FFC];
	_ =	sdelay $0x3  }
0x9b: {  	_ =	strace s5  }
0x9c: {  	s5 =	sld [smem:$0x3FFD];
	_ =	sdelay $0x3  }
0x9d: {  	_ =	strace s5  }
0x9e: {  	_ =	strace $0x8FFFFFFF  }
0x9f: {  	s18 =	sld [smem:$0x3FDB];
	_ =	sdelay $0x1  }
0xa0: {  	s19 =	simm.s32 $_scs_section_size  }
0xa1: {  	s7 =	simm.s32 $_size__tile_overlayer_lowered;
	s8 =	simm.s32 $_tile_overlayer_lowered  }
0xa2: {  	s22 =	simm.s32 $0x1BFF;
	s21 =	sshll.u32 s8, $0x1;
	s5 =	sadd.s32 s19, s18  }
0xa3: {  	s9 =	simm.s32 $0x0;
	s20 =	sshll.u32 s7, $0x1;
	s7 =	sadd.s32 s21, s5  }
0xa4: {  	[timem:s9], [sflag:s22] =	dma.local [hbm:s7], s20  }
0xa5: {  	_ =	swait.ge [sflag:s22], s20  }
0xa6: {  	s6 =	ssub.s32 $0x0, s20;
	[sflag:s22] =	ssyncset.done $0x0  }
0xa7: {  	[sflag:s22] =	ssyncadd.s32 s6;
	_ =	sdelay $0x1  }
0xa8: {  	s23 =	simm.s32 $0x1B8B  }
0xa9: {  	_ =	swait.ge [sflag:s23], $0x1  }
0xaa: {  	[sflag:s23] =	ssyncset.done $0x0  }
0xab: {  	s25 =	simm.s32 $0x1B8E;
	s24 =	sld [smem:$0x3FFE];
	[sflag:s23] =	ssyncadd.s32 $0xFFFFFFFF  }
0xac: {  	s26 =	simm.s32 $execute0_lowered;
	[smem:$0x3FD2] =	sst s25  }
0xad: {  	s7 =	sshll.u32 s26, $0x1;
	_ =	strace $0x80000046;
	[dreg:$0x1] =	wrdreg $0xFFFFFFFF  }
0xae: {  	s28 =	simm.s32 $_size_execute0_lowered;
	s5 =	sadd.s32 s5, s7;
	[dreg:$0x0] =	wrdreg $0x0  }
0xaf: {  	s7 =	sshll.u32 s28, $0x1;
	[dreg:$0x2] =	wrdreg s5  }
0xb0: {  	[dreg:$0x3] =	wrdreg s7  }
0xb1: {  	[dreg:$0x4] =	wrdreg $0xC0  }
0xb2: {  	_ =	task [dreg:s9], $0x5FFFF  }
0xb3: {  	[dreg:$0x1] =	wrdreg $0xFFFFFFFF  }
0xb4: {  	[dreg:$0x0] =	wrdreg $0x60  }
0xb5: {  	[dreg:$0x2] =	wrdreg s16  }
0xb6: {  	[dreg:$0x3] =	wrdreg s24  }
0xb7: {  	[dreg:$0x4] =	wrdreg s15  }
0xb8: {  	[dreg:$0x5] =	wrdreg s4  }
0xb9: {  	[dreg:$0x6] =	wrdreg $0x7C000  }
0xba: {  	[dreg:$0x7] =	wrdreg $0x9  }
0xbb: {  	_ =	task.clear_ibuf [dreg:s9], $0x8FFFF;
	_ =	strace $0x90000046  }
0xbc: {  	s29 =	simm.s32 $0x9;
	_ =	strace $0x80000048  }
0xbd: {  	_ =	swait.ge [sflag:s29], $0x1  }
0xbe: {  	[sflag:s29] =	ssyncadd.s32 $0xFFFFFFFF  }
0xbf: {  	_ =	strace $0x90000048  }
0xc0: {  	_ =	sfence  }
0xc1: {  	s30 =	sld [smem:$0x0];
	_ =	sdelay $0x2  }
0xc2: {  	s31 =	sshll.u32 s1, $0xD;
	s1 =	sshrl.u32 s1, $0x2  }
0xc3: {  	s3 =	sand.u32 $0x4000, s31;
	s1 =	sadd.s32 s1, s30  }
0xc4: {  	s0 =	sor.u32 s3, s0;
	s1 =	sshll.u32 s1, $0x11  }
0xc5: {  	s0 =	sor.u32 s1, s0  }
0xc6: {  	s0 =	sadd.s32 $0x8F2B, s0  }
0xc7: {  	[sflag:s0] =	ssyncadd.remote.s32 $0x1  }
0xc8: {  	_ =	sfence.sel $0xFFFF  }
0xc9: {  	[dreg:$0x0] =	wrdreg $0xFFFFFFFF;
	(pc) =	sbr.abs _section_cstart, $3  }
0xca: {  	[dreg:$0x1] =	wrdreg $0xFFFFFFFF  }
0xcb: {  	_ =	task.clear_ibuf [dreg:s9], $0x2FFFF;
	_ =	strace $0x9FFFFFFF  }
0xcc: {  	(tm) =	ssettm $0x7FFFFFFF  }
0xcd: {  	_ =	shalt  }
tec
execute0_lowered:
.L_overlay_start_1:
0x0: {  	(tag) =	ssettag $0x1  }
0x1: {  	s1 =	rddreg [dreg:$0x0]  }
0x2: {  	s0 =	rddreg [dreg:$0x1]  }
0x3: {  	s2 =	rddreg [dreg:$0x2]  }
0x4: {  	s4 =	rddreg [dreg:$0x3];
	s13 =	stileid.u32  }
0x5: {  	s3 =	srdreg.scid;
	s5 =	rddreg [dreg:$0x4]  }
0x6: {  	s6 =	simm.s32 $0x0;
	s28 =	simm.s32 $0x1;
	s29 =	simm.s32 $0x4  }
0x7: {  	s30 =	simm.s32 $0x28;
	s31 =	simm.s32 $0xD;
	s7 =	smul.u32 $0x14000, s13  }
0x8: {  	s3 =	sand.u32 $0x1, s3;
	[smem:$0x7FF] =	sst s6;
	s11 =	smul.u32 $0x50000, s13  }
0x9: {  	s21 =	sshll.u32 s13, $0x6;
	s8 =	smul.u32 $0x140000, s3;
	_ =	strace $0x80000047  }
0xa: {  	s10 =	ssub.s32 $0x2, s3;
	s3 =	sshll.u32 s3, $0x4;
	s9 =	sshrl.u32 s7, $0x3  }
0xb: {  	s19 =	sshrl.u32 s10, $0x1;
	s3 =	sor.u32 s13, s3;
	s20 =	sshrl.u32 s11, $0x2  }
0xc: {  	s8 =	sadd.s32 s7, s8;
	s7 =	sadd.s32 $0x2E00, s0;
	s9 =	sadd.s32 s9, s0  }
0xd: {  	s12 =	ssub.s32 s10, s19;
	s11 =	sadd.s32 s20, s5;
	s8 =	sshrl.u32 s8, $0x3  }
0xe: {  	s10 =	sor.u32 $0x1C10, s21;
	s0 =	sadd.s32 s8, s0;
	s8 =	smul.u32 $0x3E8, s3  }
0xf: {  	s21 =	simm.s32 $0x10;
	s9 =	sadd.s32 $0x7FE00, s9;
	s19 =	smax.u32 s12, $0x1  }
0x10: {  	s20 =	sshrl.u32 s11, $0x3;
	[dreg:$0x6] =	wrdreg s9;
	s22 =	sshrl.u32 s8, $0x3  }
0x11: {  	s3 =	smul.u32 $0x3E80, s3;
	s23 =	sadd.s32 $0x28, s8;
	s14 =	sadd.s32 s2, s22  }
0x12: {  	s24 =	sadd.s32 s4, s22;
	s13 =	sshrl.u32 s23, $0x3;
	[dreg:$0x7] =	wrdreg s14  }
0x13: {  	s18 =	sadd.s32 $0xA7E00, s0;
	[dreg:$0x8] =	wrdreg s24;
	s25 =	sadd.s32 s2, s13  }
0x14: {  	s9 =	sadd.s32 $0xA, s22;
	s13 =	sadd.s32 s4, s13;
	[dreg:$0x9] =	wrdreg s25  }
0x15: {  	s17 =	sadd.s32 s7, s3;
	s26 =	sadd.s32 s2, s9;
	[dreg:$0xa] =	wrdreg s13  }
0x16: {  	s3 =	simm.s32 $0x0;
	s16 =	sadd.s32 s4, s9;
	[dreg:$0xb] =	wrdreg s26  }
.LBB2_1:
0x17: {  	s0 =	rddreg [dreg:$0x6]  }
0x18: {  	[spmem:s20], [sflag:s10] =	dma.local [hbm:s0], $0x2800  }
0x19: {  	_ =	swait.ge [sflag:s21], $0x2800  }
0x1a: {  	[sflag:s21] =	ssyncset.done $0x0  }
0x1b: {  	[sflag:s21] =	ssyncadd.s32 $0xFFFFD800  }
0x1c: {  	[bflag:$0x0] =	sbarrier.arrive $0xFFFF  }
0x1d: {  	s12 =	rddreg [dreg:$0x7]  }
0x1e: {  	[tilespmem:s6], [sflag:$0x1] =	stream.linear.gather [hbm4b:s12+s6], $0x28, $0x38;
	[tilespmem:$0x1BC00] =	vst v63  }
0x1f: {  	s9 =	simm.s32 $0x200;
	s13 =	rddreg [dreg:$0x8]  }
0x20: {  	[tilespmem:s9], [sflag:$0x4] =	stream.linear.gather [hbm4b:s13+s6], $0x28, $0x38;
	[tilespmem:$0x1BC00] =	vst v63  }
0x21: {  	s15 =	simm.s32 $0x80;
	s14 =	rddreg [dreg:$0x9]  }
0x22: {  	[tilespmem:s15], [sflag:$0x2] =	stream.linear.gather [hbm4b:s14+s6], $0x28, $0x38;
	[tilespmem:$0x1BC00] =	vst v63  }
0x23: {  	s23 =	simm.s32 $0x280;
	s22 =	rddreg [dreg:$0xa]  }
0x24: {  	[tilespmem:s23], [sflag:$0x5] =	stream.linear.gather [hbm4b:s22+s6], $0x28, $0x38;
	[tilespmem:$0x1BC00] =	vst v63  }
0x25: {  	s25 =	simm.s32 $0x100;
	s24 =	rddreg [dreg:$0xb]  }
0x26: {  	[tilespmem:s25], [sflag:$0x3] =	stream.linear.gather [hbm4b:s24+s6], $0x28, $0x38;
	[tilespmem:$0x1BC00] =	vst v63  }
0x27: {  	s26 =	simm.s32 $0x300  }
0x28: {  	[tilespmem:s26], [sflag:$0x6] =	stream.linear.gather [hbm4b:s16+s6], $0x28, $0x38;
	[tilespmem:$0x1BC00] =	vst v63  }
0x29: {  	_ =	swait.ge [sflag:s28], $0x28  }
0x2a: {  	[sflag:s28] =	ssyncset.done $0x0  }
0x2b: {  	[sflag:s28] =	ssyncadd.s32 $0xFFFFFFD8  }
0x2c: {  	_ =	swait.ge [sflag:s29], $0x28  }
0x2d: {  	[sflag:s29] =	ssyncset.done $0x0  }
0x2e: {  	s12 =	simm.s32 $0x400;
	[sflag:s29] =	ssyncadd.s32 $0xFFFFFFD8  }
0x2f: {  	[tilespmem:s12], [sflag:$0x7] =	stream.indirect.gather [hbm4b:s1+s30], $0x80, s6, s30, $0xb8;
	[tilespmem:$0x1BC00] =	vst v63  }
0x30: {  	s22 =	simm.s32 $0x4000;
	s23 =	simm.s32 $0x0  }
0x31: {  	[tilespmem:s22], [sflag:$0xA] =	stream.linear.gather [hbm4b:s17+s6], $0x1400, $0x38;
	[tilespmem:$0x1BC00] =	vst v63  }
.LBB2_2:
0x32: {  	s24 =	sadd.s32 $0x1, s23;
	p0 =	seq.s32 s23, $0x18  }
0x33: {  	s0 =	smul.u32 @!p0 $0xAB, s24;
	_ =	sdelay $0x1  }
0x34: {  	s0 =	sshrl.u32 @!p0 s0, $0x9  }
0x35: {  	s0 =	sand.u32 @!p0 $0x7F, s0  }
0x36: {  	s0 =	smul.u32 @!p0 $0x3, s0;
	_ =	sdelay $0x1  }
0x37: {  	s0 =	ssub.s32 @!p0 s24, s0  }
0x38: {  	s0 =	sand.u32 @!p0 $0xFF, s0  }
0x39: {  	s9 =	sadd.s32 @!p0 $0x1, s0  }
0x3a: {  	s11 =	smul.u32 $0xAB, s23;
	_ =	swait.ge @!p0 [sflag:s9], $0x28  }
0x3b: {  	s13 =	smulhi.u32 $0xAAAAAAAB, s23;
	s26 =	simm.s32 @!p0 $0x28;
	[sflag:s9] =	ssyncset.done @!p0 $0x0  }
0x3c: {  	s11 =	sshrl.u32 s11, $0x9;
	[sflag:s9] =	ssyncadd.s32 @!p0 $0xFFFFFFD8;
	s9 =	sor.u32 @!p0 $0x4, s0  }
0x3d: {  	s11 =	sand.u32 $0x7F, s11;
	s14 =	smul.u32 @!p0 $0x1400, s0;
	_ =	swait.ge @!p0 [sflag:s9], $0x28  }
0x3e: {  	s11 =	smul.u32 $0x3, s11;
	s15 =	sshll.u32 @!p0 s0, $0x7;
	[sflag:s9] =	ssyncset.done @!p0 $0x0  }
0x3f: {  	s25 =	sadd.s32 @!p0 $0x7, s0;
	[sflag:s9] =	ssyncadd.s32 @!p0 $0xFFFFFFD8;
	s9 =	sadd.s32 @!p0 $0x400, s14  }
0x40: {  	[tilespmem:s9], [sflag:s25] =	stream.indirect.gather @!p0 [hbm4b:s1+s26], $0x80, s15, s26, $0xb8;
	[tilespmem:$0x1BC00] =	vst v63  }
0x41: {  	s9 =	smul.u32 @!p0 $0x28, s24  }
0x42: {  	s13 =	sshrl.u32 s13, $0x1  }
0x43: {  	s13 =	smul.u32 $0xFFFF1000, s13;
	s11 =	ssub.s32 s23, s11;
	s9 =	sadd.s32 @!p0 s8, s9  }
0x44: {  	s0 =	sadd.s32 @!p0 $0xA, s0;
	s25 =	sand.u32 $0xFF, s11;
	s9 =	sshll.u32 @!p0 s9, $0x4  }
0x45: {  	s11 =	sor.u32 @!p0 $0x4000, s14;
	s14 =	simm.s32 @!p0 $0x0;
	s9 =	sadd.s32 @!p0 s7, s9  }
0x46: {  	[tilespmem:s11], [sflag:s0] =	stream.linear.gather @!p0 [hbm4b:s9+s14], $0x1400, $0x38;
	[tilespmem:$0x1BC00] =	vst v63  }
0x47: {  	s11 =	sadd.s32 $0x7, s25  }
0x48: {  	s13 =	sshra.s32 s13, $0x2;
	_ =	swait.ge [sflag:s11], $0x1400  }
0x49: {  	v0 =	vmov s13;
	[sflag:s11] =	ssyncset.done $0x0  }
0x4a: {  	s14 =	sadd.s32 $0xA, s25;
	[sflag:s11] =	ssyncadd.s32 $0xFFFFEC00  }
0x4b: {  	_ =	swait.ge [sflag:s14], $0x1400  }
0x4c: {  	[sflag:s14] =	ssyncset.done $0x0  }
0x4d: {  	[sflag:s14] =	ssyncadd.s32 $0xFFFFEC00  }
0x4e: {  	v1 =	vld.idx.msk [tilespmem:v0+s12+$0x180 ss:$0x1], $0xffff  }
0x4f: {  	v2 =	vld.idx.msk [tilespmem:v0+s22+$0x180 ss:$0x1], $0xffff;
	_ =	sdelay $0x1  }
0x50: {  	v3 =	vld.idx.msk [tilespmem:v0+s12+$0x80 ss:$0x1], $0xffff  }
0x51: {  	v4 =	vld.idx.msk [tilespmem:v0+s22+$0x80 ss:$0x1], $0xffff  }
0x52: {  	v5 =	vld.idx.msk [tilespmem:v0+s12+$0x0 ss:$0x1], $0xffff  }
0x53: {  	s26 =	sadd.s32 $0x200, s12;
	v7 =	vld.idx.msk [tilespmem:v0+s12+$0x100 ss:$0x1], $0xffff;
	v1 =	vmul.f32 v2, v1  }
0x54: {  	v9 =	vld.idx.msk [tilespmem:v0+s26+$0x180 ss:$0x1], $0xffff  }
0x55: {  	v2 =	vld.idx.msk [tilespmem:v0+s22+$0x0 ss:$0x1], $0xffff;
	[tilespmem:v0+s12+$0x180 ss:$0x1] =	vst.idx.msk $0xffff, v1  }
0x56: {  	v1 =	vld.idx.msk [tilespmem:v0+s12+$0x190 ss:$0x1], $0xffff  }
0x57: {  	s9 =	sadd.s32 $0x200, s22;
	v6 =	vld.idx.msk [tilespmem:v0+s22+$0x190 ss:$0x1], $0xffff  }
0x58: {  	v10 =	vld.idx.msk [tilespmem:v0+s9+$0x180 ss:$0x1], $0xffff;
	v3 =	vmul.f32 v4, v3  }
0x59: {  	v4 =	vld.idx.msk [tilespmem:v0+s22+$0x100 ss:$0x1], $0xffff  }
0x5a: {  	v11 =	vld.idx.msk [tilespmem:v0+s9+$0x0 ss:$0x1], $0xffff;
	[tilespmem:v0+s12+$0x80 ss:$0x1] =	vst.idx.msk $0xffff, v3;
	v2 =	vmul.f32 v2, v5  }
0x5b: {  	v3 =	vld.idx.msk [tilespmem:v0+s12+$0x90 ss:$0x1], $0xffff  }
0x5c: {  	v5 =	vld.idx.msk [tilespmem:v0+s22+$0x90 ss:$0x1], $0xffff;
	[tilespmem:v0+s12+$0x0 ss:$0x1] =	vst.idx.msk $0xffff, v2;
	v1 =	vmul.f32 v6, v1  }
0x5d: {  	v2 =	vld.idx.msk [tilespmem:v0+s12+$0x10 ss:$0x1], $0xffff  }
0x5e: {  	v4 =	vmul.f32 v4, v7;
	v6 =	vld.idx.msk [tilespmem:v0+s22+$0x10 ss:$0x1], $0xffff;
	[tilespmem:v0+s12+$0x190 ss:$0x1] =	vst.idx.msk $0xffff, v1  }
0x5f: {  	v1 =	vld.idx.msk [tilespmem:v0+s12+$0x1A0 ss:$0x1], $0xffff  }
0x60: {  	[tilespmem:v0+s12+$0x100 ss:$0x1] =	vst.idx.msk $0xffff, v4;
	v4 =	vld.idx.msk [tilespmem:v0+s22+$0x1A0 ss:$0x1], $0xffff  }
0x61: {  	v7 =	vld.idx.msk [tilespmem:v0+s12+$0x110 ss:$0x1], $0xffff;
	v3 =	vmul.f32 v5, v3  }
0x62: {  	v5 =	vld.idx.msk [tilespmem:v0+s22+$0x110 ss:$0x1], $0xffff  }
0x63: {  	v12 =	vld.idx.msk [tilespmem:v0+s26+$0x80 ss:$0x1], $0xffff;
	[tilespmem:v0+s12+$0x90 ss:$0x1] =	vst.idx.msk $0xffff, v3;
	v2 =	vmul.f32 v6, v2  }
0x64: {  	v3 =	vld.idx.msk [tilespmem:v0+s12+$0xA0 ss:$0x1], $0xffff  }
0x65: {  	v6 =	vld.idx.msk [tilespmem:v0+s22+$0xA0 ss:$0x1], $0xffff;
	[tilespmem:v0+s12+$0x10 ss:$0x1] =	vst.idx.msk $0xffff, v2;
	v1 =	vmul.f32 v4, v1  }
0x66: {  	v2 =	vld.idx.msk [tilespmem:v0+s12+$0x20 ss:$0x1], $0xffff  }
0x67: {  	v4 =	vmul.f32 v5, v7;
	v5 =	vld.idx.msk [tilespmem:v0+s22+$0x20 ss:$0x1], $0xffff;
	[tilespmem:v0+s12+$0x1A0 ss:$0x1] =	vst.idx.msk $0xffff, v1  }
0x68: {  	v1 =	vld.idx.msk [tilespmem:v0+s12+$0x1B0 ss:$0x1], $0xffff  }
0x69: {  	[tilespmem:v0+s12+$0x110 ss:$0x1] =	vst.idx.msk $0xffff, v4;
	v4 =	vld.idx.msk [tilespmem:v0+s22+$0x1B0 ss:$0x1], $0xffff  }
0x6a: {  	v3 =	vmul.f32 v6, v3;
	v6 =	vld.idx.msk [tilespmem:v0+s12+$0x120 ss:$0x1], $0xffff  }
0x6b: {  	v7 =	vld.idx.msk [tilespmem:v0+s22+$0x120 ss:$0x1], $0xffff  }
0x6c: {  	v13 =	vld.idx.msk [tilespmem:v0+s26+$0x100 ss:$0x1], $0xffff;
	[tilespmem:v0+s12+$0xA0 ss:$0x1] =	vst.idx.msk $0xffff, v3;
	v2 =	vmul.f32 v5, v2  }
0x6d: {  	v3 =	vld.idx.msk [tilespmem:v0+s12+$0xB0 ss:$0x1], $0xffff  }
0x6e: {  	v5 =	vld.idx.msk [tilespmem:v0+s22+$0xB0 ss:$0x1], $0xffff;
	[tilespmem:v0+s12+$0x20 ss:$0x1] =	vst.idx.msk $0xffff, v2;
	v1 =	vmul.f32 v4, v1  }
0x6f: {  	v2 =	vld.idx.msk [tilespmem:v0+s12+$0x30 ss:$0x1], $0xffff  }
0x70: {  	v4 =	vld.idx.msk [tilespmem:v0+s22+$0x30 ss:$0x1], $0xffff;
	v6 =	vmul.f32 v7, v6;
	[tilespmem:v0+s12+$0x1B0 ss:$0x1] =	vst.idx.msk $0xffff, v1  }
0x71: {  	v1 =	vld.idx.msk [tilespmem:v0+s12+$0x1C0 ss:$0x1], $0xffff  }
0x72: {  	[tilespmem:v0+s12+$0x120 ss:$0x1] =	vst.idx.msk $0xffff, v6;
	v6 =	vld.idx.msk [tilespmem:v0+s22+$0x1C0 ss:$0x1], $0xffff  }
0x73: {  	v3 =	vmul.f32 v5, v3;
	v5 =	vld.idx.msk [tilespmem:v0+s12+$0x130 ss:$0x1], $0xffff  }
0x74: {  	v7 =	vld.idx.msk [tilespmem:v0+s22+$0x130 ss:$0x1], $0xffff  }
0x75: {  	v14 =	vld.idx.msk [tilespmem:v0+s9+$0x100 ss:$0x1], $0xffff;
	[tilespmem:v0+s12+$0xB0 ss:$0x1] =	vst.idx.msk $0xffff, v3;
	v2 =	vmul.f32 v4, v2  }
0x76: {  	v3 =	vld.idx.msk [tilespmem:v0+s12+$0xC0 ss:$0x1], $0xffff  }
0x77: {  	v4 =	vld.idx.msk [tilespmem:v0+s22+$0xC0 ss:$0x1], $0xffff;
	[tilespmem:v0+s12+$0x30 ss:$0x1] =	vst.idx.msk $0xffff, v2;
	v1 =	vmul.f32 v6, v1  }
0x78: {  	v2 =	vld.idx.msk [tilespmem:v0+s12+$0x40 ss:$0x1], $0xffff  }
0x79: {  	v6 =	vld.idx.msk [tilespmem:v0+s22+$0x40 ss:$0x1], $0xffff;
	v5 =	vmul.f32 v7, v5;
	[tilespmem:v0+s12+$0x1C0 ss:$0x1] =	vst.idx.msk $0xffff, v1  }
0x7a: {  	v1 =	vld.idx.msk [tilespmem:v0+s12+$0x1D0 ss:$0x1], $0xffff  }
0x7b: {  	v9 =	vmul.f32 v10, v9;
	[tilespmem:v0+s12+$0x130 ss:$0x1] =	vst.idx.msk $0xffff, v5;
	v5 =	vld.idx.msk [tilespmem:v0+s22+$0x1D0 ss:$0x1], $0xffff  }
0x7c: {  	v3 =	vmul.f32 v4, v3;
	v4 =	vld.idx.msk [tilespmem:v0+s12+$0x140 ss:$0x1], $0xffff  }
0x7d: {  	[tilespmem:v0+s26+$0x180 ss:$0x1] =	vst.idx.msk $0xffff, v9;
	v7 =	vld.idx.msk [tilespmem:v0+s22+$0x140 ss:$0x1], $0xffff  }
0x7e: {  	v9 =	vld.idx.msk [tilespmem:v0+s26+$0x190 ss:$0x1], $0xffff;
	[tilespmem:v0+s12+$0xC0 ss:$0x1] =	vst.idx.msk $0xffff, v3;
	v2 =	vmul.f32 v6, v2  }
0x7f: {  	v3 =	vld.idx.msk [tilespmem:v0+s12+$0xD0 ss:$0x1], $0xffff  }
0x80: {  	v6 =	vld.idx.msk [tilespmem:v0+s22+$0xD0 ss:$0x1], $0xffff;
	[tilespmem:v0+s12+$0x40 ss:$0x1] =	vst.idx.msk $0xffff, v2;
	v1 =	vmul.f32 v5, v1  }
0x81: {  	v2 =	vld.idx.msk [tilespmem:v0+s12+$0x50 ss:$0x1], $0xffff  }
0x82: {  	v5 =	vld.idx.msk [tilespmem:v0+s22+$0x50 ss:$0x1], $0xffff;
	v4 =	vmul.f32 v7, v4;
	[tilespmem:v0+s12+$0x1D0 ss:$0x1] =	vst.idx.msk $0xffff, v1  }
0x83: {  	v1 =	vld.idx.msk [tilespmem:v0+s12+$0x1E0 ss:$0x1], $0xffff  }
0x84: {  	[tilespmem:v0+s12+$0x140 ss:$0x1] =	vst.idx.msk $0xffff, v4;
	v4 =	vld.idx.msk [tilespmem:v0+s22+$0x1E0 ss:$0x1], $0xffff  }
0x85: {  	v3 =	vmul.f32 v6, v3;
	v7 =	vld.idx.msk [tilespmem:v0+s12+$0x150 ss:$0x1], $0xffff  }
0x86: {  	v8 =	vld.idx.msk [tilespmem:v0+s22+$0x150 ss:$0x1], $0xffff  }
0x87: {  	[tilespmem:v0+s12+$0xD0 ss:$0x1] =	vst.idx.msk $0xffff, v3;
	v2 =	vmul.f32 v5, v2;
	v5 =	vld.idx.msk [tilespmem:v0+s26+$0x0 ss:$0x1], $0xffff  }
0x88: {  	v46 =	vld.idx.msk [tilespmem:v0+s12+$0xE0 ss:$0x1], $0xffff  }
0x89: {  	v51 =	vld.idx.msk [tilespmem:v0+s22+$0xE0 ss:$0x1], $0xffff  }
0x8a: {  	v1 =	vmul.f32 v4, v1;
	v4 =	vld.idx.msk [tilespmem:v0+s9+$0x80 ss:$0x1], $0xffff  }
0x8b: {  	[tilespmem:v0+s12+$0x50 ss:$0x1] =	vst.idx.msk $0xffff, v2;
	v2 =	vld.idx.msk [tilespmem:v0+s9+$0x190 ss:$0x1], $0xffff  }
0x8c: {  	v7 =	vmul.f32 v8, v7;
	[tilespmem:v0+s12+$0x1E0 ss:$0x1] =	vst.idx.msk $0xffff, v1;
	v3 =	vmul.f32 v11, v5;
	v5 =	vld.idx.msk [tilespmem:v0+s22+$0x60 ss:$0x1], $0xffff  }
0x8d: {  	v1 =	vld.idx.msk [tilespmem:v0+s12+$0x1F0 ss:$0x1], $0xffff  }
0x8e: {  	[tilespmem:v0+s12+$0x150 ss:$0x1] =	vst.idx.msk $0xffff, v7;
	v44 =	vld.idx.msk [tilespmem:v0+s22+$0x1F0 ss:$0x1], $0xffff  }
0x8f: {  	v52 =	vld.idx.msk [tilespmem:v0+s12+$0x160 ss:$0x1], $0xffff;
	[tilespmem:v0+s26+$0x0 ss:$0x1] =	vst.idx.msk $0xffff, v3;
	v4 =	vmul.f32 v4, v12  }
0x90: {  	v47 =	vld.idx.msk [tilespmem:v0+s26+$0x10 ss:$0x1], $0xffff  }
0x91: {  	v13 =	vmul.f32 v14, v13;
	v48 =	vld.idx.msk [tilespmem:v0+s9+$0x10 ss:$0x1], $0xffff;
	[tilespmem:v0+s26+$0x80 ss:$0x1] =	vst.idx.msk $0xffff, v4  }
0x92: {  	v6 =	vld.idx.msk [tilespmem:v0+s26+$0x90 ss:$0x1], $0xffff  }
0x93: {  	[tilespmem:v0+s26+$0x100 ss:$0x1] =	vst.idx.msk $0xffff, v13;
	v2 =	vmul.f32 v2, v9;
	v45 =	vld.idx.msk [tilespmem:v0+s9+$0x90 ss:$0x1], $0xffff  }
0x94: {  	v3 =	vld.idx.msk [tilespmem:v0+s26+$0x110 ss:$0x1], $0xffff;
	v9 =	vmul.f32 v51, v46  }
0x95: {  	[tilespmem:v0+s26+$0x190 ss:$0x1] =	vst.idx.msk $0xffff, v2;
	v4 =	vld.idx.msk [tilespmem:v0+s12+$0x60 ss:$0x1], $0xffff  }
0x96: {  	[tilespmem:v0+s12+$0xE0 ss:$0x1] =	vst.idx.msk $0xffff, v9;
	v49 =	vld.idx.msk [tilespmem:v0+s9+$0x1A0 ss:$0x1], $0xffff;
	v7 =	vmul.f32 v48, v47  }
0x97: {  	v59 =	vld.idx.msk [tilespmem:v0+s12+$0xF0 ss:$0x1], $0xffff  }
0x98: {  	[tilespmem:v0+s26+$0x10 ss:$0x1] =	vst.idx.msk $0xffff, v7;
	v7 =	vld.idx.msk [tilespmem:v0+s22+$0x160 ss:$0x1], $0xffff;
	v2 =	vmul.f32 v45, v6  }
0x99: {  	v6 =	vld.idx.msk [tilespmem:v0+s26+$0x1A0 ss:$0x1], $0xffff  }
0x9a: {  	[tilespmem:v0+s26+$0x90 ss:$0x1] =	vst.idx.msk $0xffff, v2;
	v2 =	vld.idx.msk [tilespmem:v0+s9+$0x110 ss:$0x1], $0xffff  }
0x9b: {  	v4 =	vmul.f32 v5, v4;
	v53 =	vld.idx.msk [tilespmem:v0+s26+$0x20 ss:$0x1], $0xffff  }
0x9c: {  	v8 =	vld.idx.msk [tilespmem:v0+s26+$0xA0 ss:$0x1], $0xffff  }
0x9d: {  	[tilespmem:v0+s12+$0x60 ss:$0x1] =	vst.idx.msk $0xffff, v4;
	v50 =	vld.idx.msk [tilespmem:v0+s9+$0xA0 ss:$0x1], $0xffff;
	v7 =	vmul.f32 v7, v52  }
0x9e: {  	v55 =	vld.idx.msk [tilespmem:v0+s12+$0x70 ss:$0x1], $0xffff;
	v6 =	vmul.f32 v49, v6  }
0x9f: {  	[tilespmem:v0+s12+$0x160 ss:$0x1] =	vst.idx.msk $0xffff, v7;
	v2 =	vmul.f32 v2, v3;
	v3 =	vld.idx.msk [tilespmem:v0+s9+$0x20 ss:$0x1], $0xffff  }
0xa0: {  	[tilespmem:v0+s26+$0x1A0 ss:$0x1] =	vst.idx.msk $0xffff, v6;
	v63 =	vld.idx.msk [tilespmem:v0+s22+$0x170 ss:$0x1], $0xffff  }
0xa1: {  	v6 =	vld.idx.msk [tilespmem:v0+s26+$0x1B0 ss:$0x1], $0xffff  }
0xa2: {  	v8 =	vmul.f32 v50, v8;
	[tilespmem:v0+s26+$0x110 ss:$0x1] =	vst.idx.msk $0xffff, v2;
	v2 =	vld.idx.msk [tilespmem:v0+s9+$0x1B0 ss:$0x1], $0xffff  }
0xa3: {  	v54 =	vld.idx.msk [tilespmem:v0+s26+$0x120 ss:$0x1], $0xffff  }
0xa4: {  	[tilespmem:v0+s26+$0xA0 ss:$0x1] =	vst.idx.msk $0xffff, v8;
	v5 =	vld.idx.msk [tilespmem:v0+s9+$0x120 ss:$0x1], $0xffff  }
0xa5: {  	v8 =	vld.idx.msk [tilespmem:v0+s26+$0xB0 ss:$0x1], $0xffff;
	v3 =	vmul.f32 v3, v53  }
0xa6: {  	v4 =	vld.idx.msk [tilespmem:v0+s9+$0xB0 ss:$0x1], $0xffff  }
0xa7: {  	[tilespmem:v0+s26+$0x20 ss:$0x1] =	vst.idx.msk $0xffff, v3;
	v2 =	vmul.f32 v2, v6;
	v3 =	vld.idx.msk [tilespmem:v0+s22+$0x70 ss:$0x1], $0xffff  }
0xa8: {  	v6 =	vld.idx.msk [tilespmem:v0+s26+$0x30 ss:$0x1], $0xffff  }
0xa9: {  	v5 =	vmul.f32 v5, v54;
	v56 =	vld.idx.msk [tilespmem:v0+s9+$0x30 ss:$0x1], $0xffff;
	[tilespmem:v0+s26+$0x1B0 ss:$0x1] =	vst.idx.msk $0xffff, v2  }
0xaa: {  	v2 =	vld.idx.msk [tilespmem:v0+s26+$0x1C0 ss:$0x1], $0xffff  }
0xab: {  	v4 =	vmul.f32 v4, v8;
	[tilespmem:v0+s26+$0x120 ss:$0x1] =	vst.idx.msk $0xffff, v5;
	v5 =	vld.idx.msk [tilespmem:v0+s9+$0x1C0 ss:$0x1], $0xffff  }
0xac: {  	v8 =	vld.idx.msk [tilespmem:v0+s26+$0x130 ss:$0x1], $0xffff  }
0xad: {  	[tilespmem:v0+s26+$0xB0 ss:$0x1] =	vst.idx.msk $0xffff, v4;
	v4 =	vld.idx.msk [tilespmem:v0+s9+$0x130 ss:$0x1], $0xffff  }
0xae: {  	v57 =	vld.idx.msk [tilespmem:v0+s26+$0xC0 ss:$0x1], $0xffff;
	v6 =	vmul.f32 v56, v6  }
0xaf: {  	v58 =	vld.idx.msk [tilespmem:v0+s9+$0xC0 ss:$0x1], $0xffff  }
0xb0: {  	[tilespmem:v0+s26+$0x30 ss:$0x1] =	vst.idx.msk $0xffff, v6;
	v2 =	vmul.f32 v5, v2;
	v5 =	vld.idx.msk [tilespmem:v0+s22+$0xF0 ss:$0x1], $0xffff  }
0xb1: {  	v6 =	vld.idx.msk [tilespmem:v0+s26+$0x40 ss:$0x1], $0xffff  }
0xb2: {  	v4 =	vmul.f32 v4, v8;
	v8 =	vld.idx.msk [tilespmem:v0+s9+$0x40 ss:$0x1], $0xffff;
	[tilespmem:v0+s26+$0x1C0 ss:$0x1] =	vst.idx.msk $0xffff, v2  }
0xb3: {  	v2 =	vld.idx.msk [tilespmem:v0+s26+$0x1D0 ss:$0x1], $0xffff  }
0xb4: {  	v9 =	vmul.f32 v58, v57;
	[tilespmem:v0+s26+$0x130 ss:$0x1] =	vst.idx.msk $0xffff, v4;
	v4 =	vld.idx.msk [tilespmem:v0+s9+$0x1D0 ss:$0x1], $0xffff  }
0xb5: {  	v60 =	vld.idx.msk [tilespmem:v0+s26+$0x140 ss:$0x1], $0xffff  }
0xb6: {  	[tilespmem:v0+s26+$0xC0 ss:$0x1] =	vst.idx.msk $0xffff, v9;
	v61 =	vld.idx.msk [tilespmem:v0+s9+$0x140 ss:$0x1], $0xffff  }
0xb7: {  	v62 =	vld.idx.msk [tilespmem:v0+s26+$0xD0 ss:$0x1], $0xffff;
	v6 =	vmul.f32 v8, v6  }
0xb8: {  	v1 =	vmul.f32 v44, v1;
	v7 =	vld.idx.msk [tilespmem:v0+s9+$0xD0 ss:$0x1], $0xffff  }
0xb9: {  	v8 =	vld.idx.msk [tilespmem:v0+s12+$0x170 ss:$0x1], $0xffff;
	[tilespmem:v0+s26+$0x40 ss:$0x1] =	vst.idx.msk $0xffff, v6;
	v4 =	vmul.f32 v4, v2  }
0xba: {  	[tilespmem:v0+s12+$0x1F0 ss:$0x1] =	vst.idx.msk $0xffff, v1;
	v1 =	vmul.f32 v3, v55;
	v2 =	vld.idx.msk [tilespmem:v0+s26+$0x50 ss:$0x1], $0xffff  }
0xbb: {  	v3 =	vmul.f32 v61, v60;
	[tilespmem:v0+s26+$0x1D0 ss:$0x1] =	vst.idx.msk $0xffff, v4;
	v4 =	vld.idx.msk [tilespmem:v0+s9+$0x50 ss:$0x1], $0xffff  }
0xbc: {  	[tilespmem:v0+s12+$0x70 ss:$0x1] =	vst.idx.msk $0xffff, v1;
	v5 =	vmul.f32 v5, v59;
	v1 =	vld.idx.msk [tilespmem:v0+s26+$0x1E0 ss:$0x1], $0xffff  }
0xbd: {  	s15 =	smul.u32 $0x1400, s25;
	v7 =	vmul.f32 v7, v62;
	[tilespmem:v0+s26+$0x140 ss:$0x1] =	vst.idx.msk $0xffff, v3;
	v3 =	vld.idx.msk [tilespmem:v0+s9+$0x1E0 ss:$0x1], $0xffff  }
0xbe: {  	s0 =	smov.u32 s12;
	s13 =	smov.u32 s9;
	[tilespmem:v0+s12+$0xF0 ss:$0x1] =	vst.idx.msk $0xffff, v5;
	v6 =	vld.idx.msk [tilespmem:v0+s26+$0x150 ss:$0x1], $0xffff  }
0xbf: {  	s11 =	sadd.s32 $0x400, s15;
	s15 =	sadd.s32 $0x200, s26;
	s14 =	simm.s32 $0x4;
	v5 =	vmul.f32 v63, v8;
	[tilespmem:v0+s26+$0xD0 ss:$0x1] =	vst.idx.msk $0xffff, v7;
	v7 =	vld.idx.msk [tilespmem:v0+s9+$0x150 ss:$0x1], $0xffff  }
.LBB2_3:
0xc0: {  	v8 =	vld.idx.msk [tilespmem:v0+s15+$0x180 ss:$0x1], $0xffff;
	s9 =	sadd.s32 $0x200, s9  }
0xc1: {  	v2 =	vmul.f32 v4, v2;
	v9 =	vld.idx.msk [tilespmem:v0+s9+$0x180 ss:$0x1], $0xffff;
	[tilespmem:v0+s0+$0x170 ss:$0x1] =	vst.idx.msk $0xffff, v5;
	s0 =	smov.u32 s26;
	s26 =	smov.u32 s15  }
0xc2: {  	v4 =	vld.idx.msk [tilespmem:v0+s9+$0x0 ss:$0x1], $0xffff  }
0xc3: {  	v1 =	vmul.f32 v3, v1;
	v5 =	vld.idx.msk [tilespmem:v0+s15+$0x80 ss:$0x1], $0xffff;
	[tilespmem:v0+s0+$0x50 ss:$0x1] =	vst.idx.msk $0xffff, v2  }
0xc4: {  	v2 =	vld.idx.msk [tilespmem:v0+s9+$0x80 ss:$0x1], $0xffff  }
0xc5: {  	v6 =	vmul.f32 v7, v6;
	v3 =	vld.idx.msk [tilespmem:v0+s15+$0x100 ss:$0x1], $0xffff;
	[tilespmem:v0+s0+$0x1E0 ss:$0x1] =	vst.idx.msk $0xffff, v1  }
0xc6: {  	v1 =	vld.idx.msk [tilespmem:v0+s0+$0x1F0 ss:$0x1], $0xffff  }
0xc7: {  	v7 =	vmul.f32 v9, v8;
	[tilespmem:v0+s0+$0x150 ss:$0x1] =	vst.idx.msk $0xffff, v6;
	v6 =	vld.idx.msk [tilespmem:v0+s13+$0x1F0 ss:$0x1], $0xffff  }
0xc8: {  	s14 =	sadd.s32 $0x4, s14;
	v8 =	vld.idx.msk [tilespmem:v0+s9+$0x100 ss:$0x1], $0xffff  }
0xc9: {  	p0 =	slt.u32 s14, $0x24;
	v9 =	vld.idx.msk [tilespmem:v0+s15+$0x0 ss:$0x1], $0xffff;
	[tilespmem:v0+s15+$0x180 ss:$0x1] =	vst.idx.msk $0xffff, v7  }
0xca: {  	v2 =	vmul.f32 v2, v5;
	v5 =	vld.idx.msk [tilespmem:v0+s15+$0x190 ss:$0x1], $0xffff  }
0xcb: {  	v7 =	vld.idx.msk [tilespmem:v0+s9+$0x190 ss:$0x1], $0xffff  }
0xcc: {  	[tilespmem:v0+s15+$0x80 ss:$0x1] =	vst.idx.msk $0xffff, v2;
	v2 =	vld.idx.msk [tilespmem:v0+s0+$0x60 ss:$0x1], $0xffff  }
0xcd: {  	v1 =	vmul.f32 v6, v1;
	v10 =	vld.idx.msk [tilespmem:v0+s15+$0x90 ss:$0x1], $0xffff  }
0xce: {  	v3 =	vmul.f32 v8, v3;
	v6 =	vld.idx.msk [tilespmem:v0+s9+$0x90 ss:$0x1], $0xffff  }
0xcf: {  	v4 =	vmul.f32 v4, v9;
	v8 =	vld.idx.msk [tilespmem:v0+s13+$0x60 ss:$0x1], $0xffff;
	[tilespmem:v0+s0+$0x1F0 ss:$0x1] =	vst.idx.msk $0xffff, v1  }
0xd0: {  	[tilespmem:v0+s15+$0x100 ss:$0x1] =	vst.idx.msk $0xffff, v3;
	v1 =	vld.idx.msk [tilespmem:v0+s0+$0xE0 ss:$0x1], $0xffff  }
0xd1: {  	[tilespmem:v0+s15+$0x0 ss:$0x1] =	vst.idx.msk $0xffff, v4;
	v3 =	vld.idx.msk [tilespmem:v0+s15+$0x110 ss:$0x1], $0xffff;
	v4 =	vmul.f32 v7, v5  }
0xd2: {  	v5 =	vld.idx.msk [tilespmem:v0+s15+$0x10 ss:$0x1], $0xffff  }
0xd3: {  	v7 =	vld.idx.msk [tilespmem:v0+s9+$0x10 ss:$0x1], $0xffff;
	[tilespmem:v0+s15+$0x190 ss:$0x1] =	vst.idx.msk $0xffff, v4  }
0xd4: {  	v4 =	vmul.f32 v6, v10;
	v6 =	vld.idx.msk [tilespmem:v0+s15+$0x1A0 ss:$0x1], $0xffff  }
0xd5: {  	v2 =	vmul.f32 v8, v2;
	v9 =	vld.idx.msk [tilespmem:v0+s9+$0x1A0 ss:$0x1], $0xffff  }
0xd6: {  	[tilespmem:v0+s15+$0x90 ss:$0x1] =	vst.idx.msk $0xffff, v4;
	v4 =	vld.idx.msk [tilespmem:v0+s9+$0x110 ss:$0x1], $0xffff  }
0xd7: {  	v8 =	vld.idx.msk [tilespmem:v0+s15+$0xA0 ss:$0x1], $0xffff;
	[tilespmem:v0+s0+$0x60 ss:$0x1] =	vst.idx.msk $0xffff, v2  }
0xd8: {  	v2 =	vld.idx.msk [tilespmem:v0+s9+$0xA0 ss:$0x1], $0xffff  }
0xd9: {  	v5 =	vmul.f32 v7, v5;
	v7 =	vld.idx.msk [tilespmem:v0+s13+$0xE0 ss:$0x1], $0xffff  }
0xda: {  	v10 =	vld.idx.msk [tilespmem:v0+s0+$0x160 ss:$0x1], $0xffff  }
0xdb: {  	[tilespmem:v0+s15+$0x10 ss:$0x1] =	vst.idx.msk $0xffff, v5;
	v5 =	vmul.f32 v9, v6;
	v6 =	vld.idx.msk [tilespmem:v0+s13+$0x160 ss:$0x1], $0xffff  }
0xdc: {  	v3 =	vmul.f32 v4, v3;
	v9 =	vld.idx.msk [tilespmem:v0+s15+$0x20 ss:$0x1], $0xffff  }
0xdd: {  	v4 =	vld.idx.msk [tilespmem:v0+s9+$0x20 ss:$0x1], $0xffff;
	[tilespmem:v0+s15+$0x1A0 ss:$0x1] =	vst.idx.msk $0xffff, v5  }
0xde: {  	v2 =	vmul.f32 v2, v8;
	[tilespmem:v0+s15+$0x110 ss:$0x1] =	vst.idx.msk $0xffff, v3;
	v3 =	vld.idx.msk [tilespmem:v0+s15+$0x1B0 ss:$0x1], $0xffff  }
0xdf: {  	v1 =	vmul.f32 v7, v1;
	v5 =	vld.idx.msk [tilespmem:v0+s9+$0x1B0 ss:$0x1], $0xffff  }
0xe0: {  	[tilespmem:v0+s15+$0xA0 ss:$0x1] =	vst.idx.msk $0xffff, v2;
	v2 =	vld.idx.msk [tilespmem:v0+s15+$0x120 ss:$0x1], $0xffff  }
0xe1: {  	v7 =	vld.idx.msk [tilespmem:v0+s9+$0x120 ss:$0x1], $0xffff;
	[tilespmem:v0+s0+$0xE0 ss:$0x1] =	vst.idx.msk $0xffff, v1;
	v1 =	vmul.f32 v6, v10  }
0xe2: {  	v6 =	vld.idx.msk [tilespmem:v0+s15+$0xB0 ss:$0x1], $0xffff  }
0xe3: {  	v4 =	vmul.f32 v4, v9;
	v8 =	vld.idx.msk [tilespmem:v0+s9+$0xB0 ss:$0x1], $0xffff;
	[tilespmem:v0+s0+$0x160 ss:$0x1] =	vst.idx.msk $0xffff, v1  }
0xe4: {  	v1 =	vld.idx.msk [tilespmem:v0+s0+$0x70 ss:$0x1], $0xffff  }
0xe5: {  	v3 =	vmul.f32 v5, v3;
	[tilespmem:v0+s15+$0x20 ss:$0x1] =	vst.idx.msk $0xffff, v4;
	v4 =	vld.idx.msk [tilespmem:v0+s13+$0x70 ss:$0x1], $0xffff  }
0xe6: {  	v5 =	vld.idx.msk [tilespmem:v0+s15+$0x30 ss:$0x1], $0xffff  }
0xe7: {  	v2 =	vmul.f32 v7, v2;
	v9 =	vld.idx.msk [tilespmem:v0+s9+$0x30 ss:$0x1], $0xffff;
	[tilespmem:v0+s15+$0x1B0 ss:$0x1] =	vst.idx.msk $0xffff, v3  }
0xe8: {  	v3 =	vld.idx.msk [tilespmem:v0+s15+$0x1C0 ss:$0x1], $0xffff  }
0xe9: {  	v6 =	vmul.f32 v8, v6;
	[tilespmem:v0+s15+$0x120 ss:$0x1] =	vst.idx.msk $0xffff, v2;
	v2 =	vld.idx.msk [tilespmem:v0+s9+$0x1C0 ss:$0x1], $0xffff  }
0xea: {  	v7 =	vld.idx.msk [tilespmem:v0+s15+$0x130 ss:$0x1], $0xffff  }
0xeb: {  	v1 =	vmul.f32 v4, v1;
	[tilespmem:v0+s15+$0xB0 ss:$0x1] =	vst.idx.msk $0xffff, v6;
	v6 =	vld.idx.msk [tilespmem:v0+s9+$0x130 ss:$0x1], $0xffff  }
0xec: {  	v4 =	vld.idx.msk [tilespmem:v0+s15+$0xC0 ss:$0x1], $0xffff  }
0xed: {  	v5 =	vmul.f32 v9, v5;
	v8 =	vld.idx.msk [tilespmem:v0+s9+$0xC0 ss:$0x1], $0xffff;
	[tilespmem:v0+s0+$0x70 ss:$0x1] =	vst.idx.msk $0xffff, v1  }
0xee: {  	v1 =	vld.idx.msk [tilespmem:v0+s0+$0xF0 ss:$0x1], $0xffff  }
0xef: {  	v2 =	vmul.f32 v2, v3;
	[tilespmem:v0+s15+$0x30 ss:$0x1] =	vst.idx.msk $0xffff, v5;
	v3 =	vld.idx.msk [tilespmem:v0+s13+$0xF0 ss:$0x1], $0xffff  }
0xf0: {  	v5 =	vld.idx.msk [tilespmem:v0+s15+$0x40 ss:$0x1], $0xffff  }
0xf1: {  	v6 =	vmul.f32 v6, v7;
	v9 =	vld.idx.msk [tilespmem:v0+s9+$0x40 ss:$0x1], $0xffff;
	[tilespmem:v0+s15+$0x1C0 ss:$0x1] =	vst.idx.msk $0xffff, v2  }
0xf2: {  	v2 =	vld.idx.msk [tilespmem:v0+s15+$0x1D0 ss:$0x1], $0xffff  }
0xf3: {  	v4 =	vmul.f32 v8, v4;
	[tilespmem:v0+s15+$0x130 ss:$0x1] =	vst.idx.msk $0xffff, v6;
	v6 =	vld.idx.msk [tilespmem:v0+s9+$0x1D0 ss:$0x1], $0xffff  }
0xf4: {  	v7 =	vld.idx.msk [tilespmem:v0+s15+$0x140 ss:$0x1], $0xffff  }
0xf5: {  	v1 =	vmul.f32 v3, v1;
	[tilespmem:v0+s15+$0xC0 ss:$0x1] =	vst.idx.msk $0xffff, v4;
	v8 =	vld.idx.msk [tilespmem:v0+s9+$0x140 ss:$0x1], $0xffff  }
0xf6: {  	v3 =	vld.idx.msk [tilespmem:v0+s15+$0xD0 ss:$0x1], $0xffff  }
0xf7: {  	v4 =	vmul.f32 v9, v5;
	v5 =	vld.idx.msk [tilespmem:v0+s9+$0xD0 ss:$0x1], $0xffff;
	[tilespmem:v0+s0+$0xF0 ss:$0x1] =	vst.idx.msk $0xffff, v1  }
0xf8: {  	v9 =	vld.idx.msk [tilespmem:v0+s0+$0x170 ss:$0x1], $0xffff  }
0xf9: {  	v1 =	vmul.f32 v6, v2;
	[tilespmem:v0+s15+$0x40 ss:$0x1] =	vst.idx.msk $0xffff, v4;
	v10 =	vld.idx.msk [tilespmem:v0+s13+$0x170 ss:$0x1], $0xffff;
	s13 =	smov.u32 s9  }
0xfa: {  	v2 =	vld.idx.msk [tilespmem:v0+s15+$0x50 ss:$0x1], $0xffff  }
.Ltmp0:
0xfb: {  	v6 =	vmul.f32 v8, v7;
	v4 =	vld.idx.msk [tilespmem:v0+s9+$0x50 ss:$0x1], $0xffff;
	[tilespmem:v0+s15+$0x1D0 ss:$0x1] =	vst.idx.msk $0xffff, v1;
	(pc) =	sbr.rel @p0 .LBB2_3-.Ltmp0, $4  }
0xfc: {  	v1 =	vld.idx.msk [tilespmem:v0+s15+$0x1E0 ss:$0x1], $0xffff  }
0xfd: {  	v5 =	vmul.f32 v5, v3;
	[tilespmem:v0+s15+$0x140 ss:$0x1] =	vst.idx.msk $0xffff, v6;
	v3 =	vld.idx.msk [tilespmem:v0+s9+$0x1E0 ss:$0x1], $0xffff  }
0xfe: {  	v6 =	vld.idx.msk [tilespmem:v0+s15+$0x150 ss:$0x1], $0xffff  }
0xff: {  	s15 =	sadd.s32 $0x200, s15;
	[tilespmem:v0+s26+$0xD0 ss:$0x1] =	vst.idx.msk $0xffff, v5;
	v7 =	vld.idx.msk [tilespmem:v0+s9+$0x150 ss:$0x1], $0xffff;
	v5 =	vmul.f32 v10, v9  }
0x100: {  	_ =	sdelay $0x2  }
0x101: {  	v2 =	vmul.f32 v4, v2  }
0x102: {  	v50 =	vld.idx.msk [tilespmem:v0+s26+$0xE0 ss:$0x1], $0xffff  }
0x103: {  	v51 =	vld.idx.msk [tilespmem:v0+s13+$0xE0 ss:$0x1], $0xffff;
	[tilespmem:v0+s26+$0x50 ss:$0x1] =	vst.idx.msk $0xffff, v2;
	v48 =	vmul.f32 v7, v6  }
0x104: {  	v2 =	vld.idx.msk [tilespmem:v0+s26+$0x60 ss:$0x1], $0xffff  }
0x105: {  	v49 =	vld.idx.msk [tilespmem:v0+s13+$0x60 ss:$0x1], $0xffff;
	[tilespmem:v0+s26+$0x150 ss:$0x1] =	vst.idx.msk $0xffff, v48  }
0x106: {  	v1 =	vmul.f32 v3, v1;
	v52 =	vld.idx.msk [tilespmem:v0+s26+$0x160 ss:$0x1], $0xffff  }
0x107: {  	v8 =	vld.idx.msk [tilespmem:v0+s13+$0x160 ss:$0x1], $0xffff  }
0x108: {  	[tilespmem:v0+s26+$0x1E0 ss:$0x1] =	vst.idx.msk $0xffff, v1;
	v56 =	vmul.f32 v51, v50  }
0x109: {  	v54 =	vld.idx.msk [tilespmem:v0+s26+$0x1F0 ss:$0x1], $0xffff  }
0x10a: {  	v55 =	vld.idx.msk [tilespmem:v0+s13+$0x1F0 ss:$0x1], $0xffff;
	[tilespmem:v0+s26+$0xE0 ss:$0x1] =	vst.idx.msk $0xffff, v56;
	v53 =	vmul.f32 v49, v2  }
0x10b: {  	v60 =	vld.idx.msk [tilespmem:v0+s26+$0xF0 ss:$0x1], $0xffff  }
0x10c: {  	v61 =	vld.idx.msk [tilespmem:v0+s13+$0xF0 ss:$0x1], $0xffff;
	[tilespmem:v0+s26+$0x60 ss:$0x1] =	vst.idx.msk $0xffff, v53;
	v58 =	vmul.f32 v8, v52  }
0x10d: {  	v57 =	vld.idx.msk [tilespmem:v0+s26+$0x70 ss:$0x1], $0xffff  }
0x10e: {  	v59 =	vld.idx.msk [tilespmem:v0+s13+$0x70 ss:$0x1], $0xffff;
	[tilespmem:v0+s26+$0x160 ss:$0x1] =	vst.idx.msk $0xffff, v58  }
0x10f: {  	v62 =	vld.idx.msk [tilespmem:v0+s26+$0x170 ss:$0x1], $0xffff  }
0x110: {  	v9 =	vld.idx.msk [tilespmem:v0+s13+$0x170 ss:$0x1], $0xffff;
	_ =	sdelay $0x1  }
0x111: {  	v2 =	vmul.f32 v55, v54  }
0x112: {  	[tilespmem:v0+s0+$0x170 ss:$0x1] =	vst.idx.msk $0xffff, v5;
	v1 =	vmul.f32 v61, v60  }
0x113: {  	[tilespmem:v0+s26+$0x1F0 ss:$0x1] =	vst.idx.msk $0xffff, v2;
	v3 =	vmul.f32 v59, v57  }
0x114: {  	[tilespmem:v0+s26+$0xF0 ss:$0x1] =	vst.idx.msk $0xffff, v1;
	v63 =	vmul.f32 v9, v62  }
0x115: {  	s15 =	sshll.u32 s25, $0x7;
	p1 =	seq.s32 s23, $0x0;
	[tilespmem:v0+s26+$0x70 ss:$0x1] =	vst.idx.msk $0xffff, v3  }
0x116: {  	s9 =	sadd.s32 $0xD, s25;
	s0 =	sadd.s32 $0x200, s15;
	p0 =	sgt.u32 @!p1 s23, $0x16;
	[tilespmem:v0+s26+$0x170 ss:$0x1] =	vst.idx.msk $0xffff, v63  }
0x117: {  	[spmem:s5] =	stream.indirect.scatter.add.f32 [tilespmem:s11], [sflag:s9], $0x80, s0, s30, $0xb8;
	[tilespmem:$0x1BC00] =	vst v63  }
0x118: {  	p0 =	por p0, p1;
	s0 =	sadd.s32 @!p1 $0xFFFFFFFF, s23  }
0x119: {  	s11 =	sadd.s32 @!p0 $0x2, s23;
	s9 =	smulhi.u32 @!p1 $0xAAAAAAAB, s0  }
0x11a: {  	s13 =	smul.u32 @!p0 $0xAB, s11  }
0x11b: {  	s9 =	sshrl.u32 @!p1 s9, $0x1  }
0x11c: {  	s13 =	sshrl.u32 @!p0 s13, $0x9;
	s9 =	smul.u32 @!p1 $0x3, s9  }
0x11d: {  	s13 =	sand.u32 @!p0 $0x7F, s13  }
0x11e: {  	s0 =	ssub.s32 @!p1 s0, s9;
	s9 =	smul.u32 @!p0 $0x3, s13  }
0x11f: {  	s13 =	smul.u32 @!p0 $0x28, s11;
	s0 =	sadd.s32 @!p1 $0xD, s0  }
0x120: {  	s15 =	simm.s32 @!p0 $0x0;
	_ =	swait.ge @!p1 [sflag:s0], $0x1400  }
0x121: {  	s9 =	ssub.s32 @!p0 s11, s9;
	s11 =	sadd.s32 @!p0 s8, s13;
	[sflag:s0] =	ssyncset.done @!p1 $0x0  }
0x122: {  	s9 =	sand.u32 @!p0 $0xFF, s9;
	s11 =	sshrl.u32 @!p0 s11, $0x3;
	[sflag:s0] =	ssyncadd.s32 @!p1 $0xFFFFEC00  }
0x123: {  	s0 =	sshll.u32 @!p0 s9, $0x7;
	s13 =	sadd.s32 @!p0 $0x1, s9;
	s14 =	sadd.s32 @!p0 s2, s11  }
0x124: {  	[tilespmem:s0], [sflag:s13] =	stream.linear.gather @!p0 [hbm4b:s14+s15], $0x28, $0x38;
	[tilespmem:$0x1BC00] =	vst v63  }
0x125: {  	s9 =	sor.u32 @!p0 $0x4, s9;
	s11 =	sadd.s32 @!p0 s4, s11;
	s0 =	sor.u32 @!p0 $0x200, s0  }
0x126: {  	[tilespmem:s0], [sflag:s9] =	stream.linear.gather @!p0 [hbm4b:s11+s15], $0x28, $0x38;
	[tilespmem:$0x1BC00] =	vst v63  }
0x127: {  	p0 =	sne.s32 s24, $0x19  }
.Ltmp1:
0x128: {  	_ = 	snop;
	(pc) =	sbr.rel @p0 .LBB2_2-.Ltmp1, $2  }
0x129: {  	_ =	sdelay $0x2  }
0x12a: {  	s22 =	sadd.s32 $0x1400, s22;
	s12 =	sadd.s32 $0x1400, s12;
	s23 =	smov.u32 s24  }
0x12b: {  	_ =	swait.ge [sflag:s31], $0x1400  }
0x12c: {  	s3 =	sadd.s32 $0x1, s3;
	[sflag:s31] =	ssyncset.done $0x0  }
0x12d: {  	p0 =	sne.s32 s3, s19;
	[sflag:s31] =	ssyncadd.s32 $0xFFFFEC00  }
.Ltmp2:
0x12e: {  	[bflag:$0x0] =	sbarrier.arrive $0xFFFF;
	(pc) =	sbr.rel @p0 .LBB2_1-.Ltmp2, $4  }
0x12f: {  	[hbm:s18], [sflag:s10] =	dma.local [spmem:s20], $0x2800  }
0x130: {  	_ =	swait.ge [sflag:s21], $0x2800  }
0x131: {  	[sflag:s21] =	ssyncset.done $0x0  }
0x132: {  	[sflag:s21] =	ssyncadd.s32 $0xFFFFD800  }
0x133: {  	_ =	sfence.sel $0x180000  }
0x134: {  	[bflag:$0x0] =	sbarrier.arrive $0xFFFF  }
0x135: {  	_ =	strace $0x90000047  }
0x136: {  	s0 =	stileid.u32;
	[bflag:$0x2] =	sbarrier.arrive $0xFFFF  }
0x137: {  	p0 =	sne.s32 s0, $0x0;
	s0 =	rddreg [dreg:$0x5]  }
0x138: {  	s0 =	sadd.s32 @!p0 $0x100000, s0  }
0x139: {  	[sflag:s0] =	ssyncadd.tile.s32 @!p0 $0x1;
	_ =	shalt  }
.Lfunc_end2:
_tile_overlayer_lowered:
.L_overlay_start_2:
0x13a: {  	(tag) =	ssettag $0x2  }
0x13b: {  	s0 =	rddreg [dreg:$0x0];
	s2 =	stileid.u32  }
0x13c: {  	s1 =	rddreg [dreg:$0x1];
	p0 =	sne.s32 s2, $0x0  }
0x13d: {  	s3 =	rddreg [dreg:$0x2];
	[bflag:$0x3] =	sbarrier.arrive $0xFFFF;
	s2 =	simm.s32 @!p0 $0x1C10  }
0x13e: {  	[timem:s3], [sflag:s2] =	dma.local @!p0 [hbm:s0], s1  }
0x13f: {  	s0 =	simm.s32 @!p0 $0x10  }
0x140: {  	_ =	swait.ge @!p0 [sflag:s0], s1  }
0x141: {  	s1 =	ssub.s32 @!p0 $0x0, s1;
	[sflag:s0] =	ssyncset.done @!p0 $0x0  }
0x142: {  	[sflag:s0] =	ssyncadd.s32 @!p0 s1  }
0x143: {  	[bflag:$0x3] =	sbarrier.arrive $0xFFFF  }
0x144: {  	_ =	shalt  }

// kernel: kernel.13.cloned.1.call-start
scs
__scs_entry_jumppad:
0x0: {  	(pc) =	sbr.rel $0x88, $3  }
0x1: {  	(tag) =	ssettag $0x0;
	lr =	simm.s32 $0x1  }
0x2: {  	[smem:$0x3F94] =	sst lr;
	_ =	strace $0xD0000000  }
0x3: {  	_ = 	snop  }
0x4: {  	_ = 	snop  }
0x5: {  	_ = 	snop  }
0x6: {  	_ = 	snop  }
0x7: {  	_ = 	snop  }
__scs_overlays_trampoline_lowered:
0x8: {  	[smem:$0x3FA3] =	sst s0  }
0x9: {  	[smem:$0x3FA4] =	sst s1  }
0xa: {  	[smem:$0x3FA5] =	sst s2  }
0xb: {  	[smem:$0x3FA6] =	sst s3  }
0xc: {  	[smem:$0x3FA7] =	sst s4  }
0xd: {  	[smem:$0x3FA8] =	sst s5  }
0xe: {  	[smem:$0x3FA9] =	sst s6  }
0xf: {  	[smem:$0x3FAA] =	sst s7  }
0x10: {  	[smem:$0x3FAB] =	sst s8  }
0x11: {  	[smem:$0x3FAC] =	sst s9;
	s0 =	simm.s32 @!p0 $0x0  }
0x12: {  	s1 =	sld [smem:$0x3F92];
	s0 =	simm.s32 @p0 $0x1  }
0x13: {  	[smem:$0x3FAD] =	sst s0;
	s0 =	simm.s32 @!p1 $0x0  }
0x14: {  	s2 =	sld [smem:$0x3F91];
	s0 =	simm.s32 @p1 $0x1  }
0x15: {  	[smem:$0x3FAE] =	sst s0;
	s0 =	simm.s32 @!p2 $0x0  }
0x16: {  	s3 =	sld [smem:$0x3FDB];
	s0 =	simm.s32 @p2 $0x1  }
0x17: {  	s4 =	simm.s32 $0x1BF5;
	[smem:$0x3FB0] =	sst s0  }
0x18: {  	s0 =	sld [smem:$0x3F93];
	_ =	swait.ge [sflag:s4], $0x0  }
0x19: {  	s7 =	sld [smem:$0x3F94]  }
0x1a: {  	s8 =	sadd.s32 $0xFFFFE003, lr  }
0x1b: {  	s9 =	sadd.s32 $0xFFFFFEF7, lr;
	s5 =	simm.s32 $0xFFFFFFFF;
	p2 =	slt.u32 s8, $0xFFFFF086  }
0x1c: {  	p1 =	slt.u32 s9, $0xF7A;
	s5 =	simm.s32 @!p2 $0x0  }
0x1d: {  	s5 =	simm.s32 @p1 $0x1;
	p0 =	seq.s32 s7, s2  }
0x1e: {  	s7 =	smul.u32 @!p0 $0xF7A, s2;
	p2 =	seq.s32 @!p0 s5, $0x0  }
0x1f: {  	s9 =	smul.u32 $0xF7A, s1;
	s8 =	simm.s32 @!p0 $0x1BF5;
	p2 =	por !p2, p0  }
0x20: {  	[sflag:s8] =	ssyncset.s32 @!p0 $0xFFFFF086;
	s6 =	sadd.s32 @!p0 s3, s7;
	s7 =	simm.s32 @!p0 $0x108  }
0x21: {  	s3 =	sadd.s32 s3, s9;
	s6 =	sadd.s32 @!p0 $0x88, s6;
	s7 =	simm.s32 @p2 $0x1082  }
0x22: {  	[simem:s7], [sflag:s8] =	dma.local @!p0 [hbm:s6], $0xF7A  }
0x23: {  	s9 =	sor.u32 $0xD0000000, s2;
	s6 =	simm.s32 $0x108;
	_ =	swait.ge @!p0 [sflag:s8], $0x0  }
0x24: {  	s3 =	sadd.s32 $0x88, s3;
	s6 =	simm.s32 @!p1 $0x1082;
	[sflag:s4] =	ssyncset.s32 $0xFFFFF086  }
0x25: {  	[simem:s6], [sflag:s4] =	dma.local [hbm:s3], $0xF7A  }
0x26: {  	[smem:$0x3F94] =	sst s1;
	(tag) =	ssettag s2;
	_ =	strace s9  }
0x27: {  	s1 =	sld [smem:$0x3FA4]  }
0x28: {  	s2 =	sld [smem:$0x3FA5]  }
0x29: {  	s4 =	sld [smem:$0x3FA7]  }
0x2a: {  	p0 =	seq.s32 s5, $0x0;
	s5 =	sld [smem:$0x3FA8]  }
0x2b: {  	s6 =	sld [smem:$0x3FA9]  }
0x2c: {  	s7 =	sld [smem:$0x3FAA]  }
0x2d: {  	s3 =	simm.s32 $0x108;
	s8 =	sld [smem:$0x3FAB]  }
0x2e: {  	s3 =	simm.s32 @!p0 $0x1082;
	s9 =	sld [smem:$0x3FAC]  }
0x2f: {  	lr =	sadd.s32 s0, s3;
	s0 =	sld [smem:$0x3FA3]  }
0x30: {  	s3 =	sld [smem:$0x3FA6]  }
0x31: {  	[smem:$0x3FAF] =	sst s10  }
0x32: {  	s10 =	sld [smem:$0x3FAD];
	_ =	sdelay $0x3  }
0x33: {  	p0 =	seq.s32 s10, $0x1;
	s10 =	sld [smem:$0x3FAF];
	_ =	sdelay $0x3  }
0x34: {  	[smem:$0x3FAF] =	sst s10  }
0x35: {  	s10 =	sld [smem:$0x3FAE];
	_ =	sdelay $0x3  }
0x36: {  	p1 =	seq.s32 s10, $0x1;
	s10 =	sld [smem:$0x3FAF];
	_ =	sdelay $0x3  }
0x37: {  	[smem:$0x3FAF] =	sst s10  }
0x38: {  	s10 =	sld [smem:$0x3FB0]  }
0x39: {  	_ = 	snop;
	(pc) =	sbr.ind lr, $3  }
0x3a: {  	_ = 	snop  }
0x3b: {  	_ = 	snop  }
0x3c: {  	p2 =	seq.s32 s10, $0x1;
	s10 =	sld [smem:$0x3FAF]  }
0x3d: {  	_ =	shalt  }
0x3e: {  	_ =	shalt  }
0x3f: {  	_ =	shalt  }
0x40: {  	_ =	shalt  }
0x41: {  	_ =	shalt  }
0x42: {  	_ =	shalt  }
0x43: {  	_ =	shalt  }
0x44: {  	_ =	shalt  }
0x45: {  	_ =	shalt  }
0x46: {  	_ =	shalt  }
0x47: {  	_ =	shalt  }
0x48: {  	_ =	shalt  }
0x49: {  	_ =	shalt  }
0x4a: {  	_ =	shalt  }
0x4b: {  	_ =	shalt  }
0x4c: {  	_ =	shalt  }
0x4d: {  	_ =	shalt  }
0x4e: {  	_ =	shalt  }
0x4f: {  	_ =	shalt  }
0x50: {  	_ =	shalt  }
0x51: {  	_ =	shalt  }
0x52: {  	_ =	shalt  }
0x53: {  	_ =	shalt  }
0x54: {  	_ =	shalt  }
0x55: {  	_ =	shalt  }
0x56: {  	_ =	shalt  }
0x57: {  	_ =	shalt  }
0x58: {  	_ =	shalt  }
0x59: {  	_ =	shalt  }
0x5a: {  	_ =	shalt  }
0x5b: {  	_ =	shalt  }
0x5c: {  	_ =	shalt  }
0x5d: {  	_ =	shalt  }
0x5e: {  	_ =	shalt  }
0x5f: {  	_ =	shalt  }
0x60: {  	_ =	shalt  }
0x61: {  	_ =	shalt  }
0x62: {  	_ =	shalt  }
0x63: {  	_ =	shalt  }
0x64: {  	_ =	shalt  }
0x65: {  	_ =	shalt  }
0x66: {  	_ =	shalt  }
0x67: {  	_ =	shalt  }
0x68: {  	_ =	shalt  }
0x69: {  	_ =	shalt  }
0x6a: {  	_ =	shalt  }
0x6b: {  	_ =	shalt  }
0x6c: {  	_ =	shalt  }
0x6d: {  	_ =	shalt  }
0x6e: {  	_ =	shalt  }
0x6f: {  	_ =	shalt  }
0x70: {  	_ =	shalt  }
0x71: {  	_ =	shalt  }
0x72: {  	_ =	shalt  }
0x73: {  	_ =	shalt  }
0x74: {  	_ =	shalt  }
0x75: {  	_ =	shalt  }
0x76: {  	_ =	shalt  }
0x77: {  	_ =	shalt  }
0x78: {  	_ =	shalt  }
0x79: {  	_ =	shalt  }
0x7a: {  	_ =	shalt  }
0x7b: {  	_ =	shalt  }
0x7c: {  	_ =	shalt  }
0x7d: {  	_ =	shalt  }
0x7e: {  	_ =	shalt  }
0x7f: {  	_ =	shalt  }
0x80: {  	_ =	shalt  }
0x81: {  	_ =	shalt  }
0x82: {  	_ =	shalt  }
0x83: {  	_ =	shalt  }
0x84: {  	_ =	shalt  }
0x85: {  	_ =	shalt  }
0x86: {  	_ =	shalt  }
0x87: {  	_ =	shalt  }
.Lfunc_end0:
.L_simem_size_0:
called_computation.1_lowered:
.L_overlay_start_0:
0x88: {  	s2 =	sld [smem:$0x3FD9]  }
0x89: {  	s3 =	sld [smem:$0x3FFE];
	_ =	sdelay $0x1  }
0x8a: {  	s1 =	srdreg.scid  }
0x8b: {  	s0 =	sand.u32 $0x1, s1  }
0x8c: {  	s15 =	sshll.u32 s0, $0xA;
	s2 =	sadd.s32 s3, s2  }
0x8d: {  	s2 =	sadd.s32 s2, s15  }
0x8e: {  	[smem:$0x3FBB] =	sst s2  }
0x8f: {  	_ = 	snop  }
0x90: {  	s4 =	sld [smem:$0x3FD0];
	_ =	sdelay $0x1  }
0x91: {  	s2 =	sld [smem:$0x3FC7]  }
0x92: {  	s5 =	simm.s32 $0xC;
	s6 =	simm.s32 $0x10;
	s16 =	sld [smem:$0x3FC6]  }
0x93: {  	[smem:s6], [sflag:s5] =	dma.local [hbm:s4], $0x1  }
0x94: {  	_ =	swait.eq [sflag:s5], $0x1  }
0x95: {  	[sflag:s5] =	ssyncset.done $0x0  }
0x96: {  	[sflag:s5] =	ssyncadd.s32 $0xFFFFFFFF  }
0x97: {  	s17 =	sld [smem:$0x11];
	(tm) =	ssettm $0x1  }
0x98: {  	s18 =	sld [smem:$0x3FFB];
	_ =	sdelay $0x3  }
0x99: {  	_ =	strace s18  }
0x9a: {  	s4 =	sld [smem:$0x3FFC];
	_ =	sdelay $0x3  }
0x9b: {  	_ =	strace s4  }
0x9c: {  	s4 =	sld [smem:$0x3FFD];
	_ =	sdelay $0x3  }
0x9d: {  	_ =	strace s4  }
0x9e: {  	_ =	strace $0x8FFFFFFF  }
0x9f: {  	s19 =	sld [smem:$0x3FDB];
	_ =	sdelay $0x1  }
0xa0: {  	s20 =	simm.s32 $_scs_section_size  }
0xa1: {  	s7 =	simm.s32 $_size__tile_overlayer_lowered;
	s8 =	simm.s32 $_tile_overlayer_lowered  }
0xa2: {  	s9 =	simm.s32 $0x1BFF;
	s21 =	sshll.u32 s8, $0x1;
	s6 =	sadd.s32 s20, s19  }
0xa3: {  	s22 =	simm.s32 $0x0;
	s7 =	sshll.u32 s7, $0x1;
	s8 =	sadd.s32 s21, s6  }
0xa4: {  	[timem:s22], [sflag:s9] =	dma.local [hbm:s8], s7  }
0xa5: {  	_ =	swait.ge [sflag:s9], s7  }
0xa6: {  	s7 =	ssub.s32 $0x0, s7;
	[sflag:s9] =	ssyncset.done $0x0  }
0xa7: {  	[sflag:s9] =	ssyncadd.s32 s7;
	_ =	sdelay $0x1  }
0xa8: {  	s23 =	simm.s32 $0x1B8B  }
0xa9: {  	_ =	swait.ge [sflag:s23], $0x1  }
0xaa: {  	[sflag:s23] =	ssyncset.done $0x0  }
0xab: {  	[sflag:s23] =	ssyncadd.s32 $0xFFFFFFFF  }
0xac: {  	s7 =	sld [smem:$0x0]  }
0xad: {  	s8 =	sand.u32 $0xFFFFFFFE, s1  }
0xae: {  	p0 =	sne.s32 s1, s8  }
0xaf: {  	s8 =	sshll.u32 @p0 s8, $0xE  }
0xb0: {  	s8 =	sadd.s32 @p0 $0x11B8D, s8;
	s9 =	sshll.u32 @p0 s7, $0x11  }
0xb1: {  	s8 =	sor.u32 @p0 s9, s8  }
0xb2: {  	[sflag:s8] =	ssyncadd.remote.s32 @p0 $0x1;
	_ =	sdelay $0x1  }
0xb3: {  	s8 =	simm.s32 @p0 $0x1B8D  }
0xb4: {  	_ =	swait.eq @p0 [sflag:s8], $0x1  }
0xb5: {  	[sflag:s8] =	ssyncadd.s32 @p0 $0xFFFFFFFF  }
0xb6: {  	s9 =	sshll.u32 @!p0 s1, $0xE  }
0xb7: {  	s9 =	sor.u32 @!p0 $0x4000, s9;
	s8 =	simm.s32 @!p0 $0x1B8D  }
0xb8: {  	s7 =	sshll.u32 @!p0 s7, $0x11;
	s9 =	sadd.s32 @!p0 $0x11B8D, s9;
	_ =	swait.eq @!p0 [sflag:s8], $0x1  }
0xb9: {  	s7 =	sor.u32 @!p0 s7, s9;
	[sflag:s8] =	ssyncadd.s32 @!p0 $0xFFFFFFFF  }
0xba: {  	s25 =	simm.s32 $0x1B8E;
	s24 =	sld [smem:$0x3FFE];
	[sflag:s7] =	ssyncadd.remote.s32 @!p0 $0x1  }
0xbb: {  	s26 =	simm.s32 $execute0_lowered;
	[smem:$0x3FD2] =	sst s25  }
0xbc: {  	s8 =	sshll.u32 s26, $0x1;
	_ =	strace $0x80000049;
	[dreg:$0x1] =	wrdreg $0xFFFFFFFF  }
0xbd: {  	s28 =	simm.s32 $_size_execute0_lowered;
	s6 =	sadd.s32 s6, s8;
	[dreg:$0x0] =	wrdreg $0x0  }
0xbe: {  	s8 =	sshll.u32 s28, $0x1;
	[dreg:$0x2] =	wrdreg s6  }
0xbf: {  	[dreg:$0x3] =	wrdreg s8  }
0xc0: {  	[dreg:$0x4] =	wrdreg $0xC0  }
0xc1: {  	_ =	task [dreg:s22], $0x5FFFF  }
0xc2: {  	[dreg:$0x1] =	wrdreg $0xFFFFFFFF  }
0xc3: {  	[dreg:$0x0] =	wrdreg $0x60  }
0xc4: {  	[dreg:$0x2] =	wrdreg s17  }
0xc5: {  	[dreg:$0x3] =	wrdreg s24  }
0xc6: {  	[dreg:$0x4] =	wrdreg s2  }
0xc7: {  	[dreg:$0x5] =	wrdreg s16  }
0xc8: {  	[dreg:$0x6] =	wrdreg $0x7C000  }
0xc9: {  	[dreg:$0x7] =	wrdreg $0xA  }
0xca: {  	_ =	task.clear_ibuf [dreg:s22], $0x8FFFF;
	_ =	strace $0x90000049  }
0xcb: {  	s29 =	simm.s32 $0xA;
	_ =	strace $0x8000004B  }
0xcc: {  	_ =	swait.ge [sflag:s29], $0x1  }
0xcd: {  	[sflag:s29] =	ssyncadd.s32 $0xFFFFFFFF  }
0xce: {  	_ =	strace $0x9000004B  }
0xcf: {  	_ =	sfence  }
0xd0: {  	s30 =	sld [smem:$0x0];
	_ =	sdelay $0x2  }
0xd1: {  	s31 =	sshll.u32 s1, $0xD;
	s1 =	sshrl.u32 s1, $0x2  }
0xd2: {  	s3 =	sand.u32 $0x4000, s31;
	s1 =	sadd.s32 s1, s30  }
0xd3: {  	s0 =	sor.u32 s3, s0;
	s1 =	sshll.u32 s1, $0x11  }
0xd4: {  	s0 =	sor.u32 s1, s0  }
0xd5: {  	s0 =	sadd.s32 $0x8F2B, s0  }
0xd6: {  	[sflag:s0] =	ssyncadd.remote.s32 $0x1  }
0xd7: {  	_ =	sfence.sel $0xFFFF  }
0xd8: {  	[dreg:$0x0] =	wrdreg $0xFFFFFFFF;
	(pc) =	sbr.abs _section_cstart, $3  }
0xd9: {  	[dreg:$0x1] =	wrdreg $0xFFFFFFFF  }
0xda: {  	_ =	task.clear_ibuf [dreg:s22], $0x2FFFF;
	_ =	strace $0x9FFFFFFF  }
0xdb: {  	(tm) =	ssettm $0x7FFFFFFF  }
tec
execute0_lowered:
.L_overlay_start_1:
0x0: {  	(tag) =	ssettag $0x1  }
0x1: {  	s1 =	rddreg [dreg:$0x0]  }
0x2: {  	s0 =	rddreg [dreg:$0x1]  }
0x3: {  	s3 =	rddreg [dreg:$0x2]  }
0x4: {  	s4 =	rddreg [dreg:$0x3]  }
0x5: {  	s5 =	rddreg [dreg:$0x4];
	s14 =	stileid.u32;
	s6 =	simm.s32 $0x0  }
0x6: {  	s7 =	srdreg.scid;
	s29 =	simm.s32 $0x1;
	s30 =	simm.s32 $0x4  }
0x7: {  	s31 =	simm.s32 $0x28;
	s2 =	smul.u32 $0x14000, s14;
	[smem:$0x7FF] =	sst s6  }
0x8: {  	s8 =	sand.u32 $0x1, s7;
	s7 =	sadd.s32 $0xF7E00, s0;
	s15 =	smul.u32 $0x50000, s14  }
0x9: {  	s20 =	sshll.u32 s14, $0x6;
	_ =	strace $0x8000004A;
	s10 =	smul.u32 $0x140000, s8  }
0xa: {  	s26 =	sshll.u32 s8, $0x4;
	s12 =	ssub.s32 $0x2, s8;
	s9 =	sshrl.u32 s2, $0x3  }
0xb: {  	s28 =	sor.u32 s14, s26;
	s16 =	sshrl.u32 s12, $0x1;
	s13 =	sshrl.u32 s15, $0x2  }
0xc: {  	s11 =	sadd.s32 s9, s0;
	s2 =	sadd.s32 s2, s10;
	s8 =	smul.u32 $0x640, s28  }
0xd: {  	s17 =	sadd.s32 s13, s5;
	s10 =	smul.u32 $0x6400, s28;
	s2 =	sshrl.u32 s2, $0x3  }
0xe: {  	s11 =	sadd.s32 $0x7FE00, s11;
	s0 =	sadd.s32 s2, s0;
	s2 =	ssub.s32 s12, s16  }
0xf: {  	s9 =	sadd.s32 $0x7D00, s8;
	[dreg:$0x6] =	wrdreg s11;
	s11 =	sor.u32 $0x1C10, s20  }
0x10: {  	s23 =	sadd.s32 $0x7D28, s8;
	s25 =	sshrl.u32 s8, $0x3;
	s21 =	sshrl.u32 s9, $0x3  }
0x11: {  	s18 =	sadd.s32 s7, s10;
	s24 =	sshrl.u32 s23, $0x3;
	s22 =	sadd.s32 s3, s21  }
0x12: {  	s14 =	sadd.s32 $0xFAA, s25;
	s13 =	sadd.s32 s4, s21;
	[dreg:$0x7] =	wrdreg s22  }
0x13: {  	s19 =	sadd.s32 $0x1BFE00, s0;
	s15 =	sadd.s32 s3, s24;
	[dreg:$0x8] =	wrdreg s13  }
0x14: {  	s20 =	smax.u32 s2, $0x1;
	s26 =	sadd.s32 s3, s14;
	[dreg:$0x9] =	wrdreg s15  }
0x15: {  	s0 =	simm.s32 $0xD;
	s28 =	sadd.s32 s4, s14;
	[dreg:$0xb] =	wrdreg s26  }
0x16: {  	s2 =	simm.s32 $0x0;
	s13 =	sadd.s32 s4, s24;
	[dreg:$0xc] =	wrdreg s28  }
0x17: {  	s21 =	sshrl.u32 s17, $0x3;
	s22 =	simm.s32 $0x10;
	[dreg:$0xa] =	wrdreg s13  }
.LBB2_1:
0x18: {  	s10 =	rddreg [dreg:$0x6]  }
0x19: {  	[spmem:s21], [sflag:s11] =	dma.local [hbm:s10], $0x2800  }
0x1a: {  	_ =	swait.ge [sflag:s22], $0x2800  }
0x1b: {  	[sflag:s22] =	ssyncset.done $0x0  }
0x1c: {  	[sflag:s22] =	ssyncadd.s32 $0xFFFFD800  }
0x1d: {  	[bflag:$0x0] =	sbarrier.arrive $0xFFFF  }
0x1e: {  	s13 =	rddreg [dreg:$0x7]  }
0x1f: {  	[tilespmem:s6], [sflag:$0x1] =	stream.linear.gather [hbm4b:s13+s6], $0x28, $0x38;
	[tilespmem:$0x1BC00] =	vst v63  }
0x20: {  	s12 =	simm.s32 $0x200;
	s14 =	rddreg [dreg:$0x8]  }
0x21: {  	[tilespmem:s12], [sflag:$0x4] =	stream.linear.gather [hbm4b:s14+s6], $0x28, $0x38;
	[tilespmem:$0x1BC00] =	vst v63  }
0x22: {  	s16 =	simm.s32 $0x80;
	s15 =	rddreg [dreg:$0x9]  }
0x23: {  	[tilespmem:s16], [sflag:$0x2] =	stream.linear.gather [hbm4b:s15+s6], $0x28, $0x38;
	[tilespmem:$0x1BC00] =	vst v63  }
0x24: {  	s23 =	simm.s32 $0x280;
	s17 =	rddreg [dreg:$0xa]  }
0x25: {  	[tilespmem:s23], [sflag:$0x5] =	stream.linear.gather [hbm4b:s17+s6], $0x28, $0x38;
	[tilespmem:$0x1BC00] =	vst v63  }
0x26: {  	s25 =	simm.s32 $0x100;
	s24 =	rddreg [dreg:$0xb]  }
0x27: {  	[tilespmem:s25], [sflag:$0x3] =	stream.linear.gather [hbm4b:s24+s6], $0x28, $0x38;
	[tilespmem:$0x1BC00] =	vst v63  }
0x28: {  	s28 =	simm.s32 $0x300;
	s26 =	rddreg [dreg:$0xc]  }
0x29: {  	[tilespmem:s28], [sflag:$0x6] =	stream.linear.gather [hbm4b:s26+s6], $0x28, $0x38;
	[tilespmem:$0x1BC00] =	vst v63  }
0x2a: {  	_ =	swait.ge [sflag:s29], $0x28  }
0x2b: {  	[sflag:s29] =	ssyncset.done $0x0  }
0x2c: {  	[sflag:s29] =	ssyncadd.s32 $0xFFFFFFD8  }
0x2d: {  	_ =	swait.ge [sflag:s30], $0x28  }
0x2e: {  	[sflag:s30] =	ssyncset.done $0x0  }
0x2f: {  	s14 =	simm.s32 $0x400;
	[sflag:s30] =	ssyncadd.s32 $0xFFFFFFD8  }
0x30: {  	[tilespmem:s14], [sflag:$0x7] =	stream.indirect.gather [hbm4b:s1+s31], $0x80, s6, s31, $0xb8;
	[tilespmem:$0x1BC00] =	vst v63  }
0x31: {  	s24 =	simm.s32 $0x4000;
	s25 =	simm.s32 $0x0  }
0x32: {  	[tilespmem:s24], [sflag:$0xA] =	stream.linear.gather [hbm4b:s18+s6], $0x1400, $0x38;
	[tilespmem:$0x1BC00] =	vst v63  }
.LBB2_2:
0x33: {  	s26 =	sadd.s32 $0x1, s25;
	p0 =	seq.s32 s25, $0x27  }
0x34: {  	s10 =	smul.u32 @!p0 $0xAB, s26;
	_ =	sdelay $0x1  }
0x35: {  	s10 =	sshrl.u32 @!p0 s10, $0x9  }
0x36: {  	s10 =	sand.u32 @!p0 $0x7F, s10  }
0x37: {  	s10 =	smul.u32 @!p0 $0x3, s10;
	_ =	sdelay $0x1  }
0x38: {  	s10 =	ssub.s32 @!p0 s26, s10  }
0x39: {  	s10 =	sand.u32 @!p0 $0xFF, s10  }
0x3a: {  	s12 =	sadd.s32 @!p0 $0x1, s10  }
0x3b: {  	s13 =	smul.u32 $0xAB, s25;
	_ =	swait.ge @!p0 [sflag:s12], $0x28  }
0x3c: {  	s15 =	smulhi.u32 $0xAAAAAAAB, s25;
	s28 =	simm.s32 @!p0 $0x28;
	[sflag:s12] =	ssyncset.done @!p0 $0x0  }
0x3d: {  	s13 =	sshrl.u32 s13, $0x9;
	[sflag:s12] =	ssyncadd.s32 @!p0 $0xFFFFFFD8;
	s12 =	sor.u32 @!p0 $0x4, s10  }
0x3e: {  	s13 =	sand.u32 $0x7F, s13;
	s16 =	smul.u32 @!p0 $0x1400, s10;
	_ =	swait.ge @!p0 [sflag:s12], $0x28  }
0x3f: {  	s13 =	smul.u32 $0x3, s13;
	s17 =	sshll.u32 @!p0 s10, $0x7;
	[sflag:s12] =	ssyncset.done @!p0 $0x0  }
0x40: {  	s23 =	sadd.s32 @!p0 $0x7, s10;
	[sflag:s12] =	ssyncadd.s32 @!p0 $0xFFFFFFD8;
	s12 =	sadd.s32 @!p0 $0x400, s16  }
0x41: {  	[tilespmem:s12], [sflag:s23] =	stream.indirect.gather @!p0 [hbm4b:s1+s28], $0x80, s17, s28, $0xb8;
	[tilespmem:$0x1BC00] =	vst v63  }
0x42: {  	s12 =	smul.u32 @!p0 $0x28, s26  }
0x43: {  	s15 =	sshrl.u32 s15, $0x1  }
0x44: {  	s15 =	smul.u32 $0xFFFF1000, s15;
	s13 =	ssub.s32 s25, s13;
	s12 =	sadd.s32 @!p0 s8, s12  }
0x45: {  	s10 =	sadd.s32 @!p0 $0xA, s10;
	s28 =	sand.u32 $0xFF, s13;
	s12 =	sshll.u32 @!p0 s12, $0x4  }
0x46: {  	s13 =	sor.u32 @!p0 $0x4000, s16;
	s16 =	simm.s32 @!p0 $0x0;
	s12 =	sadd.s32 @!p0 s7, s12  }
0x47: {  	[tilespmem:s13], [sflag:s10] =	stream.linear.gather @!p0 [hbm4b:s12+s16], $0x1400, $0x38;
	[tilespmem:$0x1BC00] =	vst v63  }
0x48: {  	s13 =	sadd.s32 $0x7, s28  }
0x49: {  	s16 =	sshra.s32 s15, $0x2;
	_ =	swait.ge [sflag:s13], $0x1400  }
0x4a: {  	v0 =	vmov s16;
	[sflag:s13] =	ssyncset.done $0x0  }
0x4b: {  	s17 =	sadd.s32 $0xA, s28;
	[sflag:s13] =	ssyncadd.s32 $0xFFFFEC00  }
0x4c: {  	_ =	swait.ge [sflag:s17], $0x1400  }
0x4d: {  	[sflag:s17] =	ssyncset.done $0x0  }
0x4e: {  	[sflag:s17] =	ssyncadd.s32 $0xFFFFEC00  }
0x4f: {  	v1 =	vld.idx.msk [tilespmem:v0+s14+$0x180 ss:$0x1], $0xffff  }
0x50: {  	v2 =	vld.idx.msk [tilespmem:v0+s24+$0x180 ss:$0x1], $0xffff;
	_ =	sdelay $0x1  }
0x51: {  	v3 =	vld.idx.msk [tilespmem:v0+s14+$0x80 ss:$0x1], $0xffff  }
0x52: {  	v4 =	vld.idx.msk [tilespmem:v0+s24+$0x80 ss:$0x1], $0xffff  }
0x53: {  	v5 =	vld.idx.msk [tilespmem:v0+s14+$0x0 ss:$0x1], $0xffff  }
0x54: {  	s10 =	sadd.s32 $0x200, s14;
	v7 =	vld.idx.msk [tilespmem:v0+s14+$0x100 ss:$0x1], $0xffff;
	v1 =	vmul.f32 v2, v1  }
0x55: {  	v9 =	vld.idx.msk [tilespmem:v0+s10+$0x180 ss:$0x1], $0xffff  }
0x56: {  	v2 =	vld.idx.msk [tilespmem:v0+s24+$0x0 ss:$0x1], $0xffff;
	[tilespmem:v0+s14+$0x180 ss:$0x1] =	vst.idx.msk $0xffff, v1  }
0x57: {  	v1 =	vld.idx.msk [tilespmem:v0+s14+$0x190 ss:$0x1], $0xffff  }
0x58: {  	s12 =	sadd.s32 $0x200, s24;
	v6 =	vld.idx.msk [tilespmem:v0+s24+$0x190 ss:$0x1], $0xffff  }
0x59: {  	v10 =	vld.idx.msk [tilespmem:v0+s12+$0x180 ss:$0x1], $0xffff;
	v3 =	vmul.f32 v4, v3  }
0x5a: {  	v4 =	vld.idx.msk [tilespmem:v0+s24+$0x100 ss:$0x1], $0xffff  }
0x5b: {  	v11 =	vld.idx.msk [tilespmem:v0+s12+$0x0 ss:$0x1], $0xffff;
	[tilespmem:v0+s14+$0x80 ss:$0x1] =	vst.idx.msk $0xffff, v3;
	v2 =	vmul.f32 v2, v5  }
0x5c: {  	v3 =	vld.idx.msk [tilespmem:v0+s14+$0x90 ss:$0x1], $0xffff  }
0x5d: {  	v5 =	vld.idx.msk [tilespmem:v0+s24+$0x90 ss:$0x1], $0xffff;
	[tilespmem:v0+s14+$0x0 ss:$0x1] =	vst.idx.msk $0xffff, v2;
	v1 =	vmul.f32 v6, v1  }
0x5e: {  	v2 =	vld.idx.msk [tilespmem:v0+s14+$0x10 ss:$0x1], $0xffff  }
0x5f: {  	v4 =	vmul.f32 v4, v7;
	v6 =	vld.idx.msk [tilespmem:v0+s24+$0x10 ss:$0x1], $0xffff;
	[tilespmem:v0+s14+$0x190 ss:$0x1] =	vst.idx.msk $0xffff, v1  }
0x60: {  	v1 =	vld.idx.msk [tilespmem:v0+s14+$0x1A0 ss:$0x1], $0xffff  }
0x61: {  	[tilespmem:v0+s14+$0x100 ss:$0x1] =	vst.idx.msk $0xffff, v4;
	v4 =	vld.idx.msk [tilespmem:v0+s24+$0x1A0 ss:$0x1], $0xffff  }
0x62: {  	v7 =	vld.idx.msk [tilespmem:v0+s14+$0x110 ss:$0x1], $0xffff;
	v3 =	vmul.f32 v5, v3  }
0x63: {  	v5 =	vld.idx.msk [tilespmem:v0+s24+$0x110 ss:$0x1], $0xffff  }
0x64: {  	v12 =	vld.idx.msk [tilespmem:v0+s10+$0x80 ss:$0x1], $0xffff;
	[tilespmem:v0+s14+$0x90 ss:$0x1] =	vst.idx.msk $0xffff, v3;
	v2 =	vmul.f32 v6, v2  }
0x65: {  	v3 =	vld.idx.msk [tilespmem:v0+s14+$0xA0 ss:$0x1], $0xffff  }
0x66: {  	v6 =	vld.idx.msk [tilespmem:v0+s24+$0xA0 ss:$0x1], $0xffff;
	[tilespmem:v0+s14+$0x10 ss:$0x1] =	vst.idx.msk $0xffff, v2;
	v1 =	vmul.f32 v4, v1  }
0x67: {  	v2 =	vld.idx.msk [tilespmem:v0+s14+$0x20 ss:$0x1], $0xffff  }
0x68: {  	v4 =	vmul.f32 v5, v7;
	v5 =	vld.idx.msk [tilespmem:v0+s24+$0x20 ss:$0x1], $0xffff;
	[tilespmem:v0+s14+$0x1A0 ss:$0x1] =	vst.idx.msk $0xffff, v1  }
0x69: {  	v1 =	vld.idx.msk [tilespmem:v0+s14+$0x1B0 ss:$0x1], $0xffff  }
0x6a: {  	[tilespmem:v0+s14+$0x110 ss:$0x1] =	vst.idx.msk $0xffff, v4;
	v4 =	vld.idx.msk [tilespmem:v0+s24+$0x1B0 ss:$0x1], $0xffff  }
0x6b: {  	v3 =	vmul.f32 v6, v3;
	v6 =	vld.idx.msk [tilespmem:v0+s14+$0x120 ss:$0x1], $0xffff  }
0x6c: {  	v7 =	vld.idx.msk [tilespmem:v0+s24+$0x120 ss:$0x1], $0xffff  }
0x6d: {  	v13 =	vld.idx.msk [tilespmem:v0+s10+$0x100 ss:$0x1], $0xffff;
	[tilespmem:v0+s14+$0xA0 ss:$0x1] =	vst.idx.msk $0xffff, v3;
	v2 =	vmul.f32 v5, v2  }
0x6e: {  	v3 =	vld.idx.msk [tilespmem:v0+s14+$0xB0 ss:$0x1], $0xffff  }
0x6f: {  	v5 =	vld.idx.msk [tilespmem:v0+s24+$0xB0 ss:$0x1], $0xffff;
	[tilespmem:v0+s14+$0x20 ss:$0x1] =	vst.idx.msk $0xffff, v2;
	v1 =	vmul.f32 v4, v1  }
0x70: {  	v2 =	vld.idx.msk [tilespmem:v0+s14+$0x30 ss:$0x1], $0xffff  }
0x71: {  	v4 =	vld.idx.msk [tilespmem:v0+s24+$0x30 ss:$0x1], $0xffff;
	v6 =	vmul.f32 v7, v6;
	[tilespmem:v0+s14+$0x1B0 ss:$0x1] =	vst.idx.msk $0xffff, v1  }
0x72: {  	v1 =	vld.idx.msk [tilespmem:v0+s14+$0x1C0 ss:$0x1], $0xffff  }
0x73: {  	[tilespmem:v0+s14+$0x120 ss:$0x1] =	vst.idx.msk $0xffff, v6;
	v6 =	vld.idx.msk [tilespmem:v0+s24+$0x1C0 ss:$0x1], $0xffff  }
0x74: {  	v3 =	vmul.f32 v5, v3;
	v5 =	vld.idx.msk [tilespmem:v0+s14+$0x130 ss:$0x1], $0xffff  }
0x75: {  	v7 =	vld.idx.msk [tilespmem:v0+s24+$0x130 ss:$0x1], $0xffff  }
0x76: {  	v14 =	vld.idx.msk [tilespmem:v0+s12+$0x100 ss:$0x1], $0xffff;
	[tilespmem:v0+s14+$0xB0 ss:$0x1] =	vst.idx.msk $0xffff, v3;
	v2 =	vmul.f32 v4, v2  }
0x77: {  	v3 =	vld.idx.msk [tilespmem:v0+s14+$0xC0 ss:$0x1], $0xffff  }
0x78: {  	v4 =	vld.idx.msk [tilespmem:v0+s24+$0xC0 ss:$0x1], $0xffff;
	[tilespmem:v0+s14+$0x30 ss:$0x1] =	vst.idx.msk $0xffff, v2;
	v1 =	vmul.f32 v6, v1  }
0x79: {  	v2 =	vld.idx.msk [tilespmem:v0+s14+$0x40 ss:$0x1], $0xffff  }
0x7a: {  	v6 =	vld.idx.msk [tilespmem:v0+s24+$0x40 ss:$0x1], $0xffff;
	v5 =	vmul.f32 v7, v5;
	[tilespmem:v0+s14+$0x1C0 ss:$0x1] =	vst.idx.msk $0xffff, v1  }
0x7b: {  	v1 =	vld.idx.msk [tilespmem:v0+s14+$0x1D0 ss:$0x1], $0xffff  }
0x7c: {  	v9 =	vmul.f32 v10, v9;
	[tilespmem:v0+s14+$0x130 ss:$0x1] =	vst.idx.msk $0xffff, v5;
	v5 =	vld.idx.msk [tilespmem:v0+s24+$0x1D0 ss:$0x1], $0xffff  }
0x7d: {  	v3 =	vmul.f32 v4, v3;
	v4 =	vld.idx.msk [tilespmem:v0+s14+$0x140 ss:$0x1], $0xffff  }
0x7e: {  	[tilespmem:v0+s10+$0x180 ss:$0x1] =	vst.idx.msk $0xffff, v9;
	v7 =	vld.idx.msk [tilespmem:v0+s24+$0x140 ss:$0x1], $0xffff  }
0x7f: {  	v9 =	vld.idx.msk [tilespmem:v0+s10+$0x190 ss:$0x1], $0xffff;
	[tilespmem:v0+s14+$0xC0 ss:$0x1] =	vst.idx.msk $0xffff, v3;
	v2 =	vmul.f32 v6, v2  }
0x80: {  	v3 =	vld.idx.msk [tilespmem:v0+s14+$0xD0 ss:$0x1], $0xffff  }
0x81: {  	v6 =	vld.idx.msk [tilespmem:v0+s24+$0xD0 ss:$0x1], $0xffff;
	[tilespmem:v0+s14+$0x40 ss:$0x1] =	vst.idx.msk $0xffff, v2;
	v1 =	vmul.f32 v5, v1  }
0x82: {  	v2 =	vld.idx.msk [tilespmem:v0+s14+$0x50 ss:$0x1], $0xffff  }
0x83: {  	v5 =	vld.idx.msk [tilespmem:v0+s24+$0x50 ss:$0x1], $0xffff;
	v4 =	vmul.f32 v7, v4;
	[tilespmem:v0+s14+$0x1D0 ss:$0x1] =	vst.idx.msk $0xffff, v1  }
0x84: {  	v1 =	vld.idx.msk [tilespmem:v0+s14+$0x1E0 ss:$0x1], $0xffff  }
0x85: {  	[tilespmem:v0+s14+$0x140 ss:$0x1] =	vst.idx.msk $0xffff, v4;
	v4 =	vld.idx.msk [tilespmem:v0+s24+$0x1E0 ss:$0x1], $0xffff  }
0x86: {  	v3 =	vmul.f32 v6, v3;
	v7 =	vld.idx.msk [tilespmem:v0+s14+$0x150 ss:$0x1], $0xffff  }
0x87: {  	v8 =	vld.idx.msk [tilespmem:v0+s24+$0x150 ss:$0x1], $0xffff  }
0x88: {  	[tilespmem:v0+s14+$0xD0 ss:$0x1] =	vst.idx.msk $0xffff, v3;
	v2 =	vmul.f32 v5, v2;
	v5 =	vld.idx.msk [tilespmem:v0+s10+$0x0 ss:$0x1], $0xffff  }
0x89: {  	v46 =	vld.idx.msk [tilespmem:v0+s14+$0xE0 ss:$0x1], $0xffff  }
0x8a: {  	v51 =	vld.idx.msk [tilespmem:v0+s24+$0xE0 ss:$0x1], $0xffff  }
0x8b: {  	v1 =	vmul.f32 v4, v1;
	v4 =	vld.idx.msk [tilespmem:v0+s12+$0x80 ss:$0x1], $0xffff  }
0x8c: {  	[tilespmem:v0+s14+$0x50 ss:$0x1] =	vst.idx.msk $0xffff, v2;
	v2 =	vld.idx.msk [tilespmem:v0+s12+$0x190 ss:$0x1], $0xffff  }
0x8d: {  	v7 =	vmul.f32 v8, v7;
	[tilespmem:v0+s14+$0x1E0 ss:$0x1] =	vst.idx.msk $0xffff, v1;
	v3 =	vmul.f32 v11, v5;
	v5 =	vld.idx.msk [tilespmem:v0+s24+$0x60 ss:$0x1], $0xffff  }
0x8e: {  	v1 =	vld.idx.msk [tilespmem:v0+s14+$0x1F0 ss:$0x1], $0xffff  }
0x8f: {  	[tilespmem:v0+s14+$0x150 ss:$0x1] =	vst.idx.msk $0xffff, v7;
	v44 =	vld.idx.msk [tilespmem:v0+s24+$0x1F0 ss:$0x1], $0xffff  }
0x90: {  	v52 =	vld.idx.msk [tilespmem:v0+s14+$0x160 ss:$0x1], $0xffff;
	[tilespmem:v0+s10+$0x0 ss:$0x1] =	vst.idx.msk $0xffff, v3;
	v4 =	vmul.f32 v4, v12  }
0x91: {  	v47 =	vld.idx.msk [tilespmem:v0+s10+$0x10 ss:$0x1], $0xffff  }
0x92: {  	v13 =	vmul.f32 v14, v13;
	v48 =	vld.idx.msk [tilespmem:v0+s12+$0x10 ss:$0x1], $0xffff;
	[tilespmem:v0+s10+$0x80 ss:$0x1] =	vst.idx.msk $0xffff, v4  }
0x93: {  	v6 =	vld.idx.msk [tilespmem:v0+s10+$0x90 ss:$0x1], $0xffff  }
0x94: {  	[tilespmem:v0+s10+$0x100 ss:$0x1] =	vst.idx.msk $0xffff, v13;
	v2 =	vmul.f32 v2, v9;
	v45 =	vld.idx.msk [tilespmem:v0+s12+$0x90 ss:$0x1], $0xffff  }
0x95: {  	v3 =	vld.idx.msk [tilespmem:v0+s10+$0x110 ss:$0x1], $0xffff;
	v9 =	vmul.f32 v51, v46  }
0x96: {  	[tilespmem:v0+s10+$0x190 ss:$0x1] =	vst.idx.msk $0xffff, v2;
	v4 =	vld.idx.msk [tilespmem:v0+s14+$0x60 ss:$0x1], $0xffff  }
0x97: {  	[tilespmem:v0+s14+$0xE0 ss:$0x1] =	vst.idx.msk $0xffff, v9;
	v49 =	vld.idx.msk [tilespmem:v0+s12+$0x1A0 ss:$0x1], $0xffff;
	v7 =	vmul.f32 v48, v47  }
0x98: {  	v59 =	vld.idx.msk [tilespmem:v0+s14+$0xF0 ss:$0x1], $0xffff  }
0x99: {  	[tilespmem:v0+s10+$0x10 ss:$0x1] =	vst.idx.msk $0xffff, v7;
	v7 =	vld.idx.msk [tilespmem:v0+s24+$0x160 ss:$0x1], $0xffff;
	v2 =	vmul.f32 v45, v6  }
0x9a: {  	v6 =	vld.idx.msk [tilespmem:v0+s10+$0x1A0 ss:$0x1], $0xffff  }
0x9b: {  	[tilespmem:v0+s10+$0x90 ss:$0x1] =	vst.idx.msk $0xffff, v2;
	v2 =	vld.idx.msk [tilespmem:v0+s12+$0x110 ss:$0x1], $0xffff  }
0x9c: {  	v4 =	vmul.f32 v5, v4;
	v53 =	vld.idx.msk [tilespmem:v0+s10+$0x20 ss:$0x1], $0xffff  }
0x9d: {  	v8 =	vld.idx.msk [tilespmem:v0+s10+$0xA0 ss:$0x1], $0xffff  }
0x9e: {  	[tilespmem:v0+s14+$0x60 ss:$0x1] =	vst.idx.msk $0xffff, v4;
	v50 =	vld.idx.msk [tilespmem:v0+s12+$0xA0 ss:$0x1], $0xffff;
	v7 =	vmul.f32 v7, v52  }
0x9f: {  	v55 =	vld.idx.msk [tilespmem:v0+s14+$0x70 ss:$0x1], $0xffff;
	v6 =	vmul.f32 v49, v6  }
0xa0: {  	[tilespmem:v0+s14+$0x160 ss:$0x1] =	vst.idx.msk $0xffff, v7;
	v2 =	vmul.f32 v2, v3;
	v3 =	vld.idx.msk [tilespmem:v0+s12+$0x20 ss:$0x1], $0xffff  }
0xa1: {  	[tilespmem:v0+s10+$0x1A0 ss:$0x1] =	vst.idx.msk $0xffff, v6;
	v63 =	vld.idx.msk [tilespmem:v0+s24+$0x170 ss:$0x1], $0xffff  }
0xa2: {  	v6 =	vld.idx.msk [tilespmem:v0+s10+$0x1B0 ss:$0x1], $0xffff  }
0xa3: {  	v8 =	vmul.f32 v50, v8;
	[tilespmem:v0+s10+$0x110 ss:$0x1] =	vst.idx.msk $0xffff, v2;
	v2 =	vld.idx.msk [tilespmem:v0+s12+$0x1B0 ss:$0x1], $0xffff  }
0xa4: {  	v54 =	vld.idx.msk [tilespmem:v0+s10+$0x120 ss:$0x1], $0xffff  }
0xa5: {  	[tilespmem:v0+s10+$0xA0 ss:$0x1] =	vst.idx.msk $0xffff, v8;
	v5 =	vld.idx.msk [tilespmem:v0+s12+$0x120 ss:$0x1], $0xffff  }
0xa6: {  	v8 =	vld.idx.msk [tilespmem:v0+s10+$0xB0 ss:$0x1], $0xffff;
	v3 =	vmul.f32 v3, v53  }
0xa7: {  	v4 =	vld.idx.msk [tilespmem:v0+s12+$0xB0 ss:$0x1], $0xffff  }
0xa8: {  	[tilespmem:v0+s10+$0x20 ss:$0x1] =	vst.idx.msk $0xffff, v3;
	v2 =	vmul.f32 v2, v6;
	v3 =	vld.idx.msk [tilespmem:v0+s24+$0x70 ss:$0x1], $0xffff  }
0xa9: {  	v6 =	vld.idx.msk [tilespmem:v0+s10+$0x30 ss:$0x1], $0xffff  }
0xaa: {  	v5 =	vmul.f32 v5, v54;
	v56 =	vld.idx.msk [tilespmem:v0+s12+$0x30 ss:$0x1], $0xffff;
	[tilespmem:v0+s10+$0x1B0 ss:$0x1] =	vst.idx.msk $0xffff, v2  }
0xab: {  	v2 =	vld.idx.msk [tilespmem:v0+s10+$0x1C0 ss:$0x1], $0xffff  }
0xac: {  	v4 =	vmul.f32 v4, v8;
	[tilespmem:v0+s10+$0x120 ss:$0x1] =	vst.idx.msk $0xffff, v5;
	v5 =	vld.idx.msk [tilespmem:v0+s12+$0x1C0 ss:$0x1], $0xffff  }
0xad: {  	v8 =	vld.idx.msk [tilespmem:v0+s10+$0x130 ss:$0x1], $0xffff  }
0xae: {  	[tilespmem:v0+s10+$0xB0 ss:$0x1] =	vst.idx.msk $0xffff, v4;
	v4 =	vld.idx.msk [tilespmem:v0+s12+$0x130 ss:$0x1], $0xffff  }
0xaf: {  	v57 =	vld.idx.msk [tilespmem:v0+s10+$0xC0 ss:$0x1], $0xffff;
	v6 =	vmul.f32 v56, v6  }
0xb0: {  	v58 =	vld.idx.msk [tilespmem:v0+s12+$0xC0 ss:$0x1], $0xffff  }
0xb1: {  	[tilespmem:v0+s10+$0x30 ss:$0x1] =	vst.idx.msk $0xffff, v6;
	v2 =	vmul.f32 v5, v2;
	v5 =	vld.idx.msk [tilespmem:v0+s24+$0xF0 ss:$0x1], $0xffff  }
0xb2: {  	v6 =	vld.idx.msk [tilespmem:v0+s10+$0x40 ss:$0x1], $0xffff  }
0xb3: {  	v4 =	vmul.f32 v4, v8;
	v8 =	vld.idx.msk [tilespmem:v0+s12+$0x40 ss:$0x1], $0xffff;
	[tilespmem:v0+s10+$0x1C0 ss:$0x1] =	vst.idx.msk $0xffff, v2  }
0xb4: {  	v2 =	vld.idx.msk [tilespmem:v0+s10+$0x1D0 ss:$0x1], $0xffff  }
0xb5: {  	v9 =	vmul.f32 v58, v57;
	[tilespmem:v0+s10+$0x130 ss:$0x1] =	vst.idx.msk $0xffff, v4;
	v4 =	vld.idx.msk [tilespmem:v0+s12+$0x1D0 ss:$0x1], $0xffff  }
0xb6: {  	v60 =	vld.idx.msk [tilespmem:v0+s10+$0x140 ss:$0x1], $0xffff  }
0xb7: {  	[tilespmem:v0+s10+$0xC0 ss:$0x1] =	vst.idx.msk $0xffff, v9;
	v61 =	vld.idx.msk [tilespmem:v0+s12+$0x140 ss:$0x1], $0xffff  }
0xb8: {  	v62 =	vld.idx.msk [tilespmem:v0+s10+$0xD0 ss:$0x1], $0xffff;
	v6 =	vmul.f32 v8, v6  }
0xb9: {  	v1 =	vmul.f32 v44, v1;
	v7 =	vld.idx.msk [tilespmem:v0+s12+$0xD0 ss:$0x1], $0xffff  }
0xba: {  	v8 =	vld.idx.msk [tilespmem:v0+s14+$0x170 ss:$0x1], $0xffff;
	[tilespmem:v0+s10+$0x40 ss:$0x1] =	vst.idx.msk $0xffff, v6;
	v4 =	vmul.f32 v4, v2  }
0xbb: {  	[tilespmem:v0+s14+$0x1F0 ss:$0x1] =	vst.idx.msk $0xffff, v1;
	v1 =	vmul.f32 v3, v55;
	v2 =	vld.idx.msk [tilespmem:v0+s10+$0x50 ss:$0x1], $0xffff  }
0xbc: {  	v3 =	vmul.f32 v61, v60;
	[tilespmem:v0+s10+$0x1D0 ss:$0x1] =	vst.idx.msk $0xffff, v4;
	v4 =	vld.idx.msk [tilespmem:v0+s12+$0x50 ss:$0x1], $0xffff  }
0xbd: {  	[tilespmem:v0+s14+$0x70 ss:$0x1] =	vst.idx.msk $0xffff, v1;
	v5 =	vmul.f32 v5, v59;
	v1 =	vld.idx.msk [tilespmem:v0+s10+$0x1E0 ss:$0x1], $0xffff  }
0xbe: {  	s23 =	smul.u32 $0x1400, s28;
	v7 =	vmul.f32 v7, v62;
	[tilespmem:v0+s10+$0x140 ss:$0x1] =	vst.idx.msk $0xffff, v3;
	v3 =	vld.idx.msk [tilespmem:v0+s12+$0x1E0 ss:$0x1], $0xffff  }
0xbf: {  	s16 =	simm.s32 $0x4;
	s15 =	smov.u32 s12;
	[tilespmem:v0+s14+$0xF0 ss:$0x1] =	vst.idx.msk $0xffff, v5;
	v6 =	vld.idx.msk [tilespmem:v0+s10+$0x150 ss:$0x1], $0xffff  }
0xc0: {  	s13 =	sadd.s32 $0x400, s23;
	s23 =	smov.u32 s14;
	s17 =	sadd.s32 $0x200, s10;
	v5 =	vmul.f32 v63, v8;
	[tilespmem:v0+s10+$0xD0 ss:$0x1] =	vst.idx.msk $0xffff, v7;
	v7 =	vld.idx.msk [tilespmem:v0+s12+$0x150 ss:$0x1], $0xffff  }
.LBB2_3:
0xc1: {  	v8 =	vld.idx.msk [tilespmem:v0+s17+$0x180 ss:$0x1], $0xffff;
	s12 =	sadd.s32 $0x200, s12  }
0xc2: {  	v2 =	vmul.f32 v4, v2;
	v9 =	vld.idx.msk [tilespmem:v0+s12+$0x180 ss:$0x1], $0xffff;
	[tilespmem:v0+s23+$0x170 ss:$0x1] =	vst.idx.msk $0xffff, v5;
	s23 =	smov.u32 s10;
	s10 =	smov.u32 s17  }
0xc3: {  	v4 =	vld.idx.msk [tilespmem:v0+s12+$0x0 ss:$0x1], $0xffff  }
0xc4: {  	v1 =	vmul.f32 v3, v1;
	v5 =	vld.idx.msk [tilespmem:v0+s17+$0x80 ss:$0x1], $0xffff;
	[tilespmem:v0+s23+$0x50 ss:$0x1] =	vst.idx.msk $0xffff, v2  }
0xc5: {  	v2 =	vld.idx.msk [tilespmem:v0+s12+$0x80 ss:$0x1], $0xffff  }
0xc6: {  	v6 =	vmul.f32 v7, v6;
	v3 =	vld.idx.msk [tilespmem:v0+s17+$0x100 ss:$0x1], $0xffff;
	[tilespmem:v0+s23+$0x1E0 ss:$0x1] =	vst.idx.msk $0xffff, v1  }
0xc7: {  	v1 =	vld.idx.msk [tilespmem:v0+s23+$0x1F0 ss:$0x1], $0xffff  }
0xc8: {  	v7 =	vmul.f32 v9, v8;
	[tilespmem:v0+s23+$0x150 ss:$0x1] =	vst.idx.msk $0xffff, v6;
	v6 =	vld.idx.msk [tilespmem:v0+s15+$0x1F0 ss:$0x1], $0xffff  }
0xc9: {  	s16 =	sadd.s32 $0x4, s16;
	v8 =	vld.idx.msk [tilespmem:v0+s12+$0x100 ss:$0x1], $0xffff  }
0xca: {  	p0 =	slt.u32 s16, $0x24;
	v9 =	vld.idx.msk [tilespmem:v0+s17+$0x0 ss:$0x1], $0xffff;
	[tilespmem:v0+s17+$0x180 ss:$0x1] =	vst.idx.msk $0xffff, v7  }
0xcb: {  	v2 =	vmul.f32 v2, v5;
	v5 =	vld.idx.msk [tilespmem:v0+s17+$0x190 ss:$0x1], $0xffff  }
0xcc: {  	v7 =	vld.idx.msk [tilespmem:v0+s12+$0x190 ss:$0x1], $0xffff  }
0xcd: {  	[tilespmem:v0+s17+$0x80 ss:$0x1] =	vst.idx.msk $0xffff, v2;
	v2 =	vld.idx.msk [tilespmem:v0+s23+$0x60 ss:$0x1], $0xffff  }
0xce: {  	v1 =	vmul.f32 v6, v1;
	v10 =	vld.idx.msk [tilespmem:v0+s17+$0x90 ss:$0x1], $0xffff  }
0xcf: {  	v3 =	vmul.f32 v8, v3;
	v6 =	vld.idx.msk [tilespmem:v0+s12+$0x90 ss:$0x1], $0xffff  }
0xd0: {  	v4 =	vmul.f32 v4, v9;
	v8 =	vld.idx.msk [tilespmem:v0+s15+$0x60 ss:$0x1], $0xffff;
	[tilespmem:v0+s23+$0x1F0 ss:$0x1] =	vst.idx.msk $0xffff, v1  }
0xd1: {  	[tilespmem:v0+s17+$0x100 ss:$0x1] =	vst.idx.msk $0xffff, v3;
	v1 =	vld.idx.msk [tilespmem:v0+s23+$0xE0 ss:$0x1], $0xffff  }
0xd2: {  	[tilespmem:v0+s17+$0x0 ss:$0x1] =	vst.idx.msk $0xffff, v4;
	v3 =	vld.idx.msk [tilespmem:v0+s17+$0x110 ss:$0x1], $0xffff;
	v4 =	vmul.f32 v7, v5  }
0xd3: {  	v5 =	vld.idx.msk [tilespmem:v0+s17+$0x10 ss:$0x1], $0xffff  }
0xd4: {  	v7 =	vld.idx.msk [tilespmem:v0+s12+$0x10 ss:$0x1], $0xffff;
	[tilespmem:v0+s17+$0x190 ss:$0x1] =	vst.idx.msk $0xffff, v4  }
0xd5: {  	v4 =	vmul.f32 v6, v10;
	v6 =	vld.idx.msk [tilespmem:v0+s17+$0x1A0 ss:$0x1], $0xffff  }
0xd6: {  	v2 =	vmul.f32 v8, v2;
	v9 =	vld.idx.msk [tilespmem:v0+s12+$0x1A0 ss:$0x1], $0xffff  }
0xd7: {  	[tilespmem:v0+s17+$0x90 ss:$0x1] =	vst.idx.msk $0xffff, v4;
	v4 =	vld.idx.msk [tilespmem:v0+s12+$0x110 ss:$0x1], $0xffff  }
0xd8: {  	v8 =	vld.idx.msk [tilespmem:v0+s17+$0xA0 ss:$0x1], $0xffff;
	[tilespmem:v0+s23+$0x60 ss:$0x1] =	vst.idx.msk $0xffff, v2  }
0xd9: {  	v2 =	vld.idx.msk [tilespmem:v0+s12+$0xA0 ss:$0x1], $0xffff  }
0xda: {  	v5 =	vmul.f32 v7, v5;
	v7 =	vld.idx.msk [tilespmem:v0+s15+$0xE0 ss:$0x1], $0xffff  }
0xdb: {  	v10 =	vld.idx.msk [tilespmem:v0+s23+$0x160 ss:$0x1], $0xffff  }
0xdc: {  	[tilespmem:v0+s17+$0x10 ss:$0x1] =	vst.idx.msk $0xffff, v5;
	v5 =	vmul.f32 v9, v6;
	v6 =	vld.idx.msk [tilespmem:v0+s15+$0x160 ss:$0x1], $0xffff  }
0xdd: {  	v3 =	vmul.f32 v4, v3;
	v9 =	vld.idx.msk [tilespmem:v0+s17+$0x20 ss:$0x1], $0xffff  }
0xde: {  	v4 =	vld.idx.msk [tilespmem:v0+s12+$0x20 ss:$0x1], $0xffff;
	[tilespmem:v0+s17+$0x1A0 ss:$0x1] =	vst.idx.msk $0xffff, v5  }
0xdf: {  	v2 =	vmul.f32 v2, v8;
	[tilespmem:v0+s17+$0x110 ss:$0x1] =	vst.idx.msk $0xffff, v3;
	v3 =	vld.idx.msk [tilespmem:v0+s17+$0x1B0 ss:$0x1], $0xffff  }
0xe0: {  	v1 =	vmul.f32 v7, v1;
	v5 =	vld.idx.msk [tilespmem:v0+s12+$0x1B0 ss:$0x1], $0xffff  }
0xe1: {  	[tilespmem:v0+s17+$0xA0 ss:$0x1] =	vst.idx.msk $0xffff, v2;
	v2 =	vld.idx.msk [tilespmem:v0+s17+$0x120 ss:$0x1], $0xffff  }
0xe2: {  	v7 =	vld.idx.msk [tilespmem:v0+s12+$0x120 ss:$0x1], $0xffff;
	[tilespmem:v0+s23+$0xE0 ss:$0x1] =	vst.idx.msk $0xffff, v1;
	v1 =	vmul.f32 v6, v10  }
0xe3: {  	v6 =	vld.idx.msk [tilespmem:v0+s17+$0xB0 ss:$0x1], $0xffff  }
0xe4: {  	v4 =	vmul.f32 v4, v9;
	v8 =	vld.idx.msk [tilespmem:v0+s12+$0xB0 ss:$0x1], $0xffff;
	[tilespmem:v0+s23+$0x160 ss:$0x1] =	vst.idx.msk $0xffff, v1  }
0xe5: {  	v1 =	vld.idx.msk [tilespmem:v0+s23+$0x70 ss:$0x1], $0xffff  }
0xe6: {  	v3 =	vmul.f32 v5, v3;
	[tilespmem:v0+s17+$0x20 ss:$0x1] =	vst.idx.msk $0xffff, v4;
	v4 =	vld.idx.msk [tilespmem:v0+s15+$0x70 ss:$0x1], $0xffff  }
0xe7: {  	v5 =	vld.idx.msk [tilespmem:v0+s17+$0x30 ss:$0x1], $0xffff  }
0xe8: {  	v2 =	vmul.f32 v7, v2;
	v9 =	vld.idx.msk [tilespmem:v0+s12+$0x30 ss:$0x1], $0xffff;
	[tilespmem:v0+s17+$0x1B0 ss:$0x1] =	vst.idx.msk $0xffff, v3  }
0xe9: {  	v3 =	vld.idx.msk [tilespmem:v0+s17+$0x1C0 ss:$0x1], $0xffff  }
0xea: {  	v6 =	vmul.f32 v8, v6;
	[tilespmem:v0+s17+$0x120 ss:$0x1] =	vst.idx.msk $0xffff, v2;
	v2 =	vld.idx.msk [tilespmem:v0+s12+$0x1C0 ss:$0x1], $0xffff  }
0xeb: {  	v7 =	vld.idx.msk [tilespmem:v0+s17+$0x130 ss:$0x1], $0xffff  }
0xec: {  	v1 =	vmul.f32 v4, v1;
	[tilespmem:v0+s17+$0xB0 ss:$0x1] =	vst.idx.msk $0xffff, v6;
	v6 =	vld.idx.msk [tilespmem:v0+s12+$0x130 ss:$0x1], $0xffff  }
0xed: {  	v4 =	vld.idx.msk [tilespmem:v0+s17+$0xC0 ss:$0x1], $0xffff  }
0xee: {  	v5 =	vmul.f32 v9, v5;
	v8 =	vld.idx.msk [tilespmem:v0+s12+$0xC0 ss:$0x1], $0xffff;
	[tilespmem:v0+s23+$0x70 ss:$0x1] =	vst.idx.msk $0xffff, v1  }
0xef: {  	v1 =	vld.idx.msk [tilespmem:v0+s23+$0xF0 ss:$0x1], $0xffff  }
0xf0: {  	v2 =	vmul.f32 v2, v3;
	[tilespmem:v0+s17+$0x30 ss:$0x1] =	vst.idx.msk $0xffff, v5;
	v3 =	vld.idx.msk [tilespmem:v0+s15+$0xF0 ss:$0x1], $0xffff  }
0xf1: {  	v5 =	vld.idx.msk [tilespmem:v0+s17+$0x40 ss:$0x1], $0xffff  }
0xf2: {  	v6 =	vmul.f32 v6, v7;
	v9 =	vld.idx.msk [tilespmem:v0+s12+$0x40 ss:$0x1], $0xffff;
	[tilespmem:v0+s17+$0x1C0 ss:$0x1] =	vst.idx.msk $0xffff, v2  }
0xf3: {  	v2 =	vld.idx.msk [tilespmem:v0+s17+$0x1D0 ss:$0x1], $0xffff  }
0xf4: {  	v4 =	vmul.f32 v8, v4;
	[tilespmem:v0+s17+$0x130 ss:$0x1] =	vst.idx.msk $0xffff, v6;
	v6 =	vld.idx.msk [tilespmem:v0+s12+$0x1D0 ss:$0x1], $0xffff  }
0xf5: {  	v7 =	vld.idx.msk [tilespmem:v0+s17+$0x140 ss:$0x1], $0xffff  }
0xf6: {  	v1 =	vmul.f32 v3, v1;
	[tilespmem:v0+s17+$0xC0 ss:$0x1] =	vst.idx.msk $0xffff, v4;
	v8 =	vld.idx.msk [tilespmem:v0+s12+$0x140 ss:$0x1], $0xffff  }
0xf7: {  	v3 =	vld.idx.msk [tilespmem:v0+s17+$0xD0 ss:$0x1], $0xffff  }
0xf8: {  	v4 =	vmul.f32 v9, v5;
	v5 =	vld.idx.msk [tilespmem:v0+s12+$0xD0 ss:$0x1], $0xffff;
	[tilespmem:v0+s23+$0xF0 ss:$0x1] =	vst.idx.msk $0xffff, v1  }
0xf9: {  	v9 =	vld.idx.msk [tilespmem:v0+s23+$0x170 ss:$0x1], $0xffff  }
0xfa: {  	v1 =	vmul.f32 v6, v2;
	[tilespmem:v0+s17+$0x40 ss:$0x1] =	vst.idx.msk $0xffff, v4;
	v10 =	vld.idx.msk [tilespmem:v0+s15+$0x170 ss:$0x1], $0xffff;
	s15 =	smov.u32 s12  }
0xfb: {  	v2 =	vld.idx.msk [tilespmem:v0+s17+$0x50 ss:$0x1], $0xffff  }
.Ltmp0:
0xfc: {  	v6 =	vmul.f32 v8, v7;
	v4 =	vld.idx.msk [tilespmem:v0+s12+$0x50 ss:$0x1], $0xffff;
	[tilespmem:v0+s17+$0x1D0 ss:$0x1] =	vst.idx.msk $0xffff, v1;
	(pc) =	sbr.rel @p0 .LBB2_3-.Ltmp0, $4  }
0xfd: {  	v1 =	vld.idx.msk [tilespmem:v0+s17+$0x1E0 ss:$0x1], $0xffff  }
0xfe: {  	v5 =	vmul.f32 v5, v3;
	[tilespmem:v0+s17+$0x140 ss:$0x1] =	vst.idx.msk $0xffff, v6;
	v3 =	vld.idx.msk [tilespmem:v0+s12+$0x1E0 ss:$0x1], $0xffff  }
0xff: {  	v6 =	vld.idx.msk [tilespmem:v0+s17+$0x150 ss:$0x1], $0xffff  }
0x100: {  	s17 =	sadd.s32 $0x200, s17;
	[tilespmem:v0+s10+$0xD0 ss:$0x1] =	vst.idx.msk $0xffff, v5;
	v7 =	vld.idx.msk [tilespmem:v0+s12+$0x150 ss:$0x1], $0xffff;
	v5 =	vmul.f32 v10, v9  }
0x101: {  	_ =	sdelay $0x2  }
0x102: {  	v2 =	vmul.f32 v4, v2  }
0x103: {  	v50 =	vld.idx.msk [tilespmem:v0+s10+$0xE0 ss:$0x1], $0xffff  }
0x104: {  	v51 =	vld.idx.msk [tilespmem:v0+s15+$0xE0 ss:$0x1], $0xffff;
	[tilespmem:v0+s10+$0x50 ss:$0x1] =	vst.idx.msk $0xffff, v2;
	v48 =	vmul.f32 v7, v6  }
0x105: {  	v2 =	vld.idx.msk [tilespmem:v0+s10+$0x60 ss:$0x1], $0xffff  }
0x106: {  	v49 =	vld.idx.msk [tilespmem:v0+s15+$0x60 ss:$0x1], $0xffff;
	[tilespmem:v0+s10+$0x150 ss:$0x1] =	vst.idx.msk $0xffff, v48  }
0x107: {  	v1 =	vmul.f32 v3, v1;
	v52 =	vld.idx.msk [tilespmem:v0+s10+$0x160 ss:$0x1], $0xffff  }
0x108: {  	v8 =	vld.idx.msk [tilespmem:v0+s15+$0x160 ss:$0x1], $0xffff  }
0x109: {  	[tilespmem:v0+s10+$0x1E0 ss:$0x1] =	vst.idx.msk $0xffff, v1;
	v56 =	vmul.f32 v51, v50  }
0x10a: {  	v54 =	vld.idx.msk [tilespmem:v0+s10+$0x1F0 ss:$0x1], $0xffff  }
0x10b: {  	v55 =	vld.idx.msk [tilespmem:v0+s15+$0x1F0 ss:$0x1], $0xffff;
	[tilespmem:v0+s10+$0xE0 ss:$0x1] =	vst.idx.msk $0xffff, v56;
	v53 =	vmul.f32 v49, v2  }
0x10c: {  	v60 =	vld.idx.msk [tilespmem:v0+s10+$0xF0 ss:$0x1], $0xffff  }
0x10d: {  	v61 =	vld.idx.msk [tilespmem:v0+s15+$0xF0 ss:$0x1], $0xffff;
	[tilespmem:v0+s10+$0x60 ss:$0x1] =	vst.idx.msk $0xffff, v53;
	v58 =	vmul.f32 v8, v52  }
0x10e: {  	v57 =	vld.idx.msk [tilespmem:v0+s10+$0x70 ss:$0x1], $0xffff  }
0x10f: {  	v59 =	vld.idx.msk [tilespmem:v0+s15+$0x70 ss:$0x1], $0xffff;
	[tilespmem:v0+s10+$0x160 ss:$0x1] =	vst.idx.msk $0xffff, v58  }
0x110: {  	v62 =	vld.idx.msk [tilespmem:v0+s10+$0x170 ss:$0x1], $0xffff  }
0x111: {  	v9 =	vld.idx.msk [tilespmem:v0+s15+$0x170 ss:$0x1], $0xffff;
	_ =	sdelay $0x1  }
0x112: {  	v2 =	vmul.f32 v55, v54  }
0x113: {  	[tilespmem:v0+s23+$0x170 ss:$0x1] =	vst.idx.msk $0xffff, v5;
	v1 =	vmul.f32 v61, v60  }
0x114: {  	[tilespmem:v0+s10+$0x1F0 ss:$0x1] =	vst.idx.msk $0xffff, v2;
	v3 =	vmul.f32 v59, v57  }
0x115: {  	p1 =	seq.s32 s25, $0x0;
	[tilespmem:v0+s10+$0xF0 ss:$0x1] =	vst.idx.msk $0xffff, v1;
	v63 =	vmul.f32 v9, v62  }
0x116: {  	s12 =	sshll.u32 s28, $0x7;
	s28 =	sadd.s32 $0xD, s28;
	p0 =	sgt.u32 @!p1 s25, $0x25;
	[tilespmem:v0+s10+$0x70 ss:$0x1] =	vst.idx.msk $0xffff, v3  }
0x117: {  	s23 =	sadd.s32 $0x200, s12;
	p0 =	por p0, p1;
	[tilespmem:v0+s10+$0x170 ss:$0x1] =	vst.idx.msk $0xffff, v63;
	s10 =	sadd.s32 @!p1 $0xFFFFFFFF, s25  }
0x118: {  	[spmem:s5] =	stream.indirect.scatter.add.f32 [tilespmem:s13], [sflag:s28], $0x80, s23, s31, $0xb8;
	[tilespmem:$0x1BC00] =	vst v63  }
0x119: {  	s12 =	smulhi.u32 @!p1 $0xAAAAAAAB, s10;
	s13 =	sadd.s32 @!p0 $0x2, s25  }
0x11a: {  	s15 =	smul.u32 @!p0 $0xAB, s13  }
0x11b: {  	s12 =	sshrl.u32 @!p1 s12, $0x1  }
0x11c: {  	s12 =	smul.u32 @!p1 $0x3, s12;
	s15 =	sshrl.u32 @!p0 s15, $0x9  }
0x11d: {  	s15 =	sand.u32 @!p0 $0x7F, s15  }
0x11e: {  	s10 =	ssub.s32 @!p1 s10, s12;
	s12 =	smul.u32 @!p0 $0x3, s15  }
0x11f: {  	s15 =	smul.u32 @!p0 $0x28, s13;
	s10 =	sadd.s32 @!p1 $0xD, s10  }
0x120: {  	s17 =	simm.s32 @!p0 $0x0;
	_ =	swait.ge @!p1 [sflag:s10], $0x1400  }
0x121: {  	s12 =	ssub.s32 @!p0 s13, s12;
	s13 =	sadd.s32 @!p0 s9, s15;
	[sflag:s10] =	ssyncset.done @!p1 $0x0  }
0x122: {  	s12 =	sand.u32 @!p0 $0xFF, s12;
	s13 =	sshrl.u32 @!p0 s13, $0x3;
	[sflag:s10] =	ssyncadd.s32 @!p1 $0xFFFFEC00  }
0x123: {  	s10 =	sshll.u32 @!p0 s12, $0x7;
	s15 =	sadd.s32 @!p0 $0x1, s12;
	s16 =	sadd.s32 @!p0 s3, s13  }
0x124: {  	[tilespmem:s10], [sflag:s15] =	stream.linear.gather @!p0 [hbm4b:s16+s17], $0x28, $0x38;
	[tilespmem:$0x1BC00] =	vst v63  }
0x125: {  	s12 =	sor.u32 @!p0 $0x4, s12;
	s13 =	sadd.s32 @!p0 s4, s13;
	s10 =	sor.u32 @!p0 $0x200, s10  }
0x126: {  	[tilespmem:s10], [sflag:s12] =	stream.linear.gather @!p0 [hbm4b:s13+s17], $0x28, $0x38;
	[tilespmem:$0x1BC00] =	vst v63  }
0x127: {  	p0 =	sne.s32 s26, $0x28  }
.Ltmp1:
0x128: {  	_ = 	snop;
	(pc) =	sbr.rel @p0 .LBB2_2-.Ltmp1, $2  }
0x129: {  	_ =	sdelay $0x2  }
0x12a: {  	s24 =	sadd.s32 $0x1400, s24;
	s14 =	sadd.s32 $0x1400, s14;
	s25 =	smov.u32 s26  }
0x12b: {  	_ =	swait.ge [sflag:s0], $0x1400  }
0x12c: {  	s2 =	sadd.s32 $0x1, s2;
	[sflag:s0] =	ssyncset.done $0x0  }
0x12d: {  	p0 =	sne.s32 s2, s20;
	[sflag:s0] =	ssyncadd.s32 $0xFFFFEC00  }
.Ltmp2:
0x12e: {  	[bflag:$0x0] =	sbarrier.arrive $0xFFFF;
	(pc) =	sbr.rel @p0 .LBB2_1-.Ltmp2, $4  }
0x12f: {  	[hbm:s19], [sflag:s11] =	dma.local [spmem:s21], $0x2800  }
0x130: {  	_ =	swait.ge [sflag:s22], $0x2800  }
0x131: {  	[sflag:s22] =	ssyncset.done $0x0  }
0x132: {  	[sflag:s22] =	ssyncadd.s32 $0xFFFFD800  }
0x133: {  	_ =	sfence.sel $0x180000  }
0x134: {  	[bflag:$0x0] =	sbarrier.arrive $0xFFFF  }
0x135: {  	_ =	strace $0x9000004A  }
0x136: {  	s0 =	stileid.u32;
	[bflag:$0x2] =	sbarrier.arrive $0xFFFF  }
0x137: {  	p0 =	sne.s32 s0, $0x0;
	s0 =	rddreg [dreg:$0x5]  }
0x138: {  	s0 =	sadd.s32 @!p0 $0x100000, s0  }
0x139: {  	[sflag:s0] =	ssyncadd.tile.s32 @!p0 $0x1;
	_ =	shalt  }
.Lfunc_end2:
_tile_overlayer_lowered:
.L_overlay_start_2:
0x13a: {  	(tag) =	ssettag $0x2  }
0x13b: {  	s0 =	rddreg [dreg:$0x0];
	s2 =	stileid.u32  }
0x13c: {  	s1 =	rddreg [dreg:$0x1];
	p0 =	sne.s32 s2, $0x0  }
0x13d: {  	s3 =	rddreg [dreg:$0x2];
	[bflag:$0x3] =	sbarrier.arrive $0xFFFF;
	s2 =	simm.s32 @!p0 $0x1C10  }
0x13e: {  	[timem:s3], [sflag:s2] =	dma.local @!p0 [hbm:s0], s1  }
0x13f: {  	s0 =	simm.s32 @!p0 $0x10  }
0x140: {  	_ =	swait.ge @!p0 [sflag:s0], s1  }
0x141: {  	s1 =	ssub.s32 @!p0 $0x0, s1;
	[sflag:s0] =	ssyncset.done @!p0 $0x0  }
0x142: {  	[sflag:s0] =	ssyncadd.s32 @!p0 s1  }
0x143: {  	[bflag:$0x3] =	sbarrier.arrive $0xFFFF  }
0x144: {  	_ =	shalt  }

// kernel: kernel.16.cloned.1.call-start
scs
__scs_entry_jumppad:
0x0: {  	(pc) =	sbr.rel $0x88, $3  }
0x1: {  	(tag) =	ssettag $0x0;
	lr =	simm.s32 $0x1  }
0x2: {  	[smem:$0x3F94] =	sst lr;
	_ =	strace $0xD0000000  }
0x3: {  	_ = 	snop  }
0x4: {  	_ = 	snop  }
0x5: {  	_ = 	snop  }
0x6: {  	_ = 	snop  }
0x7: {  	_ = 	snop  }
__scs_overlays_trampoline_lowered:
0x8: {  	[smem:$0x3FA3] =	sst s0  }
0x9: {  	[smem:$0x3FA4] =	sst s1  }
0xa: {  	[smem:$0x3FA5] =	sst s2  }
0xb: {  	[smem:$0x3FA6] =	sst s3  }
0xc: {  	[smem:$0x3FA7] =	sst s4  }
0xd: {  	[smem:$0x3FA8] =	sst s5  }
0xe: {  	[smem:$0x3FA9] =	sst s6  }
0xf: {  	[smem:$0x3FAA] =	sst s7  }
0x10: {  	[smem:$0x3FAB] =	sst s8  }
0x11: {  	[smem:$0x3FAC] =	sst s9;
	s0 =	simm.s32 @!p0 $0x0  }
0x12: {  	s1 =	sld [smem:$0x3F92];
	s0 =	simm.s32 @p0 $0x1  }
0x13: {  	[smem:$0x3FAD] =	sst s0;
	s0 =	simm.s32 @!p1 $0x0  }
0x14: {  	s2 =	sld [smem:$0x3F91];
	s0 =	simm.s32 @p1 $0x1  }
0x15: {  	[smem:$0x3FAE] =	sst s0;
	s0 =	simm.s32 @!p2 $0x0  }
0x16: {  	s3 =	sld [smem:$0x3FDB];
	s0 =	simm.s32 @p2 $0x1  }
0x17: {  	s4 =	simm.s32 $0x1BF5;
	[smem:$0x3FB0] =	sst s0  }
0x18: {  	s0 =	sld [smem:$0x3F93];
	_ =	swait.ge [sflag:s4], $0x0  }
0x19: {  	s7 =	sld [smem:$0x3F94]  }
0x1a: {  	s8 =	sadd.s32 $0xFFFFE003, lr  }
0x1b: {  	s9 =	sadd.s32 $0xFFFFFEF7, lr;
	s5 =	simm.s32 $0xFFFFFFFF;
	p2 =	slt.u32 s8, $0xFFFFF086  }
0x1c: {  	p1 =	slt.u32 s9, $0xF7A;
	s5 =	simm.s32 @!p2 $0x0  }
0x1d: {  	s5 =	simm.s32 @p1 $0x1;
	p0 =	seq.s32 s7, s2  }
0x1e: {  	s7 =	smul.u32 @!p0 $0xF7A, s2;
	p2 =	seq.s32 @!p0 s5, $0x0  }
0x1f: {  	s9 =	smul.u32 $0xF7A, s1;
	s8 =	simm.s32 @!p0 $0x1BF5;
	p2 =	por !p2, p0  }
0x20: {  	[sflag:s8] =	ssyncset.s32 @!p0 $0xFFFFF086;
	s6 =	sadd.s32 @!p0 s3, s7;
	s7 =	simm.s32 @!p0 $0x108  }
0x21: {  	s3 =	sadd.s32 s3, s9;
	s6 =	sadd.s32 @!p0 $0x88, s6;
	s7 =	simm.s32 @p2 $0x1082  }
0x22: {  	[simem:s7], [sflag:s8] =	dma.local @!p0 [hbm:s6], $0xF7A  }
0x23: {  	s9 =	sor.u32 $0xD0000000, s2;
	s6 =	simm.s32 $0x108;
	_ =	swait.ge @!p0 [sflag:s8], $0x0  }
0x24: {  	s3 =	sadd.s32 $0x88, s3;
	s6 =	simm.s32 @!p1 $0x1082;
	[sflag:s4] =	ssyncset.s32 $0xFFFFF086  }
0x25: {  	[simem:s6], [sflag:s4] =	dma.local [hbm:s3], $0xF7A  }
0x26: {  	[smem:$0x3F94] =	sst s1;
	(tag) =	ssettag s2;
	_ =	strace s9  }
0x27: {  	s1 =	sld [smem:$0x3FA4]  }
0x28: {  	s2 =	sld [smem:$0x3FA5]  }
0x29: {  	s4 =	sld [smem:$0x3FA7]  }
0x2a: {  	p0 =	seq.s32 s5, $0x0;
	s5 =	sld [smem:$0x3FA8]  }
0x2b: {  	s6 =	sld [smem:$0x3FA9]  }
0x2c: {  	s7 =	sld [smem:$0x3FAA]  }
0x2d: {  	s3 =	simm.s32 $0x108;
	s8 =	sld [smem:$0x3FAB]  }
0x2e: {  	s3 =	simm.s32 @!p0 $0x1082;
	s9 =	sld [smem:$0x3FAC]  }
0x2f: {  	lr =	sadd.s32 s0, s3;
	s0 =	sld [smem:$0x3FA3]  }
0x30: {  	s3 =	sld [smem:$0x3FA6]  }
0x31: {  	[smem:$0x3FAF] =	sst s10  }
0x32: {  	s10 =	sld [smem:$0x3FAD];
	_ =	sdelay $0x3  }
0x33: {  	p0 =	seq.s32 s10, $0x1;
	s10 =	sld [smem:$0x3FAF];
	_ =	sdelay $0x3  }
0x34: {  	[smem:$0x3FAF] =	sst s10  }
0x35: {  	s10 =	sld [smem:$0x3FAE];
	_ =	sdelay $0x3  }
0x36: {  	p1 =	seq.s32 s10, $0x1;
	s10 =	sld [smem:$0x3FAF];
	_ =	sdelay $0x3  }
0x37: {  	[smem:$0x3FAF] =	sst s10  }
0x38: {  	s10 =	sld [smem:$0x3FB0]  }
0x39: {  	_ = 	snop;
	(pc) =	sbr.ind lr, $3  }
0x3a: {  	_ = 	snop  }
0x3b: {  	_ = 	snop  }
0x3c: {  	p2 =	seq.s32 s10, $0x1;
	s10 =	sld [smem:$0x3FAF]  }
0x3d: {  	_ =	shalt  }
0x3e: {  	_ =	shalt  }
0x3f: {  	_ =	shalt  }
0x40: {  	_ =	shalt  }
0x41: {  	_ =	shalt  }
0x42: {  	_ =	shalt  }
0x43: {  	_ =	shalt  }
0x44: {  	_ =	shalt  }
0x45: {  	_ =	shalt  }
0x46: {  	_ =	shalt  }
0x47: {  	_ =	shalt  }
0x48: {  	_ =	shalt  }
0x49: {  	_ =	shalt  }
0x4a: {  	_ =	shalt  }
0x4b: {  	_ =	shalt  }
0x4c: {  	_ =	shalt  }
0x4d: {  	_ =	shalt  }
0x4e: {  	_ =	shalt  }
0x4f: {  	_ =	shalt  }
0x50: {  	_ =	shalt  }
0x51: {  	_ =	shalt  }
0x52: {  	_ =	shalt  }
0x53: {  	_ =	shalt  }
0x54: {  	_ =	shalt  }
0x55: {  	_ =	shalt  }
0x56: {  	_ =	shalt  }
0x57: {  	_ =	shalt  }
0x58: {  	_ =	shalt  }
0x59: {  	_ =	shalt  }
0x5a: {  	_ =	shalt  }
0x5b: {  	_ =	shalt  }
0x5c: {  	_ =	shalt  }
0x5d: {  	_ =	shalt  }
0x5e: {  	_ =	shalt  }
0x5f: {  	_ =	shalt  }
0x60: {  	_ =	shalt  }
0x61: {  	_ =	shalt  }
0x62: {  	_ =	shalt  }
0x63: {  	_ =	shalt  }
0x64: {  	_ =	shalt  }
0x65: {  	_ =	shalt  }
0x66: {  	_ =	shalt  }
0x67: {  	_ =	shalt  }
0x68: {  	_ =	shalt  }
0x69: {  	_ =	shalt  }
0x6a: {  	_ =	shalt  }
0x6b: {  	_ =	shalt  }
0x6c: {  	_ =	shalt  }
0x6d: {  	_ =	shalt  }
0x6e: {  	_ =	shalt  }
0x6f: {  	_ =	shalt  }
0x70: {  	_ =	shalt  }
0x71: {  	_ =	shalt  }
0x72: {  	_ =	shalt  }
0x73: {  	_ =	shalt  }
0x74: {  	_ =	shalt  }
0x75: {  	_ =	shalt  }
0x76: {  	_ =	shalt  }
0x77: {  	_ =	shalt  }
0x78: {  	_ =	shalt  }
0x79: {  	_ =	shalt  }
0x7a: {  	_ =	shalt  }
0x7b: {  	_ =	shalt  }
0x7c: {  	_ =	shalt  }
0x7d: {  	_ =	shalt  }
0x7e: {  	_ =	shalt  }
0x7f: {  	_ =	shalt  }
0x80: {  	_ =	shalt  }
0x81: {  	_ =	shalt  }
0x82: {  	_ =	shalt  }
0x83: {  	_ =	shalt  }
0x84: {  	_ =	shalt  }
0x85: {  	_ =	shalt  }
0x86: {  	_ =	shalt  }
0x87: {  	_ =	shalt  }
.Lfunc_end0:
.L_simem_size_0:
called_computation.2_lowered:
.L_overlay_start_0:
0x88: {  	s2 =	sld [smem:$0x3FD9]  }
0x89: {  	s3 =	sld [smem:$0x3FFE];
	_ =	sdelay $0x1  }
0x8a: {  	s1 =	srdreg.scid  }
0x8b: {  	s0 =	sand.u32 $0x1, s1  }
0x8c: {  	s15 =	sshll.u32 s0, $0xA;
	s2 =	sadd.s32 s3, s2  }
0x8d: {  	s2 =	sadd.s32 s2, s15  }
0x8e: {  	[smem:$0x3FBB] =	sst s2  }
0x8f: {  	_ = 	snop  }
0x90: {  	s4 =	sld [smem:$0x3FD0];
	_ =	sdelay $0x1  }
0x91: {  	s2 =	sld [smem:$0x3FC7]  }
0x92: {  	s5 =	simm.s32 $0xC;
	s6 =	simm.s32 $0x10;
	s16 =	sld [smem:$0x3FC6]  }
0x93: {  	[smem:s6], [sflag:s5] =	dma.local [hbm:s4], $0x1  }
0x94: {  	_ =	swait.eq [sflag:s5], $0x1  }
0x95: {  	[sflag:s5] =	ssyncset.done $0x0  }
0x96: {  	[sflag:s5] =	ssyncadd.s32 $0xFFFFFFFF  }
0x97: {  	s17 =	sld [smem:$0x11];
	(tm) =	ssettm $0x1  }
0x98: {  	s18 =	sld [smem:$0x3FFB];
	_ =	sdelay $0x3  }
0x99: {  	_ =	strace s18  }
0x9a: {  	s4 =	sld [smem:$0x3FFC];
	_ =	sdelay $0x3  }
0x9b: {  	_ =	strace s4  }
0x9c: {  	s4 =	sld [smem:$0x3FFD];
	_ =	sdelay $0x3  }
0x9d: {  	_ =	strace s4  }
0x9e: {  	_ =	strace $0x8FFFFFFF  }
0x9f: {  	s19 =	sld [smem:$0x3FDB];
	_ =	sdelay $0x1  }
0xa0: {  	s20 =	simm.s32 $_scs_section_size  }
0xa1: {  	s7 =	simm.s32 $_size__tile_overlayer_lowered;
	s8 =	simm.s32 $_tile_overlayer_lowered  }
0xa2: {  	s9 =	simm.s32 $0x1BFF;
	s21 =	sshll.u32 s8, $0x1;
	s6 =	sadd.s32 s20, s19  }
0xa3: {  	s22 =	simm.s32 $0x0;
	s7 =	sshll.u32 s7, $0x1;
	s8 =	sadd.s32 s21, s6  }
0xa4: {  	[timem:s22], [sflag:s9] =	dma.local [hbm:s8], s7  }
0xa5: {  	_ =	swait.ge [sflag:s9], s7  }
0xa6: {  	s7 =	ssub.s32 $0x0, s7;
	[sflag:s9] =	ssyncset.done $0x0  }
0xa7: {  	[sflag:s9] =	ssyncadd.s32 s7;
	_ =	sdelay $0x1  }
0xa8: {  	s23 =	simm.s32 $0x1B8B  }
0xa9: {  	_ =	swait.ge [sflag:s23], $0x1  }
0xaa: {  	[sflag:s23] =	ssyncset.done $0x0  }
0xab: {  	[sflag:s23] =	ssyncadd.s32 $0xFFFFFFFF  }
0xac: {  	s7 =	sld [smem:$0x0]  }
0xad: {  	s8 =	sand.u32 $0xFFFFFFFE, s1  }
0xae: {  	p0 =	sne.s32 s1, s8  }
0xaf: {  	s8 =	sshll.u32 @p0 s8, $0xE  }
0xb0: {  	s8 =	sadd.s32 @p0 $0x11B8D, s8;
	s9 =	sshll.u32 @p0 s7, $0x11  }
0xb1: {  	s8 =	sor.u32 @p0 s9, s8  }
0xb2: {  	[sflag:s8] =	ssyncadd.remote.s32 @p0 $0x1;
	_ =	sdelay $0x1  }
0xb3: {  	s8 =	simm.s32 @p0 $0x1B8D  }
0xb4: {  	_ =	swait.eq @p0 [sflag:s8], $0x1  }
0xb5: {  	[sflag:s8] =	ssyncadd.s32 @p0 $0xFFFFFFFF  }
0xb6: {  	s9 =	sshll.u32 @!p0 s1, $0xE  }
0xb7: {  	s9 =	sor.u32 @!p0 $0x4000, s9;
	s8 =	simm.s32 @!p0 $0x1B8D  }
0xb8: {  	s7 =	sshll.u32 @!p0 s7, $0x11;
	s9 =	sadd.s32 @!p0 $0x11B8D, s9;
	_ =	swait.eq @!p0 [sflag:s8], $0x1  }
0xb9: {  	s7 =	sor.u32 @!p0 s7, s9;
	[sflag:s8] =	ssyncadd.s32 @!p0 $0xFFFFFFFF  }
0xba: {  	s25 =	simm.s32 $0x1B8E;
	s24 =	sld [smem:$0x3FFE];
	[sflag:s7] =	ssyncadd.remote.s32 @!p0 $0x1  }
0xbb: {  	s26 =	simm.s32 $execute0_lowered;
	[smem:$0x3FD2] =	sst s25  }
0xbc: {  	s8 =	sshll.u32 s26, $0x1;
	_ =	strace $0x8000004C;
	[dreg:$0x1] =	wrdreg $0xFFFFFFFF  }
0xbd: {  	s28 =	simm.s32 $_size_execute0_lowered;
	s6 =	sadd.s32 s6, s8;
	[dreg:$0x0] =	wrdreg $0x0  }
0xbe: {  	s8 =	sshll.u32 s28, $0x1;
	[dreg:$0x2] =	wrdreg s6  }
0xbf: {  	[dreg:$0x3] =	wrdreg s8  }
0xc0: {  	[dreg:$0x4] =	wrdreg $0xC0  }
0xc1: {  	_ =	task [dreg:s22], $0x5FFFF  }
0xc2: {  	[dreg:$0x1] =	wrdreg $0xFFFFFFFF  }
0xc3: {  	[dreg:$0x0] =	wrdreg $0x60  }
0xc4: {  	[dreg:$0x2] =	wrdreg s17  }
0xc5: {  	[dreg:$0x3] =	wrdreg s24  }
0xc6: {  	[dreg:$0x4] =	wrdreg s2  }
0xc7: {  	[dreg:$0x5] =	wrdreg s16  }
0xc8: {  	[dreg:$0x6] =	wrdreg $0x7C000  }
0xc9: {  	[dreg:$0x7] =	wrdreg $0xB  }
0xca: {  	_ =	task.clear_ibuf [dreg:s22], $0x8FFFF;
	_ =	strace $0x9000004C  }
0xcb: {  	s29 =	simm.s32 $0xB;
	_ =	strace $0x8000004E  }
0xcc: {  	_ =	swait.ge [sflag:s29], $0x1  }
0xcd: {  	[sflag:s29] =	ssyncadd.s32 $0xFFFFFFFF  }
0xce: {  	_ =	strace $0x9000004E  }
0xcf: {  	_ =	sfence  }
0xd0: {  	s30 =	sld [smem:$0x0];
	_ =	sdelay $0x2  }
0xd1: {  	s31 =	sshll.u32 s1, $0xD;
	s1 =	sshrl.u32 s1, $0x2  }
0xd2: {  	s3 =	sand.u32 $0x4000, s31;
	s1 =	sadd.s32 s1, s30  }
0xd3: {  	s0 =	sor.u32 s3, s0;
	s1 =	sshll.u32 s1, $0x11  }
0xd4: {  	s0 =	sor.u32 s1, s0  }
0xd5: {  	s0 =	sadd.s32 $0x8F2B, s0  }
0xd6: {  	[sflag:s0] =	ssyncadd.remote.s32 $0x1  }
0xd7: {  	_ =	sfence.sel $0xFFFF  }
0xd8: {  	[dreg:$0x0] =	wrdreg $0xFFFFFFFF;
	(pc) =	sbr.abs _section_cstart, $3  }
0xd9: {  	[dreg:$0x1] =	wrdreg $0xFFFFFFFF  }
0xda: {  	_ =	task.clear_ibuf [dreg:s22], $0x2FFFF;
	_ =	strace $0x9FFFFFFF  }
0xdb: {  	(tm) =	ssettm $0x7FFFFFFF  }
tec
execute0_lowered:
.L_overlay_start_1:
0x0: {  	(tag) =	ssettag $0x1  }
0x1: {  	s1 =	rddreg [dreg:$0x0]  }
0x2: {  	s0 =	rddreg [dreg:$0x1]  }
0x3: {  	s3 =	rddreg [dreg:$0x2]  }
0x4: {  	s4 =	rddreg [dreg:$0x3]  }
0x5: {  	s5 =	rddreg [dreg:$0x4];
	s14 =	stileid.u32;
	s6 =	simm.s32 $0x0  }
0x6: {  	s7 =	srdreg.scid;
	s29 =	simm.s32 $0x1;
	s30 =	simm.s32 $0x4  }
0x7: {  	s31 =	simm.s32 $0x28;
	s2 =	smul.u32 $0x14000, s14;
	[smem:$0x7FF] =	sst s6  }
0x8: {  	s8 =	sand.u32 $0x1, s7;
	s7 =	sadd.s32 $0x20FE00, s0;
	s15 =	smul.u32 $0x50000, s14  }
0x9: {  	s20 =	sshll.u32 s14, $0x6;
	_ =	strace $0x8000004D;
	s10 =	smul.u32 $0x140000, s8  }
0xa: {  	s26 =	sshll.u32 s8, $0x4;
	s12 =	ssub.s32 $0x2, s8;
	s9 =	sshrl.u32 s2, $0x3  }
0xb: {  	s28 =	sor.u32 s14, s26;
	s16 =	sshrl.u32 s12, $0x1;
	s13 =	sshrl.u32 s15, $0x2  }
0xc: {  	s11 =	sadd.s32 s9, s0;
	s2 =	sadd.s32 s2, s10;
	s8 =	smul.u32 $0x960, s28  }
0xd: {  	s17 =	sadd.s32 s13, s5;
	s10 =	smul.u32 $0x9600, s28;
	s2 =	sshrl.u32 s2, $0x3  }
0xe: {  	s11 =	sadd.s32 $0x7FE00, s11;
	s0 =	sadd.s32 s2, s0;
	s2 =	ssub.s32 s12, s16  }
0xf: {  	s9 =	sadd.s32 $0x14500, s8;
	[dreg:$0x6] =	wrdreg s11;
	s11 =	sor.u32 $0x1C10, s20  }
0x10: {  	s23 =	sadd.s32 $0x14528, s8;
	s25 =	sshrl.u32 s8, $0x3;
	s21 =	sshrl.u32 s9, $0x3  }
0x11: {  	s18 =	sadd.s32 s7, s10;
	s24 =	sshrl.u32 s23, $0x3;
	s22 =	sadd.s32 s3, s21  }
0x12: {  	s14 =	sadd.s32 $0x28AA, s25;
	s13 =	sadd.s32 s4, s21;
	[dreg:$0x7] =	wrdreg s22  }
0x13: {  	s19 =	sadd.s32 $0x33BE00, s0;
	s15 =	sadd.s32 s3, s24;
	[dreg:$0x8] =	wrdreg s13  }
0x14: {  	s20 =	smax.u32 s2, $0x1;
	s26 =	sadd.s32 s3, s14;
	[dreg:$0x9] =	wrdreg s15  }
0x15: {  	s0 =	simm.s32 $0xF;
	s28 =	sadd.s32 s4, s14;
	[dreg:$0xb] =	wrdreg s26  }
0x16: {  	s2 =	simm.s32 $0x0;
	s13 =	sadd.s32 s4, s24;
	[dreg:$0xc] =	wrdreg s28  }
0x17: {  	s21 =	sshrl.u32 s17, $0x3;
	s22 =	simm.s32 $0x10;
	[dreg:$0xa] =	wrdreg s13  }
.LBB2_1:
0x18: {  	s10 =	rddreg [dreg:$0x6]  }
0x19: {  	[spmem:s21], [sflag:s11] =	dma.local [hbm:s10], $0x2800  }
0x1a: {  	_ =	swait.ge [sflag:s22], $0x2800  }
0x1b: {  	[sflag:s22] =	ssyncset.done $0x0  }
0x1c: {  	[sflag:s22] =	ssyncadd.s32 $0xFFFFD800  }
0x1d: {  	[bflag:$0x0] =	sbarrier.arrive $0xFFFF  }
0x1e: {  	s13 =	rddreg [dreg:$0x7]  }
0x1f: {  	[tilespmem:s6], [sflag:$0x1] =	stream.linear.gather [hbm4b:s13+s6], $0x28, $0x38;
	[tilespmem:$0x1BC00] =	vst v63  }
0x20: {  	s12 =	simm.s32 $0x200;
	s14 =	rddreg [dreg:$0x8]  }
0x21: {  	[tilespmem:s12], [sflag:$0x4] =	stream.linear.gather [hbm4b:s14+s6], $0x28, $0x38;
	[tilespmem:$0x1BC00] =	vst v63  }
0x22: {  	s16 =	simm.s32 $0x80;
	s15 =	rddreg [dreg:$0x9]  }
0x23: {  	[tilespmem:s16], [sflag:$0x2] =	stream.linear.gather [hbm4b:s15+s6], $0x28, $0x38;
	[tilespmem:$0x1BC00] =	vst v63  }
0x24: {  	s23 =	simm.s32 $0x280;
	s17 =	rddreg [dreg:$0xa]  }
0x25: {  	[tilespmem:s23], [sflag:$0x5] =	stream.linear.gather [hbm4b:s17+s6], $0x28, $0x38;
	[tilespmem:$0x1BC00] =	vst v63  }
0x26: {  	s25 =	simm.s32 $0x100;
	s24 =	rddreg [dreg:$0xb]  }
0x27: {  	[tilespmem:s25], [sflag:$0x3] =	stream.linear.gather [hbm4b:s24+s6], $0x28, $0x38;
	[tilespmem:$0x1BC00] =	vst v63  }
0x28: {  	s28 =	simm.s32 $0x300;
	s26 =	rddreg [dreg:$0xc]  }
0x29: {  	[tilespmem:s28], [sflag:$0x6] =	stream.linear.gather [hbm4b:s26+s6], $0x28, $0x38;
	[tilespmem:$0x1BC00] =	vst v63  }
0x2a: {  	_ =	swait.ge [sflag:s29], $0x28  }
0x2b: {  	[sflag:s29] =	ssyncset.done $0x0  }
0x2c: {  	[sflag:s29] =	ssyncadd.s32 $0xFFFFFFD8  }
0x2d: {  	_ =	swait.ge [sflag:s30], $0x28  }
0x2e: {  	[sflag:s30] =	ssyncset.done $0x0  }
0x2f: {  	s14 =	simm.s32 $0x400;
	[sflag:s30] =	ssyncadd.s32 $0xFFFFFFD8  }
0x30: {  	[tilespmem:s14], [sflag:$0x7] =	stream.indirect.gather [hbm4b:s1+s31], $0x80, s6, s31, $0xb8;
	[tilespmem:$0x1BC00] =	vst v63  }
0x31: {  	s24 =	simm.s32 $0x4000;
	s25 =	simm.s32 $0x0  }
0x32: {  	[tilespmem:s24], [sflag:$0xA] =	stream.linear.gather [hbm4b:s18+s6], $0x1400, $0x38;
	[tilespmem:$0x1BC00] =	vst v63  }
.LBB2_2:
0x33: {  	s26 =	sadd.s32 $0x1, s25;
	p0 =	seq.s32 s25, $0x3B  }
0x34: {  	s10 =	smul.u32 @!p0 $0xAB, s26;
	_ =	sdelay $0x1  }
0x35: {  	s10 =	sshrl.u32 @!p0 s10, $0x9  }
0x36: {  	s10 =	sand.u32 @!p0 $0x7F, s10  }
0x37: {  	s10 =	smul.u32 @!p0 $0x3, s10;
	_ =	sdelay $0x1  }
0x38: {  	s10 =	ssub.s32 @!p0 s26, s10  }
0x39: {  	s10 =	sand.u32 @!p0 $0xFF, s10  }
0x3a: {  	s12 =	sadd.s32 @!p0 $0x1, s10  }
0x3b: {  	s13 =	smul.u32 $0xAB, s25;
	_ =	swait.ge @!p0 [sflag:s12], $0x28  }
0x3c: {  	s15 =	smulhi.u32 $0xAAAAAAAB, s25;
	s28 =	simm.s32 @!p0 $0x28;
	[sflag:s12] =	ssyncset.done @!p0 $0x0  }
0x3d: {  	s13 =	sshrl.u32 s13, $0x9;
	[sflag:s12] =	ssyncadd.s32 @!p0 $0xFFFFFFD8;
	s12 =	sor.u32 @!p0 $0x4, s10  }
0x3e: {  	s13 =	sand.u32 $0x7F, s13;
	s16 =	smul.u32 @!p0 $0x1400, s10;
	_ =	swait.ge @!p0 [sflag:s12], $0x28  }
0x3f: {  	s13 =	smul.u32 $0x3, s13;
	s17 =	sshll.u32 @!p0 s10, $0x7;
	[sflag:s12] =	ssyncset.done @!p0 $0x0  }
0x40: {  	s23 =	sadd.s32 @!p0 $0x7, s10;
	[sflag:s12] =	ssyncadd.s32 @!p0 $0xFFFFFFD8;
	s12 =	sadd.s32 @!p0 $0x400, s16  }
0x41: {  	[tilespmem:s12], [sflag:s23] =	stream.indirect.gather @!p0 [hbm4b:s1+s28], $0x80, s17, s28, $0xb8;
	[tilespmem:$0x1BC00] =	vst v63  }
0x42: {  	s12 =	smul.u32 @!p0 $0x28, s26  }
0x43: {  	s15 =	sshrl.u32 s15, $0x1  }
0x44: {  	s15 =	smul.u32 $0xFFFF1000, s15;
	s13 =	ssub.s32 s25, s13;
	s12 =	sadd.s32 @!p0 s8, s12  }
0x45: {  	s10 =	sadd.s32 @!p0 $0xA, s10;
	s28 =	sand.u32 $0xFF, s13;
	s12 =	sshll.u32 @!p0 s12, $0x4  }
0x46: {  	s13 =	sor.u32 @!p0 $0x4000, s16;
	s16 =	simm.s32 @!p0 $0x0;
	s12 =	sadd.s32 @!p0 s7, s12  }
0x47: {  	[tilespmem:s13], [sflag:s10] =	stream.linear.gather @!p0 [hbm4b:s12+s16], $0x1400, $0x38;
	[tilespmem:$0x1BC00] =	vst v63  }
0x48: {  	s13 =	sadd.s32 $0x7, s28  }
0x49: {  	s16 =	sshra.s32 s15, $0x2;
	_ =	swait.ge [sflag:s13], $0x1400  }
0x4a: {  	v0 =	vmov s16;
	[sflag:s13] =	ssyncset.done $0x0  }
0x4b: {  	s17 =	sadd.s32 $0xA, s28;
	[sflag:s13] =	ssyncadd.s32 $0xFFFFEC00  }
0x4c: {  	_ =	swait.ge [sflag:s17], $0x1400  }
0x4d: {  	[sflag:s17] =	ssyncset.done $0x0  }
0x4e: {  	[sflag:s17] =	ssyncadd.s32 $0xFFFFEC00  }
0x4f: {  	v1 =	vld.idx.msk [tilespmem:v0+s14+$0x180 ss:$0x1], $0xffff  }
0x50: {  	v2 =	vld.idx.msk [tilespmem:v0+s24+$0x180 ss:$0x1], $0xffff;
	_ =	sdelay $0x1  }
0x51: {  	v3 =	vld.idx.msk [tilespmem:v0+s14+$0x80 ss:$0x1], $0xffff  }
0x52: {  	v4 =	vld.idx.msk [tilespmem:v0+s24+$0x80 ss:$0x1], $0xffff  }
0x53: {  	v5 =	vld.idx.msk [tilespmem:v0+s14+$0x0 ss:$0x1], $0xffff  }
0x54: {  	s10 =	sadd.s32 $0x200, s14;
	v7 =	vld.idx.msk [tilespmem:v0+s14+$0x100 ss:$0x1], $0xffff;
	v1 =	vmul.f32 v2, v1  }
0x55: {  	v9 =	vld.idx.msk [tilespmem:v0+s10+$0x180 ss:$0x1], $0xffff  }
0x56: {  	v2 =	vld.idx.msk [tilespmem:v0+s24+$0x0 ss:$0x1], $0xffff;
	[tilespmem:v0+s14+$0x180 ss:$0x1] =	vst.idx.msk $0xffff, v1  }
0x57: {  	v1 =	vld.idx.msk [tilespmem:v0+s14+$0x190 ss:$0x1], $0xffff  }
0x58: {  	s12 =	sadd.s32 $0x200, s24;
	v6 =	vld.idx.msk [tilespmem:v0+s24+$0x190 ss:$0x1], $0xffff  }
0x59: {  	v10 =	vld.idx.msk [tilespmem:v0+s12+$0x180 ss:$0x1], $0xffff;
	v3 =	vmul.f32 v4, v3  }
0x5a: {  	v4 =	vld.idx.msk [tilespmem:v0+s24+$0x100 ss:$0x1], $0xffff  }
0x5b: {  	v11 =	vld.idx.msk [tilespmem:v0+s12+$0x0 ss:$0x1], $0xffff;
	[tilespmem:v0+s14+$0x80 ss:$0x1] =	vst.idx.msk $0xffff, v3;
	v2 =	vmul.f32 v2, v5  }
0x5c: {  	v3 =	vld.idx.msk [tilespmem:v0+s14+$0x90 ss:$0x1], $0xffff  }
0x5d: {  	v5 =	vld.idx.msk [tilespmem:v0+s24+$0x90 ss:$0x1], $0xffff;
	[tilespmem:v0+s14+$0x0 ss:$0x1] =	vst.idx.msk $0xffff, v2;
	v1 =	vmul.f32 v6, v1  }
0x5e: {  	v2 =	vld.idx.msk [tilespmem:v0+s14+$0x10 ss:$0x1], $0xffff  }
0x5f: {  	v4 =	vmul.f32 v4, v7;
	v6 =	vld.idx.msk [tilespmem:v0+s24+$0x10 ss:$0x1], $0xffff;
	[tilespmem:v0+s14+$0x190 ss:$0x1] =	vst.idx.msk $0xffff, v1  }
0x60: {  	v1 =	vld.idx.msk [tilespmem:v0+s14+$0x1A0 ss:$0x1], $0xffff  }
0x61: {  	[tilespmem:v0+s14+$0x100 ss:$0x1] =	vst.idx.msk $0xffff, v4;
	v4 =	vld.idx.msk [tilespmem:v0+s24+$0x1A0 ss:$0x1], $0xffff  }
0x62: {  	v7 =	vld.idx.msk [tilespmem:v0+s14+$0x110 ss:$0x1], $0xffff;
	v3 =	vmul.f32 v5, v3  }
0x63: {  	v5 =	vld.idx.msk [tilespmem:v0+s24+$0x110 ss:$0x1], $0xffff  }
0x64: {  	v12 =	vld.idx.msk [tilespmem:v0+s10+$0x80 ss:$0x1], $0xffff;
	[tilespmem:v0+s14+$0x90 ss:$0x1] =	vst.idx.msk $0xffff, v3;
	v2 =	vmul.f32 v6, v2  }
0x65: {  	v3 =	vld.idx.msk [tilespmem:v0+s14+$0xA0 ss:$0x1], $0xffff  }
0x66: {  	v6 =	vld.idx.msk [tilespmem:v0+s24+$0xA0 ss:$0x1], $0xffff;
	[tilespmem:v0+s14+$0x10 ss:$0x1] =	vst.idx.msk $0xffff, v2;
	v1 =	vmul.f32 v4, v1  }
0x67: {  	v2 =	vld.idx.msk [tilespmem:v0+s14+$0x20 ss:$0x1], $0xffff  }
0x68: {  	v4 =	vmul.f32 v5, v7;
	v5 =	vld.idx.msk [tilespmem:v0+s24+$0x20 ss:$0x1], $0xffff;
	[tilespmem:v0+s14+$0x1A0 ss:$0x1] =	vst.idx.msk $0xffff, v1  }
0x69: {  	v1 =	vld.idx.msk [tilespmem:v0+s14+$0x1B0 ss:$0x1], $0xffff  }
0x6a: {  	[tilespmem:v0+s14+$0x110 ss:$0x1] =	vst.idx.msk $0xffff, v4;
	v4 =	vld.idx.msk [tilespmem:v0+s24+$0x1B0 ss:$0x1], $0xffff  }
0x6b: {  	v3 =	vmul.f32 v6, v3;
	v6 =	vld.idx.msk [tilespmem:v0+s14+$0x120 ss:$0x1], $0xffff  }
0x6c: {  	v7 =	vld.idx.msk [tilespmem:v0+s24+$0x120 ss:$0x1], $0xffff  }
0x6d: {  	v13 =	vld.idx.msk [tilespmem:v0+s10+$0x100 ss:$0x1], $0xffff;
	[tilespmem:v0+s14+$0xA0 ss:$0x1] =	vst.idx.msk $0xffff, v3;
	v2 =	vmul.f32 v5, v2  }
0x6e: {  	v3 =	vld.idx.msk [tilespmem:v0+s14+$0xB0 ss:$0x1], $0xffff  }
0x6f: {  	v5 =	vld.idx.msk [tilespmem:v0+s24+$0xB0 ss:$0x1], $0xffff;
	[tilespmem:v0+s14+$0x20 ss:$0x1] =	vst.idx.msk $0xffff, v2;
	v1 =	vmul.f32 v4, v1  }
0x70: {  	v2 =	vld.idx.msk [tilespmem:v0+s14+$0x30 ss:$0x1], $0xffff  }
0x71: {  	v4 =	vld.idx.msk [tilespmem:v0+s24+$0x30 ss:$0x1], $0xffff;
	v6 =	vmul.f32 v7, v6;
	[tilespmem:v0+s14+$0x1B0 ss:$0x1] =	vst.idx.msk $0xffff, v1  }
0x72: {  	v1 =	vld.idx.msk [tilespmem:v0+s14+$0x1C0 ss:$0x1], $0xffff  }
0x73: {  	[tilespmem:v0+s14+$0x120 ss:$0x1] =	vst.idx.msk $0xffff, v6;
	v6 =	vld.idx.msk [tilespmem:v0+s24+$0x1C0 ss:$0x1], $0xffff  }
0x74: {  	v3 =	vmul.f32 v5, v3;
	v5 =	vld.idx.msk [tilespmem:v0+s14+$0x130 ss:$0x1], $0xffff  }
0x75: {  	v7 =	vld.idx.msk [tilespmem:v0+s24+$0x130 ss:$0x1], $0xffff  }
0x76: {  	v14 =	vld.idx.msk [tilespmem:v0+s12+$0x100 ss:$0x1], $0xffff;
	[tilespmem:v0+s14+$0xB0 ss:$0x1] =	vst.idx.msk $0xffff, v3;
	v2 =	vmul.f32 v4, v2  }
0x77: {  	v3 =	vld.idx.msk [tilespmem:v0+s14+$0xC0 ss:$0x1], $0xffff  }
0x78: {  	v4 =	vld.idx.msk [tilespmem:v0+s24+$0xC0 ss:$0x1], $0xffff;
	[tilespmem:v0+s14+$0x30 ss:$0x1] =	vst.idx.msk $0xffff, v2;
	v1 =	vmul.f32 v6, v1  }
0x79: {  	v2 =	vld.idx.msk [tilespmem:v0+s14+$0x40 ss:$0x1], $0xffff  }
0x7a: {  	v6 =	vld.idx.msk [tilespmem:v0+s24+$0x40 ss:$0x1], $0xffff;
	v5 =	vmul.f32 v7, v5;
	[tilespmem:v0+s14+$0x1C0 ss:$0x1] =	vst.idx.msk $0xffff, v1  }
0x7b: {  	v1 =	vld.idx.msk [tilespmem:v0+s14+$0x1D0 ss:$0x1], $0xffff  }
0x7c: {  	v9 =	vmul.f32 v10, v9;
	[tilespmem:v0+s14+$0x130 ss:$0x1] =	vst.idx.msk $0xffff, v5;
	v5 =	vld.idx.msk [tilespmem:v0+s24+$0x1D0 ss:$0x1], $0xffff  }
0x7d: {  	v3 =	vmul.f32 v4, v3;
	v4 =	vld.idx.msk [tilespmem:v0+s14+$0x140 ss:$0x1], $0xffff  }
0x7e: {  	[tilespmem:v0+s10+$0x180 ss:$0x1] =	vst.idx.msk $0xffff, v9;
	v7 =	vld.idx.msk [tilespmem:v0+s24+$0x140 ss:$0x1], $0xffff  }
0x7f: {  	v9 =	vld.idx.msk [tilespmem:v0+s10+$0x190 ss:$0x1], $0xffff;
	[tilespmem:v0+s14+$0xC0 ss:$0x1] =	vst.idx.msk $0xffff, v3;
	v2 =	vmul.f32 v6, v2  }
0x80: {  	v3 =	vld.idx.msk [tilespmem:v0+s14+$0xD0 ss:$0x1], $0xffff  }
0x81: {  	v6 =	vld.idx.msk [tilespmem:v0+s24+$0xD0 ss:$0x1], $0xffff;
	[tilespmem:v0+s14+$0x40 ss:$0x1] =	vst.idx.msk $0xffff, v2;
	v1 =	vmul.f32 v5, v1  }
0x82: {  	v2 =	vld.idx.msk [tilespmem:v0+s14+$0x50 ss:$0x1], $0xffff  }
0x83: {  	v5 =	vld.idx.msk [tilespmem:v0+s24+$0x50 ss:$0x1], $0xffff;
	v4 =	vmul.f32 v7, v4;
	[tilespmem:v0+s14+$0x1D0 ss:$0x1] =	vst.idx.msk $0xffff, v1  }
0x84: {  	v1 =	vld.idx.msk [tilespmem:v0+s14+$0x1E0 ss:$0x1], $0xffff  }
0x85: {  	[tilespmem:v0+s14+$0x140 ss:$0x1] =	vst.idx.msk $0xffff, v4;
	v4 =	vld.idx.msk [tilespmem:v0+s24+$0x1E0 ss:$0x1], $0xffff  }
0x86: {  	v3 =	vmul.f32 v6, v3;
	v7 =	vld.idx.msk [tilespmem:v0+s14+$0x150 ss:$0x1], $0xffff  }
0x87: {  	v8 =	vld.idx.msk [tilespmem:v0+s24+$0x150 ss:$0x1], $0xffff  }
0x88: {  	[tilespmem:v0+s14+$0xD0 ss:$0x1] =	vst.idx.msk $0xffff, v3;
	v2 =	vmul.f32 v5, v2;
	v5 =	vld.idx.msk [tilespmem:v0+s10+$0x0 ss:$0x1], $0xffff  }
0x89: {  	v46 =	vld.idx.msk [tilespmem:v0+s14+$0xE0 ss:$0x1], $0xffff  }
0x8a: {  	v51 =	vld.idx.msk [tilespmem:v0+s24+$0xE0 ss:$0x1], $0xffff  }
0x8b: {  	v1 =	vmul.f32 v4, v1;
	v4 =	vld.idx.msk [tilespmem:v0+s12+$0x80 ss:$0x1], $0xffff  }
0x8c: {  	[tilespmem:v0+s14+$0x50 ss:$0x1] =	vst.idx.msk $0xffff, v2;
	v2 =	vld.idx.msk [tilespmem:v0+s12+$0x190 ss:$0x1], $0xffff  }
0x8d: {  	v7 =	vmul.f32 v8, v7;
	[tilespmem:v0+s14+$0x1E0 ss:$0x1] =	vst.idx.msk $0xffff, v1;
	v3 =	vmul.f32 v11, v5;
	v5 =	vld.idx.msk [tilespmem:v0+s24+$0x60 ss:$0x1], $0xffff  }
0x8e: {  	v1 =	vld.idx.msk [tilespmem:v0+s14+$0x1F0 ss:$0x1], $0xffff  }
0x8f: {  	[tilespmem:v0+s14+$0x150 ss:$0x1] =	vst.idx.msk $0xffff, v7;
	v44 =	vld.idx.msk [tilespmem:v0+s24+$0x1F0 ss:$0x1], $0xffff  }
0x90: {  	v52 =	vld.idx.msk [tilespmem:v0+s14+$0x160 ss:$0x1], $0xffff;
	[tilespmem:v0+s10+$0x0 ss:$0x1] =	vst.idx.msk $0xffff, v3;
	v4 =	vmul.f32 v4, v12  }
0x91: {  	v47 =	vld.idx.msk [tilespmem:v0+s10+$0x10 ss:$0x1], $0xffff  }
0x92: {  	v13 =	vmul.f32 v14, v13;
	v48 =	vld.idx.msk [tilespmem:v0+s12+$0x10 ss:$0x1], $0xffff;
	[tilespmem:v0+s10+$0x80 ss:$0x1] =	vst.idx.msk $0xffff, v4  }
0x93: {  	v6 =	vld.idx.msk [tilespmem:v0+s10+$0x90 ss:$0x1], $0xffff  }
0x94: {  	[tilespmem:v0+s10+$0x100 ss:$0x1] =	vst.idx.msk $0xffff, v13;
	v2 =	vmul.f32 v2, v9;
	v45 =	vld.idx.msk [tilespmem:v0+s12+$0x90 ss:$0x1], $0xffff  }
0x95: {  	v3 =	vld.idx.msk [tilespmem:v0+s10+$0x110 ss:$0x1], $0xffff;
	v9 =	vmul.f32 v51, v46  }
0x96: {  	[tilespmem:v0+s10+$0x190 ss:$0x1] =	vst.idx.msk $0xffff, v2;
	v4 =	vld.idx.msk [tilespmem:v0+s14+$0x60 ss:$0x1], $0xffff  }
0x97: {  	[tilespmem:v0+s14+$0xE0 ss:$0x1] =	vst.idx.msk $0xffff, v9;
	v49 =	vld.idx.msk [tilespmem:v0+s12+$0x1A0 ss:$0x1], $0xffff;
	v7 =	vmul.f32 v48, v47  }
0x98: {  	v59 =	vld.idx.msk [tilespmem:v0+s14+$0xF0 ss:$0x1], $0xffff  }
0x99: {  	[tilespmem:v0+s10+$0x10 ss:$0x1] =	vst.idx.msk $0xffff, v7;
	v7 =	vld.idx.msk [tilespmem:v0+s24+$0x160 ss:$0x1], $0xffff;
	v2 =	vmul.f32 v45, v6  }
0x9a: {  	v6 =	vld.idx.msk [tilespmem:v0+s10+$0x1A0 ss:$0x1], $0xffff  }
0x9b: {  	[tilespmem:v0+s10+$0x90 ss:$0x1] =	vst.idx.msk $0xffff, v2;
	v2 =	vld.idx.msk [tilespmem:v0+s12+$0x110 ss:$0x1], $0xffff  }
0x9c: {  	v4 =	vmul.f32 v5, v4;
	v53 =	vld.idx.msk [tilespmem:v0+s10+$0x20 ss:$0x1], $0xffff  }
0x9d: {  	v8 =	vld.idx.msk [tilespmem:v0+s10+$0xA0 ss:$0x1], $0xffff  }
0x9e: {  	[tilespmem:v0+s14+$0x60 ss:$0x1] =	vst.idx.msk $0xffff, v4;
	v50 =	vld.idx.msk [tilespmem:v0+s12+$0xA0 ss:$0x1], $0xffff;
	v7 =	vmul.f32 v7, v52  }
0x9f: {  	v55 =	vld.idx.msk [tilespmem:v0+s14+$0x70 ss:$0x1], $0xffff;
	v6 =	vmul.f32 v49, v6  }
0xa0: {  	[tilespmem:v0+s14+$0x160 ss:$0x1] =	vst.idx.msk $0xffff, v7;
	v2 =	vmul.f32 v2, v3;
	v3 =	vld.idx.msk [tilespmem:v0+s12+$0x20 ss:$0x1], $0xffff  }
0xa1: {  	[tilespmem:v0+s10+$0x1A0 ss:$0x1] =	vst.idx.msk $0xffff, v6;
	v63 =	vld.idx.msk [tilespmem:v0+s24+$0x170 ss:$0x1], $0xffff  }
0xa2: {  	v6 =	vld.idx.msk [tilespmem:v0+s10+$0x1B0 ss:$0x1], $0xffff  }
0xa3: {  	v8 =	vmul.f32 v50, v8;
	[tilespmem:v0+s10+$0x110 ss:$0x1] =	vst.idx.msk $0xffff, v2;
	v2 =	vld.idx.msk [tilespmem:v0+s12+$0x1B0 ss:$0x1], $0xffff  }
0xa4: {  	v54 =	vld.idx.msk [tilespmem:v0+s10+$0x120 ss:$0x1], $0xffff  }
0xa5: {  	[tilespmem:v0+s10+$0xA0 ss:$0x1] =	vst.idx.msk $0xffff, v8;
	v5 =	vld.idx.msk [tilespmem:v0+s12+$0x120 ss:$0x1], $0xffff  }
0xa6: {  	v8 =	vld.idx.msk [tilespmem:v0+s10+$0xB0 ss:$0x1], $0xffff;
	v3 =	vmul.f32 v3, v53  }
0xa7: {  	v4 =	vld.idx.msk [tilespmem:v0+s12+$0xB0 ss:$0x1], $0xffff  }
0xa8: {  	[tilespmem:v0+s10+$0x20 ss:$0x1] =	vst.idx.msk $0xffff, v3;
	v2 =	vmul.f32 v2, v6;
	v3 =	vld.idx.msk [tilespmem:v0+s24+$0x70 ss:$0x1], $0xffff  }
0xa9: {  	v6 =	vld.idx.msk [tilespmem:v0+s10+$0x30 ss:$0x1], $0xffff  }
0xaa: {  	v5 =	vmul.f32 v5, v54;
	v56 =	vld.idx.msk [tilespmem:v0+s12+$0x30 ss:$0x1], $0xffff;
	[tilespmem:v0+s10+$0x1B0 ss:$0x1] =	vst.idx.msk $0xffff, v2  }
0xab: {  	v2 =	vld.idx.msk [tilespmem:v0+s10+$0x1C0 ss:$0x1], $0xffff  }
0xac: {  	v4 =	vmul.f32 v4, v8;
	[tilespmem:v0+s10+$0x120 ss:$0x1] =	vst.idx.msk $0xffff, v5;
	v5 =	vld.idx.msk [tilespmem:v0+s12+$0x1C0 ss:$0x1], $0xffff  }
0xad: {  	v8 =	vld.idx.msk [tilespmem:v0+s10+$0x130 ss:$0x1], $0xffff  }
0xae: {  	[tilespmem:v0+s10+$0xB0 ss:$0x1] =	vst.idx.msk $0xffff, v4;
	v4 =	vld.idx.msk [tilespmem:v0+s12+$0x130 ss:$0x1], $0xffff  }
0xaf: {  	v57 =	vld.idx.msk [tilespmem:v0+s10+$0xC0 ss:$0x1], $0xffff;
	v6 =	vmul.f32 v56, v6  }
0xb0: {  	v58 =	vld.idx.msk [tilespmem:v0+s12+$0xC0 ss:$0x1], $0xffff  }
0xb1: {  	[tilespmem:v0+s10+$0x30 ss:$0x1] =	vst.idx.msk $0xffff, v6;
	v2 =	vmul.f32 v5, v2;
	v5 =	vld.idx.msk [tilespmem:v0+s24+$0xF0 ss:$0x1], $0xffff  }
0xb2: {  	v6 =	vld.idx.msk [tilespmem:v0+s10+$0x40 ss:$0x1], $0xffff  }
0xb3: {  	v4 =	vmul.f32 v4, v8;
	v8 =	vld.idx.msk [tilespmem:v0+s12+$0x40 ss:$0x1], $0xffff;
	[tilespmem:v0+s10+$0x1C0 ss:$0x1] =	vst.idx.msk $0xffff, v2  }
0xb4: {  	v2 =	vld.idx.msk [tilespmem:v0+s10+$0x1D0 ss:$0x1], $0xffff  }
0xb5: {  	v9 =	vmul.f32 v58, v57;
	[tilespmem:v0+s10+$0x130 ss:$0x1] =	vst.idx.msk $0xffff, v4;
	v4 =	vld.idx.msk [tilespmem:v0+s12+$0x1D0 ss:$0x1], $0xffff  }
0xb6: {  	v60 =	vld.idx.msk [tilespmem:v0+s10+$0x140 ss:$0x1], $0xffff  }
0xb7: {  	[tilespmem:v0+s10+$0xC0 ss:$0x1] =	vst.idx.msk $0xffff, v9;
	v61 =	vld.idx.msk [tilespmem:v0+s12+$0x140 ss:$0x1], $0xffff  }
0xb8: {  	v62 =	vld.idx.msk [tilespmem:v0+s10+$0xD0 ss:$0x1], $0xffff;
	v6 =	vmul.f32 v8, v6  }
0xb9: {  	v1 =	vmul.f32 v44, v1;
	v7 =	vld.idx.msk [tilespmem:v0+s12+$0xD0 ss:$0x1], $0xffff  }
0xba: {  	v8 =	vld.idx.msk [tilespmem:v0+s14+$0x170 ss:$0x1], $0xffff;
	[tilespmem:v0+s10+$0x40 ss:$0x1] =	vst.idx.msk $0xffff, v6;
	v4 =	vmul.f32 v4, v2  }
0xbb: {  	[tilespmem:v0+s14+$0x1F0 ss:$0x1] =	vst.idx.msk $0xffff, v1;
	v1 =	vmul.f32 v3, v55;
	v2 =	vld.idx.msk [tilespmem:v0+s10+$0x50 ss:$0x1], $0xffff  }
0xbc: {  	v3 =	vmul.f32 v61, v60;
	[tilespmem:v0+s10+$0x1D0 ss:$0x1] =	vst.idx.msk $0xffff, v4;
	v4 =	vld.idx.msk [tilespmem:v0+s12+$0x50 ss:$0x1], $0xffff  }
0xbd: {  	[tilespmem:v0+s14+$0x70 ss:$0x1] =	vst.idx.msk $0xffff, v1;
	v5 =	vmul.f32 v5, v59;
	v1 =	vld.idx.msk [tilespmem:v0+s10+$0x1E0 ss:$0x1], $0xffff  }
0xbe: {  	s23 =	smul.u32 $0x1400, s28;
	v7 =	vmul.f32 v7, v62;
	[tilespmem:v0+s10+$0x140 ss:$0x1] =	vst.idx.msk $0xffff, v3;
	v3 =	vld.idx.msk [tilespmem:v0+s12+$0x1E0 ss:$0x1], $0xffff  }
0xbf: {  	s16 =	simm.s32 $0x4;
	s15 =	smov.u32 s12;
	[tilespmem:v0+s14+$0xF0 ss:$0x1] =	vst.idx.msk $0xffff, v5;
	v6 =	vld.idx.msk [tilespmem:v0+s10+$0x150 ss:$0x1], $0xffff  }
0xc0: {  	s13 =	sadd.s32 $0x400, s23;
	s23 =	smov.u32 s14;
	s17 =	sadd.s32 $0x200, s10;
	v5 =	vmul.f32 v63, v8;
	[tilespmem:v0+s10+$0xD0 ss:$0x1] =	vst.idx.msk $0xffff, v7;
	v7 =	vld.idx.msk [tilespmem:v0+s12+$0x150 ss:$0x1], $0xffff  }
.LBB2_3:
0xc1: {  	v8 =	vld.idx.msk [tilespmem:v0+s17+$0x180 ss:$0x1], $0xffff;
	s12 =	sadd.s32 $0x200, s12  }
0xc2: {  	v2 =	vmul.f32 v4, v2;
	v9 =	vld.idx.msk [tilespmem:v0+s12+$0x180 ss:$0x1], $0xffff;
	[tilespmem:v0+s23+$0x170 ss:$0x1] =	vst.idx.msk $0xffff, v5;
	s23 =	smov.u32 s10;
	s10 =	smov.u32 s17  }
0xc3: {  	v4 =	vld.idx.msk [tilespmem:v0+s12+$0x0 ss:$0x1], $0xffff  }
0xc4: {  	v1 =	vmul.f32 v3, v1;
	v5 =	vld.idx.msk [tilespmem:v0+s17+$0x80 ss:$0x1], $0xffff;
	[tilespmem:v0+s23+$0x50 ss:$0x1] =	vst.idx.msk $0xffff, v2  }
0xc5: {  	v2 =	vld.idx.msk [tilespmem:v0+s12+$0x80 ss:$0x1], $0xffff  }
0xc6: {  	v6 =	vmul.f32 v7, v6;
	v3 =	vld.idx.msk [tilespmem:v0+s17+$0x100 ss:$0x1], $0xffff;
	[tilespmem:v0+s23+$0x1E0 ss:$0x1] =	vst.idx.msk $0xffff, v1  }
0xc7: {  	v1 =	vld.idx.msk [tilespmem:v0+s23+$0x1F0 ss:$0x1], $0xffff  }
0xc8: {  	v7 =	vmul.f32 v9, v8;
	[tilespmem:v0+s23+$0x150 ss:$0x1] =	vst.idx.msk $0xffff, v6;
	v6 =	vld.idx.msk [tilespmem:v0+s15+$0x1F0 ss:$0x1], $0xffff  }
0xc9: {  	s16 =	sadd.s32 $0x4, s16;
	v8 =	vld.idx.msk [tilespmem:v0+s12+$0x100 ss:$0x1], $0xffff  }
0xca: {  	p0 =	slt.u32 s16, $0x24;
	v9 =	vld.idx.msk [tilespmem:v0+s17+$0x0 ss:$0x1], $0xffff;
	[tilespmem:v0+s17+$0x180 ss:$0x1] =	vst.idx.msk $0xffff, v7  }
0xcb: {  	v2 =	vmul.f32 v2, v5;
	v5 =	vld.idx.msk [tilespmem:v0+s17+$0x190 ss:$0x1], $0xffff  }
0xcc: {  	v7 =	vld.idx.msk [tilespmem:v0+s12+$0x190 ss:$0x1], $0xffff  }
0xcd: {  	[tilespmem:v0+s17+$0x80 ss:$0x1] =	vst.idx.msk $0xffff, v2;
	v2 =	vld.idx.msk [tilespmem:v0+s23+$0x60 ss:$0x1], $0xffff  }
0xce: {  	v1 =	vmul.f32 v6, v1;
	v10 =	vld.idx.msk [tilespmem:v0+s17+$0x90 ss:$0x1], $0xffff  }
0xcf: {  	v3 =	vmul.f32 v8, v3;
	v6 =	vld.idx.msk [tilespmem:v0+s12+$0x90 ss:$0x1], $0xffff  }
0xd0: {  	v4 =	vmul.f32 v4, v9;
	v8 =	vld.idx.msk [tilespmem:v0+s15+$0x60 ss:$0x1], $0xffff;
	[tilespmem:v0+s23+$0x1F0 ss:$0x1] =	vst.idx.msk $0xffff, v1  }
0xd1: {  	[tilespmem:v0+s17+$0x100 ss:$0x1] =	vst.idx.msk $0xffff, v3;
	v1 =	vld.idx.msk [tilespmem:v0+s23+$0xE0 ss:$0x1], $0xffff  }
0xd2: {  	[tilespmem:v0+s17+$0x0 ss:$0x1] =	vst.idx.msk $0xffff, v4;
	v3 =	vld.idx.msk [tilespmem:v0+s17+$0x110 ss:$0x1], $0xffff;
	v4 =	vmul.f32 v7, v5  }
0xd3: {  	v5 =	vld.idx.msk [tilespmem:v0+s17+$0x10 ss:$0x1], $0xffff  }
0xd4: {  	v7 =	vld.idx.msk [tilespmem:v0+s12+$0x10 ss:$0x1], $0xffff;
	[tilespmem:v0+s17+$0x190 ss:$0x1] =	vst.idx.msk $0xffff, v4  }
0xd5: {  	v4 =	vmul.f32 v6, v10;
	v6 =	vld.idx.msk [tilespmem:v0+s17+$0x1A0 ss:$0x1], $0xffff  }
0xd6: {  	v2 =	vmul.f32 v8, v2;
	v9 =	vld.idx.msk [tilespmem:v0+s12+$0x1A0 ss:$0x1], $0xffff  }
0xd7: {  	[tilespmem:v0+s17+$0x90 ss:$0x1] =	vst.idx.msk $0xffff, v4;
	v4 =	vld.idx.msk [tilespmem:v0+s12+$0x110 ss:$0x1], $0xffff  }
0xd8: {  	v8 =	vld.idx.msk [tilespmem:v0+s17+$0xA0 ss:$0x1], $0xffff;
	[tilespmem:v0+s23+$0x60 ss:$0x1] =	vst.idx.msk $0xffff, v2  }
0xd9: {  	v2 =	vld.idx.msk [tilespmem:v0+s12+$0xA0 ss:$0x1], $0xffff  }
0xda: {  	v5 =	vmul.f32 v7, v5;
	v7 =	vld.idx.msk [tilespmem:v0+s15+$0xE0 ss:$0x1], $0xffff  }
0xdb: {  	v10 =	vld.idx.msk [tilespmem:v0+s23+$0x160 ss:$0x1], $0xffff  }
0xdc: {  	[tilespmem:v0+s17+$0x10 ss:$0x1] =	vst.idx.msk $0xffff, v5;
	v5 =	vmul.f32 v9, v6;
	v6 =	vld.idx.msk [tilespmem:v0+s15+$0x160 ss:$0x1], $0xffff  }
0xdd: {  	v3 =	vmul.f32 v4, v3;
	v9 =	vld.idx.msk [tilespmem:v0+s17+$0x20 ss:$0x1], $0xffff  }
0xde: {  	v4 =	vld.idx.msk [tilespmem:v0+s12+$0x20 ss:$0x1], $0xffff;
	[tilespmem:v0+s17+$0x1A0 ss:$0x1] =	vst.idx.msk $0xffff, v5  }
0xdf: {  	v2 =	vmul.f32 v2, v8;
	[tilespmem:v0+s17+$0x110 ss:$0x1] =	vst.idx.msk $0xffff, v3;
	v3 =	vld.idx.msk [tilespmem:v0+s17+$0x1B0 ss:$0x1], $0xffff  }
0xe0: {  	v1 =	vmul.f32 v7, v1;
	v5 =	vld.idx.msk [tilespmem:v0+s12+$0x1B0 ss:$0x1], $0xffff  }
0xe1: {  	[tilespmem:v0+s17+$0xA0 ss:$0x1] =	vst.idx.msk $0xffff, v2;
	v2 =	vld.idx.msk [tilespmem:v0+s17+$0x120 ss:$0x1], $0xffff  }
0xe2: {  	v7 =	vld.idx.msk [tilespmem:v0+s12+$0x120 ss:$0x1], $0xffff;
	[tilespmem:v0+s23+$0xE0 ss:$0x1] =	vst.idx.msk $0xffff, v1;
	v1 =	vmul.f32 v6, v10  }
0xe3: {  	v6 =	vld.idx.msk [tilespmem:v0+s17+$0xB0 ss:$0x1], $0xffff  }
0xe4: {  	v4 =	vmul.f32 v4, v9;
	v8 =	vld.idx.msk [tilespmem:v0+s12+$0xB0 ss:$0x1], $0xffff;
	[tilespmem:v0+s23+$0x160 ss:$0x1] =	vst.idx.msk $0xffff, v1  }
0xe5: {  	v1 =	vld.idx.msk [tilespmem:v0+s23+$0x70 ss:$0x1], $0xffff  }
0xe6: {  	v3 =	vmul.f32 v5, v3;
	[tilespmem:v0+s17+$0x20 ss:$0x1] =	vst.idx.msk $0xffff, v4;
	v4 =	vld.idx.msk [tilespmem:v0+s15+$0x70 ss:$0x1], $0xffff  }
0xe7: {  	v5 =	vld.idx.msk [tilespmem:v0+s17+$0x30 ss:$0x1], $0xffff  }
0xe8: {  	v2 =	vmul.f32 v7, v2;
	v9 =	vld.idx.msk [tilespmem:v0+s12+$0x30 ss:$0x1], $0xffff;
	[tilespmem:v0+s17+$0x1B0 ss:$0x1] =	vst.idx.msk $0xffff, v3  }
0xe9: {  	v3 =	vld.idx.msk [tilespmem:v0+s17+$0x1C0 ss:$0x1], $0xffff  }
0xea: {  	v6 =	vmul.f32 v8, v6;
	[tilespmem:v0+s17+$0x120 ss:$0x1] =	vst.idx.msk $0xffff, v2;
	v2 =	vld.idx.msk [tilespmem:v0+s12+$0x1C0 ss:$0x1], $0xffff  }
0xeb: {  	v7 =	vld.idx.msk [tilespmem:v0+s17+$0x130 ss:$0x1], $0xffff  }
0xec: {  	v1 =	vmul.f32 v4, v1;
	[tilespmem:v0+s17+$0xB0 ss:$0x1] =	vst.idx.msk $0xffff, v6;
	v6 =	vld.idx.msk [tilespmem:v0+s12+$0x130 ss:$0x1], $0xffff  }
0xed: {  	v4 =	vld.idx.msk [tilespmem:v0+s17+$0xC0 ss:$0x1], $0xffff  }
0xee: {  	v5 =	vmul.f32 v9, v5;
	v8 =	vld.idx.msk [tilespmem:v0+s12+$0xC0 ss:$0x1], $0xffff;
	[tilespmem:v0+s23+$0x70 ss:$0x1] =	vst.idx.msk $0xffff, v1  }
0xef: {  	v1 =	vld.idx.msk [tilespmem:v0+s23+$0xF0 ss:$0x1], $0xffff  }
0xf0: {  	v2 =	vmul.f32 v2, v3;
	[tilespmem:v0+s17+$0x30 ss:$0x1] =	vst.idx.msk $0xffff, v5;
	v3 =	vld.idx.msk [tilespmem:v0+s15+$0xF0 ss:$0x1], $0xffff  }
0xf1: {  	v5 =	vld.idx.msk [tilespmem:v0+s17+$0x40 ss:$0x1], $0xffff  }
0xf2: {  	v6 =	vmul.f32 v6, v7;
	v9 =	vld.idx.msk [tilespmem:v0+s12+$0x40 ss:$0x1], $0xffff;
	[tilespmem:v0+s17+$0x1C0 ss:$0x1] =	vst.idx.msk $0xffff, v2  }
0xf3: {  	v2 =	vld.idx.msk [tilespmem:v0+s17+$0x1D0 ss:$0x1], $0xffff  }
0xf4: {  	v4 =	vmul.f32 v8, v4;
	[tilespmem:v0+s17+$0x130 ss:$0x1] =	vst.idx.msk $0xffff, v6;
	v6 =	vld.idx.msk [tilespmem:v0+s12+$0x1D0 ss:$0x1], $0xffff  }
0xf5: {  	v7 =	vld.idx.msk [tilespmem:v0+s17+$0x140 ss:$0x1], $0xffff  }
0xf6: {  	v1 =	vmul.f32 v3, v1;
	[tilespmem:v0+s17+$0xC0 ss:$0x1] =	vst.idx.msk $0xffff, v4;
	v8 =	vld.idx.msk [tilespmem:v0+s12+$0x140 ss:$0x1], $0xffff  }
0xf7: {  	v3 =	vld.idx.msk [tilespmem:v0+s17+$0xD0 ss:$0x1], $0xffff  }
0xf8: {  	v4 =	vmul.f32 v9, v5;
	v5 =	vld.idx.msk [tilespmem:v0+s12+$0xD0 ss:$0x1], $0xffff;
	[tilespmem:v0+s23+$0xF0 ss:$0x1] =	vst.idx.msk $0xffff, v1  }
0xf9: {  	v9 =	vld.idx.msk [tilespmem:v0+s23+$0x170 ss:$0x1], $0xffff  }
0xfa: {  	v1 =	vmul.f32 v6, v2;
	[tilespmem:v0+s17+$0x40 ss:$0x1] =	vst.idx.msk $0xffff, v4;
	v10 =	vld.idx.msk [tilespmem:v0+s15+$0x170 ss:$0x1], $0xffff;
	s15 =	smov.u32 s12  }
0xfb: {  	v2 =	vld.idx.msk [tilespmem:v0+s17+$0x50 ss:$0x1], $0xffff  }
.Ltmp0:
0xfc: {  	v6 =	vmul.f32 v8, v7;
	v4 =	vld.idx.msk [tilespmem:v0+s12+$0x50 ss:$0x1], $0xffff;
	[tilespmem:v0+s17+$0x1D0 ss:$0x1] =	vst.idx.msk $0xffff, v1;
	(pc) =	sbr.rel @p0 .LBB2_3-.Ltmp0, $4  }
0xfd: {  	v1 =	vld.idx.msk [tilespmem:v0+s17+$0x1E0 ss:$0x1], $0xffff  }
0xfe: {  	v5 =	vmul.f32 v5, v3;
	[tilespmem:v0+s17+$0x140 ss:$0x1] =	vst.idx.msk $0xffff, v6;
	v3 =	vld.idx.msk [tilespmem:v0+s12+$0x1E0 ss:$0x1], $0xffff  }
0xff: {  	v6 =	vld.idx.msk [tilespmem:v0+s17+$0x150 ss:$0x1], $0xffff  }
0x100: {  	s17 =	sadd.s32 $0x200, s17;
	[tilespmem:v0+s10+$0xD0 ss:$0x1] =	vst.idx.msk $0xffff, v5;
	v7 =	vld.idx.msk [tilespmem:v0+s12+$0x150 ss:$0x1], $0xffff;
	v5 =	vmul.f32 v10, v9  }
0x101: {  	_ =	sdelay $0x2  }
0x102: {  	v2 =	vmul.f32 v4, v2  }
0x103: {  	v50 =	vld.idx.msk [tilespmem:v0+s10+$0xE0 ss:$0x1], $0xffff  }
0x104: {  	v51 =	vld.idx.msk [tilespmem:v0+s15+$0xE0 ss:$0x1], $0xffff;
	[tilespmem:v0+s10+$0x50 ss:$0x1] =	vst.idx.msk $0xffff, v2;
	v48 =	vmul.f32 v7, v6  }
0x105: {  	v2 =	vld.idx.msk [tilespmem:v0+s10+$0x60 ss:$0x1], $0xffff  }
0x106: {  	v49 =	vld.idx.msk [tilespmem:v0+s15+$0x60 ss:$0x1], $0xffff;
	[tilespmem:v0+s10+$0x150 ss:$0x1] =	vst.idx.msk $0xffff, v48  }
0x107: {  	v1 =	vmul.f32 v3, v1;
	v52 =	vld.idx.msk [tilespmem:v0+s10+$0x160 ss:$0x1], $0xffff  }
0x108: {  	v8 =	vld.idx.msk [tilespmem:v0+s15+$0x160 ss:$0x1], $0xffff  }
0x109: {  	[tilespmem:v0+s10+$0x1E0 ss:$0x1] =	vst.idx.msk $0xffff, v1;
	v56 =	vmul.f32 v51, v50  }
0x10a: {  	v54 =	vld.idx.msk [tilespmem:v0+s10+$0x1F0 ss:$0x1], $0xffff  }
0x10b: {  	v55 =	vld.idx.msk [tilespmem:v0+s15+$0x1F0 ss:$0x1], $0xffff;
	[tilespmem:v0+s10+$0xE0 ss:$0x1] =	vst.idx.msk $0xffff, v56;
	v53 =	vmul.f32 v49, v2  }
0x10c: {  	v60 =	vld.idx.msk [tilespmem:v0+s10+$0xF0 ss:$0x1], $0xffff  }
0x10d: {  	v61 =	vld.idx.msk [tilespmem:v0+s15+$0xF0 ss:$0x1], $0xffff;
	[tilespmem:v0+s10+$0x60 ss:$0x1] =	vst.idx.msk $0xffff, v53;
	v58 =	vmul.f32 v8, v52  }
0x10e: {  	v57 =	vld.idx.msk [tilespmem:v0+s10+$0x70 ss:$0x1], $0xffff  }
0x10f: {  	v59 =	vld.idx.msk [tilespmem:v0+s15+$0x70 ss:$0x1], $0xffff;
	[tilespmem:v0+s10+$0x160 ss:$0x1] =	vst.idx.msk $0xffff, v58  }
0x110: {  	v62 =	vld.idx.msk [tilespmem:v0+s10+$0x170 ss:$0x1], $0xffff  }
0x111: {  	v9 =	vld.idx.msk [tilespmem:v0+s15+$0x170 ss:$0x1], $0xffff;
	_ =	sdelay $0x1  }
0x112: {  	v2 =	vmul.f32 v55, v54  }
0x113: {  	[tilespmem:v0+s23+$0x170 ss:$0x1] =	vst.idx.msk $0xffff, v5;
	v1 =	vmul.f32 v61, v60  }
0x114: {  	[tilespmem:v0+s10+$0x1F0 ss:$0x1] =	vst.idx.msk $0xffff, v2;
	v3 =	vmul.f32 v59, v57  }
0x115: {  	p1 =	seq.s32 s25, $0x0;
	[tilespmem:v0+s10+$0xF0 ss:$0x1] =	vst.idx.msk $0xffff, v1;
	v63 =	vmul.f32 v9, v62  }
0x116: {  	s12 =	sshll.u32 s28, $0x7;
	s28 =	sadd.s32 $0xD, s28;
	p0 =	sgt.u32 @!p1 s25, $0x39;
	[tilespmem:v0+s10+$0x70 ss:$0x1] =	vst.idx.msk $0xffff, v3  }
0x117: {  	s23 =	sadd.s32 $0x200, s12;
	p0 =	por p0, p1;
	[tilespmem:v0+s10+$0x170 ss:$0x1] =	vst.idx.msk $0xffff, v63;
	s10 =	sadd.s32 @!p1 $0xFFFFFFFF, s25  }
0x118: {  	[spmem:s5] =	stream.indirect.scatter.add.f32 [tilespmem:s13], [sflag:s28], $0x80, s23, s31, $0xb8;
	[tilespmem:$0x1BC00] =	vst v63  }
0x119: {  	s12 =	smulhi.u32 @!p1 $0xAAAAAAAB, s10;
	s13 =	sadd.s32 @!p0 $0x2, s25  }
0x11a: {  	s15 =	smul.u32 @!p0 $0xAB, s13  }
0x11b: {  	s12 =	sshrl.u32 @!p1 s12, $0x1  }
0x11c: {  	s12 =	smul.u32 @!p1 $0x3, s12;
	s15 =	sshrl.u32 @!p0 s15, $0x9  }
0x11d: {  	s15 =	sand.u32 @!p0 $0x7F, s15  }
0x11e: {  	s10 =	ssub.s32 @!p1 s10, s12;
	s12 =	smul.u32 @!p0 $0x3, s15  }
0x11f: {  	s15 =	smul.u32 @!p0 $0x28, s13;
	s10 =	sadd.s32 @!p1 $0xD, s10  }
0x120: {  	s17 =	simm.s32 @!p0 $0x0;
	_ =	swait.ge @!p1 [sflag:s10], $0x1400  }
0x121: {  	s12 =	ssub.s32 @!p0 s13, s12;
	s13 =	sadd.s32 @!p0 s9, s15;
	[sflag:s10] =	ssyncset.done @!p1 $0x0  }
0x122: {  	s12 =	sand.u32 @!p0 $0xFF, s12;
	s13 =	sshrl.u32 @!p0 s13, $0x3;
	[sflag:s10] =	ssyncadd.s32 @!p1 $0xFFFFEC00  }
0x123: {  	s10 =	sshll.u32 @!p0 s12, $0x7;
	s15 =	sadd.s32 @!p0 $0x1, s12;
	s16 =	sadd.s32 @!p0 s3, s13  }
0x124: {  	[tilespmem:s10], [sflag:s15] =	stream.linear.gather @!p0 [hbm4b:s16+s17], $0x28, $0x38;
	[tilespmem:$0x1BC00] =	vst v63  }
0x125: {  	s12 =	sor.u32 @!p0 $0x4, s12;
	s13 =	sadd.s32 @!p0 s4, s13;
	s10 =	sor.u32 @!p0 $0x200, s10  }
0x126: {  	[tilespmem:s10], [sflag:s12] =	stream.linear.gather @!p0 [hbm4b:s13+s17], $0x28, $0x38;
	[tilespmem:$0x1BC00] =	vst v63  }
0x127: {  	p0 =	sne.s32 s26, $0x3C  }
.Ltmp1:
0x128: {  	_ = 	snop;
	(pc) =	sbr.rel @p0 .LBB2_2-.Ltmp1, $2  }
0x129: {  	_ =	sdelay $0x2  }
0x12a: {  	s24 =	sadd.s32 $0x1400, s24;
	s14 =	sadd.s32 $0x1400, s14;
	s25 =	smov.u32 s26  }
0x12b: {  	_ =	swait.ge [sflag:s0], $0x1400  }
0x12c: {  	s2 =	sadd.s32 $0x1, s2;
	[sflag:s0] =	ssyncset.done $0x0  }
0x12d: {  	p0 =	sne.s32 s2, s20;
	[sflag:s0] =	ssyncadd.s32 $0xFFFFEC00  }
.Ltmp2:
0x12e: {  	[bflag:$0x0] =	sbarrier.arrive $0xFFFF;
	(pc) =	sbr.rel @p0 .LBB2_1-.Ltmp2, $4  }
0x12f: {  	[hbm:s19], [sflag:s11] =	dma.local [spmem:s21], $0x2800  }
0x130: {  	_ =	swait.ge [sflag:s22], $0x2800  }
0x131: {  	[sflag:s22] =	ssyncset.done $0x0  }
0x132: {  	[sflag:s22] =	ssyncadd.s32 $0xFFFFD800  }
0x133: {  	_ =	sfence.sel $0x180000  }
0x134: {  	[bflag:$0x0] =	sbarrier.arrive $0xFFFF  }
0x135: {  	_ =	strace $0x9000004D  }
0x136: {  	s0 =	stileid.u32;
	[bflag:$0x2] =	sbarrier.arrive $0xFFFF  }
0x137: {  	p0 =	sne.s32 s0, $0x0;
	s0 =	rddreg [dreg:$0x5]  }
0x138: {  	s0 =	sadd.s32 @!p0 $0x100000, s0  }
0x139: {  	[sflag:s0] =	ssyncadd.tile.s32 @!p0 $0x1;
	_ =	shalt  }
.Lfunc_end2:
_tile_overlayer_lowered:
.L_overlay_start_2:
0x13a: {  	(tag) =	ssettag $0x2  }
0x13b: {  	s0 =	rddreg [dreg:$0x0];
	s2 =	stileid.u32  }
0x13c: {  	s1 =	rddreg [dreg:$0x1];
	p0 =	sne.s32 s2, $0x0  }
0x13d: {  	s3 =	rddreg [dreg:$0x2];
	[bflag:$0x3] =	sbarrier.arrive $0xFFFF;
	s2 =	simm.s32 @!p0 $0x1C10  }
0x13e: {  	[timem:s3], [sflag:s2] =	dma.local @!p0 [hbm:s0], s1  }
0x13f: {  	s0 =	simm.s32 @!p0 $0x10  }
0x140: {  	_ =	swait.ge @!p0 [sflag:s0], s1  }
0x141: {  	s1 =	ssub.s32 @!p0 $0x0, s1;
	[sflag:s0] =	ssyncset.done @!p0 $0x0  }
0x142: {  	[sflag:s0] =	ssyncadd.s32 @!p0 s1  }
0x143: {  	[bflag:$0x3] =	sbarrier.arrive $0xFFFF  }
0x144: {  	_ =	shalt  }

</sc_bundles>
